<compile_context>
chip_gen: v7x
topology: tpu7x:2x2x1
jax: 0.10.2.dev20260603
libtpu: 0.0.44.dev20260713+nightly
codegen_flags: <defaults>
</compile_context>

<pallas_src>
import functools

import jax
import jax.numpy as jnp
from jax import lax
from jax.experimental import pallas as pl
from jax.experimental.pallas import tpu as pltpu
from jax.experimental.pallas import tpu_sc as plsc

N_TOKENS = 32768
D_EMBED = 768
N_EXPERTS = 64
BLOCK = 4096

NW = 32
TOK_PER_W = N_TOKENS // NW
GROUPS = TOK_PER_W // 16


def _logits_block(x_ref, wt_ref, b_ref, lt_ref):
    logits = jnp.dot(x_ref[...], wt_ref[...], preferred_element_type=jnp.float32)
    lt_ref[...] = (logits + b_ref[...]).T


_sc_mesh = plsc.VectorSubcoreMesh(core_axis_name="c", subcore_axis_name="s")


@functools.partial(
    pl.kernel,
    out_type=[
        jax.ShapeDtypeStruct((2, N_TOKENS), jnp.float32),
        jax.ShapeDtypeStruct((2, N_TOKENS), jnp.int32),
    ],
    mesh=_sc_mesh,
    scratch_types=[
        pltpu.VMEM((N_EXPERTS, TOK_PER_W), jnp.float32),
        pltpu.VMEM((2, TOK_PER_W), jnp.float32),
        pltpu.VMEM((2, TOK_PER_W), jnp.int32),
    ],
)
def _sc_top2(lt_hbm, s_hbm, i_hbm, buf, sbuf, ibuf):
    wid = lax.axis_index("s") * 2 + lax.axis_index("c")
    base = wid * TOK_PER_W
    pltpu.sync_copy(lt_hbm.at[:, pl.ds(base, TOK_PER_W)], buf)

    big = jnp.full((16,), 64.0, jnp.float32)
    neg = jnp.full((16,), -jnp.inf, jnp.float32)

    @pl.loop(0, GROUPS)
    def _grp(g):
        t = g * 16

        def le(e):
            return buf[e, pl.ds(t, 16)]

        m1 = le(0)
        for e in range(1, N_EXPERTS):
            m1 = jnp.maximum(m1, le(e))
        i1 = big
        for e in range(N_EXPERTS):
            ef = jnp.full((16,), float(e), jnp.float32)
            i1 = jnp.minimum(i1, jnp.where(le(e) == m1, ef, big))
        m2 = neg
        for e in range(N_EXPERTS):
            ef = jnp.full((16,), float(e), jnp.float32)
            m2 = jnp.maximum(m2, jnp.where(ef == i1, neg, le(e)))
        i2 = big
        for e in range(N_EXPERTS):
            ef = jnp.full((16,), float(e), jnp.float32)
            i2 = jnp.minimum(i2, jnp.where((le(e) == m2) & (ef != i1), ef, big))
        d = jnp.zeros((16,), jnp.float32)
        for e in range(N_EXPERTS):
            d = d + jnp.exp(le(e) - m1)
        s1 = 1.0 / d
        s2 = jnp.exp(m2 - m1) / d
        sbuf[0, pl.ds(t, 16)] = s1
        sbuf[1, pl.ds(t, 16)] = s2
        ibuf[0, pl.ds(t, 16)] = i1.astype(jnp.int32)
        ibuf[1, pl.ds(t, 16)] = i2.astype(jnp.int32)

    pltpu.sync_copy(sbuf, s_hbm.at[:, pl.ds(base, TOK_PER_W)])
    pltpu.sync_copy(ibuf, i_hbm.at[:, pl.ds(base, TOK_PER_W)])


@jax.jit
def kernel(x, W, b):
    wt = W.T
    b2 = b.reshape(1, N_EXPERTS)
    grid = (N_TOKENS // BLOCK,)
    lt = pl.pallas_call(
        _logits_block,
        grid=grid,
        in_specs=[
            pl.BlockSpec((BLOCK, D_EMBED), lambda i: (i, 0)),
            pl.BlockSpec((D_EMBED, N_EXPERTS), lambda i: (0, 0)),
            pl.BlockSpec((1, N_EXPERTS), lambda i: (0, 0)),
        ],
        out_specs=pl.BlockSpec((N_EXPERTS, BLOCK), lambda i: (0, i)),
        out_shape=jax.ShapeDtypeStruct((N_EXPERTS, N_TOKENS), jnp.float32),
    )(x, wt, b2)
    scores_t, idx_t = _sc_top2(lt)
    return scores_t.T, idx_t.T

# --- scband reference (transcript-rebuilt; emitter-appended) ---
"""Pipeline reference for scband-router-68547678044792 (READ-ONLY COPY).

The authoritative reference and input builder live on the scoring server;
editing this copy changes nothing except your own understanding.
"""

import jax, jax.numpy as jnp
import numpy as np

TOP_K = 2

def setup_inputs(seed: int = 0) -> dict:
    key = jax.random.key(seed)
    k1, k2 = jax.random.split(key, 2)
    x = jax.random.normal(k1, (32768, 768), dtype=jnp.float32)
    # nn.Linear(d_embed=768, n_experts=64): weight [64, 768], bias [64]
    bound = 1.0 / np.sqrt(768.0)
    W = jax.random.uniform(k2, (64, 768), dtype=jnp.float32, minval=-bound, maxval=bound)
    b = jnp.zeros((64,), dtype=jnp.float32)
    return {"x": x, "W": W, "b": b}

def reference(x, W, b):
    # logits = self.gate(x)
    logits = x @ W.T + b
    # scores = softmax(logits, dim=-1)
    scores = jax.nn.softmax(logits, axis=-1)
    # scores, indices = torch.topk(scores, top_k, dim=-1)
    top_scores, indices = jax.lax.top_k(scores, TOP_K)
    return (top_scores, indices)

if __name__ == "__main__":
    import jax
    _d = setup_inputs()
    print(jax.jit(kernel)(*tuple(_d.values())))

</pallas_src>

<mosaic_0001>
#map = affine_map<(d0, d1) -> (0, 0)>
module attributes {stable_mosaic.version = 14 : i64} {
  func.func @_sc_top2(%arg0: i32, %arg1: i32, %arg2: memref<64x32768xf32, #tpu.memory_space<hbm>>, %arg3: memref<2x32768xf32, #tpu.memory_space<hbm>>, %arg4: memref<2x32768xi32, #tpu.memory_space<hbm>>, %arg5: memref<64x1024xf32, #tpu.memory_space<vmem>>, %arg6: memref<2x1024xf32, #tpu.memory_space<vmem>>, %arg7: memref<2x1024xi32, #tpu.memory_space<vmem>>) attributes {dimension_semantics = [#tpu.dimension_semantics<core_parallel>, #tpu.dimension_semantics<subcore_parallel>], iteration_bounds = array<i64: 2, 16>, scalar_prefetch = 0 : i64, scratch_operands = 3 : i64, tpu.core_type = #tpu.core_type<sc_vector_subcore>, window_params = [{transform_indices = #map}, {transform_indices = #map}, {transform_indices = #map}]} {
    %mul3A = arith.constant 2 : i32
    %mul3A_0 = arith.muli %arg1, %mul3A : i32
    %add3A = arith.addi %mul3A_0, %arg0 : i32
    %mul3A_1 = arith.constant 1024 : i32
    %mul3A_2 = arith.muli %add3A, %mul3A_1 : i32
    "tpu.region"() ({
      %run_scoped3A = tpu.sem_alloc : memref<!tpu.dma_semaphore, #tpu.memory_space<semaphore_mem>>
      %dma_start3A = arith.constant 0 : i32
      %dma_start3A_10 = tpu.memref_slice %arg2[%dma_start3A, %mul3A_2] : memref<64x32768xf32, #tpu.memory_space<hbm>> -> memref<64x1024xf32, #tpu.memory_space<hbm>>
      %dma_start3A_11 = arith.constant 0 : i32
      %dma_start3A_12 = tpu.memref_slice %arg2[%dma_start3A_11, %mul3A_2] : memref<64x32768xf32, #tpu.memory_space<hbm>> -> memref<64x1024xf32, #tpu.memory_space<hbm>>
      tpu.enqueue_dma source(%dma_start3A_12 : memref<64x1024xf32, #tpu.memory_space<hbm>>) target(%arg5 : memref<64x1024xf32, #tpu.memory_space<vmem>>) target_semaphore(%run_scoped3A : memref<!tpu.dma_semaphore, #tpu.memory_space<semaphore_mem>>)
      %dma_wait3A = arith.constant 0 : i32
      %dma_wait3A_13 = tpu.memref_slice %arg2[%dma_wait3A, %mul3A_2] : memref<64x32768xf32, #tpu.memory_space<hbm>> -> memref<64x1024xf32, #tpu.memory_space<hbm>>
      %dma_wait3A_14 = arith.constant 0 : i32
      %dma_wait3A_15 = tpu.memref_slice %arg2[%dma_wait3A_14, %mul3A_2] : memref<64x32768xf32, #tpu.memory_space<hbm>> -> memref<64x1024xf32, #tpu.memory_space<hbm>>
      tpu.wait_dma2 semaphore(%run_scoped3A : memref<!tpu.dma_semaphore, #tpu.memory_space<semaphore_mem>>) src(%dma_wait3A_15 : memref<64x1024xf32, #tpu.memory_space<hbm>>) dst(%arg5 : memref<64x1024xf32, #tpu.memory_space<vmem>>)
      tpu.yield
    }) : () -> ()
    %broadcast_in_dim3A = arith.constant 6.400000e+01 : f32
    %broadcast_in_dim3A_3 = vector.broadcast %broadcast_in_dim3A : f32 to vector<16xf32>
    %broadcast_in_dim3A_4 = arith.constant 0xFF800000 : f32
    %broadcast_in_dim3A_5 = vector.broadcast %broadcast_in_dim3A_4 : f32 to vector<16xf32>
    %scan3A = arith.constant 0 : i32
    %scan3A_6 = arith.constant 64 : i32
    %scan3A_7 = arith.addi %scan3A, %scan3A_6 : i32
    %scan3A_8 = arith.constant 1 : i32
    scf.for %scan3A_10 = %scan3A to %scan3A_7 step %scan3A_8  : i32 {
      %mul3A_11 = arith.constant 1 : i32
      %mul3A_12 = arith.muli %scan3A_10, %mul3A_11 : i32
      %add3A_13 = arith.constant 0 : i32
      %add3A_14 = arith.addi %add3A_13, %mul3A_12 : i32
      %mul3A_15 = arith.constant 16 : i32
      %mul3A_16 = arith.muli %add3A_14, %mul3A_15 : i32
      %get3A = arith.constant 0 : i32
      %get3A_17 = arith.index_cast %get3A : i32 to index
      %get3A_18 = arith.index_cast %mul3A_16 : i32 to index
      %get3A_19 = tpu.vector_load %arg5[%get3A_17, %get3A_18] {strides = array<i32>} : memref<64x1024xf32, #tpu.memory_space<vmem>>, vector<1x16xf32>,
      %get3A_20 = vector.shape_cast %get3A_19 : vector<1x16xf32> to vector<16xf32>
      %get3A_21 = arith.constant 1 : i32
      %get3A_22 = arith.index_cast %get3A_21 : i32 to index
      %get3A_23 = arith.index_cast %mul3A_16 : i32 to index
      %get3A_24 = tpu.vector_load %arg5[%get3A_22, %get3A_23] {strides = array<i32>} : memref<64x1024xf32, #tpu.memory_space<vmem>>, vector<1x16xf32>,
      %get3A_25 = vector.shape_cast %get3A_24 : vector<1x16xf32> to vector<16xf32>
      %max3A = arith.maximumf %get3A_20, %get3A_25 : vector<16xf32>
      %get3A_26 = arith.constant 2 : i32
      %get3A_27 = arith.index_cast %get3A_26 : i32 to index
      %get3A_28 = arith.index_cast %mul3A_16 : i32 to index
      %get3A_29 = tpu.vector_load %arg5[%get3A_27, %get3A_28] {strides = array<i32>} : memref<64x1024xf32, #tpu.memory_space<vmem>>, vector<1x16xf32>,
      %get3A_30 = vector.shape_cast %get3A_29 : vector<1x16xf32> to vector<16xf32>
      %max3A_31 = arith.maximumf %max3A, %get3A_30 : vector<16xf32>
      %get3A_32 = arith.constant 3 : i32
      %get3A_33 = arith.index_cast %get3A_32 : i32 to index
      %get3A_34 = arith.index_cast %mul3A_16 : i32 to index
      %get3A_35 = tpu.vector_load %arg5[%get3A_33, %get3A_34] {strides = array<i32>} : memref<64x1024xf32, #tpu.memory_space<vmem>>, vector<1x16xf32>,
      %get3A_36 = vector.shape_cast %get3A_35 : vector<1x16xf32> to vector<16xf32>
      %max3A_37 = arith.maximumf %max3A_31, %get3A_36 : vector<16xf32>
      %get3A_38 = arith.constant 4 : i32
      %get3A_39 = arith.index_cast %get3A_38 : i32 to index
      %get3A_40 = arith.index_cast %mul3A_16 : i32 to index
      %get3A_41 = tpu.vector_load %arg5[%get3A_39, %get3A_40] {strides = array<i32>} : memref<64x1024xf32, #tpu.memory_space<vmem>>, vector<1x16xf32>,
      %get3A_42 = vector.shape_cast %get3A_41 : vector<1x16xf32> to vector<16xf32>
      %max3A_43 = arith.maximumf %max3A_37, %get3A_42 : vector<16xf32>
      %get3A_44 = arith.constant 5 : i32
      %get3A_45 = arith.index_cast %get3A_44 : i32 to index
      %get3A_46 = arith.index_cast %mul3A_16 : i32 to index
      %get3A_47 = tpu.vector_load %arg5[%get3A_45, %get3A_46] {strides = array<i32>} : memref<64x1024xf32, #tpu.memory_space<vmem>>, vector<1x16xf32>,
      %get3A_48 = vector.shape_cast %get3A_47 : vector<1x16xf32> to vector<16xf32>
      %max3A_49 = arith.maximumf %max3A_43, %get3A_48 : vector<16xf32>
      %get3A_50 = arith.constant 6 : i32
      %get3A_51 = arith.index_cast %get3A_50 : i32 to index
      %get3A_52 = arith.index_cast %mul3A_16 : i32 to index
      %get3A_53 = tpu.vector_load %arg5[%get3A_51, %get3A_52] {strides = array<i32>} : memref<64x1024xf32, #tpu.memory_space<vmem>>, vector<1x16xf32>,
      %get3A_54 = vector.shape_cast %get3A_53 : vector<1x16xf32> to vector<16xf32>
      %max3A_55 = arith.maximumf %max3A_49, %get3A_54 : vector<16xf32>
      %get3A_56 = arith.constant 7 : i32
      %get3A_57 = arith.index_cast %get3A_56 : i32 to index
      %get3A_58 = arith.index_cast %mul3A_16 : i32 to index
      %get3A_59 = tpu.vector_load %arg5[%get3A_57, %get3A_58] {strides = array<i32>} : memref<64x1024xf32, #tpu.memory_space<vmem>>, vector<1x16xf32>,
      %get3A_60 = vector.shape_cast %get3A_59 : vector<1x16xf32> to vector<16xf32>
      %max3A_61 = arith.maximumf %max3A_55, %get3A_60 : vector<16xf32>
      %get3A_62 = arith.constant 8 : i32
      %get3A_63 = arith.index_cast %get3A_62 : i32 to index
      %get3A_64 = arith.index_cast %mul3A_16 : i32 to index
      %get3A_65 = tpu.vector_load %arg5[%get3A_63, %get3A_64] {strides = array<i32>} : memref<64x1024xf32, #tpu.memory_space<vmem>>, vector<1x16xf32>,
      %get3A_66 = vector.shape_cast %get3A_65 : vector<1x16xf32> to vector<16xf32>
      %max3A_67 = arith.maximumf %max3A_61, %get3A_66 : vector<16xf32>
      %get3A_68 = arith.constant 9 : i32
      %get3A_69 = arith.index_cast %get3A_68 : i32 to index
      %get3A_70 = arith.index_cast %mul3A_16 : i32 to index
      %get3A_71 = tpu.vector_load %arg5[%get3A_69, %get3A_70] {strides = array<i32>} : memref<64x1024xf32, #tpu.memory_space<vmem>>, vector<1x16xf32>,
      %get3A_72 = vector.shape_cast %get3A_71 : vector<1x16xf32> to vector<16xf32>
      %max3A_73 = arith.maximumf %max3A_67, %get3A_72 : vector<16xf32>
      %get3A_74 = arith.constant 10 : i32
      %get3A_75 = arith.index_cast %get3A_74 : i32 to index
      %get3A_76 = arith.index_cast %mul3A_16 : i32 to index
      %get3A_77 = tpu.vector_load %arg5[%get3A_75, %get3A_76] {strides = array<i32>} : memref<64x1024xf32, #tpu.memory_space<vmem>>, vector<1x16xf32>,
      %get3A_78 = vector.shape_cast %get3A_77 : vector<1x16xf32> to vector<16xf32>
      %max3A_79 = arith.maximumf %max3A_73, %get3A_78 : vector<16xf32>
      %get3A_80 = arith.constant 11 : i32
      %get3A_81 = arith.index_cast %get3A_80 : i32 to index
      %get3A_82 = arith.index_cast %mul3A_16 : i32 to index
      %get3A_83 = tpu.vector_load %arg5[%get3A_81, %get3A_82] {strides = array<i32>} : memref<64x1024xf32, #tpu.memory_space<vmem>>, vector<1x16xf32>,
      %get3A_84 = vector.shape_cast %get3A_83 : vector<1x16xf32> to vector<16xf32>
      %max3A_85 = arith.maximumf %max3A_79, %get3A_84 : vector<16xf32>
      %get3A_86 = arith.constant 12 : i32
      %get3A_87 = arith.index_cast %get3A_86 : i32 to index
      %get3A_88 = arith.index_cast %mul3A_16 : i32 to index
      %get3A_89 = tpu.vector_load %arg5[%get3A_87, %get3A_88] {strides = array<i32>} : memref<64x1024xf32, #tpu.memory_space<vmem>>, vector<1x16xf32>,
      %get3A_90 = vector.shape_cast %get3A_89 : vector<1x16xf32> to vector<16xf32>
      %max3A_91 = arith.maximumf %max3A_85, %get3A_90 : vector<16xf32>
      %get3A_92 = arith.constant 13 : i32
      %get3A_93 = arith.index_cast %get3A_92 : i32 to index
      %get3A_94 = arith.index_cast %mul3A_16 : i32 to index
      %get3A_95 = tpu.vector_load %arg5[%get3A_93, %get3A_94] {strides = array<i32>} : memref<64x1024xf32, #tpu.memory_space<vmem>>, vector<1x16xf32>,
      %get3A_96 = vector.shape_cast %get3A_95 : vector<1x16xf32> to vector<16xf32>
      %max3A_97 = arith.maximumf %max3A_91, %get3A_96 : vector<16xf32>
      %get3A_98 = arith.constant 14 : i32
      %get3A_99 = arith.index_cast %get3A_98 : i32 to index
      %get3A_100 = arith.index_cast %mul3A_16 : i32 to index
      %get3A_101 = tpu.vector_load %arg5[%get3A_99, %get3A_100] {strides = array<i32>} : memref<64x1024xf32, #tpu.memory_space<vmem>>, vector<1x16xf32>,
      %get3A_102 = vector.shape_cast %get3A_101 : vector<1x16xf32> to vector<16xf32>
      %max3A_103 = arith.maximumf %max3A_97, %get3A_102 : vector<16xf32>
      %get3A_104 = arith.constant 15 : i32
      %get3A_105 = arith.index_cast %get3A_104 : i32 to index
      %get3A_106 = arith.index_cast %mul3A_16 : i32 to index
      %get3A_107 = tpu.vector_load %arg5[%get3A_105, %get3A_106] {strides = array<i32>} : memref<64x1024xf32, #tpu.memory_space<vmem>>, vector<1x16xf32>,
      %get3A_108 = vector.shape_cast %get3A_107 : vector<1x16xf32> to vector<16xf32>
      %max3A_109 = arith.maximumf %max3A_103, %get3A_108 : vector<16xf32>
      %get3A_110 = arith.constant 16 : i32
      %get3A_111 = arith.index_cast %get3A_110 : i32 to index
      %get3A_112 = arith.index_cast %mul3A_16 : i32 to index
      %get3A_113 = tpu.vector_load %arg5[%get3A_111, %get3A_112] {strides = array<i32>} : memref<64x1024xf32, #tpu.memory_space<vmem>>, vector<1x16xf32>,
      %get3A_114 = vector.shape_cast %get3A_113 : vector<1x16xf32> to vector<16xf32>
      %max3A_115 = arith.maximumf %max3A_109, %get3A_114 : vector<16xf32>
      %get3A_116 = arith.constant 17 : i32
      %get3A_117 = arith.index_cast %get3A_116 : i32 to index
      %get3A_118 = arith.index_cast %mul3A_16 : i32 to index
      %get3A_119 = tpu.vector_load %arg5[%get3A_117, %get3A_118] {strides = array<i32>} : memref<64x1024xf32, #tpu.memory_space<vmem>>, vector<1x16xf32>,
      %get3A_120 = vector.shape_cast %get3A_119 : vector<1x16xf32> to vector<16xf32>
      %max3A_121 = arith.maximumf %max3A_115, %get3A_120 : vector<16xf32>
      %get3A_122 = arith.constant 18 : i32
      %get3A_123 = arith.index_cast %get3A_122 : i32 to index
      %get3A_124 = arith.index_cast %mul3A_16 : i32 to index
      %get3A_125 = tpu.vector_load %arg5[%get3A_123, %get3A_124] {strides = array<i32>} : memref<64x1024xf32, #tpu.memory_space<vmem>>, vector<1x16xf32>,
      %get3A_126 = vector.shape_cast %get3A_125 : vector<1x16xf32> to vector<16xf32>
      %max3A_127 = arith.maximumf %max3A_121, %get3A_126 : vector<16xf32>
      %get3A_128 = arith.constant 19 : i32
      %get3A_129 = arith.index_cast %get3A_128 : i32 to index
      %get3A_130 = arith.index_cast %mul3A_16 : i32 to index
      %get3A_131 = tpu.vector_load %arg5[%get3A_129, %get3A_130] {strides = array<i32>} : memref<64x1024xf32, #tpu.memory_space<vmem>>, vector<1x16xf32>,
      %get3A_132 = vector.shape_cast %get3A_131 : vector<1x16xf32> to vector<16xf32>
      %max3A_133 = arith.maximumf %max3A_127, %get3A_132 : vector<16xf32>
      %get3A_134 = arith.constant 20 : i32
      %get3A_135 = arith.index_cast %get3A_134 : i32 to index
      %get3A_136 = arith.index_cast %mul3A_16 : i32 to index
      %get3A_137 = tpu.vector_load %arg5[%get3A_135, %get3A_136] {strides = array<i32>} : memref<64x1024xf32, #tpu.memory_space<vmem>>, vector<1x16xf32>,
      %get3A_138 = vector.shape_cast %get3A_137 : vector<1x16xf32> to vector<16xf32>
      %max3A_139 = arith.maximumf %max3A_133, %get3A_138 : vector<16xf32>
      %get3A_140 = arith.constant 21 : i32
      %get3A_141 = arith.index_cast %get3A_140 : i32 to index
      %get3A_142 = arith.index_cast %mul3A_16 : i32 to index
      %get3A_143 = tpu.vector_load %arg5[%get3A_141, %get3A_142] {strides = array<i32>} : memref<64x1024xf32, #tpu.memory_space<vmem>>, vector<1x16xf32>,
      %get3A_144 = vector.shape_cast %get3A_143 : vector<1x16xf32> to vector<16xf32>
      %max3A_145 = arith.maximumf %max3A_139, %get3A_144 : vector<16xf32>
      %get3A_146 = arith.constant 22 : i32
      %get3A_147 = arith.index_cast %get3A_146 : i32 to index
      %get3A_148 = arith.index_cast %mul3A_16 : i32 to index
      %get3A_149 = tpu.vector_load %arg5[%get3A_147, %get3A_148] {strides = array<i32>} : memref<64x1024xf32, #tpu.memory_space<vmem>>, vector<1x16xf32>,
      %get3A_150 = vector.shape_cast %get3A_149 : vector<1x16xf32> to vector<16xf32>
      %max3A_151 = arith.maximumf %max3A_145, %get3A_150 : vector<16xf32>
      %get3A_152 = arith.constant 23 : i32
      %get3A_153 = arith.index_cast %get3A_152 : i32 to index
      %get3A_154 = arith.index_cast %mul3A_16 : i32 to index
      %get3A_155 = tpu.vector_load %arg5[%get3A_153, %get3A_154] {strides = array<i32>} : memref<64x1024xf32, #tpu.memory_space<vmem>>, vector<1x16xf32>,
      %get3A_156 = vector.shape_cast %get3A_155 : vector<1x16xf32> to vector<16xf32>
      %max3A_157 = arith.maximumf %max3A_151, %get3A_156 : vector<16xf32>
      %get3A_158 = arith.constant 24 : i32
      %get3A_159 = arith.index_cast %get3A_158 : i32 to index
      %get3A_160 = arith.index_cast %mul3A_16 : i32 to index
      %get3A_161 = tpu.vector_load %arg5[%get3A_159, %get3A_160] {strides = array<i32>} : memref<64x1024xf32, #tpu.memory_space<vmem>>, vector<1x16xf32>,
      %get3A_162 = vector.shape_cast %get3A_161 : vector<1x16xf32> to vector<16xf32>
      %max3A_163 = arith.maximumf %max3A_157, %get3A_162 : vector<16xf32>
      %get3A_164 = arith.constant 25 : i32
      %get3A_165 = arith.index_cast %get3A_164 : i32 to index
      %get3A_166 = arith.index_cast %mul3A_16 : i32 to index
      %get3A_167 = tpu.vector_load %arg5[%get3A_165, %get3A_166] {strides = array<i32>} : memref<64x1024xf32, #tpu.memory_space<vmem>>, vector<1x16xf32>,
      %get3A_168 = vector.shape_cast %get3A_167 : vector<1x16xf32> to vector<16xf32>
      %max3A_169 = arith.maximumf %max3A_163, %get3A_168 : vector<16xf32>
      %get3A_170 = arith.constant 26 : i32
      %get3A_171 = arith.index_cast %get3A_170 : i32 to index
      %get3A_172 = arith.index_cast %mul3A_16 : i32 to index
      %get3A_173 = tpu.vector_load %arg5[%get3A_171, %get3A_172] {strides = array<i32>} : memref<64x1024xf32, #tpu.memory_space<vmem>>, vector<1x16xf32>,
      %get3A_174 = vector.shape_cast %get3A_173 : vector<1x16xf32> to vector<16xf32>
      %max3A_175 = arith.maximumf %max3A_169, %get3A_174 : vector<16xf32>
      %get3A_176 = arith.constant 27 : i32
      %get3A_177 = arith.index_cast %get3A_176 : i32 to index
      %get3A_178 = arith.index_cast %mul3A_16 : i32 to index
      %get3A_179 = tpu.vector_load %arg5[%get3A_177, %get3A_178] {strides = array<i32>} : memref<64x1024xf32, #tpu.memory_space<vmem>>, vector<1x16xf32>,
      %get3A_180 = vector.shape_cast %get3A_179 : vector<1x16xf32> to vector<16xf32>
      %max3A_181 = arith.maximumf %max3A_175, %get3A_180 : vector<16xf32>
      %get3A_182 = arith.constant 28 : i32
      %get3A_183 = arith.index_cast %get3A_182 : i32 to index
      %get3A_184 = arith.index_cast %mul3A_16 : i32 to index
      %get3A_185 = tpu.vector_load %arg5[%get3A_183, %get3A_184] {strides = array<i32>} : memref<64x1024xf32, #tpu.memory_space<vmem>>, vector<1x16xf32>,
      %get3A_186 = vector.shape_cast %get3A_185 : vector<1x16xf32> to vector<16xf32>
      %max3A_187 = arith.maximumf %max3A_181, %get3A_186 : vector<16xf32>
      %get3A_188 = arith.constant 29 : i32
      %get3A_189 = arith.index_cast %get3A_188 : i32 to index
      %get3A_190 = arith.index_cast %mul3A_16 : i32 to index
      %get3A_191 = tpu.vector_load %arg5[%get3A_189, %get3A_190] {strides = array<i32>} : memref<64x1024xf32, #tpu.memory_space<vmem>>, vector<1x16xf32>,
      %get3A_192 = vector.shape_cast %get3A_191 : vector<1x16xf32> to vector<16xf32>
      %max3A_193 = arith.maximumf %max3A_187, %get3A_192 : vector<16xf32>
      %get3A_194 = arith.constant 30 : i32
      %get3A_195 = arith.index_cast %get3A_194 : i32 to index
      %get3A_196 = arith.index_cast %mul3A_16 : i32 to index
      %get3A_197 = tpu.vector_load %arg5[%get3A_195, %get3A_196] {strides = array<i32>} : memref<64x1024xf32, #tpu.memory_space<vmem>>, vector<1x16xf32>,
      %get3A_198 = vector.shape_cast %get3A_197 : vector<1x16xf32> to vector<16xf32>
      %max3A_199 = arith.maximumf %max3A_193, %get3A_198 : vector<16xf32>
      %get3A_200 = arith.constant 31 : i32
      %get3A_201 = arith.index_cast %get3A_200 : i32 to index
      %get3A_202 = arith.index_cast %mul3A_16 : i32 to index
      %get3A_203 = tpu.vector_load %arg5[%get3A_201, %get3A_202] {strides = array<i32>} : memref<64x1024xf32, #tpu.memory_space<vmem>>, vector<1x16xf32>,
      %get3A_204 = vector.shape_cast %get3A_203 : vector<1x16xf32> to vector<16xf32>
      %max3A_205 = arith.maximumf %max3A_199, %get3A_204 : vector<16xf32>
      %get3A_206 = arith.constant 32 : i32
      %get3A_207 = arith.index_cast %get3A_206 : i32 to index
      %get3A_208 = arith.index_cast %mul3A_16 : i32 to index
      %get3A_209 = tpu.vector_load %arg5[%get3A_207, %get3A_208] {strides = array<i32>} : memref<64x1024xf32, #tpu.memory_space<vmem>>, vector<1x16xf32>,
      %get3A_210 = vector.shape_cast %get3A_209 : vector<1x16xf32> to vector<16xf32>
      %max3A_211 = arith.maximumf %max3A_205, %get3A_210 : vector<16xf32>
      %get3A_212 = arith.constant 33 : i32
      %get3A_213 = arith.index_cast %get3A_212 : i32 to index
      %get3A_214 = arith.index_cast %mul3A_16 : i32 to index
      %get3A_215 = tpu.vector_load %arg5[%get3A_213, %get3A_214] {strides = array<i32>} : memref<64x1024xf32, #tpu.memory_space<vmem>>, vector<1x16xf32>,
      %get3A_216 = vector.shape_cast %get3A_215 : vector<1x16xf32> to vector<16xf32>
      %max3A_217 = arith.maximumf %max3A_211, %get3A_216 : vector<16xf32>
      %get3A_218 = arith.constant 34 : i32
      %get3A_219 = arith.index_cast %get3A_218 : i32 to index
      %get3A_220 = arith.index_cast %mul3A_16 : i32 to index
      %get3A_221 = tpu.vector_load %arg5[%get3A_219, %get3A_220] {strides = array<i32>} : memref<64x1024xf32, #tpu.memory_space<vmem>>, vector<1x16xf32>,
      %get3A_222 = vector.shape_cast %get3A_221 : vector<1x16xf32> to vector<16xf32>
      %max3A_223 = arith.maximumf %max3A_217, %get3A_222 : vector<16xf32>
      %get3A_224 = arith.constant 35 : i32
      %get3A_225 = arith.index_cast %get3A_224 : i32 to index
      %get3A_226 = arith.index_cast %mul3A_16 : i32 to index
      %get3A_227 = tpu.vector_load %arg5[%get3A_225, %get3A_226] {strides = array<i32>} : memref<64x1024xf32, #tpu.memory_space<vmem>>, vector<1x16xf32>,
      %get3A_228 = vector.shape_cast %get3A_227 : vector<1x16xf32> to vector<16xf32>
      %max3A_229 = arith.maximumf %max3A_223, %get3A_228 : vector<16xf32>
      %get3A_230 = arith.constant 36 : i32
      %get3A_231 = arith.index_cast %get3A_230 : i32 to index
      %get3A_232 = arith.index_cast %mul3A_16 : i32 to index
      %get3A_233 = tpu.vector_load %arg5[%get3A_231, %get3A_232] {strides = array<i32>} : memref<64x1024xf32, #tpu.memory_space<vmem>>, vector<1x16xf32>,
      %get3A_234 = vector.shape_cast %get3A_233 : vector<1x16xf32> to vector<16xf32>
      %max3A_235 = arith.maximumf %max3A_229, %get3A_234 : vector<16xf32>
      %get3A_236 = arith.constant 37 : i32
      %get3A_237 = arith.index_cast %get3A_236 : i32 to index
      %get3A_238 = arith.index_cast %mul3A_16 : i32 to index
      %get3A_239 = tpu.vector_load %arg5[%get3A_237, %get3A_238] {strides = array<i32>} : memref<64x1024xf32, #tpu.memory_space<vmem>>, vector<1x16xf32>,
      %get3A_240 = vector.shape_cast %get3A_239 : vector<1x16xf32> to vector<16xf32>
      %max3A_241 = arith.maximumf %max3A_235, %get3A_240 : vector<16xf32>
      %get3A_242 = arith.constant 38 : i32
      %get3A_243 = arith.index_cast %get3A_242 : i32 to index
      %get3A_244 = arith.index_cast %mul3A_16 : i32 to index
      %get3A_245 = tpu.vector_load %arg5[%get3A_243, %get3A_244] {strides = array<i32>} : memref<64x1024xf32, #tpu.memory_space<vmem>>, vector<1x16xf32>,
      %get3A_246 = vector.shape_cast %get3A_245 : vector<1x16xf32> to vector<16xf32>
      %max3A_247 = arith.maximumf %max3A_241, %get3A_246 : vector<16xf32>
      %get3A_248 = arith.constant 39 : i32
      %get3A_249 = arith.index_cast %get3A_248 : i32 to index
      %get3A_250 = arith.index_cast %mul3A_16 : i32 to index
      %get3A_251 = tpu.vector_load %arg5[%get3A_249, %get3A_250] {strides = array<i32>} : memref<64x1024xf32, #tpu.memory_space<vmem>>, vector<1x16xf32>,
      %get3A_252 = vector.shape_cast %get3A_251 : vector<1x16xf32> to vector<16xf32>
      %max3A_253 = arith.maximumf %max3A_247, %get3A_252 : vector<16xf32>
      %get3A_254 = arith.constant 40 : i32
      %get3A_255 = arith.index_cast %get3A_254 : i32 to index
      %get3A_256 = arith.index_cast %mul3A_16 : i32 to index
      %get3A_257 = tpu.vector_load %arg5[%get3A_255, %get3A_256] {strides = array<i32>} : memref<64x1024xf32, #tpu.memory_space<vmem>>, vector<1x16xf32>,
      %get3A_258 = vector.shape_cast %get3A_257 : vector<1x16xf32> to vector<16xf32>
      %max3A_259 = arith.maximumf %max3A_253, %get3A_258 : vector<16xf32>
      %get3A_260 = arith.constant 41 : i32
      %get3A_261 = arith.index_cast %get3A_260 : i32 to index
      %get3A_262 = arith.index_cast %mul3A_16 : i32 to index
      %get3A_263 = tpu.vector_load %arg5[%get3A_261, %get3A_262] {strides = array<i32>} : memref<64x1024xf32, #tpu.memory_space<vmem>>, vector<1x16xf32>,
      %get3A_264 = vector.shape_cast %get3A_263 : vector<1x16xf32> to vector<16xf32>
      %max3A_265 = arith.maximumf %max3A_259, %get3A_264 : vector<16xf32>
      %get3A_266 = arith.constant 42 : i32
      %get3A_267 = arith.index_cast %get3A_266 : i32 to index
      %get3A_268 = arith.index_cast %mul3A_16 : i32 to index
      %get3A_269 = tpu.vector_load %arg5[%get3A_267, %get3A_268] {strides = array<i32>} : memref<64x1024xf32, #tpu.memory_space<vmem>>, vector<1x16xf32>,
      %get3A_270 = vector.shape_cast %get3A_269 : vector<1x16xf32> to vector<16xf32>
      %max3A_271 = arith.maximumf %max3A_265, %get3A_270 : vector<16xf32>
      %get3A_272 = arith.constant 43 : i32
      %get3A_273 = arith.index_cast %get3A_272 : i32 to index
      %get3A_274 = arith.index_cast %mul3A_16 : i32 to index
      %get3A_275 = tpu.vector_load %arg5[%get3A_273, %get3A_274] {strides = array<i32>} : memref<64x1024xf32, #tpu.memory_space<vmem>>, vector<1x16xf32>,
      %get3A_276 = vector.shape_cast %get3A_275 : vector<1x16xf32> to vector<16xf32>
      %max3A_277 = arith.maximumf %max3A_271, %get3A_276 : vector<16xf32>
      %get3A_278 = arith.constant 44 : i32
      %get3A_279 = arith.index_cast %get3A_278 : i32 to index
      %get3A_280 = arith.index_cast %mul3A_16 : i32 to index
      %get3A_281 = tpu.vector_load %arg5[%get3A_279, %get3A_280] {strides = array<i32>} : memref<64x1024xf32, #tpu.memory_space<vmem>>, vector<1x16xf32>,
      %get3A_282 = vector.shape_cast %get3A_281 : vector<1x16xf32> to vector<16xf32>
      %max3A_283 = arith.maximumf %max3A_277, %get3A_282 : vector<16xf32>
      %get3A_284 = arith.constant 45 : i32
      %get3A_285 = arith.index_cast %get3A_284 : i32 to index
      %get3A_286 = arith.index_cast %mul3A_16 : i32 to index
      %get3A_287 = tpu.vector_load %arg5[%get3A_285, %get3A_286] {strides = array<i32>} : memref<64x1024xf32, #tpu.memory_space<vmem>>, vector<1x16xf32>,
      %get3A_288 = vector.shape_cast %get3A_287 : vector<1x16xf32> to vector<16xf32>
      %max3A_289 = arith.maximumf %max3A_283, %get3A_288 : vector<16xf32>
      %get3A_290 = arith.constant 46 : i32
      %get3A_291 = arith.index_cast %get3A_290 : i32 to index
      %get3A_292 = arith.index_cast %mul3A_16 : i32 to index
      %get3A_293 = tpu.vector_load %arg5[%get3A_291, %get3A_292] {strides = array<i32>} : memref<64x1024xf32, #tpu.memory_space<vmem>>, vector<1x16xf32>,
      %get3A_294 = vector.shape_cast %get3A_293 : vector<1x16xf32> to vector<16xf32>
      %max3A_295 = arith.maximumf %max3A_289, %get3A_294 : vector<16xf32>
      %get3A_296 = arith.constant 47 : i32
      %get3A_297 = arith.index_cast %get3A_296 : i32 to index
      %get3A_298 = arith.index_cast %mul3A_16 : i32 to index
      %get3A_299 = tpu.vector_load %arg5[%get3A_297, %get3A_298] {strides = array<i32>} : memref<64x1024xf32, #tpu.memory_space<vmem>>, vector<1x16xf32>,
      %get3A_300 = vector.shape_cast %get3A_299 : vector<1x16xf32> to vector<16xf32>
      %max3A_301 = arith.maximumf %max3A_295, %get3A_300 : vector<16xf32>
      %get3A_302 = arith.constant 48 : i32
      %get3A_303 = arith.index_cast %get3A_302 : i32 to index
      %get3A_304 = arith.index_cast %mul3A_16 : i32 to index
      %get3A_305 = tpu.vector_load %arg5[%get3A_303, %get3A_304] {strides = array<i32>} : memref<64x1024xf32, #tpu.memory_space<vmem>>, vector<1x16xf32>,
      %get3A_306 = vector.shape_cast %get3A_305 : vector<1x16xf32> to vector<16xf32>
      %max3A_307 = arith.maximumf %max3A_301, %get3A_306 : vector<16xf32>
      %get3A_308 = arith.constant 49 : i32
      %get3A_309 = arith.index_cast %get3A_308 : i32 to index
      %get3A_310 = arith.index_cast %mul3A_16 : i32 to index
      %get3A_311 = tpu.vector_load %arg5[%get3A_309, %get3A_310] {strides = array<i32>} : memref<64x1024xf32, #tpu.memory_space<vmem>>, vector<1x16xf32>,
      %get3A_312 = vector.shape_cast %get3A_311 : vector<1x16xf32> to vector<16xf32>
      %max3A_313 = arith.maximumf %max3A_307, %get3A_312 : vector<16xf32>
      %get3A_314 = arith.constant 50 : i32
      %get3A_315 = arith.index_cast %get3A_314 : i32 to index
      %get3A_316 = arith.index_cast %mul3A_16 : i32 to index
      %get3A_317 = tpu.vector_load %arg5[%get3A_315, %get3A_316] {strides = array<i32>} : memref<64x1024xf32, #tpu.memory_space<vmem>>, vector<1x16xf32>,
      %get3A_318 = vector.shape_cast %get3A_317 : vector<1x16xf32> to vector<16xf32>
      %max3A_319 = arith.maximumf %max3A_313, %get3A_318 : vector<16xf32>
      %get3A_320 = arith.constant 51 : i32
      %get3A_321 = arith.index_cast %get3A_320 : i32 to index
      %get3A_322 = arith.index_cast %mul3A_16 : i32 to index
      %get3A_323 = tpu.vector_load %arg5[%get3A_321, %get3A_322] {strides = array<i32>} : memref<64x1024xf32, #tpu.memory_space<vmem>>, vector<1x16xf32>,
      %get3A_324 = vector.shape_cast %get3A_323 : vector<1x16xf32> to vector<16xf32>
      %max3A_325 = arith.maximumf %max3A_319, %get3A_324 : vector<16xf32>
      %get3A_326 = arith.constant 52 : i32
      %get3A_327 = arith.index_cast %get3A_326 : i32 to index
      %get3A_328 = arith.index_cast %mul3A_16 : i32 to index
      %get3A_329 = tpu.vector_load %arg5[%get3A_327, %get3A_328] {strides = array<i32>} : memref<64x1024xf32, #tpu.memory_space<vmem>>, vector<1x16xf32>,
      %get3A_330 = vector.shape_cast %get3A_329 : vector<1x16xf32> to vector<16xf32>
      %max3A_331 = arith.maximumf %max3A_325, %get3A_330 : vector<16xf32>
      %get3A_332 = arith.constant 53 : i32
      %get3A_333 = arith.index_cast %get3A_332 : i32 to index
      %get3A_334 = arith.index_cast %mul3A_16 : i32 to index
      %get3A_335 = tpu.vector_load %arg5[%get3A_333, %get3A_334] {strides = array<i32>} : memref<64x1024xf32, #tpu.memory_space<vmem>>, vector<1x16xf32>,
      %get3A_336 = vector.shape_cast %get3A_335 : vector<1x16xf32> to vector<16xf32>
      %max3A_337 = arith.maximumf %max3A_331, %get3A_336 : vector<16xf32>
      %get3A_338 = arith.constant 54 : i32
      %get3A_339 = arith.index_cast %get3A_338 : i32 to index
      %get3A_340 = arith.index_cast %mul3A_16 : i32 to index
      %get3A_341 = tpu.vector_load %arg5[%get3A_339, %get3A_340] {strides = array<i32>} : memref<64x1024xf32, #tpu.memory_space<vmem>>, vector<1x16xf32>,
      %get3A_342 = vector.shape_cast %get3A_341 : vector<1x16xf32> to vector<16xf32>
      %max3A_343 = arith.maximumf %max3A_337, %get3A_342 : vector<16xf32>
      %get3A_344 = arith.constant 55 : i32
      %get3A_345 = arith.index_cast %get3A_344 : i32 to index
      %get3A_346 = arith.index_cast %mul3A_16 : i32 to index
      %get3A_347 = tpu.vector_load %arg5[%get3A_345, %get3A_346] {strides = array<i32>} : memref<64x1024xf32, #tpu.memory_space<vmem>>, vector<1x16xf32>,
      %get3A_348 = vector.shape_cast %get3A_347 : vector<1x16xf32> to vector<16xf32>
      %max3A_349 = arith.maximumf %max3A_343, %get3A_348 : vector<16xf32>
      %get3A_350 = arith.constant 56 : i32
      %get3A_351 = arith.index_cast %get3A_350 : i32 to index
      %get3A_352 = arith.index_cast %mul3A_16 : i32 to index
      %get3A_353 = tpu.vector_load %arg5[%get3A_351, %get3A_352] {strides = array<i32>} : memref<64x1024xf32, #tpu.memory_space<vmem>>, vector<1x16xf32>,
      %get3A_354 = vector.shape_cast %get3A_353 : vector<1x16xf32> to vector<16xf32>
      %max3A_355 = arith.maximumf %max3A_349, %get3A_354 : vector<16xf32>
      %get3A_356 = arith.constant 57 : i32
      %get3A_357 = arith.index_cast %get3A_356 : i32 to index
      %get3A_358 = arith.index_cast %mul3A_16 : i32 to index
      %get3A_359 = tpu.vector_load %arg5[%get3A_357, %get3A_358] {strides = array<i32>} : memref<64x1024xf32, #tpu.memory_space<vmem>>, vector<1x16xf32>,
      %get3A_360 = vector.shape_cast %get3A_359 : vector<1x16xf32> to vector<16xf32>
      %max3A_361 = arith.maximumf %max3A_355, %get3A_360 : vector<16xf32>
      %get3A_362 = arith.constant 58 : i32
      %get3A_363 = arith.index_cast %get3A_362 : i32 to index
      %get3A_364 = arith.index_cast %mul3A_16 : i32 to index
      %get3A_365 = tpu.vector_load %arg5[%get3A_363, %get3A_364] {strides = array<i32>} : memref<64x1024xf32, #tpu.memory_space<vmem>>, vector<1x16xf32>,
      %get3A_366 = vector.shape_cast %get3A_365 : vector<1x16xf32> to vector<16xf32>
      %max3A_367 = arith.maximumf %max3A_361, %get3A_366 : vector<16xf32>
      %get3A_368 = arith.constant 59 : i32
      %get3A_369 = arith.index_cast %get3A_368 : i32 to index
      %get3A_370 = arith.index_cast %mul3A_16 : i32 to index
      %get3A_371 = tpu.vector_load %arg5[%get3A_369, %get3A_370] {strides = array<i32>} : memref<64x1024xf32, #tpu.memory_space<vmem>>, vector<1x16xf32>,
      %get3A_372 = vector.shape_cast %get3A_371 : vector<1x16xf32> to vector<16xf32>
      %max3A_373 = arith.maximumf %max3A_367, %get3A_372 : vector<16xf32>
      %get3A_374 = arith.constant 60 : i32
      %get3A_375 = arith.index_cast %get3A_374 : i32 to index
      %get3A_376 = arith.index_cast %mul3A_16 : i32 to index
      %get3A_377 = tpu.vector_load %arg5[%get3A_375, %get3A_376] {strides = array<i32>} : memref<64x1024xf32, #tpu.memory_space<vmem>>, vector<1x16xf32>,
      %get3A_378 = vector.shape_cast %get3A_377 : vector<1x16xf32> to vector<16xf32>
      %max3A_379 = arith.maximumf %max3A_373, %get3A_378 : vector<16xf32>
      %get3A_380 = arith.constant 61 : i32
      %get3A_381 = arith.index_cast %get3A_380 : i32 to index
      %get3A_382 = arith.index_cast %mul3A_16 : i32 to index
      %get3A_383 = tpu.vector_load %arg5[%get3A_381, %get3A_382] {strides = array<i32>} : memref<64x1024xf32, #tpu.memory_space<vmem>>, vector<1x16xf32>,
      %get3A_384 = vector.shape_cast %get3A_383 : vector<1x16xf32> to vector<16xf32>
      %max3A_385 = arith.maximumf %max3A_379, %get3A_384 : vector<16xf32>
      %get3A_386 = arith.constant 62 : i32
      %get3A_387 = arith.index_cast %get3A_386 : i32 to index
      %get3A_388 = arith.index_cast %mul3A_16 : i32 to index
      %get3A_389 = tpu.vector_load %arg5[%get3A_387, %get3A_388] {strides = array<i32>} : memref<64x1024xf32, #tpu.memory_space<vmem>>, vector<1x16xf32>,
      %get3A_390 = vector.shape_cast %get3A_389 : vector<1x16xf32> to vector<16xf32>
      %max3A_391 = arith.maximumf %max3A_385, %get3A_390 : vector<16xf32>
      %get3A_392 = arith.constant 63 : i32
      %get3A_393 = arith.index_cast %get3A_392 : i32 to index
      %get3A_394 = arith.index_cast %mul3A_16 : i32 to index
      %get3A_395 = tpu.vector_load %arg5[%get3A_393, %get3A_394] {strides = array<i32>} : memref<64x1024xf32, #tpu.memory_space<vmem>>, vector<1x16xf32>,
      %get3A_396 = vector.shape_cast %get3A_395 : vector<1x16xf32> to vector<16xf32>
      %max3A_397 = arith.maximumf %max3A_391, %get3A_396 : vector<16xf32>
      %broadcast_in_dim3A_398 = arith.constant 0.000000e+00 : f32
      %broadcast_in_dim3A_399 = vector.broadcast %broadcast_in_dim3A_398 : f32 to vector<16xf32>
      %get3A_400 = arith.constant 0 : i32
      %get3A_401 = arith.index_cast %get3A_400 : i32 to index
      %get3A_402 = arith.index_cast %mul3A_16 : i32 to index
      %get3A_403 = tpu.vector_load %arg5[%get3A_401, %get3A_402] {strides = array<i32>} : memref<64x1024xf32, #tpu.memory_space<vmem>>, vector<1x16xf32>,
      %get3A_404 = vector.shape_cast %get3A_403 : vector<1x16xf32> to vector<16xf32>
      %eq3A = arith.cmpf oeq, %get3A_404, %max3A_397 : vector<16xf32>
      %select_n3A = arith.select %eq3A, %broadcast_in_dim3A_399, %broadcast_in_dim3A_3 : vector<16xi1>, vector<16xf32>
      %min3A = arith.minimumf %broadcast_in_dim3A_3, %select_n3A : vector<16xf32>
      %broadcast_in_dim3A_405 = arith.constant 1.000000e+00 : f32
      %broadcast_in_dim3A_406 = vector.broadcast %broadcast_in_dim3A_405 : f32 to vector<16xf32>
      %get3A_407 = arith.constant 1 : i32
      %get3A_408 = arith.index_cast %get3A_407 : i32 to index
      %get3A_409 = arith.index_cast %mul3A_16 : i32 to index
      %get3A_410 = tpu.vector_load %arg5[%get3A_408, %get3A_409] {strides = array<i32>} : memref<64x1024xf32, #tpu.memory_space<vmem>>, vector<1x16xf32>,
      %get3A_411 = vector.shape_cast %get3A_410 : vector<1x16xf32> to vector<16xf32>
      %eq3A_412 = arith.cmpf oeq, %get3A_411, %max3A_397 : vector<16xf32>
      %select_n3A_413 = arith.select %eq3A_412, %broadcast_in_dim3A_406, %broadcast_in_dim3A_3 : vector<16xi1>, vector<16xf32>
      %min3A_414 = arith.minimumf %min3A, %select_n3A_413 : vector<16xf32>
      %broadcast_in_dim3A_415 = arith.constant 2.000000e+00 : f32
      %broadcast_in_dim3A_416 = vector.broadcast %broadcast_in_dim3A_415 : f32 to vector<16xf32>
      %get3A_417 = arith.constant 2 : i32
      %get3A_418 = arith.index_cast %get3A_417 : i32 to index
      %get3A_419 = arith.index_cast %mul3A_16 : i32 to index
      %get3A_420 = tpu.vector_load %arg5[%get3A_418, %get3A_419] {strides = array<i32>} : memref<64x1024xf32, #tpu.memory_space<vmem>>, vector<1x16xf32>,
      %get3A_421 = vector.shape_cast %get3A_420 : vector<1x16xf32> to vector<16xf32>
      %eq3A_422 = arith.cmpf oeq, %get3A_421, %max3A_397 : vector<16xf32>
      %select_n3A_423 = arith.select %eq3A_422, %broadcast_in_dim3A_416, %broadcast_in_dim3A_3 : vector<16xi1>, vector<16xf32>
      %min3A_424 = arith.minimumf %min3A_414, %select_n3A_423 : vector<16xf32>
      %broadcast_in_dim3A_425 = arith.constant 3.000000e+00 : f32
      %broadcast_in_dim3A_426 = vector.broadcast %broadcast_in_dim3A_425 : f32 to vector<16xf32>
      %get3A_427 = arith.constant 3 : i32
      %get3A_428 = arith.index_cast %get3A_427 : i32 to index
      %get3A_429 = arith.index_cast %mul3A_16 : i32 to index
      %get3A_430 = tpu.vector_load %arg5[%get3A_428, %get3A_429] {strides = array<i32>} : memref<64x1024xf32, #tpu.memory_space<vmem>>, vector<1x16xf32>,
      %get3A_431 = vector.shape_cast %get3A_430 : vector<1x16xf32> to vector<16xf32>
      %eq3A_432 = arith.cmpf oeq, %get3A_431, %max3A_397 : vector<16xf32>
      %select_n3A_433 = arith.select %eq3A_432, %broadcast_in_dim3A_426, %broadcast_in_dim3A_3 : vector<16xi1>, vector<16xf32>
      %min3A_434 = arith.minimumf %min3A_424, %select_n3A_433 : vector<16xf32>
      %broadcast_in_dim3A_435 = arith.constant 4.000000e+00 : f32
      %broadcast_in_dim3A_436 = vector.broadcast %broadcast_in_dim3A_435 : f32 to vector<16xf32>
      %get3A_437 = arith.constant 4 : i32
      %get3A_438 = arith.index_cast %get3A_437 : i32 to index
      %get3A_439 = arith.index_cast %mul3A_16 : i32 to index
      %get3A_440 = tpu.vector_load %arg5[%get3A_438, %get3A_439] {strides = array<i32>} : memref<64x1024xf32, #tpu.memory_space<vmem>>, vector<1x16xf32>,
      %get3A_441 = vector.shape_cast %get3A_440 : vector<1x16xf32> to vector<16xf32>
      %eq3A_442 = arith.cmpf oeq, %get3A_441, %max3A_397 : vector<16xf32>
      %select_n3A_443 = arith.select %eq3A_442, %broadcast_in_dim3A_436, %broadcast_in_dim3A_3 : vector<16xi1>, vector<16xf32>
      %min3A_444 = arith.minimumf %min3A_434, %select_n3A_443 : vector<16xf32>
      %broadcast_in_dim3A_445 = arith.constant 5.000000e+00 : f32
      %broadcast_in_dim3A_446 = vector.broadcast %broadcast_in_dim3A_445 : f32 to vector<16xf32>
      %get3A_447 = arith.constant 5 : i32
      %get3A_448 = arith.index_cast %get3A_447 : i32 to index
      %get3A_449 = arith.index_cast %mul3A_16 : i32 to index
      %get3A_450 = tpu.vector_load %arg5[%get3A_448, %get3A_449] {strides = array<i32>} : memref<64x1024xf32, #tpu.memory_space<vmem>>, vector<1x16xf32>,
      %get3A_451 = vector.shape_cast %get3A_450 : vector<1x16xf32> to vector<16xf32>
      %eq3A_452 = arith.cmpf oeq, %get3A_451, %max3A_397 : vector<16xf32>
      %select_n3A_453 = arith.select %eq3A_452, %broadcast_in_dim3A_446, %broadcast_in_dim3A_3 : vector<16xi1>, vector<16xf32>
      %min3A_454 = arith.minimumf %min3A_444, %select_n3A_453 : vector<16xf32>
      %broadcast_in_dim3A_455 = arith.constant 6.000000e+00 : f32
      %broadcast_in_dim3A_456 = vector.broadcast %broadcast_in_dim3A_455 : f32 to vector<16xf32>
      %get3A_457 = arith.constant 6 : i32
      %get3A_458 = arith.index_cast %get3A_457 : i32 to index
      %get3A_459 = arith.index_cast %mul3A_16 : i32 to index
      %get3A_460 = tpu.vector_load %arg5[%get3A_458, %get3A_459] {strides = array<i32>} : memref<64x1024xf32, #tpu.memory_space<vmem>>, vector<1x16xf32>,
      %get3A_461 = vector.shape_cast %get3A_460 : vector<1x16xf32> to vector<16xf32>
      %eq3A_462 = arith.cmpf oeq, %get3A_461, %max3A_397 : vector<16xf32>
      %select_n3A_463 = arith.select %eq3A_462, %broadcast_in_dim3A_456, %broadcast_in_dim3A_3 : vector<16xi1>, vector<16xf32>
      %min3A_464 = arith.minimumf %min3A_454, %select_n3A_463 : vector<16xf32>
      %broadcast_in_dim3A_465 = arith.constant 7.000000e+00 : f32
      %broadcast_in_dim3A_466 = vector.broadcast %broadcast_in_dim3A_465 : f32 to vector<16xf32>
      %get3A_467 = arith.constant 7 : i32
      %get3A_468 = arith.index_cast %get3A_467 : i32 to index
      %get3A_469 = arith.index_cast %mul3A_16 : i32 to index
      %get3A_470 = tpu.vector_load %arg5[%get3A_468, %get3A_469] {strides = array<i32>} : memref<64x1024xf32, #tpu.memory_space<vmem>>, vector<1x16xf32>,
      %get3A_471 = vector.shape_cast %get3A_470 : vector<1x16xf32> to vector<16xf32>
      %eq3A_472 = arith.cmpf oeq, %get3A_471, %max3A_397 : vector<16xf32>
      %select_n3A_473 = arith.select %eq3A_472, %broadcast_in_dim3A_466, %broadcast_in_dim3A_3 : vector<16xi1>, vector<16xf32>
      %min3A_474 = arith.minimumf %min3A_464, %select_n3A_473 : vector<16xf32>
      %broadcast_in_dim3A_475 = arith.constant 8.000000e+00 : f32
      %broadcast_in_dim3A_476 = vector.broadcast %broadcast_in_dim3A_475 : f32 to vector<16xf32>
      %get3A_477 = arith.constant 8 : i32
      %get3A_478 = arith.index_cast %get3A_477 : i32 to index
      %get3A_479 = arith.index_cast %mul3A_16 : i32 to index
      %get3A_480 = tpu.vector_load %arg5[%get3A_478, %get3A_479] {strides = array<i32>} : memref<64x1024xf32, #tpu.memory_space<vmem>>, vector<1x16xf32>,
      %get3A_481 = vector.shape_cast %get3A_480 : vector<1x16xf32> to vector<16xf32>
      %eq3A_482 = arith.cmpf oeq, %get3A_481, %max3A_397 : vector<16xf32>
      %select_n3A_483 = arith.select %eq3A_482, %broadcast_in_dim3A_476, %broadcast_in_dim3A_3 : vector<16xi1>, vector<16xf32>
      %min3A_484 = arith.minimumf %min3A_474, %select_n3A_483 : vector<16xf32>
      %broadcast_in_dim3A_485 = arith.constant 9.000000e+00 : f32
      %broadcast_in_dim3A_486 = vector.broadcast %broadcast_in_dim3A_485 : f32 to vector<16xf32>
      %get3A_487 = arith.constant 9 : i32
      %get3A_488 = arith.index_cast %get3A_487 : i32 to index
      %get3A_489 = arith.index_cast %mul3A_16 : i32 to index
      %get3A_490 = tpu.vector_load %arg5[%get3A_488, %get3A_489] {strides = array<i32>} : memref<64x1024xf32, #tpu.memory_space<vmem>>, vector<1x16xf32>,
      %get3A_491 = vector.shape_cast %get3A_490 : vector<1x16xf32> to vector<16xf32>
      %eq3A_492 = arith.cmpf oeq, %get3A_491, %max3A_397 : vector<16xf32>
      %select_n3A_493 = arith.select %eq3A_492, %broadcast_in_dim3A_486, %broadcast_in_dim3A_3 : vector<16xi1>, vector<16xf32>
      %min3A_494 = arith.minimumf %min3A_484, %select_n3A_493 : vector<16xf32>
      %broadcast_in_dim3A_495 = arith.constant 1.000000e+01 : f32
      %broadcast_in_dim3A_496 = vector.broadcast %broadcast_in_dim3A_495 : f32 to vector<16xf32>
      %get3A_497 = arith.constant 10 : i32
      %get3A_498 = arith.index_cast %get3A_497 : i32 to index
      %get3A_499 = arith.index_cast %mul3A_16 : i32 to index
      %get3A_500 = tpu.vector_load %arg5[%get3A_498, %get3A_499] {strides = array<i32>} : memref<64x1024xf32, #tpu.memory_space<vmem>>, vector<1x16xf32>,
      %get3A_501 = vector.shape_cast %get3A_500 : vector<1x16xf32> to vector<16xf32>
      %eq3A_502 = arith.cmpf oeq, %get3A_501, %max3A_397 : vector<16xf32>
      %select_n3A_503 = arith.select %eq3A_502, %broadcast_in_dim3A_496, %broadcast_in_dim3A_3 : vector<16xi1>, vector<16xf32>
      %min3A_504 = arith.minimumf %min3A_494, %select_n3A_503 : vector<16xf32>
      %broadcast_in_dim3A_505 = arith.constant 1.100000e+01 : f32
      %broadcast_in_dim3A_506 = vector.broadcast %broadcast_in_dim3A_505 : f32 to vector<16xf32>
      %get3A_507 = arith.constant 11 : i32
      %get3A_508 = arith.index_cast %get3A_507 : i32 to index
      %get3A_509 = arith.index_cast %mul3A_16 : i32 to index
      %get3A_510 = tpu.vector_load %arg5[%get3A_508, %get3A_509] {strides = array<i32>} : memref<64x1024xf32, #tpu.memory_space<vmem>>, vector<1x16xf32>,
      %get3A_511 = vector.shape_cast %get3A_510 : vector<1x16xf32> to vector<16xf32>
      %eq3A_512 = arith.cmpf oeq, %get3A_511, %max3A_397 : vector<16xf32>
      %select_n3A_513 = arith.select %eq3A_512, %broadcast_in_dim3A_506, %broadcast_in_dim3A_3 : vector<16xi1>, vector<16xf32>
      %min3A_514 = arith.minimumf %min3A_504, %select_n3A_513 : vector<16xf32>
      %broadcast_in_dim3A_515 = arith.constant 1.200000e+01 : f32
      %broadcast_in_dim3A_516 = vector.broadcast %broadcast_in_dim3A_515 : f32 to vector<16xf32>
      %get3A_517 = arith.constant 12 : i32
      %get3A_518 = arith.index_cast %get3A_517 : i32 to index
      %get3A_519 = arith.index_cast %mul3A_16 : i32 to index
      %get3A_520 = tpu.vector_load %arg5[%get3A_518, %get3A_519] {strides = array<i32>} : memref<64x1024xf32, #tpu.memory_space<vmem>>, vector<1x16xf32>,
      %get3A_521 = vector.shape_cast %get3A_520 : vector<1x16xf32> to vector<16xf32>
      %eq3A_522 = arith.cmpf oeq, %get3A_521, %max3A_397 : vector<16xf32>
      %select_n3A_523 = arith.select %eq3A_522, %broadcast_in_dim3A_516, %broadcast_in_dim3A_3 : vector<16xi1>, vector<16xf32>
      %min3A_524 = arith.minimumf %min3A_514, %select_n3A_523 : vector<16xf32>
      %broadcast_in_dim3A_525 = arith.constant 1.300000e+01 : f32
      %broadcast_in_dim3A_526 = vector.broadcast %broadcast_in_dim3A_525 : f32 to vector<16xf32>
      %get3A_527 = arith.constant 13 : i32
      %get3A_528 = arith.index_cast %get3A_527 : i32 to index
      %get3A_529 = arith.index_cast %mul3A_16 : i32 to index
      %get3A_530 = tpu.vector_load %arg5[%get3A_528, %get3A_529] {strides = array<i32>} : memref<64x1024xf32, #tpu.memory_space<vmem>>, vector<1x16xf32>,
      %get3A_531 = vector.shape_cast %get3A_530 : vector<1x16xf32> to vector<16xf32>
      %eq3A_532 = arith.cmpf oeq, %get3A_531, %max3A_397 : vector<16xf32>
      %select_n3A_533 = arith.select %eq3A_532, %broadcast_in_dim3A_526, %broadcast_in_dim3A_3 : vector<16xi1>, vector<16xf32>
      %min3A_534 = arith.minimumf %min3A_524, %select_n3A_533 : vector<16xf32>
      %broadcast_in_dim3A_535 = arith.constant 1.400000e+01 : f32
      %broadcast_in_dim3A_536 = vector.broadcast %broadcast_in_dim3A_535 : f32 to vector<16xf32>
      %get3A_537 = arith.constant 14 : i32
      %get3A_538 = arith.index_cast %get3A_537 : i32 to index
      %get3A_539 = arith.index_cast %mul3A_16 : i32 to index
      %get3A_540 = tpu.vector_load %arg5[%get3A_538, %get3A_539] {strides = array<i32>} : memref<64x1024xf32, #tpu.memory_space<vmem>>, vector<1x16xf32>,
      %get3A_541 = vector.shape_cast %get3A_540 : vector<1x16xf32> to vector<16xf32>
      %eq3A_542 = arith.cmpf oeq, %get3A_541, %max3A_397 : vector<16xf32>
      %select_n3A_543 = arith.select %eq3A_542, %broadcast_in_dim3A_536, %broadcast_in_dim3A_3 : vector<16xi1>, vector<16xf32>
      %min3A_544 = arith.minimumf %min3A_534, %select_n3A_543 : vector<16xf32>
      %broadcast_in_dim3A_545 = arith.constant 1.500000e+01 : f32
      %broadcast_in_dim3A_546 = vector.broadcast %broadcast_in_dim3A_545 : f32 to vector<16xf32>
      %get3A_547 = arith.constant 15 : i32
      %get3A_548 = arith.index_cast %get3A_547 : i32 to index
      %get3A_549 = arith.index_cast %mul3A_16 : i32 to index
      %get3A_550 = tpu.vector_load %arg5[%get3A_548, %get3A_549] {strides = array<i32>} : memref<64x1024xf32, #tpu.memory_space<vmem>>, vector<1x16xf32>,
      %get3A_551 = vector.shape_cast %get3A_550 : vector<1x16xf32> to vector<16xf32>
      %eq3A_552 = arith.cmpf oeq, %get3A_551, %max3A_397 : vector<16xf32>
      %select_n3A_553 = arith.select %eq3A_552, %broadcast_in_dim3A_546, %broadcast_in_dim3A_3 : vector<16xi1>, vector<16xf32>
      %min3A_554 = arith.minimumf %min3A_544, %select_n3A_553 : vector<16xf32>
      %broadcast_in_dim3A_555 = arith.constant 1.600000e+01 : f32
      %broadcast_in_dim3A_556 = vector.broadcast %broadcast_in_dim3A_555 : f32 to vector<16xf32>
      %get3A_557 = arith.constant 16 : i32
      %get3A_558 = arith.index_cast %get3A_557 : i32 to index
      %get3A_559 = arith.index_cast %mul3A_16 : i32 to index
      %get3A_560 = tpu.vector_load %arg5[%get3A_558, %get3A_559] {strides = array<i32>} : memref<64x1024xf32, #tpu.memory_space<vmem>>, vector<1x16xf32>,
      %get3A_561 = vector.shape_cast %get3A_560 : vector<1x16xf32> to vector<16xf32>
      %eq3A_562 = arith.cmpf oeq, %get3A_561, %max3A_397 : vector<16xf32>
      %select_n3A_563 = arith.select %eq3A_562, %broadcast_in_dim3A_556, %broadcast_in_dim3A_3 : vector<16xi1>, vector<16xf32>
      %min3A_564 = arith.minimumf %min3A_554, %select_n3A_563 : vector<16xf32>
      %broadcast_in_dim3A_565 = arith.constant 1.700000e+01 : f32
      %broadcast_in_dim3A_566 = vector.broadcast %broadcast_in_dim3A_565 : f32 to vector<16xf32>
      %get3A_567 = arith.constant 17 : i32
      %get3A_568 = arith.index_cast %get3A_567 : i32 to index
      %get3A_569 = arith.index_cast %mul3A_16 : i32 to index
      %get3A_570 = tpu.vector_load %arg5[%get3A_568, %get3A_569] {strides = array<i32>} : memref<64x1024xf32, #tpu.memory_space<vmem>>, vector<1x16xf32>,
      %get3A_571 = vector.shape_cast %get3A_570 : vector<1x16xf32> to vector<16xf32>
      %eq3A_572 = arith.cmpf oeq, %get3A_571, %max3A_397 : vector<16xf32>
      %select_n3A_573 = arith.select %eq3A_572, %broadcast_in_dim3A_566, %broadcast_in_dim3A_3 : vector<16xi1>, vector<16xf32>
      %min3A_574 = arith.minimumf %min3A_564, %select_n3A_573 : vector<16xf32>
      %broadcast_in_dim3A_575 = arith.constant 1.800000e+01 : f32
      %broadcast_in_dim3A_576 = vector.broadcast %broadcast_in_dim3A_575 : f32 to vector<16xf32>
      %get3A_577 = arith.constant 18 : i32
      %get3A_578 = arith.index_cast %get3A_577 : i32 to index
      %get3A_579 = arith.index_cast %mul3A_16 : i32 to index
      %get3A_580 = tpu.vector_load %arg5[%get3A_578, %get3A_579] {strides = array<i32>} : memref<64x1024xf32, #tpu.memory_space<vmem>>, vector<1x16xf32>,
      %get3A_581 = vector.shape_cast %get3A_580 : vector<1x16xf32> to vector<16xf32>
      %eq3A_582 = arith.cmpf oeq, %get3A_581, %max3A_397 : vector<16xf32>
      %select_n3A_583 = arith.select %eq3A_582, %broadcast_in_dim3A_576, %broadcast_in_dim3A_3 : vector<16xi1>, vector<16xf32>
      %min3A_584 = arith.minimumf %min3A_574, %select_n3A_583 : vector<16xf32>
      %broadcast_in_dim3A_585 = arith.constant 1.900000e+01 : f32
      %broadcast_in_dim3A_586 = vector.broadcast %broadcast_in_dim3A_585 : f32 to vector<16xf32>
      %get3A_587 = arith.constant 19 : i32
      %get3A_588 = arith.index_cast %get3A_587 : i32 to index
      %get3A_589 = arith.index_cast %mul3A_16 : i32 to index
      %get3A_590 = tpu.vector_load %arg5[%get3A_588, %get3A_589] {strides = array<i32>} : memref<64x1024xf32, #tpu.memory_space<vmem>>, vector<1x16xf32>,
      %get3A_591 = vector.shape_cast %get3A_590 : vector<1x16xf32> to vector<16xf32>
      %eq3A_592 = arith.cmpf oeq, %get3A_591, %max3A_397 : vector<16xf32>
      %select_n3A_593 = arith.select %eq3A_592, %broadcast_in_dim3A_586, %broadcast_in_dim3A_3 : vector<16xi1>, vector<16xf32>
      %min3A_594 = arith.minimumf %min3A_584, %select_n3A_593 : vector<16xf32>
      %broadcast_in_dim3A_595 = arith.constant 2.000000e+01 : f32
      %broadcast_in_dim3A_596 = vector.broadcast %broadcast_in_dim3A_595 : f32 to vector<16xf32>
      %get3A_597 = arith.constant 20 : i32
      %get3A_598 = arith.index_cast %get3A_597 : i32 to index
      %get3A_599 = arith.index_cast %mul3A_16 : i32 to index
      %get3A_600 = tpu.vector_load %arg5[%get3A_598, %get3A_599] {strides = array<i32>} : memref<64x1024xf32, #tpu.memory_space<vmem>>, vector<1x16xf32>,
      %get3A_601 = vector.shape_cast %get3A_600 : vector<1x16xf32> to vector<16xf32>
      %eq3A_602 = arith.cmpf oeq, %get3A_601, %max3A_397 : vector<16xf32>
      %select_n3A_603 = arith.select %eq3A_602, %broadcast_in_dim3A_596, %broadcast_in_dim3A_3 : vector<16xi1>, vector<16xf32>
      %min3A_604 = arith.minimumf %min3A_594, %select_n3A_603 : vector<16xf32>
      %broadcast_in_dim3A_605 = arith.constant 2.100000e+01 : f32
      %broadcast_in_dim3A_606 = vector.broadcast %broadcast_in_dim3A_605 : f32 to vector<16xf32>
      %get3A_607 = arith.constant 21 : i32
      %get3A_608 = arith.index_cast %get3A_607 : i32 to index
      %get3A_609 = arith.index_cast %mul3A_16 : i32 to index
      %get3A_610 = tpu.vector_load %arg5[%get3A_608, %get3A_609] {strides = array<i32>} : memref<64x1024xf32, #tpu.memory_space<vmem>>, vector<1x16xf32>,
      %get3A_611 = vector.shape_cast %get3A_610 : vector<1x16xf32> to vector<16xf32>
      %eq3A_612 = arith.cmpf oeq, %get3A_611, %max3A_397 : vector<16xf32>
      %select_n3A_613 = arith.select %eq3A_612, %broadcast_in_dim3A_606, %broadcast_in_dim3A_3 : vector<16xi1>, vector<16xf32>
      %min3A_614 = arith.minimumf %min3A_604, %select_n3A_613 : vector<16xf32>
      %broadcast_in_dim3A_615 = arith.constant 2.200000e+01 : f32
      %broadcast_in_dim3A_616 = vector.broadcast %broadcast_in_dim3A_615 : f32 to vector<16xf32>
      %get3A_617 = arith.constant 22 : i32
      %get3A_618 = arith.index_cast %get3A_617 : i32 to index
      %get3A_619 = arith.index_cast %mul3A_16 : i32 to index
      %get3A_620 = tpu.vector_load %arg5[%get3A_618, %get3A_619] {strides = array<i32>} : memref<64x1024xf32, #tpu.memory_space<vmem>>, vector<1x16xf32>,
      %get3A_621 = vector.shape_cast %get3A_620 : vector<1x16xf32> to vector<16xf32>
      %eq3A_622 = arith.cmpf oeq, %get3A_621, %max3A_397 : vector<16xf32>
      %select_n3A_623 = arith.select %eq3A_622, %broadcast_in_dim3A_616, %broadcast_in_dim3A_3 : vector<16xi1>, vector<16xf32>
      %min3A_624 = arith.minimumf %min3A_614, %select_n3A_623 : vector<16xf32>
      %broadcast_in_dim3A_625 = arith.constant 2.300000e+01 : f32
      %broadcast_in_dim3A_626 = vector.broadcast %broadcast_in_dim3A_625 : f32 to vector<16xf32>
      %get3A_627 = arith.constant 23 : i32
      %get3A_628 = arith.index_cast %get3A_627 : i32 to index
      %get3A_629 = arith.index_cast %mul3A_16 : i32 to index
      %get3A_630 = tpu.vector_load %arg5[%get3A_628, %get3A_629] {strides = array<i32>} : memref<64x1024xf32, #tpu.memory_space<vmem>>, vector<1x16xf32>,
      %get3A_631 = vector.shape_cast %get3A_630 : vector<1x16xf32> to vector<16xf32>
      %eq3A_632 = arith.cmpf oeq, %get3A_631, %max3A_397 : vector<16xf32>
      %select_n3A_633 = arith.select %eq3A_632, %broadcast_in_dim3A_626, %broadcast_in_dim3A_3 : vector<16xi1>, vector<16xf32>
      %min3A_634 = arith.minimumf %min3A_624, %select_n3A_633 : vector<16xf32>
      %broadcast_in_dim3A_635 = arith.constant 2.400000e+01 : f32
      %broadcast_in_dim3A_636 = vector.broadcast %broadcast_in_dim3A_635 : f32 to vector<16xf32>
      %get3A_637 = arith.constant 24 : i32
      %get3A_638 = arith.index_cast %get3A_637 : i32 to index
      %get3A_639 = arith.index_cast %mul3A_16 : i32 to index
      %get3A_640 = tpu.vector_load %arg5[%get3A_638, %get3A_639] {strides = array<i32>} : memref<64x1024xf32, #tpu.memory_space<vmem>>, vector<1x16xf32>,
      %get3A_641 = vector.shape_cast %get3A_640 : vector<1x16xf32> to vector<16xf32>
      %eq3A_642 = arith.cmpf oeq, %get3A_641, %max3A_397 : vector<16xf32>
      %select_n3A_643 = arith.select %eq3A_642, %broadcast_in_dim3A_636, %broadcast_in_dim3A_3 : vector<16xi1>, vector<16xf32>
      %min3A_644 = arith.minimumf %min3A_634, %select_n3A_643 : vector<16xf32>
      %broadcast_in_dim3A_645 = arith.constant 2.500000e+01 : f32
      %broadcast_in_dim3A_646 = vector.broadcast %broadcast_in_dim3A_645 : f32 to vector<16xf32>
      %get3A_647 = arith.constant 25 : i32
      %get3A_648 = arith.index_cast %get3A_647 : i32 to index
      %get3A_649 = arith.index_cast %mul3A_16 : i32 to index
      %get3A_650 = tpu.vector_load %arg5[%get3A_648, %get3A_649] {strides = array<i32>} : memref<64x1024xf32, #tpu.memory_space<vmem>>, vector<1x16xf32>,
      %get3A_651 = vector.shape_cast %get3A_650 : vector<1x16xf32> to vector<16xf32>
      %eq3A_652 = arith.cmpf oeq, %get3A_651, %max3A_397 : vector<16xf32>
      %select_n3A_653 = arith.select %eq3A_652, %broadcast_in_dim3A_646, %broadcast_in_dim3A_3 : vector<16xi1>, vector<16xf32>
      %min3A_654 = arith.minimumf %min3A_644, %select_n3A_653 : vector<16xf32>
      %broadcast_in_dim3A_655 = arith.constant 2.600000e+01 : f32
      %broadcast_in_dim3A_656 = vector.broadcast %broadcast_in_dim3A_655 : f32 to vector<16xf32>
      %get3A_657 = arith.constant 26 : i32
      %get3A_658 = arith.index_cast %get3A_657 : i32 to index
      %get3A_659 = arith.index_cast %mul3A_16 : i32 to index
      %get3A_660 = tpu.vector_load %arg5[%get3A_658, %get3A_659] {strides = array<i32>} : memref<64x1024xf32, #tpu.memory_space<vmem>>, vector<1x16xf32>,
      %get3A_661 = vector.shape_cast %get3A_660 : vector<1x16xf32> to vector<16xf32>
      %eq3A_662 = arith.cmpf oeq, %get3A_661, %max3A_397 : vector<16xf32>
      %select_n3A_663 = arith.select %eq3A_662, %broadcast_in_dim3A_656, %broadcast_in_dim3A_3 : vector<16xi1>, vector<16xf32>
      %min3A_664 = arith.minimumf %min3A_654, %select_n3A_663 : vector<16xf32>
      %broadcast_in_dim3A_665 = arith.constant 2.700000e+01 : f32
      %broadcast_in_dim3A_666 = vector.broadcast %broadcast_in_dim3A_665 : f32 to vector<16xf32>
      %get3A_667 = arith.constant 27 : i32
      %get3A_668 = arith.index_cast %get3A_667 : i32 to index
      %get3A_669 = arith.index_cast %mul3A_16 : i32 to index
      %get3A_670 = tpu.vector_load %arg5[%get3A_668, %get3A_669] {strides = array<i32>} : memref<64x1024xf32, #tpu.memory_space<vmem>>, vector<1x16xf32>,
      %get3A_671 = vector.shape_cast %get3A_670 : vector<1x16xf32> to vector<16xf32>
      %eq3A_672 = arith.cmpf oeq, %get3A_671, %max3A_397 : vector<16xf32>
      %select_n3A_673 = arith.select %eq3A_672, %broadcast_in_dim3A_666, %broadcast_in_dim3A_3 : vector<16xi1>, vector<16xf32>
      %min3A_674 = arith.minimumf %min3A_664, %select_n3A_673 : vector<16xf32>
      %broadcast_in_dim3A_675 = arith.constant 2.800000e+01 : f32
      %broadcast_in_dim3A_676 = vector.broadcast %broadcast_in_dim3A_675 : f32 to vector<16xf32>
      %get3A_677 = arith.constant 28 : i32
      %get3A_678 = arith.index_cast %get3A_677 : i32 to index
      %get3A_679 = arith.index_cast %mul3A_16 : i32 to index
      %get3A_680 = tpu.vector_load %arg5[%get3A_678, %get3A_679] {strides = array<i32>} : memref<64x1024xf32, #tpu.memory_space<vmem>>, vector<1x16xf32>,
      %get3A_681 = vector.shape_cast %get3A_680 : vector<1x16xf32> to vector<16xf32>
      %eq3A_682 = arith.cmpf oeq, %get3A_681, %max3A_397 : vector<16xf32>
      %select_n3A_683 = arith.select %eq3A_682, %broadcast_in_dim3A_676, %broadcast_in_dim3A_3 : vector<16xi1>, vector<16xf32>
      %min3A_684 = arith.minimumf %min3A_674, %select_n3A_683 : vector<16xf32>
      %broadcast_in_dim3A_685 = arith.constant 2.900000e+01 : f32
      %broadcast_in_dim3A_686 = vector.broadcast %broadcast_in_dim3A_685 : f32 to vector<16xf32>
      %get3A_687 = arith.constant 29 : i32
      %get3A_688 = arith.index_cast %get3A_687 : i32 to index
      %get3A_689 = arith.index_cast %mul3A_16 : i32 to index
      %get3A_690 = tpu.vector_load %arg5[%get3A_688, %get3A_689] {strides = array<i32>} : memref<64x1024xf32, #tpu.memory_space<vmem>>, vector<1x16xf32>,
      %get3A_691 = vector.shape_cast %get3A_690 : vector<1x16xf32> to vector<16xf32>
      %eq3A_692 = arith.cmpf oeq, %get3A_691, %max3A_397 : vector<16xf32>
      %select_n3A_693 = arith.select %eq3A_692, %broadcast_in_dim3A_686, %broadcast_in_dim3A_3 : vector<16xi1>, vector<16xf32>
      %min3A_694 = arith.minimumf %min3A_684, %select_n3A_693 : vector<16xf32>
      %broadcast_in_dim3A_695 = arith.constant 3.000000e+01 : f32
      %broadcast_in_dim3A_696 = vector.broadcast %broadcast_in_dim3A_695 : f32 to vector<16xf32>
      %get3A_697 = arith.constant 30 : i32
      %get3A_698 = arith.index_cast %get3A_697 : i32 to index
      %get3A_699 = arith.index_cast %mul3A_16 : i32 to index
      %get3A_700 = tpu.vector_load %arg5[%get3A_698, %get3A_699] {strides = array<i32>} : memref<64x1024xf32, #tpu.memory_space<vmem>>, vector<1x16xf32>,
      %get3A_701 = vector.shape_cast %get3A_700 : vector<1x16xf32> to vector<16xf32>
      %eq3A_702 = arith.cmpf oeq, %get3A_701, %max3A_397 : vector<16xf32>
      %select_n3A_703 = arith.select %eq3A_702, %broadcast_in_dim3A_696, %broadcast_in_dim3A_3 : vector<16xi1>, vector<16xf32>
      %min3A_704 = arith.minimumf %min3A_694, %select_n3A_703 : vector<16xf32>
      %broadcast_in_dim3A_705 = arith.constant 3.100000e+01 : f32
      %broadcast_in_dim3A_706 = vector.broadcast %broadcast_in_dim3A_705 : f32 to vector<16xf32>
      %get3A_707 = arith.constant 31 : i32
      %get3A_708 = arith.index_cast %get3A_707 : i32 to index
      %get3A_709 = arith.index_cast %mul3A_16 : i32 to index
      %get3A_710 = tpu.vector_load %arg5[%get3A_708, %get3A_709] {strides = array<i32>} : memref<64x1024xf32, #tpu.memory_space<vmem>>, vector<1x16xf32>,
      %get3A_711 = vector.shape_cast %get3A_710 : vector<1x16xf32> to vector<16xf32>
      %eq3A_712 = arith.cmpf oeq, %get3A_711, %max3A_397 : vector<16xf32>
      %select_n3A_713 = arith.select %eq3A_712, %broadcast_in_dim3A_706, %broadcast_in_dim3A_3 : vector<16xi1>, vector<16xf32>
      %min3A_714 = arith.minimumf %min3A_704, %select_n3A_713 : vector<16xf32>
      %broadcast_in_dim3A_715 = arith.constant 3.200000e+01 : f32
      %broadcast_in_dim3A_716 = vector.broadcast %broadcast_in_dim3A_715 : f32 to vector<16xf32>
      %get3A_717 = arith.constant 32 : i32
      %get3A_718 = arith.index_cast %get3A_717 : i32 to index
      %get3A_719 = arith.index_cast %mul3A_16 : i32 to index
      %get3A_720 = tpu.vector_load %arg5[%get3A_718, %get3A_719] {strides = array<i32>} : memref<64x1024xf32, #tpu.memory_space<vmem>>, vector<1x16xf32>,
      %get3A_721 = vector.shape_cast %get3A_720 : vector<1x16xf32> to vector<16xf32>
      %eq3A_722 = arith.cmpf oeq, %get3A_721, %max3A_397 : vector<16xf32>
      %select_n3A_723 = arith.select %eq3A_722, %broadcast_in_dim3A_716, %broadcast_in_dim3A_3 : vector<16xi1>, vector<16xf32>
      %min3A_724 = arith.minimumf %min3A_714, %select_n3A_723 : vector<16xf32>
      %broadcast_in_dim3A_725 = arith.constant 3.300000e+01 : f32
      %broadcast_in_dim3A_726 = vector.broadcast %broadcast_in_dim3A_725 : f32 to vector<16xf32>
      %get3A_727 = arith.constant 33 : i32
      %get3A_728 = arith.index_cast %get3A_727 : i32 to index
      %get3A_729 = arith.index_cast %mul3A_16 : i32 to index
      %get3A_730 = tpu.vector_load %arg5[%get3A_728, %get3A_729] {strides = array<i32>} : memref<64x1024xf32, #tpu.memory_space<vmem>>, vector<1x16xf32>,
      %get3A_731 = vector.shape_cast %get3A_730 : vector<1x16xf32> to vector<16xf32>
      %eq3A_732 = arith.cmpf oeq, %get3A_731, %max3A_397 : vector<16xf32>
      %select_n3A_733 = arith.select %eq3A_732, %broadcast_in_dim3A_726, %broadcast_in_dim3A_3 : vector<16xi1>, vector<16xf32>
      %min3A_734 = arith.minimumf %min3A_724, %select_n3A_733 : vector<16xf32>
      %broadcast_in_dim3A_735 = arith.constant 3.400000e+01 : f32
      %broadcast_in_dim3A_736 = vector.broadcast %broadcast_in_dim3A_735 : f32 to vector<16xf32>
      %get3A_737 = arith.constant 34 : i32
      %get3A_738 = arith.index_cast %get3A_737 : i32 to index
      %get3A_739 = arith.index_cast %mul3A_16 : i32 to index
      %get3A_740 = tpu.vector_load %arg5[%get3A_738, %get3A_739] {strides = array<i32>} : memref<64x1024xf32, #tpu.memory_space<vmem>>, vector<1x16xf32>,
      %get3A_741 = vector.shape_cast %get3A_740 : vector<1x16xf32> to vector<16xf32>
      %eq3A_742 = arith.cmpf oeq, %get3A_741, %max3A_397 : vector<16xf32>
      %select_n3A_743 = arith.select %eq3A_742, %broadcast_in_dim3A_736, %broadcast_in_dim3A_3 : vector<16xi1>, vector<16xf32>
      %min3A_744 = arith.minimumf %min3A_734, %select_n3A_743 : vector<16xf32>
      %broadcast_in_dim3A_745 = arith.constant 3.500000e+01 : f32
      %broadcast_in_dim3A_746 = vector.broadcast %broadcast_in_dim3A_745 : f32 to vector<16xf32>
      %get3A_747 = arith.constant 35 : i32
      %get3A_748 = arith.index_cast %get3A_747 : i32 to index
      %get3A_749 = arith.index_cast %mul3A_16 : i32 to index
      %get3A_750 = tpu.vector_load %arg5[%get3A_748, %get3A_749] {strides = array<i32>} : memref<64x1024xf32, #tpu.memory_space<vmem>>, vector<1x16xf32>,
      %get3A_751 = vector.shape_cast %get3A_750 : vector<1x16xf32> to vector<16xf32>
      %eq3A_752 = arith.cmpf oeq, %get3A_751, %max3A_397 : vector<16xf32>
      %select_n3A_753 = arith.select %eq3A_752, %broadcast_in_dim3A_746, %broadcast_in_dim3A_3 : vector<16xi1>, vector<16xf32>
      %min3A_754 = arith.minimumf %min3A_744, %select_n3A_753 : vector<16xf32>
      %broadcast_in_dim3A_755 = arith.constant 3.600000e+01 : f32
      %broadcast_in_dim3A_756 = vector.broadcast %broadcast_in_dim3A_755 : f32 to vector<16xf32>
      %get3A_757 = arith.constant 36 : i32
      %get3A_758 = arith.index_cast %get3A_757 : i32 to index
      %get3A_759 = arith.index_cast %mul3A_16 : i32 to index
      %get3A_760 = tpu.vector_load %arg5[%get3A_758, %get3A_759] {strides = array<i32>} : memref<64x1024xf32, #tpu.memory_space<vmem>>, vector<1x16xf32>,
      %get3A_761 = vector.shape_cast %get3A_760 : vector<1x16xf32> to vector<16xf32>
      %eq3A_762 = arith.cmpf oeq, %get3A_761, %max3A_397 : vector<16xf32>
      %select_n3A_763 = arith.select %eq3A_762, %broadcast_in_dim3A_756, %broadcast_in_dim3A_3 : vector<16xi1>, vector<16xf32>
      %min3A_764 = arith.minimumf %min3A_754, %select_n3A_763 : vector<16xf32>
      %broadcast_in_dim3A_765 = arith.constant 3.700000e+01 : f32
      %broadcast_in_dim3A_766 = vector.broadcast %broadcast_in_dim3A_765 : f32 to vector<16xf32>
      %get3A_767 = arith.constant 37 : i32
      %get3A_768 = arith.index_cast %get3A_767 : i32 to index
      %get3A_769 = arith.index_cast %mul3A_16 : i32 to index
      %get3A_770 = tpu.vector_load %arg5[%get3A_768, %get3A_769] {strides = array<i32>} : memref<64x1024xf32, #tpu.memory_space<vmem>>, vector<1x16xf32>,
      %get3A_771 = vector.shape_cast %get3A_770 : vector<1x16xf32> to vector<16xf32>
      %eq3A_772 = arith.cmpf oeq, %get3A_771, %max3A_397 : vector<16xf32>
      %select_n3A_773 = arith.select %eq3A_772, %broadcast_in_dim3A_766, %broadcast_in_dim3A_3 : vector<16xi1>, vector<16xf32>
      %min3A_774 = arith.minimumf %min3A_764, %select_n3A_773 : vector<16xf32>
      %broadcast_in_dim3A_775 = arith.constant 3.800000e+01 : f32
      %broadcast_in_dim3A_776 = vector.broadcast %broadcast_in_dim3A_775 : f32 to vector<16xf32>
      %get3A_777 = arith.constant 38 : i32
      %get3A_778 = arith.index_cast %get3A_777 : i32 to index
      %get3A_779 = arith.index_cast %mul3A_16 : i32 to index
      %get3A_780 = tpu.vector_load %arg5[%get3A_778, %get3A_779] {strides = array<i32>} : memref<64x1024xf32, #tpu.memory_space<vmem>>, vector<1x16xf32>,
      %get3A_781 = vector.shape_cast %get3A_780 : vector<1x16xf32> to vector<16xf32>
      %eq3A_782 = arith.cmpf oeq, %get3A_781, %max3A_397 : vector<16xf32>
      %select_n3A_783 = arith.select %eq3A_782, %broadcast_in_dim3A_776, %broadcast_in_dim3A_3 : vector<16xi1>, vector<16xf32>
      %min3A_784 = arith.minimumf %min3A_774, %select_n3A_783 : vector<16xf32>
      %broadcast_in_dim3A_785 = arith.constant 3.900000e+01 : f32
      %broadcast_in_dim3A_786 = vector.broadcast %broadcast_in_dim3A_785 : f32 to vector<16xf32>
      %get3A_787 = arith.constant 39 : i32
      %get3A_788 = arith.index_cast %get3A_787 : i32 to index
      %get3A_789 = arith.index_cast %mul3A_16 : i32 to index
      %get3A_790 = tpu.vector_load %arg5[%get3A_788, %get3A_789] {strides = array<i32>} : memref<64x1024xf32, #tpu.memory_space<vmem>>, vector<1x16xf32>,
      %get3A_791 = vector.shape_cast %get3A_790 : vector<1x16xf32> to vector<16xf32>
      %eq3A_792 = arith.cmpf oeq, %get3A_791, %max3A_397 : vector<16xf32>
      %select_n3A_793 = arith.select %eq3A_792, %broadcast_in_dim3A_786, %broadcast_in_dim3A_3 : vector<16xi1>, vector<16xf32>
      %min3A_794 = arith.minimumf %min3A_784, %select_n3A_793 : vector<16xf32>
      %broadcast_in_dim3A_795 = arith.constant 4.000000e+01 : f32
      %broadcast_in_dim3A_796 = vector.broadcast %broadcast_in_dim3A_795 : f32 to vector<16xf32>
      %get3A_797 = arith.constant 40 : i32
      %get3A_798 = arith.index_cast %get3A_797 : i32 to index
      %get3A_799 = arith.index_cast %mul3A_16 : i32 to index
      %get3A_800 = tpu.vector_load %arg5[%get3A_798, %get3A_799] {strides = array<i32>} : memref<64x1024xf32, #tpu.memory_space<vmem>>, vector<1x16xf32>,
      %get3A_801 = vector.shape_cast %get3A_800 : vector<1x16xf32> to vector<16xf32>
      %eq3A_802 = arith.cmpf oeq, %get3A_801, %max3A_397 : vector<16xf32>
      %select_n3A_803 = arith.select %eq3A_802, %broadcast_in_dim3A_796, %broadcast_in_dim3A_3 : vector<16xi1>, vector<16xf32>
      %min3A_804 = arith.minimumf %min3A_794, %select_n3A_803 : vector<16xf32>
      %broadcast_in_dim3A_805 = arith.constant 4.100000e+01 : f32
      %broadcast_in_dim3A_806 = vector.broadcast %broadcast_in_dim3A_805 : f32 to vector<16xf32>
      %get3A_807 = arith.constant 41 : i32
      %get3A_808 = arith.index_cast %get3A_807 : i32 to index
      %get3A_809 = arith.index_cast %mul3A_16 : i32 to index
      %get3A_810 = tpu.vector_load %arg5[%get3A_808, %get3A_809] {strides = array<i32>} : memref<64x1024xf32, #tpu.memory_space<vmem>>, vector<1x16xf32>,
      %get3A_811 = vector.shape_cast %get3A_810 : vector<1x16xf32> to vector<16xf32>
      %eq3A_812 = arith.cmpf oeq, %get3A_811, %max3A_397 : vector<16xf32>
      %select_n3A_813 = arith.select %eq3A_812, %broadcast_in_dim3A_806, %broadcast_in_dim3A_3 : vector<16xi1>, vector<16xf32>
      %min3A_814 = arith.minimumf %min3A_804, %select_n3A_813 : vector<16xf32>
      %broadcast_in_dim3A_815 = arith.constant 4.200000e+01 : f32
      %broadcast_in_dim3A_816 = vector.broadcast %broadcast_in_dim3A_815 : f32 to vector<16xf32>
      %get3A_817 = arith.constant 42 : i32
      %get3A_818 = arith.index_cast %get3A_817 : i32 to index
      %get3A_819 = arith.index_cast %mul3A_16 : i32 to index
      %get3A_820 = tpu.vector_load %arg5[%get3A_818, %get3A_819] {strides = array<i32>} : memref<64x1024xf32, #tpu.memory_space<vmem>>, vector<1x16xf32>,
      %get3A_821 = vector.shape_cast %get3A_820 : vector<1x16xf32> to vector<16xf32>
      %eq3A_822 = arith.cmpf oeq, %get3A_821, %max3A_397 : vector<16xf32>
      %select_n3A_823 = arith.select %eq3A_822, %broadcast_in_dim3A_816, %broadcast_in_dim3A_3 : vector<16xi1>, vector<16xf32>
      %min3A_824 = arith.minimumf %min3A_814, %select_n3A_823 : vector<16xf32>
      %broadcast_in_dim3A_825 = arith.constant 4.300000e+01 : f32
      %broadcast_in_dim3A_826 = vector.broadcast %broadcast_in_dim3A_825 : f32 to vector<16xf32>
      %get3A_827 = arith.constant 43 : i32
      %get3A_828 = arith.index_cast %get3A_827 : i32 to index
      %get3A_829 = arith.index_cast %mul3A_16 : i32 to index
      %get3A_830 = tpu.vector_load %arg5[%get3A_828, %get3A_829] {strides = array<i32>} : memref<64x1024xf32, #tpu.memory_space<vmem>>, vector<1x16xf32>,
      %get3A_831 = vector.shape_cast %get3A_830 : vector<1x16xf32> to vector<16xf32>
      %eq3A_832 = arith.cmpf oeq, %get3A_831, %max3A_397 : vector<16xf32>
      %select_n3A_833 = arith.select %eq3A_832, %broadcast_in_dim3A_826, %broadcast_in_dim3A_3 : vector<16xi1>, vector<16xf32>
      %min3A_834 = arith.minimumf %min3A_824, %select_n3A_833 : vector<16xf32>
      %broadcast_in_dim3A_835 = arith.constant 4.400000e+01 : f32
      %broadcast_in_dim3A_836 = vector.broadcast %broadcast_in_dim3A_835 : f32 to vector<16xf32>
      %get3A_837 = arith.constant 44 : i32
      %get3A_838 = arith.index_cast %get3A_837 : i32 to index
      %get3A_839 = arith.index_cast %mul3A_16 : i32 to index
      %get3A_840 = tpu.vector_load %arg5[%get3A_838, %get3A_839] {strides = array<i32>} : memref<64x1024xf32, #tpu.memory_space<vmem>>, vector<1x16xf32>,
      %get3A_841 = vector.shape_cast %get3A_840 : vector<1x16xf32> to vector<16xf32>
      %eq3A_842 = arith.cmpf oeq, %get3A_841, %max3A_397 : vector<16xf32>
      %select_n3A_843 = arith.select %eq3A_842, %broadcast_in_dim3A_836, %broadcast_in_dim3A_3 : vector<16xi1>, vector<16xf32>
      %min3A_844 = arith.minimumf %min3A_834, %select_n3A_843 : vector<16xf32>
      %broadcast_in_dim3A_845 = arith.constant 4.500000e+01 : f32
      %broadcast_in_dim3A_846 = vector.broadcast %broadcast_in_dim3A_845 : f32 to vector<16xf32>
      %get3A_847 = arith.constant 45 : i32
      %get3A_848 = arith.index_cast %get3A_847 : i32 to index
      %get3A_849 = arith.index_cast %mul3A_16 : i32 to index
      %get3A_850 = tpu.vector_load %arg5[%get3A_848, %get3A_849] {strides = array<i32>} : memref<64x1024xf32, #tpu.memory_space<vmem>>, vector<1x16xf32>,
      %get3A_851 = vector.shape_cast %get3A_850 : vector<1x16xf32> to vector<16xf32>
      %eq3A_852 = arith.cmpf oeq, %get3A_851, %max3A_397 : vector<16xf32>
      %select_n3A_853 = arith.select %eq3A_852, %broadcast_in_dim3A_846, %broadcast_in_dim3A_3 : vector<16xi1>, vector<16xf32>
      %min3A_854 = arith.minimumf %min3A_844, %select_n3A_853 : vector<16xf32>
      %broadcast_in_dim3A_855 = arith.constant 4.600000e+01 : f32
      %broadcast_in_dim3A_856 = vector.broadcast %broadcast_in_dim3A_855 : f32 to vector<16xf32>
      %get3A_857 = arith.constant 46 : i32
      %get3A_858 = arith.index_cast %get3A_857 : i32 to index
      %get3A_859 = arith.index_cast %mul3A_16 : i32 to index
      %get3A_860 = tpu.vector_load %arg5[%get3A_858, %get3A_859] {strides = array<i32>} : memref<64x1024xf32, #tpu.memory_space<vmem>>, vector<1x16xf32>,
      %get3A_861 = vector.shape_cast %get3A_860 : vector<1x16xf32> to vector<16xf32>
      %eq3A_862 = arith.cmpf oeq, %get3A_861, %max3A_397 : vector<16xf32>
      %select_n3A_863 = arith.select %eq3A_862, %broadcast_in_dim3A_856, %broadcast_in_dim3A_3 : vector<16xi1>, vector<16xf32>
      %min3A_864 = arith.minimumf %min3A_854, %select_n3A_863 : vector<16xf32>
      %broadcast_in_dim3A_865 = arith.constant 4.700000e+01 : f32
      %broadcast_in_dim3A_866 = vector.broadcast %broadcast_in_dim3A_865 : f32 to vector<16xf32>
      %get3A_867 = arith.constant 47 : i32
      %get3A_868 = arith.index_cast %get3A_867 : i32 to index
      %get3A_869 = arith.index_cast %mul3A_16 : i32 to index
      %get3A_870 = tpu.vector_load %arg5[%get3A_868, %get3A_869] {strides = array<i32>} : memref<64x1024xf32, #tpu.memory_space<vmem>>, vector<1x16xf32>,
      %get3A_871 = vector.shape_cast %get3A_870 : vector<1x16xf32> to vector<16xf32>
      %eq3A_872 = arith.cmpf oeq, %get3A_871, %max3A_397 : vector<16xf32>
      %select_n3A_873 = arith.select %eq3A_872, %broadcast_in_dim3A_866, %broadcast_in_dim3A_3 : vector<16xi1>, vector<16xf32>
      %min3A_874 = arith.minimumf %min3A_864, %select_n3A_873 : vector<16xf32>
      %broadcast_in_dim3A_875 = arith.constant 4.800000e+01 : f32
      %broadcast_in_dim3A_876 = vector.broadcast %broadcast_in_dim3A_875 : f32 to vector<16xf32>
      %get3A_877 = arith.constant 48 : i32
      %get3A_878 = arith.index_cast %get3A_877 : i32 to index
      %get3A_879 = arith.index_cast %mul3A_16 : i32 to index
      %get3A_880 = tpu.vector_load %arg5[%get3A_878, %get3A_879] {strides = array<i32>} : memref<64x1024xf32, #tpu.memory_space<vmem>>, vector<1x16xf32>,
      %get3A_881 = vector.shape_cast %get3A_880 : vector<1x16xf32> to vector<16xf32>
      %eq3A_882 = arith.cmpf oeq, %get3A_881, %max3A_397 : vector<16xf32>
      %select_n3A_883 = arith.select %eq3A_882, %broadcast_in_dim3A_876, %broadcast_in_dim3A_3 : vector<16xi1>, vector<16xf32>
      %min3A_884 = arith.minimumf %min3A_874, %select_n3A_883 : vector<16xf32>
      %broadcast_in_dim3A_885 = arith.constant 4.900000e+01 : f32
      %broadcast_in_dim3A_886 = vector.broadcast %broadcast_in_dim3A_885 : f32 to vector<16xf32>
      %get3A_887 = arith.constant 49 : i32
      %get3A_888 = arith.index_cast %get3A_887 : i32 to index
      %get3A_889 = arith.index_cast %mul3A_16 : i32 to index
      %get3A_890 = tpu.vector_load %arg5[%get3A_888, %get3A_889] {strides = array<i32>} : memref<64x1024xf32, #tpu.memory_space<vmem>>, vector<1x16xf32>,
      %get3A_891 = vector.shape_cast %get3A_890 : vector<1x16xf32> to vector<16xf32>
      %eq3A_892 = arith.cmpf oeq, %get3A_891, %max3A_397 : vector<16xf32>
      %select_n3A_893 = arith.select %eq3A_892, %broadcast_in_dim3A_886, %broadcast_in_dim3A_3 : vector<16xi1>, vector<16xf32>
      %min3A_894 = arith.minimumf %min3A_884, %select_n3A_893 : vector<16xf32>
      %broadcast_in_dim3A_895 = arith.constant 5.000000e+01 : f32
      %broadcast_in_dim3A_896 = vector.broadcast %broadcast_in_dim3A_895 : f32 to vector<16xf32>
      %get3A_897 = arith.constant 50 : i32
      %get3A_898 = arith.index_cast %get3A_897 : i32 to index
      %get3A_899 = arith.index_cast %mul3A_16 : i32 to index
      %get3A_900 = tpu.vector_load %arg5[%get3A_898, %get3A_899] {strides = array<i32>} : memref<64x1024xf32, #tpu.memory_space<vmem>>, vector<1x16xf32>,
      %get3A_901 = vector.shape_cast %get3A_900 : vector<1x16xf32> to vector<16xf32>
      %eq3A_902 = arith.cmpf oeq, %get3A_901, %max3A_397 : vector<16xf32>
      %select_n3A_903 = arith.select %eq3A_902, %broadcast_in_dim3A_896, %broadcast_in_dim3A_3 : vector<16xi1>, vector<16xf32>
      %min3A_904 = arith.minimumf %min3A_894, %select_n3A_903 : vector<16xf32>
      %broadcast_in_dim3A_905 = arith.constant 5.100000e+01 : f32
      %broadcast_in_dim3A_906 = vector.broadcast %broadcast_in_dim3A_905 : f32 to vector<16xf32>
      %get3A_907 = arith.constant 51 : i32
      %get3A_908 = arith.index_cast %get3A_907 : i32 to index
      %get3A_909 = arith.index_cast %mul3A_16 : i32 to index
      %get3A_910 = tpu.vector_load %arg5[%get3A_908, %get3A_909] {strides = array<i32>} : memref<64x1024xf32, #tpu.memory_space<vmem>>, vector<1x16xf32>,
      %get3A_911 = vector.shape_cast %get3A_910 : vector<1x16xf32> to vector<16xf32>
      %eq3A_912 = arith.cmpf oeq, %get3A_911, %max3A_397 : vector<16xf32>
      %select_n3A_913 = arith.select %eq3A_912, %broadcast_in_dim3A_906, %broadcast_in_dim3A_3 : vector<16xi1>, vector<16xf32>
      %min3A_914 = arith.minimumf %min3A_904, %select_n3A_913 : vector<16xf32>
      %broadcast_in_dim3A_915 = arith.constant 5.200000e+01 : f32
      %broadcast_in_dim3A_916 = vector.broadcast %broadcast_in_dim3A_915 : f32 to vector<16xf32>
      %get3A_917 = arith.constant 52 : i32
      %get3A_918 = arith.index_cast %get3A_917 : i32 to index
      %get3A_919 = arith.index_cast %mul3A_16 : i32 to index
      %get3A_920 = tpu.vector_load %arg5[%get3A_918, %get3A_919] {strides = array<i32>} : memref<64x1024xf32, #tpu.memory_space<vmem>>, vector<1x16xf32>,
      %get3A_921 = vector.shape_cast %get3A_920 : vector<1x16xf32> to vector<16xf32>
      %eq3A_922 = arith.cmpf oeq, %get3A_921, %max3A_397 : vector<16xf32>
      %select_n3A_923 = arith.select %eq3A_922, %broadcast_in_dim3A_916, %broadcast_in_dim3A_3 : vector<16xi1>, vector<16xf32>
      %min3A_924 = arith.minimumf %min3A_914, %select_n3A_923 : vector<16xf32>
      %broadcast_in_dim3A_925 = arith.constant 5.300000e+01 : f32
      %broadcast_in_dim3A_926 = vector.broadcast %broadcast_in_dim3A_925 : f32 to vector<16xf32>
      %get3A_927 = arith.constant 53 : i32
      %get3A_928 = arith.index_cast %get3A_927 : i32 to index
      %get3A_929 = arith.index_cast %mul3A_16 : i32 to index
      %get3A_930 = tpu.vector_load %arg5[%get3A_928, %get3A_929] {strides = array<i32>} : memref<64x1024xf32, #tpu.memory_space<vmem>>, vector<1x16xf32>,
      %get3A_931 = vector.shape_cast %get3A_930 : vector<1x16xf32> to vector<16xf32>
      %eq3A_932 = arith.cmpf oeq, %get3A_931, %max3A_397 : vector<16xf32>
      %select_n3A_933 = arith.select %eq3A_932, %broadcast_in_dim3A_926, %broadcast_in_dim3A_3 : vector<16xi1>, vector<16xf32>
      %min3A_934 = arith.minimumf %min3A_924, %select_n3A_933 : vector<16xf32>
      %broadcast_in_dim3A_935 = arith.constant 5.400000e+01 : f32
      %broadcast_in_dim3A_936 = vector.broadcast %broadcast_in_dim3A_935 : f32 to vector<16xf32>
      %get3A_937 = arith.constant 54 : i32
      %get3A_938 = arith.index_cast %get3A_937 : i32 to index
      %get3A_939 = arith.index_cast %mul3A_16 : i32 to index
      %get3A_940 = tpu.vector_load %arg5[%get3A_938, %get3A_939] {strides = array<i32>} : memref<64x1024xf32, #tpu.memory_space<vmem>>, vector<1x16xf32>,
      %get3A_941 = vector.shape_cast %get3A_940 : vector<1x16xf32> to vector<16xf32>
      %eq3A_942 = arith.cmpf oeq, %get3A_941, %max3A_397 : vector<16xf32>
      %select_n3A_943 = arith.select %eq3A_942, %broadcast_in_dim3A_936, %broadcast_in_dim3A_3 : vector<16xi1>, vector<16xf32>
      %min3A_944 = arith.minimumf %min3A_934, %select_n3A_943 : vector<16xf32>
      %broadcast_in_dim3A_945 = arith.constant 5.500000e+01 : f32
      %broadcast_in_dim3A_946 = vector.broadcast %broadcast_in_dim3A_945 : f32 to vector<16xf32>
      %get3A_947 = arith.constant 55 : i32
      %get3A_948 = arith.index_cast %get3A_947 : i32 to index
      %get3A_949 = arith.index_cast %mul3A_16 : i32 to index
      %get3A_950 = tpu.vector_load %arg5[%get3A_948, %get3A_949] {strides = array<i32>} : memref<64x1024xf32, #tpu.memory_space<vmem>>, vector<1x16xf32>,
      %get3A_951 = vector.shape_cast %get3A_950 : vector<1x16xf32> to vector<16xf32>
      %eq3A_952 = arith.cmpf oeq, %get3A_951, %max3A_397 : vector<16xf32>
      %select_n3A_953 = arith.select %eq3A_952, %broadcast_in_dim3A_946, %broadcast_in_dim3A_3 : vector<16xi1>, vector<16xf32>
      %min3A_954 = arith.minimumf %min3A_944, %select_n3A_953 : vector<16xf32>
      %broadcast_in_dim3A_955 = arith.constant 5.600000e+01 : f32
      %broadcast_in_dim3A_956 = vector.broadcast %broadcast_in_dim3A_955 : f32 to vector<16xf32>
      %get3A_957 = arith.constant 56 : i32
      %get3A_958 = arith.index_cast %get3A_957 : i32 to index
      %get3A_959 = arith.index_cast %mul3A_16 : i32 to index
      %get3A_960 = tpu.vector_load %arg5[%get3A_958, %get3A_959] {strides = array<i32>} : memref<64x1024xf32, #tpu.memory_space<vmem>>, vector<1x16xf32>,
      %get3A_961 = vector.shape_cast %get3A_960 : vector<1x16xf32> to vector<16xf32>
      %eq3A_962 = arith.cmpf oeq, %get3A_961, %max3A_397 : vector<16xf32>
      %select_n3A_963 = arith.select %eq3A_962, %broadcast_in_dim3A_956, %broadcast_in_dim3A_3 : vector<16xi1>, vector<16xf32>
      %min3A_964 = arith.minimumf %min3A_954, %select_n3A_963 : vector<16xf32>
      %broadcast_in_dim3A_965 = arith.constant 5.700000e+01 : f32
      %broadcast_in_dim3A_966 = vector.broadcast %broadcast_in_dim3A_965 : f32 to vector<16xf32>
      %get3A_967 = arith.constant 57 : i32
      %get3A_968 = arith.index_cast %get3A_967 : i32 to index
      %get3A_969 = arith.index_cast %mul3A_16 : i32 to index
      %get3A_970 = tpu.vector_load %arg5[%get3A_968, %get3A_969] {strides = array<i32>} : memref<64x1024xf32, #tpu.memory_space<vmem>>, vector<1x16xf32>,
      %get3A_971 = vector.shape_cast %get3A_970 : vector<1x16xf32> to vector<16xf32>
      %eq3A_972 = arith.cmpf oeq, %get3A_971, %max3A_397 : vector<16xf32>
      %select_n3A_973 = arith.select %eq3A_972, %broadcast_in_dim3A_966, %broadcast_in_dim3A_3 : vector<16xi1>, vector<16xf32>
      %min3A_974 = arith.minimumf %min3A_964, %select_n3A_973 : vector<16xf32>
      %broadcast_in_dim3A_975 = arith.constant 5.800000e+01 : f32
      %broadcast_in_dim3A_976 = vector.broadcast %broadcast_in_dim3A_975 : f32 to vector<16xf32>
      %get3A_977 = arith.constant 58 : i32
      %get3A_978 = arith.index_cast %get3A_977 : i32 to index
      %get3A_979 = arith.index_cast %mul3A_16 : i32 to index
      %get3A_980 = tpu.vector_load %arg5[%get3A_978, %get3A_979] {strides = array<i32>} : memref<64x1024xf32, #tpu.memory_space<vmem>>, vector<1x16xf32>,
      %get3A_981 = vector.shape_cast %get3A_980 : vector<1x16xf32> to vector<16xf32>
      %eq3A_982 = arith.cmpf oeq, %get3A_981, %max3A_397 : vector<16xf32>
      %select_n3A_983 = arith.select %eq3A_982, %broadcast_in_dim3A_976, %broadcast_in_dim3A_3 : vector<16xi1>, vector<16xf32>
      %min3A_984 = arith.minimumf %min3A_974, %select_n3A_983 : vector<16xf32>
      %broadcast_in_dim3A_985 = arith.constant 5.900000e+01 : f32
      %broadcast_in_dim3A_986 = vector.broadcast %broadcast_in_dim3A_985 : f32 to vector<16xf32>
      %get3A_987 = arith.constant 59 : i32
      %get3A_988 = arith.index_cast %get3A_987 : i32 to index
      %get3A_989 = arith.index_cast %mul3A_16 : i32 to index
      %get3A_990 = tpu.vector_load %arg5[%get3A_988, %get3A_989] {strides = array<i32>} : memref<64x1024xf32, #tpu.memory_space<vmem>>, vector<1x16xf32>,
      %get3A_991 = vector.shape_cast %get3A_990 : vector<1x16xf32> to vector<16xf32>
      %eq3A_992 = arith.cmpf oeq, %get3A_991, %max3A_397 : vector<16xf32>
      %select_n3A_993 = arith.select %eq3A_992, %broadcast_in_dim3A_986, %broadcast_in_dim3A_3 : vector<16xi1>, vector<16xf32>
      %min3A_994 = arith.minimumf %min3A_984, %select_n3A_993 : vector<16xf32>
      %broadcast_in_dim3A_995 = arith.constant 6.000000e+01 : f32
      %broadcast_in_dim3A_996 = vector.broadcast %broadcast_in_dim3A_995 : f32 to vector<16xf32>
      %get3A_997 = arith.constant 60 : i32
      %get3A_998 = arith.index_cast %get3A_997 : i32 to index
      %get3A_999 = arith.index_cast %mul3A_16 : i32 to index
      %get3A_1000 = tpu.vector_load %arg5[%get3A_998, %get3A_999] {strides = array<i32>} : memref<64x1024xf32, #tpu.memory_space<vmem>>, vector<1x16xf32>,
      %get3A_1001 = vector.shape_cast %get3A_1000 : vector<1x16xf32> to vector<16xf32>
      %eq3A_1002 = arith.cmpf oeq, %get3A_1001, %max3A_397 : vector<16xf32>
      %select_n3A_1003 = arith.select %eq3A_1002, %broadcast_in_dim3A_996, %broadcast_in_dim3A_3 : vector<16xi1>, vector<16xf32>
      %min3A_1004 = arith.minimumf %min3A_994, %select_n3A_1003 : vector<16xf32>
      %broadcast_in_dim3A_1005 = arith.constant 6.100000e+01 : f32
      %broadcast_in_dim3A_1006 = vector.broadcast %broadcast_in_dim3A_1005 : f32 to vector<16xf32>
      %get3A_1007 = arith.constant 61 : i32
      %get3A_1008 = arith.index_cast %get3A_1007 : i32 to index
      %get3A_1009 = arith.index_cast %mul3A_16 : i32 to index
      %get3A_1010 = tpu.vector_load %arg5[%get3A_1008, %get3A_1009] {strides = array<i32>} : memref<64x1024xf32, #tpu.memory_space<vmem>>, vector<1x16xf32>,
      %get3A_1011 = vector.shape_cast %get3A_1010 : vector<1x16xf32> to vector<16xf32>
      %eq3A_1012 = arith.cmpf oeq, %get3A_1011, %max3A_397 : vector<16xf32>
      %select_n3A_1013 = arith.select %eq3A_1012, %broadcast_in_dim3A_1006, %broadcast_in_dim3A_3 : vector<16xi1>, vector<16xf32>
      %min3A_1014 = arith.minimumf %min3A_1004, %select_n3A_1013 : vector<16xf32>
      %broadcast_in_dim3A_1015 = arith.constant 6.200000e+01 : f32
      %broadcast_in_dim3A_1016 = vector.broadcast %broadcast_in_dim3A_1015 : f32 to vector<16xf32>
      %get3A_1017 = arith.constant 62 : i32
      %get3A_1018 = arith.index_cast %get3A_1017 : i32 to index
      %get3A_1019 = arith.index_cast %mul3A_16 : i32 to index
      %get3A_1020 = tpu.vector_load %arg5[%get3A_1018, %get3A_1019] {strides = array<i32>} : memref<64x1024xf32, #tpu.memory_space<vmem>>, vector<1x16xf32>,
      %get3A_1021 = vector.shape_cast %get3A_1020 : vector<1x16xf32> to vector<16xf32>
      %eq3A_1022 = arith.cmpf oeq, %get3A_1021, %max3A_397 : vector<16xf32>
      %select_n3A_1023 = arith.select %eq3A_1022, %broadcast_in_dim3A_1016, %broadcast_in_dim3A_3 : vector<16xi1>, vector<16xf32>
      %min3A_1024 = arith.minimumf %min3A_1014, %select_n3A_1023 : vector<16xf32>
      %broadcast_in_dim3A_1025 = arith.constant 6.300000e+01 : f32
      %broadcast_in_dim3A_1026 = vector.broadcast %broadcast_in_dim3A_1025 : f32 to vector<16xf32>
      %get3A_1027 = arith.constant 63 : i32
      %get3A_1028 = arith.index_cast %get3A_1027 : i32 to index
      %get3A_1029 = arith.index_cast %mul3A_16 : i32 to index
      %get3A_1030 = tpu.vector_load %arg5[%get3A_1028, %get3A_1029] {strides = array<i32>} : memref<64x1024xf32, #tpu.memory_space<vmem>>, vector<1x16xf32>,
      %get3A_1031 = vector.shape_cast %get3A_1030 : vector<1x16xf32> to vector<16xf32>
      %eq3A_1032 = arith.cmpf oeq, %get3A_1031, %max3A_397 : vector<16xf32>
      %select_n3A_1033 = arith.select %eq3A_1032, %broadcast_in_dim3A_1026, %broadcast_in_dim3A_3 : vector<16xi1>, vector<16xf32>
      %min3A_1034 = arith.minimumf %min3A_1024, %select_n3A_1033 : vector<16xf32>
      %broadcast_in_dim3A_1035 = arith.constant 0.000000e+00 : f32
      %broadcast_in_dim3A_1036 = vector.broadcast %broadcast_in_dim3A_1035 : f32 to vector<16xf32>
      %eq3A_1037 = arith.cmpf oeq, %broadcast_in_dim3A_1036, %min3A_1034 : vector<16xf32>
      %get3A_1038 = arith.constant 0 : i32
      %get3A_1039 = arith.index_cast %get3A_1038 : i32 to index
      %get3A_1040 = arith.index_cast %mul3A_16 : i32 to index
      %get3A_1041 = tpu.vector_load %arg5[%get3A_1039, %get3A_1040] {strides = array<i32>} : memref<64x1024xf32, #tpu.memory_space<vmem>>, vector<1x16xf32>,
      %get3A_1042 = vector.shape_cast %get3A_1041 : vector<1x16xf32> to vector<16xf32>
      %select_n3A_1043 = arith.select %eq3A_1037, %broadcast_in_dim3A_5, %get3A_1042 : vector<16xi1>, vector<16xf32>
      %max3A_1044 = arith.maximumf %broadcast_in_dim3A_5, %select_n3A_1043 : vector<16xf32>
      %broadcast_in_dim3A_1045 = arith.constant 1.000000e+00 : f32
      %broadcast_in_dim3A_1046 = vector.broadcast %broadcast_in_dim3A_1045 : f32 to vector<16xf32>
      %eq3A_1047 = arith.cmpf oeq, %broadcast_in_dim3A_1046, %min3A_1034 : vector<16xf32>
      %get3A_1048 = arith.constant 1 : i32
      %get3A_1049 = arith.index_cast %get3A_1048 : i32 to index
      %get3A_1050 = arith.index_cast %mul3A_16 : i32 to index
      %get3A_1051 = tpu.vector_load %arg5[%get3A_1049, %get3A_1050] {strides = array<i32>} : memref<64x1024xf32, #tpu.memory_space<vmem>>, vector<1x16xf32>,
      %get3A_1052 = vector.shape_cast %get3A_1051 : vector<1x16xf32> to vector<16xf32>
      %select_n3A_1053 = arith.select %eq3A_1047, %broadcast_in_dim3A_5, %get3A_1052 : vector<16xi1>, vector<16xf32>
      %max3A_1054 = arith.maximumf %max3A_1044, %select_n3A_1053 : vector<16xf32>
      %broadcast_in_dim3A_1055 = arith.constant 2.000000e+00 : f32
      %broadcast_in_dim3A_1056 = vector.broadcast %broadcast_in_dim3A_1055 : f32 to vector<16xf32>
      %eq3A_1057 = arith.cmpf oeq, %broadcast_in_dim3A_1056, %min3A_1034 : vector<16xf32>
      %get3A_1058 = arith.constant 2 : i32
      %get3A_1059 = arith.index_cast %get3A_1058 : i32 to index
      %get3A_1060 = arith.index_cast %mul3A_16 : i32 to index
      %get3A_1061 = tpu.vector_load %arg5[%get3A_1059, %get3A_1060] {strides = array<i32>} : memref<64x1024xf32, #tpu.memory_space<vmem>>, vector<1x16xf32>,
      %get3A_1062 = vector.shape_cast %get3A_1061 : vector<1x16xf32> to vector<16xf32>
      %select_n3A_1063 = arith.select %eq3A_1057, %broadcast_in_dim3A_5, %get3A_1062 : vector<16xi1>, vector<16xf32>
      %max3A_1064 = arith.maximumf %max3A_1054, %select_n3A_1063 : vector<16xf32>
      %broadcast_in_dim3A_1065 = arith.constant 3.000000e+00 : f32
      %broadcast_in_dim3A_1066 = vector.broadcast %broadcast_in_dim3A_1065 : f32 to vector<16xf32>
      %eq3A_1067 = arith.cmpf oeq, %broadcast_in_dim3A_1066, %min3A_1034 : vector<16xf32>
      %get3A_1068 = arith.constant 3 : i32
      %get3A_1069 = arith.index_cast %get3A_1068 : i32 to index
      %get3A_1070 = arith.index_cast %mul3A_16 : i32 to index
      %get3A_1071 = tpu.vector_load %arg5[%get3A_1069, %get3A_1070] {strides = array<i32>} : memref<64x1024xf32, #tpu.memory_space<vmem>>, vector<1x16xf32>,
      %get3A_1072 = vector.shape_cast %get3A_1071 : vector<1x16xf32> to vector<16xf32>
      %select_n3A_1073 = arith.select %eq3A_1067, %broadcast_in_dim3A_5, %get3A_1072 : vector<16xi1>, vector<16xf32>
      %max3A_1074 = arith.maximumf %max3A_1064, %select_n3A_1073 : vector<16xf32>
      %broadcast_in_dim3A_1075 = arith.constant 4.000000e+00 : f32
      %broadcast_in_dim3A_1076 = vector.broadcast %broadcast_in_dim3A_1075 : f32 to vector<16xf32>
      %eq3A_1077 = arith.cmpf oeq, %broadcast_in_dim3A_1076, %min3A_1034 : vector<16xf32>
      %get3A_1078 = arith.constant 4 : i32
      %get3A_1079 = arith.index_cast %get3A_1078 : i32 to index
      %get3A_1080 = arith.index_cast %mul3A_16 : i32 to index
      %get3A_1081 = tpu.vector_load %arg5[%get3A_1079, %get3A_1080] {strides = array<i32>} : memref<64x1024xf32, #tpu.memory_space<vmem>>, vector<1x16xf32>,
      %get3A_1082 = vector.shape_cast %get3A_1081 : vector<1x16xf32> to vector<16xf32>
      %select_n3A_1083 = arith.select %eq3A_1077, %broadcast_in_dim3A_5, %get3A_1082 : vector<16xi1>, vector<16xf32>
      %max3A_1084 = arith.maximumf %max3A_1074, %select_n3A_1083 : vector<16xf32>
      %broadcast_in_dim3A_1085 = arith.constant 5.000000e+00 : f32
      %broadcast_in_dim3A_1086 = vector.broadcast %broadcast_in_dim3A_1085 : f32 to vector<16xf32>
      %eq3A_1087 = arith.cmpf oeq, %broadcast_in_dim3A_1086, %min3A_1034 : vector<16xf32>
      %get3A_1088 = arith.constant 5 : i32
      %get3A_1089 = arith.index_cast %get3A_1088 : i32 to index
      %get3A_1090 = arith.index_cast %mul3A_16 : i32 to index
      %get3A_1091 = tpu.vector_load %arg5[%get3A_1089, %get3A_1090] {strides = array<i32>} : memref<64x1024xf32, #tpu.memory_space<vmem>>, vector<1x16xf32>,
      %get3A_1092 = vector.shape_cast %get3A_1091 : vector<1x16xf32> to vector<16xf32>
      %select_n3A_1093 = arith.select %eq3A_1087, %broadcast_in_dim3A_5, %get3A_1092 : vector<16xi1>, vector<16xf32>
      %max3A_1094 = arith.maximumf %max3A_1084, %select_n3A_1093 : vector<16xf32>
      %broadcast_in_dim3A_1095 = arith.constant 6.000000e+00 : f32
      %broadcast_in_dim3A_1096 = vector.broadcast %broadcast_in_dim3A_1095 : f32 to vector<16xf32>
      %eq3A_1097 = arith.cmpf oeq, %broadcast_in_dim3A_1096, %min3A_1034 : vector<16xf32>
      %get3A_1098 = arith.constant 6 : i32
      %get3A_1099 = arith.index_cast %get3A_1098 : i32 to index
      %get3A_1100 = arith.index_cast %mul3A_16 : i32 to index
      %get3A_1101 = tpu.vector_load %arg5[%get3A_1099, %get3A_1100] {strides = array<i32>} : memref<64x1024xf32, #tpu.memory_space<vmem>>, vector<1x16xf32>,
      %get3A_1102 = vector.shape_cast %get3A_1101 : vector<1x16xf32> to vector<16xf32>
      %select_n3A_1103 = arith.select %eq3A_1097, %broadcast_in_dim3A_5, %get3A_1102 : vector<16xi1>, vector<16xf32>
      %max3A_1104 = arith.maximumf %max3A_1094, %select_n3A_1103 : vector<16xf32>
      %broadcast_in_dim3A_1105 = arith.constant 7.000000e+00 : f32
      %broadcast_in_dim3A_1106 = vector.broadcast %broadcast_in_dim3A_1105 : f32 to vector<16xf32>
      %eq3A_1107 = arith.cmpf oeq, %broadcast_in_dim3A_1106, %min3A_1034 : vector<16xf32>
      %get3A_1108 = arith.constant 7 : i32
      %get3A_1109 = arith.index_cast %get3A_1108 : i32 to index
      %get3A_1110 = arith.index_cast %mul3A_16 : i32 to index
      %get3A_1111 = tpu.vector_load %arg5[%get3A_1109, %get3A_1110] {strides = array<i32>} : memref<64x1024xf32, #tpu.memory_space<vmem>>, vector<1x16xf32>,
      %get3A_1112 = vector.shape_cast %get3A_1111 : vector<1x16xf32> to vector<16xf32>
      %select_n3A_1113 = arith.select %eq3A_1107, %broadcast_in_dim3A_5, %get3A_1112 : vector<16xi1>, vector<16xf32>
      %max3A_1114 = arith.maximumf %max3A_1104, %select_n3A_1113 : vector<16xf32>
      %broadcast_in_dim3A_1115 = arith.constant 8.000000e+00 : f32
      %broadcast_in_dim3A_1116 = vector.broadcast %broadcast_in_dim3A_1115 : f32 to vector<16xf32>
      %eq3A_1117 = arith.cmpf oeq, %broadcast_in_dim3A_1116, %min3A_1034 : vector<16xf32>
      %get3A_1118 = arith.constant 8 : i32
      %get3A_1119 = arith.index_cast %get3A_1118 : i32 to index
      %get3A_1120 = arith.index_cast %mul3A_16 : i32 to index
      %get3A_1121 = tpu.vector_load %arg5[%get3A_1119, %get3A_1120] {strides = array<i32>} : memref<64x1024xf32, #tpu.memory_space<vmem>>, vector<1x16xf32>,
      %get3A_1122 = vector.shape_cast %get3A_1121 : vector<1x16xf32> to vector<16xf32>
      %select_n3A_1123 = arith.select %eq3A_1117, %broadcast_in_dim3A_5, %get3A_1122 : vector<16xi1>, vector<16xf32>
      %max3A_1124 = arith.maximumf %max3A_1114, %select_n3A_1123 : vector<16xf32>
      %broadcast_in_dim3A_1125 = arith.constant 9.000000e+00 : f32
      %broadcast_in_dim3A_1126 = vector.broadcast %broadcast_in_dim3A_1125 : f32 to vector<16xf32>
      %eq3A_1127 = arith.cmpf oeq, %broadcast_in_dim3A_1126, %min3A_1034 : vector<16xf32>
      %get3A_1128 = arith.constant 9 : i32
      %get3A_1129 = arith.index_cast %get3A_1128 : i32 to index
      %get3A_1130 = arith.index_cast %mul3A_16 : i32 to index
      %get3A_1131 = tpu.vector_load %arg5[%get3A_1129, %get3A_1130] {strides = array<i32>} : memref<64x1024xf32, #tpu.memory_space<vmem>>, vector<1x16xf32>,
      %get3A_1132 = vector.shape_cast %get3A_1131 : vector<1x16xf32> to vector<16xf32>
      %select_n3A_1133 = arith.select %eq3A_1127, %broadcast_in_dim3A_5, %get3A_1132 : vector<16xi1>, vector<16xf32>
      %max3A_1134 = arith.maximumf %max3A_1124, %select_n3A_1133 : vector<16xf32>
      %broadcast_in_dim3A_1135 = arith.constant 1.000000e+01 : f32
      %broadcast_in_dim3A_1136 = vector.broadcast %broadcast_in_dim3A_1135 : f32 to vector<16xf32>
      %eq3A_1137 = arith.cmpf oeq, %broadcast_in_dim3A_1136, %min3A_1034 : vector<16xf32>
      %get3A_1138 = arith.constant 10 : i32
      %get3A_1139 = arith.index_cast %get3A_1138 : i32 to index
      %get3A_1140 = arith.index_cast %mul3A_16 : i32 to index
      %get3A_1141 = tpu.vector_load %arg5[%get3A_1139, %get3A_1140] {strides = array<i32>} : memref<64x1024xf32, #tpu.memory_space<vmem>>, vector<1x16xf32>,
      %get3A_1142 = vector.shape_cast %get3A_1141 : vector<1x16xf32> to vector<16xf32>
      %select_n3A_1143 = arith.select %eq3A_1137, %broadcast_in_dim3A_5, %get3A_1142 : vector<16xi1>, vector<16xf32>
      %max3A_1144 = arith.maximumf %max3A_1134, %select_n3A_1143 : vector<16xf32>
      %broadcast_in_dim3A_1145 = arith.constant 1.100000e+01 : f32
      %broadcast_in_dim3A_1146 = vector.broadcast %broadcast_in_dim3A_1145 : f32 to vector<16xf32>
      %eq3A_1147 = arith.cmpf oeq, %broadcast_in_dim3A_1146, %min3A_1034 : vector<16xf32>
      %get3A_1148 = arith.constant 11 : i32
      %get3A_1149 = arith.index_cast %get3A_1148 : i32 to index
      %get3A_1150 = arith.index_cast %mul3A_16 : i32 to index
      %get3A_1151 = tpu.vector_load %arg5[%get3A_1149, %get3A_1150] {strides = array<i32>} : memref<64x1024xf32, #tpu.memory_space<vmem>>, vector<1x16xf32>,
      %get3A_1152 = vector.shape_cast %get3A_1151 : vector<1x16xf32> to vector<16xf32>
      %select_n3A_1153 = arith.select %eq3A_1147, %broadcast_in_dim3A_5, %get3A_1152 : vector<16xi1>, vector<16xf32>
      %max3A_1154 = arith.maximumf %max3A_1144, %select_n3A_1153 : vector<16xf32>
      %broadcast_in_dim3A_1155 = arith.constant 1.200000e+01 : f32
      %broadcast_in_dim3A_1156 = vector.broadcast %broadcast_in_dim3A_1155 : f32 to vector<16xf32>
      %eq3A_1157 = arith.cmpf oeq, %broadcast_in_dim3A_1156, %min3A_1034 : vector<16xf32>
      %get3A_1158 = arith.constant 12 : i32
      %get3A_1159 = arith.index_cast %get3A_1158 : i32 to index
      %get3A_1160 = arith.index_cast %mul3A_16 : i32 to index
      %get3A_1161 = tpu.vector_load %arg5[%get3A_1159, %get3A_1160] {strides = array<i32>} : memref<64x1024xf32, #tpu.memory_space<vmem>>, vector<1x16xf32>,
      %get3A_1162 = vector.shape_cast %get3A_1161 : vector<1x16xf32> to vector<16xf32>
      %select_n3A_1163 = arith.select %eq3A_1157, %broadcast_in_dim3A_5, %get3A_1162 : vector<16xi1>, vector<16xf32>
      %max3A_1164 = arith.maximumf %max3A_1154, %select_n3A_1163 : vector<16xf32>
      %broadcast_in_dim3A_1165 = arith.constant 1.300000e+01 : f32
      %broadcast_in_dim3A_1166 = vector.broadcast %broadcast_in_dim3A_1165 : f32 to vector<16xf32>
      %eq3A_1167 = arith.cmpf oeq, %broadcast_in_dim3A_1166, %min3A_1034 : vector<16xf32>
      %get3A_1168 = arith.constant 13 : i32
      %get3A_1169 = arith.index_cast %get3A_1168 : i32 to index
      %get3A_1170 = arith.index_cast %mul3A_16 : i32 to index
      %get3A_1171 = tpu.vector_load %arg5[%get3A_1169, %get3A_1170] {strides = array<i32>} : memref<64x1024xf32, #tpu.memory_space<vmem>>, vector<1x16xf32>,
      %get3A_1172 = vector.shape_cast %get3A_1171 : vector<1x16xf32> to vector<16xf32>
      %select_n3A_1173 = arith.select %eq3A_1167, %broadcast_in_dim3A_5, %get3A_1172 : vector<16xi1>, vector<16xf32>
      %max3A_1174 = arith.maximumf %max3A_1164, %select_n3A_1173 : vector<16xf32>
      %broadcast_in_dim3A_1175 = arith.constant 1.400000e+01 : f32
      %broadcast_in_dim3A_1176 = vector.broadcast %broadcast_in_dim3A_1175 : f32 to vector<16xf32>
      %eq3A_1177 = arith.cmpf oeq, %broadcast_in_dim3A_1176, %min3A_1034 : vector<16xf32>
      %get3A_1178 = arith.constant 14 : i32
      %get3A_1179 = arith.index_cast %get3A_1178 : i32 to index
      %get3A_1180 = arith.index_cast %mul3A_16 : i32 to index
      %get3A_1181 = tpu.vector_load %arg5[%get3A_1179, %get3A_1180] {strides = array<i32>} : memref<64x1024xf32, #tpu.memory_space<vmem>>, vector<1x16xf32>,
      %get3A_1182 = vector.shape_cast %get3A_1181 : vector<1x16xf32> to vector<16xf32>
      %select_n3A_1183 = arith.select %eq3A_1177, %broadcast_in_dim3A_5, %get3A_1182 : vector<16xi1>, vector<16xf32>
      %max3A_1184 = arith.maximumf %max3A_1174, %select_n3A_1183 : vector<16xf32>
      %broadcast_in_dim3A_1185 = arith.constant 1.500000e+01 : f32
      %broadcast_in_dim3A_1186 = vector.broadcast %broadcast_in_dim3A_1185 : f32 to vector<16xf32>
      %eq3A_1187 = arith.cmpf oeq, %broadcast_in_dim3A_1186, %min3A_1034 : vector<16xf32>
      %get3A_1188 = arith.constant 15 : i32
      %get3A_1189 = arith.index_cast %get3A_1188 : i32 to index
      %get3A_1190 = arith.index_cast %mul3A_16 : i32 to index
      %get3A_1191 = tpu.vector_load %arg5[%get3A_1189, %get3A_1190] {strides = array<i32>} : memref<64x1024xf32, #tpu.memory_space<vmem>>, vector<1x16xf32>,
      %get3A_1192 = vector.shape_cast %get3A_1191 : vector<1x16xf32> to vector<16xf32>
      %select_n3A_1193 = arith.select %eq3A_1187, %broadcast_in_dim3A_5, %get3A_1192 : vector<16xi1>, vector<16xf32>
      %max3A_1194 = arith.maximumf %max3A_1184, %select_n3A_1193 : vector<16xf32>
      %broadcast_in_dim3A_1195 = arith.constant 1.600000e+01 : f32
      %broadcast_in_dim3A_1196 = vector.broadcast %broadcast_in_dim3A_1195 : f32 to vector<16xf32>
      %eq3A_1197 = arith.cmpf oeq, %broadcast_in_dim3A_1196, %min3A_1034 : vector<16xf32>
      %get3A_1198 = arith.constant 16 : i32
      %get3A_1199 = arith.index_cast %get3A_1198 : i32 to index
      %get3A_1200 = arith.index_cast %mul3A_16 : i32 to index
      %get3A_1201 = tpu.vector_load %arg5[%get3A_1199, %get3A_1200] {strides = array<i32>} : memref<64x1024xf32, #tpu.memory_space<vmem>>, vector<1x16xf32>,
      %get3A_1202 = vector.shape_cast %get3A_1201 : vector<1x16xf32> to vector<16xf32>
      %select_n3A_1203 = arith.select %eq3A_1197, %broadcast_in_dim3A_5, %get3A_1202 : vector<16xi1>, vector<16xf32>
      %max3A_1204 = arith.maximumf %max3A_1194, %select_n3A_1203 : vector<16xf32>
      %broadcast_in_dim3A_1205 = arith.constant 1.700000e+01 : f32
      %broadcast_in_dim3A_1206 = vector.broadcast %broadcast_in_dim3A_1205 : f32 to vector<16xf32>
      %eq3A_1207 = arith.cmpf oeq, %broadcast_in_dim3A_1206, %min3A_1034 : vector<16xf32>
      %get3A_1208 = arith.constant 17 : i32
      %get3A_1209 = arith.index_cast %get3A_1208 : i32 to index
      %get3A_1210 = arith.index_cast %mul3A_16 : i32 to index
      %get3A_1211 = tpu.vector_load %arg5[%get3A_1209, %get3A_1210] {strides = array<i32>} : memref<64x1024xf32, #tpu.memory_space<vmem>>, vector<1x16xf32>,
      %get3A_1212 = vector.shape_cast %get3A_1211 : vector<1x16xf32> to vector<16xf32>
      %select_n3A_1213 = arith.select %eq3A_1207, %broadcast_in_dim3A_5, %get3A_1212 : vector<16xi1>, vector<16xf32>
      %max3A_1214 = arith.maximumf %max3A_1204, %select_n3A_1213 : vector<16xf32>
      %broadcast_in_dim3A_1215 = arith.constant 1.800000e+01 : f32
      %broadcast_in_dim3A_1216 = vector.broadcast %broadcast_in_dim3A_1215 : f32 to vector<16xf32>
      %eq3A_1217 = arith.cmpf oeq, %broadcast_in_dim3A_1216, %min3A_1034 : vector<16xf32>
      %get3A_1218 = arith.constant 18 : i32
      %get3A_1219 = arith.index_cast %get3A_1218 : i32 to index
      %get3A_1220 = arith.index_cast %mul3A_16 : i32 to index
      %get3A_1221 = tpu.vector_load %arg5[%get3A_1219, %get3A_1220] {strides = array<i32>} : memref<64x1024xf32, #tpu.memory_space<vmem>>, vector<1x16xf32>,
      %get3A_1222 = vector.shape_cast %get3A_1221 : vector<1x16xf32> to vector<16xf32>
      %select_n3A_1223 = arith.select %eq3A_1217, %broadcast_in_dim3A_5, %get3A_1222 : vector<16xi1>, vector<16xf32>
      %max3A_1224 = arith.maximumf %max3A_1214, %select_n3A_1223 : vector<16xf32>
      %broadcast_in_dim3A_1225 = arith.constant 1.900000e+01 : f32
      %broadcast_in_dim3A_1226 = vector.broadcast %broadcast_in_dim3A_1225 : f32 to vector<16xf32>
      %eq3A_1227 = arith.cmpf oeq, %broadcast_in_dim3A_1226, %min3A_1034 : vector<16xf32>
      %get3A_1228 = arith.constant 19 : i32
      %get3A_1229 = arith.index_cast %get3A_1228 : i32 to index
      %get3A_1230 = arith.index_cast %mul3A_16 : i32 to index
      %get3A_1231 = tpu.vector_load %arg5[%get3A_1229, %get3A_1230] {strides = array<i32>} : memref<64x1024xf32, #tpu.memory_space<vmem>>, vector<1x16xf32>,
      %get3A_1232 = vector.shape_cast %get3A_1231 : vector<1x16xf32> to vector<16xf32>
      %select_n3A_1233 = arith.select %eq3A_1227, %broadcast_in_dim3A_5, %get3A_1232 : vector<16xi1>, vector<16xf32>
      %max3A_1234 = arith.maximumf %max3A_1224, %select_n3A_1233 : vector<16xf32>
      %broadcast_in_dim3A_1235 = arith.constant 2.000000e+01 : f32
      %broadcast_in_dim3A_1236 = vector.broadcast %broadcast_in_dim3A_1235 : f32 to vector<16xf32>
      %eq3A_1237 = arith.cmpf oeq, %broadcast_in_dim3A_1236, %min3A_1034 : vector<16xf32>
      %get3A_1238 = arith.constant 20 : i32
      %get3A_1239 = arith.index_cast %get3A_1238 : i32 to index
      %get3A_1240 = arith.index_cast %mul3A_16 : i32 to index
      %get3A_1241 = tpu.vector_load %arg5[%get3A_1239, %get3A_1240] {strides = array<i32>} : memref<64x1024xf32, #tpu.memory_space<vmem>>, vector<1x16xf32>,
      %get3A_1242 = vector.shape_cast %get3A_1241 : vector<1x16xf32> to vector<16xf32>
      %select_n3A_1243 = arith.select %eq3A_1237, %broadcast_in_dim3A_5, %get3A_1242 : vector<16xi1>, vector<16xf32>
      %max3A_1244 = arith.maximumf %max3A_1234, %select_n3A_1243 : vector<16xf32>
      %broadcast_in_dim3A_1245 = arith.constant 2.100000e+01 : f32
      %broadcast_in_dim3A_1246 = vector.broadcast %broadcast_in_dim3A_1245 : f32 to vector<16xf32>
      %eq3A_1247 = arith.cmpf oeq, %broadcast_in_dim3A_1246, %min3A_1034 : vector<16xf32>
      %get3A_1248 = arith.constant 21 : i32
      %get3A_1249 = arith.index_cast %get3A_1248 : i32 to index
      %get3A_1250 = arith.index_cast %mul3A_16 : i32 to index
      %get3A_1251 = tpu.vector_load %arg5[%get3A_1249, %get3A_1250] {strides = array<i32>} : memref<64x1024xf32, #tpu.memory_space<vmem>>, vector<1x16xf32>,
      %get3A_1252 = vector.shape_cast %get3A_1251 : vector<1x16xf32> to vector<16xf32>
      %select_n3A_1253 = arith.select %eq3A_1247, %broadcast_in_dim3A_5, %get3A_1252 : vector<16xi1>, vector<16xf32>
      %max3A_1254 = arith.maximumf %max3A_1244, %select_n3A_1253 : vector<16xf32>
      %broadcast_in_dim3A_1255 = arith.constant 2.200000e+01 : f32
      %broadcast_in_dim3A_1256 = vector.broadcast %broadcast_in_dim3A_1255 : f32 to vector<16xf32>
      %eq3A_1257 = arith.cmpf oeq, %broadcast_in_dim3A_1256, %min3A_1034 : vector<16xf32>
      %get3A_1258 = arith.constant 22 : i32
      %get3A_1259 = arith.index_cast %get3A_1258 : i32 to index
      %get3A_1260 = arith.index_cast %mul3A_16 : i32 to index
      %get3A_1261 = tpu.vector_load %arg5[%get3A_1259, %get3A_1260] {strides = array<i32>} : memref<64x1024xf32, #tpu.memory_space<vmem>>, vector<1x16xf32>,
      %get3A_1262 = vector.shape_cast %get3A_1261 : vector<1x16xf32> to vector<16xf32>
      %select_n3A_1263 = arith.select %eq3A_1257, %broadcast_in_dim3A_5, %get3A_1262 : vector<16xi1>, vector<16xf32>
      %max3A_1264 = arith.maximumf %max3A_1254, %select_n3A_1263 : vector<16xf32>
      %broadcast_in_dim3A_1265 = arith.constant 2.300000e+01 : f32
      %broadcast_in_dim3A_1266 = vector.broadcast %broadcast_in_dim3A_1265 : f32 to vector<16xf32>
      %eq3A_1267 = arith.cmpf oeq, %broadcast_in_dim3A_1266, %min3A_1034 : vector<16xf32>
      %get3A_1268 = arith.constant 23 : i32
      %get3A_1269 = arith.index_cast %get3A_1268 : i32 to index
      %get3A_1270 = arith.index_cast %mul3A_16 : i32 to index
      %get3A_1271 = tpu.vector_load %arg5[%get3A_1269, %get3A_1270] {strides = array<i32>} : memref<64x1024xf32, #tpu.memory_space<vmem>>, vector<1x16xf32>,
      %get3A_1272 = vector.shape_cast %get3A_1271 : vector<1x16xf32> to vector<16xf32>
      %select_n3A_1273 = arith.select %eq3A_1267, %broadcast_in_dim3A_5, %get3A_1272 : vector<16xi1>, vector<16xf32>
      %max3A_1274 = arith.maximumf %max3A_1264, %select_n3A_1273 : vector<16xf32>
      %broadcast_in_dim3A_1275 = arith.constant 2.400000e+01 : f32
      %broadcast_in_dim3A_1276 = vector.broadcast %broadcast_in_dim3A_1275 : f32 to vector<16xf32>
      %eq3A_1277 = arith.cmpf oeq, %broadcast_in_dim3A_1276, %min3A_1034 : vector<16xf32>
      %get3A_1278 = arith.constant 24 : i32
      %get3A_1279 = arith.index_cast %get3A_1278 : i32 to index
      %get3A_1280 = arith.index_cast %mul3A_16 : i32 to index
      %get3A_1281 = tpu.vector_load %arg5[%get3A_1279, %get3A_1280] {strides = array<i32>} : memref<64x1024xf32, #tpu.memory_space<vmem>>, vector<1x16xf32>,
      %get3A_1282 = vector.shape_cast %get3A_1281 : vector<1x16xf32> to vector<16xf32>
      %select_n3A_1283 = arith.select %eq3A_1277, %broadcast_in_dim3A_5, %get3A_1282 : vector<16xi1>, vector<16xf32>
      %max3A_1284 = arith.maximumf %max3A_1274, %select_n3A_1283 : vector<16xf32>
      %broadcast_in_dim3A_1285 = arith.constant 2.500000e+01 : f32
      %broadcast_in_dim3A_1286 = vector.broadcast %broadcast_in_dim3A_1285 : f32 to vector<16xf32>
      %eq3A_1287 = arith.cmpf oeq, %broadcast_in_dim3A_1286, %min3A_1034 : vector<16xf32>
      %get3A_1288 = arith.constant 25 : i32
      %get3A_1289 = arith.index_cast %get3A_1288 : i32 to index
      %get3A_1290 = arith.index_cast %mul3A_16 : i32 to index
      %get3A_1291 = tpu.vector_load %arg5[%get3A_1289, %get3A_1290] {strides = array<i32>} : memref<64x1024xf32, #tpu.memory_space<vmem>>, vector<1x16xf32>,
      %get3A_1292 = vector.shape_cast %get3A_1291 : vector<1x16xf32> to vector<16xf32>
      %select_n3A_1293 = arith.select %eq3A_1287, %broadcast_in_dim3A_5, %get3A_1292 : vector<16xi1>, vector<16xf32>
      %max3A_1294 = arith.maximumf %max3A_1284, %select_n3A_1293 : vector<16xf32>
      %broadcast_in_dim3A_1295 = arith.constant 2.600000e+01 : f32
      %broadcast_in_dim3A_1296 = vector.broadcast %broadcast_in_dim3A_1295 : f32 to vector<16xf32>
      %eq3A_1297 = arith.cmpf oeq, %broadcast_in_dim3A_1296, %min3A_1034 : vector<16xf32>
      %get3A_1298 = arith.constant 26 : i32
      %get3A_1299 = arith.index_cast %get3A_1298 : i32 to index
      %get3A_1300 = arith.index_cast %mul3A_16 : i32 to index
      %get3A_1301 = tpu.vector_load %arg5[%get3A_1299, %get3A_1300] {strides = array<i32>} : memref<64x1024xf32, #tpu.memory_space<vmem>>, vector<1x16xf32>,
      %get3A_1302 = vector.shape_cast %get3A_1301 : vector<1x16xf32> to vector<16xf32>
      %select_n3A_1303 = arith.select %eq3A_1297, %broadcast_in_dim3A_5, %get3A_1302 : vector<16xi1>, vector<16xf32>
      %max3A_1304 = arith.maximumf %max3A_1294, %select_n3A_1303 : vector<16xf32>
      %broadcast_in_dim3A_1305 = arith.constant 2.700000e+01 : f32
      %broadcast_in_dim3A_1306 = vector.broadcast %broadcast_in_dim3A_1305 : f32 to vector<16xf32>
      %eq3A_1307 = arith.cmpf oeq, %broadcast_in_dim3A_1306, %min3A_1034 : vector<16xf32>
      %get3A_1308 = arith.constant 27 : i32
      %get3A_1309 = arith.index_cast %get3A_1308 : i32 to index
      %get3A_1310 = arith.index_cast %mul3A_16 : i32 to index
      %get3A_1311 = tpu.vector_load %arg5[%get3A_1309, %get3A_1310] {strides = array<i32>} : memref<64x1024xf32, #tpu.memory_space<vmem>>, vector<1x16xf32>,
      %get3A_1312 = vector.shape_cast %get3A_1311 : vector<1x16xf32> to vector<16xf32>
      %select_n3A_1313 = arith.select %eq3A_1307, %broadcast_in_dim3A_5, %get3A_1312 : vector<16xi1>, vector<16xf32>
      %max3A_1314 = arith.maximumf %max3A_1304, %select_n3A_1313 : vector<16xf32>
      %broadcast_in_dim3A_1315 = arith.constant 2.800000e+01 : f32
      %broadcast_in_dim3A_1316 = vector.broadcast %broadcast_in_dim3A_1315 : f32 to vector<16xf32>
      %eq3A_1317 = arith.cmpf oeq, %broadcast_in_dim3A_1316, %min3A_1034 : vector<16xf32>
      %get3A_1318 = arith.constant 28 : i32
      %get3A_1319 = arith.index_cast %get3A_1318 : i32 to index
      %get3A_1320 = arith.index_cast %mul3A_16 : i32 to index
      %get3A_1321 = tpu.vector_load %arg5[%get3A_1319, %get3A_1320] {strides = array<i32>} : memref<64x1024xf32, #tpu.memory_space<vmem>>, vector<1x16xf32>,
      %get3A_1322 = vector.shape_cast %get3A_1321 : vector<1x16xf32> to vector<16xf32>
      %select_n3A_1323 = arith.select %eq3A_1317, %broadcast_in_dim3A_5, %get3A_1322 : vector<16xi1>, vector<16xf32>
      %max3A_1324 = arith.maximumf %max3A_1314, %select_n3A_1323 : vector<16xf32>
      %broadcast_in_dim3A_1325 = arith.constant 2.900000e+01 : f32
      %broadcast_in_dim3A_1326 = vector.broadcast %broadcast_in_dim3A_1325 : f32 to vector<16xf32>
      %eq3A_1327 = arith.cmpf oeq, %broadcast_in_dim3A_1326, %min3A_1034 : vector<16xf32>
      %get3A_1328 = arith.constant 29 : i32
      %get3A_1329 = arith.index_cast %get3A_1328 : i32 to index
      %get3A_1330 = arith.index_cast %mul3A_16 : i32 to index
      %get3A_1331 = tpu.vector_load %arg5[%get3A_1329, %get3A_1330] {strides = array<i32>} : memref<64x1024xf32, #tpu.memory_space<vmem>>, vector<1x16xf32>,
      %get3A_1332 = vector.shape_cast %get3A_1331 : vector<1x16xf32> to vector<16xf32>
      %select_n3A_1333 = arith.select %eq3A_1327, %broadcast_in_dim3A_5, %get3A_1332 : vector<16xi1>, vector<16xf32>
      %max3A_1334 = arith.maximumf %max3A_1324, %select_n3A_1333 : vector<16xf32>
      %broadcast_in_dim3A_1335 = arith.constant 3.000000e+01 : f32
      %broadcast_in_dim3A_1336 = vector.broadcast %broadcast_in_dim3A_1335 : f32 to vector<16xf32>
      %eq3A_1337 = arith.cmpf oeq, %broadcast_in_dim3A_1336, %min3A_1034 : vector<16xf32>
      %get3A_1338 = arith.constant 30 : i32
      %get3A_1339 = arith.index_cast %get3A_1338 : i32 to index
      %get3A_1340 = arith.index_cast %mul3A_16 : i32 to index
      %get3A_1341 = tpu.vector_load %arg5[%get3A_1339, %get3A_1340] {strides = array<i32>} : memref<64x1024xf32, #tpu.memory_space<vmem>>, vector<1x16xf32>,
      %get3A_1342 = vector.shape_cast %get3A_1341 : vector<1x16xf32> to vector<16xf32>
      %select_n3A_1343 = arith.select %eq3A_1337, %broadcast_in_dim3A_5, %get3A_1342 : vector<16xi1>, vector<16xf32>
      %max3A_1344 = arith.maximumf %max3A_1334, %select_n3A_1343 : vector<16xf32>
      %broadcast_in_dim3A_1345 = arith.constant 3.100000e+01 : f32
      %broadcast_in_dim3A_1346 = vector.broadcast %broadcast_in_dim3A_1345 : f32 to vector<16xf32>
      %eq3A_1347 = arith.cmpf oeq, %broadcast_in_dim3A_1346, %min3A_1034 : vector<16xf32>
      %get3A_1348 = arith.constant 31 : i32
      %get3A_1349 = arith.index_cast %get3A_1348 : i32 to index
      %get3A_1350 = arith.index_cast %mul3A_16 : i32 to index
      %get3A_1351 = tpu.vector_load %arg5[%get3A_1349, %get3A_1350] {strides = array<i32>} : memref<64x1024xf32, #tpu.memory_space<vmem>>, vector<1x16xf32>,
      %get3A_1352 = vector.shape_cast %get3A_1351 : vector<1x16xf32> to vector<16xf32>
      %select_n3A_1353 = arith.select %eq3A_1347, %broadcast_in_dim3A_5, %get3A_1352 : vector<16xi1>, vector<16xf32>
      %max3A_1354 = arith.maximumf %max3A_1344, %select_n3A_1353 : vector<16xf32>
      %broadcast_in_dim3A_1355 = arith.constant 3.200000e+01 : f32
      %broadcast_in_dim3A_1356 = vector.broadcast %broadcast_in_dim3A_1355 : f32 to vector<16xf32>
      %eq3A_1357 = arith.cmpf oeq, %broadcast_in_dim3A_1356, %min3A_1034 : vector<16xf32>
      %get3A_1358 = arith.constant 32 : i32
      %get3A_1359 = arith.index_cast %get3A_1358 : i32 to index
      %get3A_1360 = arith.index_cast %mul3A_16 : i32 to index
      %get3A_1361 = tpu.vector_load %arg5[%get3A_1359, %get3A_1360] {strides = array<i32>} : memref<64x1024xf32, #tpu.memory_space<vmem>>, vector<1x16xf32>,
      %get3A_1362 = vector.shape_cast %get3A_1361 : vector<1x16xf32> to vector<16xf32>
      %select_n3A_1363 = arith.select %eq3A_1357, %broadcast_in_dim3A_5, %get3A_1362 : vector<16xi1>, vector<16xf32>
      %max3A_1364 = arith.maximumf %max3A_1354, %select_n3A_1363 : vector<16xf32>
      %broadcast_in_dim3A_1365 = arith.constant 3.300000e+01 : f32
      %broadcast_in_dim3A_1366 = vector.broadcast %broadcast_in_dim3A_1365 : f32 to vector<16xf32>
      %eq3A_1367 = arith.cmpf oeq, %broadcast_in_dim3A_1366, %min3A_1034 : vector<16xf32>
      %get3A_1368 = arith.constant 33 : i32
      %get3A_1369 = arith.index_cast %get3A_1368 : i32 to index
      %get3A_1370 = arith.index_cast %mul3A_16 : i32 to index
      %get3A_1371 = tpu.vector_load %arg5[%get3A_1369, %get3A_1370] {strides = array<i32>} : memref<64x1024xf32, #tpu.memory_space<vmem>>, vector<1x16xf32>,
      %get3A_1372 = vector.shape_cast %get3A_1371 : vector<1x16xf32> to vector<16xf32>
      %select_n3A_1373 = arith.select %eq3A_1367, %broadcast_in_dim3A_5, %get3A_1372 : vector<16xi1>, vector<16xf32>
      %max3A_1374 = arith.maximumf %max3A_1364, %select_n3A_1373 : vector<16xf32>
      %broadcast_in_dim3A_1375 = arith.constant 3.400000e+01 : f32
      %broadcast_in_dim3A_1376 = vector.broadcast %broadcast_in_dim3A_1375 : f32 to vector<16xf32>
      %eq3A_1377 = arith.cmpf oeq, %broadcast_in_dim3A_1376, %min3A_1034 : vector<16xf32>
      %get3A_1378 = arith.constant 34 : i32
      %get3A_1379 = arith.index_cast %get3A_1378 : i32 to index
      %get3A_1380 = arith.index_cast %mul3A_16 : i32 to index
      %get3A_1381 = tpu.vector_load %arg5[%get3A_1379, %get3A_1380] {strides = array<i32>} : memref<64x1024xf32, #tpu.memory_space<vmem>>, vector<1x16xf32>,
      %get3A_1382 = vector.shape_cast %get3A_1381 : vector<1x16xf32> to vector<16xf32>
      %select_n3A_1383 = arith.select %eq3A_1377, %broadcast_in_dim3A_5, %get3A_1382 : vector<16xi1>, vector<16xf32>
      %max3A_1384 = arith.maximumf %max3A_1374, %select_n3A_1383 : vector<16xf32>
      %broadcast_in_dim3A_1385 = arith.constant 3.500000e+01 : f32
      %broadcast_in_dim3A_1386 = vector.broadcast %broadcast_in_dim3A_1385 : f32 to vector<16xf32>
      %eq3A_1387 = arith.cmpf oeq, %broadcast_in_dim3A_1386, %min3A_1034 : vector<16xf32>
      %get3A_1388 = arith.constant 35 : i32
      %get3A_1389 = arith.index_cast %get3A_1388 : i32 to index
      %get3A_1390 = arith.index_cast %mul3A_16 : i32 to index
      %get3A_1391 = tpu.vector_load %arg5[%get3A_1389, %get3A_1390] {strides = array<i32>} : memref<64x1024xf32, #tpu.memory_space<vmem>>, vector<1x16xf32>,
      %get3A_1392 = vector.shape_cast %get3A_1391 : vector<1x16xf32> to vector<16xf32>
      %select_n3A_1393 = arith.select %eq3A_1387, %broadcast_in_dim3A_5, %get3A_1392 : vector<16xi1>, vector<16xf32>
      %max3A_1394 = arith.maximumf %max3A_1384, %select_n3A_1393 : vector<16xf32>
      %broadcast_in_dim3A_1395 = arith.constant 3.600000e+01 : f32
      %broadcast_in_dim3A_1396 = vector.broadcast %broadcast_in_dim3A_1395 : f32 to vector<16xf32>
      %eq3A_1397 = arith.cmpf oeq, %broadcast_in_dim3A_1396, %min3A_1034 : vector<16xf32>
      %get3A_1398 = arith.constant 36 : i32
      %get3A_1399 = arith.index_cast %get3A_1398 : i32 to index
      %get3A_1400 = arith.index_cast %mul3A_16 : i32 to index
      %get3A_1401 = tpu.vector_load %arg5[%get3A_1399, %get3A_1400] {strides = array<i32>} : memref<64x1024xf32, #tpu.memory_space<vmem>>, vector<1x16xf32>,
      %get3A_1402 = vector.shape_cast %get3A_1401 : vector<1x16xf32> to vector<16xf32>
      %select_n3A_1403 = arith.select %eq3A_1397, %broadcast_in_dim3A_5, %get3A_1402 : vector<16xi1>, vector<16xf32>
      %max3A_1404 = arith.maximumf %max3A_1394, %select_n3A_1403 : vector<16xf32>
      %broadcast_in_dim3A_1405 = arith.constant 3.700000e+01 : f32
      %broadcast_in_dim3A_1406 = vector.broadcast %broadcast_in_dim3A_1405 : f32 to vector<16xf32>
      %eq3A_1407 = arith.cmpf oeq, %broadcast_in_dim3A_1406, %min3A_1034 : vector<16xf32>
      %get3A_1408 = arith.constant 37 : i32
      %get3A_1409 = arith.index_cast %get3A_1408 : i32 to index
      %get3A_1410 = arith.index_cast %mul3A_16 : i32 to index
      %get3A_1411 = tpu.vector_load %arg5[%get3A_1409, %get3A_1410] {strides = array<i32>} : memref<64x1024xf32, #tpu.memory_space<vmem>>, vector<1x16xf32>,
      %get3A_1412 = vector.shape_cast %get3A_1411 : vector<1x16xf32> to vector<16xf32>
      %select_n3A_1413 = arith.select %eq3A_1407, %broadcast_in_dim3A_5, %get3A_1412 : vector<16xi1>, vector<16xf32>
      %max3A_1414 = arith.maximumf %max3A_1404, %select_n3A_1413 : vector<16xf32>
      %broadcast_in_dim3A_1415 = arith.constant 3.800000e+01 : f32
      %broadcast_in_dim3A_1416 = vector.broadcast %broadcast_in_dim3A_1415 : f32 to vector<16xf32>
      %eq3A_1417 = arith.cmpf oeq, %broadcast_in_dim3A_1416, %min3A_1034 : vector<16xf32>
      %get3A_1418 = arith.constant 38 : i32
      %get3A_1419 = arith.index_cast %get3A_1418 : i32 to index
      %get3A_1420 = arith.index_cast %mul3A_16 : i32 to index
      %get3A_1421 = tpu.vector_load %arg5[%get3A_1419, %get3A_1420] {strides = array<i32>} : memref<64x1024xf32, #tpu.memory_space<vmem>>, vector<1x16xf32>,
      %get3A_1422 = vector.shape_cast %get3A_1421 : vector<1x16xf32> to vector<16xf32>
      %select_n3A_1423 = arith.select %eq3A_1417, %broadcast_in_dim3A_5, %get3A_1422 : vector<16xi1>, vector<16xf32>
      %max3A_1424 = arith.maximumf %max3A_1414, %select_n3A_1423 : vector<16xf32>
      %broadcast_in_dim3A_1425 = arith.constant 3.900000e+01 : f32
      %broadcast_in_dim3A_1426 = vector.broadcast %broadcast_in_dim3A_1425 : f32 to vector<16xf32>
      %eq3A_1427 = arith.cmpf oeq, %broadcast_in_dim3A_1426, %min3A_1034 : vector<16xf32>
      %get3A_1428 = arith.constant 39 : i32
      %get3A_1429 = arith.index_cast %get3A_1428 : i32 to index
      %get3A_1430 = arith.index_cast %mul3A_16 : i32 to index
      %get3A_1431 = tpu.vector_load %arg5[%get3A_1429, %get3A_1430] {strides = array<i32>} : memref<64x1024xf32, #tpu.memory_space<vmem>>, vector<1x16xf32>,
      %get3A_1432 = vector.shape_cast %get3A_1431 : vector<1x16xf32> to vector<16xf32>
      %select_n3A_1433 = arith.select %eq3A_1427, %broadcast_in_dim3A_5, %get3A_1432 : vector<16xi1>, vector<16xf32>
      %max3A_1434 = arith.maximumf %max3A_1424, %select_n3A_1433 : vector<16xf32>
      %broadcast_in_dim3A_1435 = arith.constant 4.000000e+01 : f32
      %broadcast_in_dim3A_1436 = vector.broadcast %broadcast_in_dim3A_1435 : f32 to vector<16xf32>
      %eq3A_1437 = arith.cmpf oeq, %broadcast_in_dim3A_1436, %min3A_1034 : vector<16xf32>
      %get3A_1438 = arith.constant 40 : i32
      %get3A_1439 = arith.index_cast %get3A_1438 : i32 to index
      %get3A_1440 = arith.index_cast %mul3A_16 : i32 to index
      %get3A_1441 = tpu.vector_load %arg5[%get3A_1439, %get3A_1440] {strides = array<i32>} : memref<64x1024xf32, #tpu.memory_space<vmem>>, vector<1x16xf32>,
      %get3A_1442 = vector.shape_cast %get3A_1441 : vector<1x16xf32> to vector<16xf32>
      %select_n3A_1443 = arith.select %eq3A_1437, %broadcast_in_dim3A_5, %get3A_1442 : vector<16xi1>, vector<16xf32>
      %max3A_1444 = arith.maximumf %max3A_1434, %select_n3A_1443 : vector<16xf32>
      %broadcast_in_dim3A_1445 = arith.constant 4.100000e+01 : f32
      %broadcast_in_dim3A_1446 = vector.broadcast %broadcast_in_dim3A_1445 : f32 to vector<16xf32>
      %eq3A_1447 = arith.cmpf oeq, %broadcast_in_dim3A_1446, %min3A_1034 : vector<16xf32>
      %get3A_1448 = arith.constant 41 : i32
      %get3A_1449 = arith.index_cast %get3A_1448 : i32 to index
      %get3A_1450 = arith.index_cast %mul3A_16 : i32 to index
      %get3A_1451 = tpu.vector_load %arg5[%get3A_1449, %get3A_1450] {strides = array<i32>} : memref<64x1024xf32, #tpu.memory_space<vmem>>, vector<1x16xf32>,
      %get3A_1452 = vector.shape_cast %get3A_1451 : vector<1x16xf32> to vector<16xf32>
      %select_n3A_1453 = arith.select %eq3A_1447, %broadcast_in_dim3A_5, %get3A_1452 : vector<16xi1>, vector<16xf32>
      %max3A_1454 = arith.maximumf %max3A_1444, %select_n3A_1453 : vector<16xf32>
      %broadcast_in_dim3A_1455 = arith.constant 4.200000e+01 : f32
      %broadcast_in_dim3A_1456 = vector.broadcast %broadcast_in_dim3A_1455 : f32 to vector<16xf32>
      %eq3A_1457 = arith.cmpf oeq, %broadcast_in_dim3A_1456, %min3A_1034 : vector<16xf32>
      %get3A_1458 = arith.constant 42 : i32
      %get3A_1459 = arith.index_cast %get3A_1458 : i32 to index
      %get3A_1460 = arith.index_cast %mul3A_16 : i32 to index
      %get3A_1461 = tpu.vector_load %arg5[%get3A_1459, %get3A_1460] {strides = array<i32>} : memref<64x1024xf32, #tpu.memory_space<vmem>>, vector<1x16xf32>,
      %get3A_1462 = vector.shape_cast %get3A_1461 : vector<1x16xf32> to vector<16xf32>
      %select_n3A_1463 = arith.select %eq3A_1457, %broadcast_in_dim3A_5, %get3A_1462 : vector<16xi1>, vector<16xf32>
      %max3A_1464 = arith.maximumf %max3A_1454, %select_n3A_1463 : vector<16xf32>
      %broadcast_in_dim3A_1465 = arith.constant 4.300000e+01 : f32
      %broadcast_in_dim3A_1466 = vector.broadcast %broadcast_in_dim3A_1465 : f32 to vector<16xf32>
      %eq3A_1467 = arith.cmpf oeq, %broadcast_in_dim3A_1466, %min3A_1034 : vector<16xf32>
      %get3A_1468 = arith.constant 43 : i32
      %get3A_1469 = arith.index_cast %get3A_1468 : i32 to index
      %get3A_1470 = arith.index_cast %mul3A_16 : i32 to index
      %get3A_1471 = tpu.vector_load %arg5[%get3A_1469, %get3A_1470] {strides = array<i32>} : memref<64x1024xf32, #tpu.memory_space<vmem>>, vector<1x16xf32>,
      %get3A_1472 = vector.shape_cast %get3A_1471 : vector<1x16xf32> to vector<16xf32>
      %select_n3A_1473 = arith.select %eq3A_1467, %broadcast_in_dim3A_5, %get3A_1472 : vector<16xi1>, vector<16xf32>
      %max3A_1474 = arith.maximumf %max3A_1464, %select_n3A_1473 : vector<16xf32>
      %broadcast_in_dim3A_1475 = arith.constant 4.400000e+01 : f32
      %broadcast_in_dim3A_1476 = vector.broadcast %broadcast_in_dim3A_1475 : f32 to vector<16xf32>
      %eq3A_1477 = arith.cmpf oeq, %broadcast_in_dim3A_1476, %min3A_1034 : vector<16xf32>
      %get3A_1478 = arith.constant 44 : i32
      %get3A_1479 = arith.index_cast %get3A_1478 : i32 to index
      %get3A_1480 = arith.index_cast %mul3A_16 : i32 to index
      %get3A_1481 = tpu.vector_load %arg5[%get3A_1479, %get3A_1480] {strides = array<i32>} : memref<64x1024xf32, #tpu.memory_space<vmem>>, vector<1x16xf32>,
      %get3A_1482 = vector.shape_cast %get3A_1481 : vector<1x16xf32> to vector<16xf32>
      %select_n3A_1483 = arith.select %eq3A_1477, %broadcast_in_dim3A_5, %get3A_1482 : vector<16xi1>, vector<16xf32>
      %max3A_1484 = arith.maximumf %max3A_1474, %select_n3A_1483 : vector<16xf32>
      %broadcast_in_dim3A_1485 = arith.constant 4.500000e+01 : f32
      %broadcast_in_dim3A_1486 = vector.broadcast %broadcast_in_dim3A_1485 : f32 to vector<16xf32>
      %eq3A_1487 = arith.cmpf oeq, %broadcast_in_dim3A_1486, %min3A_1034 : vector<16xf32>
      %get3A_1488 = arith.constant 45 : i32
      %get3A_1489 = arith.index_cast %get3A_1488 : i32 to index
      %get3A_1490 = arith.index_cast %mul3A_16 : i32 to index
      %get3A_1491 = tpu.vector_load %arg5[%get3A_1489, %get3A_1490] {strides = array<i32>} : memref<64x1024xf32, #tpu.memory_space<vmem>>, vector<1x16xf32>,
      %get3A_1492 = vector.shape_cast %get3A_1491 : vector<1x16xf32> to vector<16xf32>
      %select_n3A_1493 = arith.select %eq3A_1487, %broadcast_in_dim3A_5, %get3A_1492 : vector<16xi1>, vector<16xf32>
      %max3A_1494 = arith.maximumf %max3A_1484, %select_n3A_1493 : vector<16xf32>
      %broadcast_in_dim3A_1495 = arith.constant 4.600000e+01 : f32
      %broadcast_in_dim3A_1496 = vector.broadcast %broadcast_in_dim3A_1495 : f32 to vector<16xf32>
      %eq3A_1497 = arith.cmpf oeq, %broadcast_in_dim3A_1496, %min3A_1034 : vector<16xf32>
      %get3A_1498 = arith.constant 46 : i32
      %get3A_1499 = arith.index_cast %get3A_1498 : i32 to index
      %get3A_1500 = arith.index_cast %mul3A_16 : i32 to index
      %get3A_1501 = tpu.vector_load %arg5[%get3A_1499, %get3A_1500] {strides = array<i32>} : memref<64x1024xf32, #tpu.memory_space<vmem>>, vector<1x16xf32>,
      %get3A_1502 = vector.shape_cast %get3A_1501 : vector<1x16xf32> to vector<16xf32>
      %select_n3A_1503 = arith.select %eq3A_1497, %broadcast_in_dim3A_5, %get3A_1502 : vector<16xi1>, vector<16xf32>
      %max3A_1504 = arith.maximumf %max3A_1494, %select_n3A_1503 : vector<16xf32>
      %broadcast_in_dim3A_1505 = arith.constant 4.700000e+01 : f32
      %broadcast_in_dim3A_1506 = vector.broadcast %broadcast_in_dim3A_1505 : f32 to vector<16xf32>
      %eq3A_1507 = arith.cmpf oeq, %broadcast_in_dim3A_1506, %min3A_1034 : vector<16xf32>
      %get3A_1508 = arith.constant 47 : i32
      %get3A_1509 = arith.index_cast %get3A_1508 : i32 to index
      %get3A_1510 = arith.index_cast %mul3A_16 : i32 to index
      %get3A_1511 = tpu.vector_load %arg5[%get3A_1509, %get3A_1510] {strides = array<i32>} : memref<64x1024xf32, #tpu.memory_space<vmem>>, vector<1x16xf32>,
      %get3A_1512 = vector.shape_cast %get3A_1511 : vector<1x16xf32> to vector<16xf32>
      %select_n3A_1513 = arith.select %eq3A_1507, %broadcast_in_dim3A_5, %get3A_1512 : vector<16xi1>, vector<16xf32>
      %max3A_1514 = arith.maximumf %max3A_1504, %select_n3A_1513 : vector<16xf32>
      %broadcast_in_dim3A_1515 = arith.constant 4.800000e+01 : f32
      %broadcast_in_dim3A_1516 = vector.broadcast %broadcast_in_dim3A_1515 : f32 to vector<16xf32>
      %eq3A_1517 = arith.cmpf oeq, %broadcast_in_dim3A_1516, %min3A_1034 : vector<16xf32>
      %get3A_1518 = arith.constant 48 : i32
      %get3A_1519 = arith.index_cast %get3A_1518 : i32 to index
      %get3A_1520 = arith.index_cast %mul3A_16 : i32 to index
      %get3A_1521 = tpu.vector_load %arg5[%get3A_1519, %get3A_1520] {strides = array<i32>} : memref<64x1024xf32, #tpu.memory_space<vmem>>, vector<1x16xf32>,
      %get3A_1522 = vector.shape_cast %get3A_1521 : vector<1x16xf32> to vector<16xf32>
      %select_n3A_1523 = arith.select %eq3A_1517, %broadcast_in_dim3A_5, %get3A_1522 : vector<16xi1>, vector<16xf32>
      %max3A_1524 = arith.maximumf %max3A_1514, %select_n3A_1523 : vector<16xf32>
      %broadcast_in_dim3A_1525 = arith.constant 4.900000e+01 : f32
      %broadcast_in_dim3A_1526 = vector.broadcast %broadcast_in_dim3A_1525 : f32 to vector<16xf32>
      %eq3A_1527 = arith.cmpf oeq, %broadcast_in_dim3A_1526, %min3A_1034 : vector<16xf32>
      %get3A_1528 = arith.constant 49 : i32
      %get3A_1529 = arith.index_cast %get3A_1528 : i32 to index
      %get3A_1530 = arith.index_cast %mul3A_16 : i32 to index
      %get3A_1531 = tpu.vector_load %arg5[%get3A_1529, %get3A_1530] {strides = array<i32>} : memref<64x1024xf32, #tpu.memory_space<vmem>>, vector<1x16xf32>,
      %get3A_1532 = vector.shape_cast %get3A_1531 : vector<1x16xf32> to vector<16xf32>
      %select_n3A_1533 = arith.select %eq3A_1527, %broadcast_in_dim3A_5, %get3A_1532 : vector<16xi1>, vector<16xf32>
      %max3A_1534 = arith.maximumf %max3A_1524, %select_n3A_1533 : vector<16xf32>
      %broadcast_in_dim3A_1535 = arith.constant 5.000000e+01 : f32
      %broadcast_in_dim3A_1536 = vector.broadcast %broadcast_in_dim3A_1535 : f32 to vector<16xf32>
      %eq3A_1537 = arith.cmpf oeq, %broadcast_in_dim3A_1536, %min3A_1034 : vector<16xf32>
      %get3A_1538 = arith.constant 50 : i32
      %get3A_1539 = arith.index_cast %get3A_1538 : i32 to index
      %get3A_1540 = arith.index_cast %mul3A_16 : i32 to index
      %get3A_1541 = tpu.vector_load %arg5[%get3A_1539, %get3A_1540] {strides = array<i32>} : memref<64x1024xf32, #tpu.memory_space<vmem>>, vector<1x16xf32>,
      %get3A_1542 = vector.shape_cast %get3A_1541 : vector<1x16xf32> to vector<16xf32>
      %select_n3A_1543 = arith.select %eq3A_1537, %broadcast_in_dim3A_5, %get3A_1542 : vector<16xi1>, vector<16xf32>
      %max3A_1544 = arith.maximumf %max3A_1534, %select_n3A_1543 : vector<16xf32>
      %broadcast_in_dim3A_1545 = arith.constant 5.100000e+01 : f32
      %broadcast_in_dim3A_1546 = vector.broadcast %broadcast_in_dim3A_1545 : f32 to vector<16xf32>
      %eq3A_1547 = arith.cmpf oeq, %broadcast_in_dim3A_1546, %min3A_1034 : vector<16xf32>
      %get3A_1548 = arith.constant 51 : i32
      %get3A_1549 = arith.index_cast %get3A_1548 : i32 to index
      %get3A_1550 = arith.index_cast %mul3A_16 : i32 to index
      %get3A_1551 = tpu.vector_load %arg5[%get3A_1549, %get3A_1550] {strides = array<i32>} : memref<64x1024xf32, #tpu.memory_space<vmem>>, vector<1x16xf32>,
      %get3A_1552 = vector.shape_cast %get3A_1551 : vector<1x16xf32> to vector<16xf32>
      %select_n3A_1553 = arith.select %eq3A_1547, %broadcast_in_dim3A_5, %get3A_1552 : vector<16xi1>, vector<16xf32>
      %max3A_1554 = arith.maximumf %max3A_1544, %select_n3A_1553 : vector<16xf32>
      %broadcast_in_dim3A_1555 = arith.constant 5.200000e+01 : f32
      %broadcast_in_dim3A_1556 = vector.broadcast %broadcast_in_dim3A_1555 : f32 to vector<16xf32>
      %eq3A_1557 = arith.cmpf oeq, %broadcast_in_dim3A_1556, %min3A_1034 : vector<16xf32>
      %get3A_1558 = arith.constant 52 : i32
      %get3A_1559 = arith.index_cast %get3A_1558 : i32 to index
      %get3A_1560 = arith.index_cast %mul3A_16 : i32 to index
      %get3A_1561 = tpu.vector_load %arg5[%get3A_1559, %get3A_1560] {strides = array<i32>} : memref<64x1024xf32, #tpu.memory_space<vmem>>, vector<1x16xf32>,
      %get3A_1562 = vector.shape_cast %get3A_1561 : vector<1x16xf32> to vector<16xf32>
      %select_n3A_1563 = arith.select %eq3A_1557, %broadcast_in_dim3A_5, %get3A_1562 : vector<16xi1>, vector<16xf32>
      %max3A_1564 = arith.maximumf %max3A_1554, %select_n3A_1563 : vector<16xf32>
      %broadcast_in_dim3A_1565 = arith.constant 5.300000e+01 : f32
      %broadcast_in_dim3A_1566 = vector.broadcast %broadcast_in_dim3A_1565 : f32 to vector<16xf32>
      %eq3A_1567 = arith.cmpf oeq, %broadcast_in_dim3A_1566, %min3A_1034 : vector<16xf32>
      %get3A_1568 = arith.constant 53 : i32
      %get3A_1569 = arith.index_cast %get3A_1568 : i32 to index
      %get3A_1570 = arith.index_cast %mul3A_16 : i32 to index
      %get3A_1571 = tpu.vector_load %arg5[%get3A_1569, %get3A_1570] {strides = array<i32>} : memref<64x1024xf32, #tpu.memory_space<vmem>>, vector<1x16xf32>,
      %get3A_1572 = vector.shape_cast %get3A_1571 : vector<1x16xf32> to vector<16xf32>
      %select_n3A_1573 = arith.select %eq3A_1567, %broadcast_in_dim3A_5, %get3A_1572 : vector<16xi1>, vector<16xf32>
      %max3A_1574 = arith.maximumf %max3A_1564, %select_n3A_1573 : vector<16xf32>
      %broadcast_in_dim3A_1575 = arith.constant 5.400000e+01 : f32
      %broadcast_in_dim3A_1576 = vector.broadcast %broadcast_in_dim3A_1575 : f32 to vector<16xf32>
      %eq3A_1577 = arith.cmpf oeq, %broadcast_in_dim3A_1576, %min3A_1034 : vector<16xf32>
      %get3A_1578 = arith.constant 54 : i32
      %get3A_1579 = arith.index_cast %get3A_1578 : i32 to index
      %get3A_1580 = arith.index_cast %mul3A_16 : i32 to index
      %get3A_1581 = tpu.vector_load %arg5[%get3A_1579, %get3A_1580] {strides = array<i32>} : memref<64x1024xf32, #tpu.memory_space<vmem>>, vector<1x16xf32>,
      %get3A_1582 = vector.shape_cast %get3A_1581 : vector<1x16xf32> to vector<16xf32>
      %select_n3A_1583 = arith.select %eq3A_1577, %broadcast_in_dim3A_5, %get3A_1582 : vector<16xi1>, vector<16xf32>
      %max3A_1584 = arith.maximumf %max3A_1574, %select_n3A_1583 : vector<16xf32>
      %broadcast_in_dim3A_1585 = arith.constant 5.500000e+01 : f32
      %broadcast_in_dim3A_1586 = vector.broadcast %broadcast_in_dim3A_1585 : f32 to vector<16xf32>
      %eq3A_1587 = arith.cmpf oeq, %broadcast_in_dim3A_1586, %min3A_1034 : vector<16xf32>
      %get3A_1588 = arith.constant 55 : i32
      %get3A_1589 = arith.index_cast %get3A_1588 : i32 to index
      %get3A_1590 = arith.index_cast %mul3A_16 : i32 to index
      %get3A_1591 = tpu.vector_load %arg5[%get3A_1589, %get3A_1590] {strides = array<i32>} : memref<64x1024xf32, #tpu.memory_space<vmem>>, vector<1x16xf32>,
      %get3A_1592 = vector.shape_cast %get3A_1591 : vector<1x16xf32> to vector<16xf32>
      %select_n3A_1593 = arith.select %eq3A_1587, %broadcast_in_dim3A_5, %get3A_1592 : vector<16xi1>, vector<16xf32>
      %max3A_1594 = arith.maximumf %max3A_1584, %select_n3A_1593 : vector<16xf32>
      %broadcast_in_dim3A_1595 = arith.constant 5.600000e+01 : f32
      %broadcast_in_dim3A_1596 = vector.broadcast %broadcast_in_dim3A_1595 : f32 to vector<16xf32>
      %eq3A_1597 = arith.cmpf oeq, %broadcast_in_dim3A_1596, %min3A_1034 : vector<16xf32>
      %get3A_1598 = arith.constant 56 : i32
      %get3A_1599 = arith.index_cast %get3A_1598 : i32 to index
      %get3A_1600 = arith.index_cast %mul3A_16 : i32 to index
      %get3A_1601 = tpu.vector_load %arg5[%get3A_1599, %get3A_1600] {strides = array<i32>} : memref<64x1024xf32, #tpu.memory_space<vmem>>, vector<1x16xf32>,
      %get3A_1602 = vector.shape_cast %get3A_1601 : vector<1x16xf32> to vector<16xf32>
      %select_n3A_1603 = arith.select %eq3A_1597, %broadcast_in_dim3A_5, %get3A_1602 : vector<16xi1>, vector<16xf32>
      %max3A_1604 = arith.maximumf %max3A_1594, %select_n3A_1603 : vector<16xf32>
      %broadcast_in_dim3A_1605 = arith.constant 5.700000e+01 : f32
      %broadcast_in_dim3A_1606 = vector.broadcast %broadcast_in_dim3A_1605 : f32 to vector<16xf32>
      %eq3A_1607 = arith.cmpf oeq, %broadcast_in_dim3A_1606, %min3A_1034 : vector<16xf32>
      %get3A_1608 = arith.constant 57 : i32
      %get3A_1609 = arith.index_cast %get3A_1608 : i32 to index
      %get3A_1610 = arith.index_cast %mul3A_16 : i32 to index
      %get3A_1611 = tpu.vector_load %arg5[%get3A_1609, %get3A_1610] {strides = array<i32>} : memref<64x1024xf32, #tpu.memory_space<vmem>>, vector<1x16xf32>,
      %get3A_1612 = vector.shape_cast %get3A_1611 : vector<1x16xf32> to vector<16xf32>
      %select_n3A_1613 = arith.select %eq3A_1607, %broadcast_in_dim3A_5, %get3A_1612 : vector<16xi1>, vector<16xf32>
      %max3A_1614 = arith.maximumf %max3A_1604, %select_n3A_1613 : vector<16xf32>
      %broadcast_in_dim3A_1615 = arith.constant 5.800000e+01 : f32
      %broadcast_in_dim3A_1616 = vector.broadcast %broadcast_in_dim3A_1615 : f32 to vector<16xf32>
      %eq3A_1617 = arith.cmpf oeq, %broadcast_in_dim3A_1616, %min3A_1034 : vector<16xf32>
      %get3A_1618 = arith.constant 58 : i32
      %get3A_1619 = arith.index_cast %get3A_1618 : i32 to index
      %get3A_1620 = arith.index_cast %mul3A_16 : i32 to index
      %get3A_1621 = tpu.vector_load %arg5[%get3A_1619, %get3A_1620] {strides = array<i32>} : memref<64x1024xf32, #tpu.memory_space<vmem>>, vector<1x16xf32>,
      %get3A_1622 = vector.shape_cast %get3A_1621 : vector<1x16xf32> to vector<16xf32>
      %select_n3A_1623 = arith.select %eq3A_1617, %broadcast_in_dim3A_5, %get3A_1622 : vector<16xi1>, vector<16xf32>
      %max3A_1624 = arith.maximumf %max3A_1614, %select_n3A_1623 : vector<16xf32>
      %broadcast_in_dim3A_1625 = arith.constant 5.900000e+01 : f32
      %broadcast_in_dim3A_1626 = vector.broadcast %broadcast_in_dim3A_1625 : f32 to vector<16xf32>
      %eq3A_1627 = arith.cmpf oeq, %broadcast_in_dim3A_1626, %min3A_1034 : vector<16xf32>
      %get3A_1628 = arith.constant 59 : i32
      %get3A_1629 = arith.index_cast %get3A_1628 : i32 to index
      %get3A_1630 = arith.index_cast %mul3A_16 : i32 to index
      %get3A_1631 = tpu.vector_load %arg5[%get3A_1629, %get3A_1630] {strides = array<i32>} : memref<64x1024xf32, #tpu.memory_space<vmem>>, vector<1x16xf32>,
      %get3A_1632 = vector.shape_cast %get3A_1631 : vector<1x16xf32> to vector<16xf32>
      %select_n3A_1633 = arith.select %eq3A_1627, %broadcast_in_dim3A_5, %get3A_1632 : vector<16xi1>, vector<16xf32>
      %max3A_1634 = arith.maximumf %max3A_1624, %select_n3A_1633 : vector<16xf32>
      %broadcast_in_dim3A_1635 = arith.constant 6.000000e+01 : f32
      %broadcast_in_dim3A_1636 = vector.broadcast %broadcast_in_dim3A_1635 : f32 to vector<16xf32>
      %eq3A_1637 = arith.cmpf oeq, %broadcast_in_dim3A_1636, %min3A_1034 : vector<16xf32>
      %get3A_1638 = arith.constant 60 : i32
      %get3A_1639 = arith.index_cast %get3A_1638 : i32 to index
      %get3A_1640 = arith.index_cast %mul3A_16 : i32 to index
      %get3A_1641 = tpu.vector_load %arg5[%get3A_1639, %get3A_1640] {strides = array<i32>} : memref<64x1024xf32, #tpu.memory_space<vmem>>, vector<1x16xf32>,
      %get3A_1642 = vector.shape_cast %get3A_1641 : vector<1x16xf32> to vector<16xf32>
      %select_n3A_1643 = arith.select %eq3A_1637, %broadcast_in_dim3A_5, %get3A_1642 : vector<16xi1>, vector<16xf32>
      %max3A_1644 = arith.maximumf %max3A_1634, %select_n3A_1643 : vector<16xf32>
      %broadcast_in_dim3A_1645 = arith.constant 6.100000e+01 : f32
      %broadcast_in_dim3A_1646 = vector.broadcast %broadcast_in_dim3A_1645 : f32 to vector<16xf32>
      %eq3A_1647 = arith.cmpf oeq, %broadcast_in_dim3A_1646, %min3A_1034 : vector<16xf32>
      %get3A_1648 = arith.constant 61 : i32
      %get3A_1649 = arith.index_cast %get3A_1648 : i32 to index
      %get3A_1650 = arith.index_cast %mul3A_16 : i32 to index
      %get3A_1651 = tpu.vector_load %arg5[%get3A_1649, %get3A_1650] {strides = array<i32>} : memref<64x1024xf32, #tpu.memory_space<vmem>>, vector<1x16xf32>,
      %get3A_1652 = vector.shape_cast %get3A_1651 : vector<1x16xf32> to vector<16xf32>
      %select_n3A_1653 = arith.select %eq3A_1647, %broadcast_in_dim3A_5, %get3A_1652 : vector<16xi1>, vector<16xf32>
      %max3A_1654 = arith.maximumf %max3A_1644, %select_n3A_1653 : vector<16xf32>
      %broadcast_in_dim3A_1655 = arith.constant 6.200000e+01 : f32
      %broadcast_in_dim3A_1656 = vector.broadcast %broadcast_in_dim3A_1655 : f32 to vector<16xf32>
      %eq3A_1657 = arith.cmpf oeq, %broadcast_in_dim3A_1656, %min3A_1034 : vector<16xf32>
      %get3A_1658 = arith.constant 62 : i32
      %get3A_1659 = arith.index_cast %get3A_1658 : i32 to index
      %get3A_1660 = arith.index_cast %mul3A_16 : i32 to index
      %get3A_1661 = tpu.vector_load %arg5[%get3A_1659, %get3A_1660] {strides = array<i32>} : memref<64x1024xf32, #tpu.memory_space<vmem>>, vector<1x16xf32>,
      %get3A_1662 = vector.shape_cast %get3A_1661 : vector<1x16xf32> to vector<16xf32>
      %select_n3A_1663 = arith.select %eq3A_1657, %broadcast_in_dim3A_5, %get3A_1662 : vector<16xi1>, vector<16xf32>
      %max3A_1664 = arith.maximumf %max3A_1654, %select_n3A_1663 : vector<16xf32>
      %broadcast_in_dim3A_1665 = arith.constant 6.300000e+01 : f32
      %broadcast_in_dim3A_1666 = vector.broadcast %broadcast_in_dim3A_1665 : f32 to vector<16xf32>
      %eq3A_1667 = arith.cmpf oeq, %broadcast_in_dim3A_1666, %min3A_1034 : vector<16xf32>
      %get3A_1668 = arith.constant 63 : i32
      %get3A_1669 = arith.index_cast %get3A_1668 : i32 to index
      %get3A_1670 = arith.index_cast %mul3A_16 : i32 to index
      %get3A_1671 = tpu.vector_load %arg5[%get3A_1669, %get3A_1670] {strides = array<i32>} : memref<64x1024xf32, #tpu.memory_space<vmem>>, vector<1x16xf32>,
      %get3A_1672 = vector.shape_cast %get3A_1671 : vector<1x16xf32> to vector<16xf32>
      %select_n3A_1673 = arith.select %eq3A_1667, %broadcast_in_dim3A_5, %get3A_1672 : vector<16xi1>, vector<16xf32>
      %max3A_1674 = arith.maximumf %max3A_1664, %select_n3A_1673 : vector<16xf32>
      %broadcast_in_dim3A_1675 = arith.constant 0.000000e+00 : f32
      %broadcast_in_dim3A_1676 = vector.broadcast %broadcast_in_dim3A_1675 : f32 to vector<16xf32>
      %get3A_1677 = arith.constant 0 : i32
      %get3A_1678 = arith.index_cast %get3A_1677 : i32 to index
      %get3A_1679 = arith.index_cast %mul3A_16 : i32 to index
      %get3A_1680 = tpu.vector_load %arg5[%get3A_1678, %get3A_1679] {strides = array<i32>} : memref<64x1024xf32, #tpu.memory_space<vmem>>, vector<1x16xf32>,
      %get3A_1681 = vector.shape_cast %get3A_1680 : vector<1x16xf32> to vector<16xf32>
      %eq3A_1682 = arith.cmpf oeq, %get3A_1681, %max3A_1674 : vector<16xf32>
      %ne3A = arith.cmpf one, %broadcast_in_dim3A_1676, %min3A_1034 : vector<16xf32>
      %and3A = arith.andi %eq3A_1682, %ne3A : vector<16xi1>
      %select_n3A_1683 = arith.select %and3A, %broadcast_in_dim3A_1676, %broadcast_in_dim3A_3 : vector<16xi1>, vector<16xf32>
      %min3A_1684 = arith.minimumf %broadcast_in_dim3A_3, %select_n3A_1683 : vector<16xf32>
      %broadcast_in_dim3A_1685 = arith.constant 1.000000e+00 : f32
      %broadcast_in_dim3A_1686 = vector.broadcast %broadcast_in_dim3A_1685 : f32 to vector<16xf32>
      %get3A_1687 = arith.constant 1 : i32
      %get3A_1688 = arith.index_cast %get3A_1687 : i32 to index
      %get3A_1689 = arith.index_cast %mul3A_16 : i32 to index
      %get3A_1690 = tpu.vector_load %arg5[%get3A_1688, %get3A_1689] {strides = array<i32>} : memref<64x1024xf32, #tpu.memory_space<vmem>>, vector<1x16xf32>,
      %get3A_1691 = vector.shape_cast %get3A_1690 : vector<1x16xf32> to vector<16xf32>
      %eq3A_1692 = arith.cmpf oeq, %get3A_1691, %max3A_1674 : vector<16xf32>
      %ne3A_1693 = arith.cmpf one, %broadcast_in_dim3A_1686, %min3A_1034 : vector<16xf32>
      %and3A_1694 = arith.andi %eq3A_1692, %ne3A_1693 : vector<16xi1>
      %select_n3A_1695 = arith.select %and3A_1694, %broadcast_in_dim3A_1686, %broadcast_in_dim3A_3 : vector<16xi1>, vector<16xf32>
      %min3A_1696 = arith.minimumf %min3A_1684, %select_n3A_1695 : vector<16xf32>
      %broadcast_in_dim3A_1697 = arith.constant 2.000000e+00 : f32
      %broadcast_in_dim3A_1698 = vector.broadcast %broadcast_in_dim3A_1697 : f32 to vector<16xf32>
      %get3A_1699 = arith.constant 2 : i32
      %get3A_1700 = arith.index_cast %get3A_1699 : i32 to index
      %get3A_1701 = arith.index_cast %mul3A_16 : i32 to index
      %get3A_1702 = tpu.vector_load %arg5[%get3A_1700, %get3A_1701] {strides = array<i32>} : memref<64x1024xf32, #tpu.memory_space<vmem>>, vector<1x16xf32>,
      %get3A_1703 = vector.shape_cast %get3A_1702 : vector<1x16xf32> to vector<16xf32>
      %eq3A_1704 = arith.cmpf oeq, %get3A_1703, %max3A_1674 : vector<16xf32>
      %ne3A_1705 = arith.cmpf one, %broadcast_in_dim3A_1698, %min3A_1034 : vector<16xf32>
      %and3A_1706 = arith.andi %eq3A_1704, %ne3A_1705 : vector<16xi1>
      %select_n3A_1707 = arith.select %and3A_1706, %broadcast_in_dim3A_1698, %broadcast_in_dim3A_3 : vector<16xi1>, vector<16xf32>
      %min3A_1708 = arith.minimumf %min3A_1696, %select_n3A_1707 : vector<16xf32>
      %broadcast_in_dim3A_1709 = arith.constant 3.000000e+00 : f32
      %broadcast_in_dim3A_1710 = vector.broadcast %broadcast_in_dim3A_1709 : f32 to vector<16xf32>
      %get3A_1711 = arith.constant 3 : i32
      %get3A_1712 = arith.index_cast %get3A_1711 : i32 to index
      %get3A_1713 = arith.index_cast %mul3A_16 : i32 to index
      %get3A_1714 = tpu.vector_load %arg5[%get3A_1712, %get3A_1713] {strides = array<i32>} : memref<64x1024xf32, #tpu.memory_space<vmem>>, vector<1x16xf32>,
      %get3A_1715 = vector.shape_cast %get3A_1714 : vector<1x16xf32> to vector<16xf32>
      %eq3A_1716 = arith.cmpf oeq, %get3A_1715, %max3A_1674 : vector<16xf32>
      %ne3A_1717 = arith.cmpf one, %broadcast_in_dim3A_1710, %min3A_1034 : vector<16xf32>
      %and3A_1718 = arith.andi %eq3A_1716, %ne3A_1717 : vector<16xi1>
      %select_n3A_1719 = arith.select %and3A_1718, %broadcast_in_dim3A_1710, %broadcast_in_dim3A_3 : vector<16xi1>, vector<16xf32>
      %min3A_1720 = arith.minimumf %min3A_1708, %select_n3A_1719 : vector<16xf32>
      %broadcast_in_dim3A_1721 = arith.constant 4.000000e+00 : f32
      %broadcast_in_dim3A_1722 = vector.broadcast %broadcast_in_dim3A_1721 : f32 to vector<16xf32>
      %get3A_1723 = arith.constant 4 : i32
      %get3A_1724 = arith.index_cast %get3A_1723 : i32 to index
      %get3A_1725 = arith.index_cast %mul3A_16 : i32 to index
      %get3A_1726 = tpu.vector_load %arg5[%get3A_1724, %get3A_1725] {strides = array<i32>} : memref<64x1024xf32, #tpu.memory_space<vmem>>, vector<1x16xf32>,
      %get3A_1727 = vector.shape_cast %get3A_1726 : vector<1x16xf32> to vector<16xf32>
      %eq3A_1728 = arith.cmpf oeq, %get3A_1727, %max3A_1674 : vector<16xf32>
      %ne3A_1729 = arith.cmpf one, %broadcast_in_dim3A_1722, %min3A_1034 : vector<16xf32>
      %and3A_1730 = arith.andi %eq3A_1728, %ne3A_1729 : vector<16xi1>
      %select_n3A_1731 = arith.select %and3A_1730, %broadcast_in_dim3A_1722, %broadcast_in_dim3A_3 : vector<16xi1>, vector<16xf32>
      %min3A_1732 = arith.minimumf %min3A_1720, %select_n3A_1731 : vector<16xf32>
      %broadcast_in_dim3A_1733 = arith.constant 5.000000e+00 : f32
      %broadcast_in_dim3A_1734 = vector.broadcast %broadcast_in_dim3A_1733 : f32 to vector<16xf32>
      %get3A_1735 = arith.constant 5 : i32
      %get3A_1736 = arith.index_cast %get3A_1735 : i32 to index
      %get3A_1737 = arith.index_cast %mul3A_16 : i32 to index
      %get3A_1738 = tpu.vector_load %arg5[%get3A_1736, %get3A_1737] {strides = array<i32>} : memref<64x1024xf32, #tpu.memory_space<vmem>>, vector<1x16xf32>,
      %get3A_1739 = vector.shape_cast %get3A_1738 : vector<1x16xf32> to vector<16xf32>
      %eq3A_1740 = arith.cmpf oeq, %get3A_1739, %max3A_1674 : vector<16xf32>
      %ne3A_1741 = arith.cmpf one, %broadcast_in_dim3A_1734, %min3A_1034 : vector<16xf32>
      %and3A_1742 = arith.andi %eq3A_1740, %ne3A_1741 : vector<16xi1>
      %select_n3A_1743 = arith.select %and3A_1742, %broadcast_in_dim3A_1734, %broadcast_in_dim3A_3 : vector<16xi1>, vector<16xf32>
      %min3A_1744 = arith.minimumf %min3A_1732, %select_n3A_1743 : vector<16xf32>
      %broadcast_in_dim3A_1745 = arith.constant 6.000000e+00 : f32
      %broadcast_in_dim3A_1746 = vector.broadcast %broadcast_in_dim3A_1745 : f32 to vector<16xf32>
      %get3A_1747 = arith.constant 6 : i32
      %get3A_1748 = arith.index_cast %get3A_1747 : i32 to index
      %get3A_1749 = arith.index_cast %mul3A_16 : i32 to index
      %get3A_1750 = tpu.vector_load %arg5[%get3A_1748, %get3A_1749] {strides = array<i32>} : memref<64x1024xf32, #tpu.memory_space<vmem>>, vector<1x16xf32>,
      %get3A_1751 = vector.shape_cast %get3A_1750 : vector<1x16xf32> to vector<16xf32>
      %eq3A_1752 = arith.cmpf oeq, %get3A_1751, %max3A_1674 : vector<16xf32>
      %ne3A_1753 = arith.cmpf one, %broadcast_in_dim3A_1746, %min3A_1034 : vector<16xf32>
      %and3A_1754 = arith.andi %eq3A_1752, %ne3A_1753 : vector<16xi1>
      %select_n3A_1755 = arith.select %and3A_1754, %broadcast_in_dim3A_1746, %broadcast_in_dim3A_3 : vector<16xi1>, vector<16xf32>
      %min3A_1756 = arith.minimumf %min3A_1744, %select_n3A_1755 : vector<16xf32>
      %broadcast_in_dim3A_1757 = arith.constant 7.000000e+00 : f32
      %broadcast_in_dim3A_1758 = vector.broadcast %broadcast_in_dim3A_1757 : f32 to vector<16xf32>
      %get3A_1759 = arith.constant 7 : i32
      %get3A_1760 = arith.index_cast %get3A_1759 : i32 to index
      %get3A_1761 = arith.index_cast %mul3A_16 : i32 to index
      %get3A_1762 = tpu.vector_load %arg5[%get3A_1760, %get3A_1761] {strides = array<i32>} : memref<64x1024xf32, #tpu.memory_space<vmem>>, vector<1x16xf32>,
      %get3A_1763 = vector.shape_cast %get3A_1762 : vector<1x16xf32> to vector<16xf32>
      %eq3A_1764 = arith.cmpf oeq, %get3A_1763, %max3A_1674 : vector<16xf32>
      %ne3A_1765 = arith.cmpf one, %broadcast_in_dim3A_1758, %min3A_1034 : vector<16xf32>
      %and3A_1766 = arith.andi %eq3A_1764, %ne3A_1765 : vector<16xi1>
      %select_n3A_1767 = arith.select %and3A_1766, %broadcast_in_dim3A_1758, %broadcast_in_dim3A_3 : vector<16xi1>, vector<16xf32>
      %min3A_1768 = arith.minimumf %min3A_1756, %select_n3A_1767 : vector<16xf32>
      %broadcast_in_dim3A_1769 = arith.constant 8.000000e+00 : f32
      %broadcast_in_dim3A_1770 = vector.broadcast %broadcast_in_dim3A_1769 : f32 to vector<16xf32>
      %get3A_1771 = arith.constant 8 : i32
      %get3A_1772 = arith.index_cast %get3A_1771 : i32 to index
      %get3A_1773 = arith.index_cast %mul3A_16 : i32 to index
      %get3A_1774 = tpu.vector_load %arg5[%get3A_1772, %get3A_1773] {strides = array<i32>} : memref<64x1024xf32, #tpu.memory_space<vmem>>, vector<1x16xf32>,
      %get3A_1775 = vector.shape_cast %get3A_1774 : vector<1x16xf32> to vector<16xf32>
      %eq3A_1776 = arith.cmpf oeq, %get3A_1775, %max3A_1674 : vector<16xf32>
      %ne3A_1777 = arith.cmpf one, %broadcast_in_dim3A_1770, %min3A_1034 : vector<16xf32>
      %and3A_1778 = arith.andi %eq3A_1776, %ne3A_1777 : vector<16xi1>
      %select_n3A_1779 = arith.select %and3A_1778, %broadcast_in_dim3A_1770, %broadcast_in_dim3A_3 : vector<16xi1>, vector<16xf32>
      %min3A_1780 = arith.minimumf %min3A_1768, %select_n3A_1779 : vector<16xf32>
      %broadcast_in_dim3A_1781 = arith.constant 9.000000e+00 : f32
      %broadcast_in_dim3A_1782 = vector.broadcast %broadcast_in_dim3A_1781 : f32 to vector<16xf32>
      %get3A_1783 = arith.constant 9 : i32
      %get3A_1784 = arith.index_cast %get3A_1783 : i32 to index
      %get3A_1785 = arith.index_cast %mul3A_16 : i32 to index
      %get3A_1786 = tpu.vector_load %arg5[%get3A_1784, %get3A_1785] {strides = array<i32>} : memref<64x1024xf32, #tpu.memory_space<vmem>>, vector<1x16xf32>,
      %get3A_1787 = vector.shape_cast %get3A_1786 : vector<1x16xf32> to vector<16xf32>
      %eq3A_1788 = arith.cmpf oeq, %get3A_1787, %max3A_1674 : vector<16xf32>
      %ne3A_1789 = arith.cmpf one, %broadcast_in_dim3A_1782, %min3A_1034 : vector<16xf32>
      %and3A_1790 = arith.andi %eq3A_1788, %ne3A_1789 : vector<16xi1>
      %select_n3A_1791 = arith.select %and3A_1790, %broadcast_in_dim3A_1782, %broadcast_in_dim3A_3 : vector<16xi1>, vector<16xf32>
      %min3A_1792 = arith.minimumf %min3A_1780, %select_n3A_1791 : vector<16xf32>
      %broadcast_in_dim3A_1793 = arith.constant 1.000000e+01 : f32
      %broadcast_in_dim3A_1794 = vector.broadcast %broadcast_in_dim3A_1793 : f32 to vector<16xf32>
      %get3A_1795 = arith.constant 10 : i32
      %get3A_1796 = arith.index_cast %get3A_1795 : i32 to index
      %get3A_1797 = arith.index_cast %mul3A_16 : i32 to index
      %get3A_1798 = tpu.vector_load %arg5[%get3A_1796, %get3A_1797] {strides = array<i32>} : memref<64x1024xf32, #tpu.memory_space<vmem>>, vector<1x16xf32>,
      %get3A_1799 = vector.shape_cast %get3A_1798 : vector<1x16xf32> to vector<16xf32>
      %eq3A_1800 = arith.cmpf oeq, %get3A_1799, %max3A_1674 : vector<16xf32>
      %ne3A_1801 = arith.cmpf one, %broadcast_in_dim3A_1794, %min3A_1034 : vector<16xf32>
      %and3A_1802 = arith.andi %eq3A_1800, %ne3A_1801 : vector<16xi1>
      %select_n3A_1803 = arith.select %and3A_1802, %broadcast_in_dim3A_1794, %broadcast_in_dim3A_3 : vector<16xi1>, vector<16xf32>
      %min3A_1804 = arith.minimumf %min3A_1792, %select_n3A_1803 : vector<16xf32>
      %broadcast_in_dim3A_1805 = arith.constant 1.100000e+01 : f32
      %broadcast_in_dim3A_1806 = vector.broadcast %broadcast_in_dim3A_1805 : f32 to vector<16xf32>
      %get3A_1807 = arith.constant 11 : i32
      %get3A_1808 = arith.index_cast %get3A_1807 : i32 to index
      %get3A_1809 = arith.index_cast %mul3A_16 : i32 to index
      %get3A_1810 = tpu.vector_load %arg5[%get3A_1808, %get3A_1809] {strides = array<i32>} : memref<64x1024xf32, #tpu.memory_space<vmem>>, vector<1x16xf32>,
      %get3A_1811 = vector.shape_cast %get3A_1810 : vector<1x16xf32> to vector<16xf32>
      %eq3A_1812 = arith.cmpf oeq, %get3A_1811, %max3A_1674 : vector<16xf32>
      %ne3A_1813 = arith.cmpf one, %broadcast_in_dim3A_1806, %min3A_1034 : vector<16xf32>
      %and3A_1814 = arith.andi %eq3A_1812, %ne3A_1813 : vector<16xi1>
      %select_n3A_1815 = arith.select %and3A_1814, %broadcast_in_dim3A_1806, %broadcast_in_dim3A_3 : vector<16xi1>, vector<16xf32>
      %min3A_1816 = arith.minimumf %min3A_1804, %select_n3A_1815 : vector<16xf32>
      %broadcast_in_dim3A_1817 = arith.constant 1.200000e+01 : f32
      %broadcast_in_dim3A_1818 = vector.broadcast %broadcast_in_dim3A_1817 : f32 to vector<16xf32>
      %get3A_1819 = arith.constant 12 : i32
      %get3A_1820 = arith.index_cast %get3A_1819 : i32 to index
      %get3A_1821 = arith.index_cast %mul3A_16 : i32 to index
      %get3A_1822 = tpu.vector_load %arg5[%get3A_1820, %get3A_1821] {strides = array<i32>} : memref<64x1024xf32, #tpu.memory_space<vmem>>, vector<1x16xf32>,
      %get3A_1823 = vector.shape_cast %get3A_1822 : vector<1x16xf32> to vector<16xf32>
      %eq3A_1824 = arith.cmpf oeq, %get3A_1823, %max3A_1674 : vector<16xf32>
      %ne3A_1825 = arith.cmpf one, %broadcast_in_dim3A_1818, %min3A_1034 : vector<16xf32>
      %and3A_1826 = arith.andi %eq3A_1824, %ne3A_1825 : vector<16xi1>
      %select_n3A_1827 = arith.select %and3A_1826, %broadcast_in_dim3A_1818, %broadcast_in_dim3A_3 : vector<16xi1>, vector<16xf32>
      %min3A_1828 = arith.minimumf %min3A_1816, %select_n3A_1827 : vector<16xf32>
      %broadcast_in_dim3A_1829 = arith.constant 1.300000e+01 : f32
      %broadcast_in_dim3A_1830 = vector.broadcast %broadcast_in_dim3A_1829 : f32 to vector<16xf32>
      %get3A_1831 = arith.constant 13 : i32
      %get3A_1832 = arith.index_cast %get3A_1831 : i32 to index
      %get3A_1833 = arith.index_cast %mul3A_16 : i32 to index
      %get3A_1834 = tpu.vector_load %arg5[%get3A_1832, %get3A_1833] {strides = array<i32>} : memref<64x1024xf32, #tpu.memory_space<vmem>>, vector<1x16xf32>,
      %get3A_1835 = vector.shape_cast %get3A_1834 : vector<1x16xf32> to vector<16xf32>
      %eq3A_1836 = arith.cmpf oeq, %get3A_1835, %max3A_1674 : vector<16xf32>
      %ne3A_1837 = arith.cmpf one, %broadcast_in_dim3A_1830, %min3A_1034 : vector<16xf32>
      %and3A_1838 = arith.andi %eq3A_1836, %ne3A_1837 : vector<16xi1>
      %select_n3A_1839 = arith.select %and3A_1838, %broadcast_in_dim3A_1830, %broadcast_in_dim3A_3 : vector<16xi1>, vector<16xf32>
      %min3A_1840 = arith.minimumf %min3A_1828, %select_n3A_1839 : vector<16xf32>
      %broadcast_in_dim3A_1841 = arith.constant 1.400000e+01 : f32
      %broadcast_in_dim3A_1842 = vector.broadcast %broadcast_in_dim3A_1841 : f32 to vector<16xf32>
      %get3A_1843 = arith.constant 14 : i32
      %get3A_1844 = arith.index_cast %get3A_1843 : i32 to index
      %get3A_1845 = arith.index_cast %mul3A_16 : i32 to index
      %get3A_1846 = tpu.vector_load %arg5[%get3A_1844, %get3A_1845] {strides = array<i32>} : memref<64x1024xf32, #tpu.memory_space<vmem>>, vector<1x16xf32>,
      %get3A_1847 = vector.shape_cast %get3A_1846 : vector<1x16xf32> to vector<16xf32>
      %eq3A_1848 = arith.cmpf oeq, %get3A_1847, %max3A_1674 : vector<16xf32>
      %ne3A_1849 = arith.cmpf one, %broadcast_in_dim3A_1842, %min3A_1034 : vector<16xf32>
      %and3A_1850 = arith.andi %eq3A_1848, %ne3A_1849 : vector<16xi1>
      %select_n3A_1851 = arith.select %and3A_1850, %broadcast_in_dim3A_1842, %broadcast_in_dim3A_3 : vector<16xi1>, vector<16xf32>
      %min3A_1852 = arith.minimumf %min3A_1840, %select_n3A_1851 : vector<16xf32>
      %broadcast_in_dim3A_1853 = arith.constant 1.500000e+01 : f32
      %broadcast_in_dim3A_1854 = vector.broadcast %broadcast_in_dim3A_1853 : f32 to vector<16xf32>
      %get3A_1855 = arith.constant 15 : i32
      %get3A_1856 = arith.index_cast %get3A_1855 : i32 to index
      %get3A_1857 = arith.index_cast %mul3A_16 : i32 to index
      %get3A_1858 = tpu.vector_load %arg5[%get3A_1856, %get3A_1857] {strides = array<i32>} : memref<64x1024xf32, #tpu.memory_space<vmem>>, vector<1x16xf32>,
      %get3A_1859 = vector.shape_cast %get3A_1858 : vector<1x16xf32> to vector<16xf32>
      %eq3A_1860 = arith.cmpf oeq, %get3A_1859, %max3A_1674 : vector<16xf32>
      %ne3A_1861 = arith.cmpf one, %broadcast_in_dim3A_1854, %min3A_1034 : vector<16xf32>
      %and3A_1862 = arith.andi %eq3A_1860, %ne3A_1861 : vector<16xi1>
      %select_n3A_1863 = arith.select %and3A_1862, %broadcast_in_dim3A_1854, %broadcast_in_dim3A_3 : vector<16xi1>, vector<16xf32>
      %min3A_1864 = arith.minimumf %min3A_1852, %select_n3A_1863 : vector<16xf32>
      %broadcast_in_dim3A_1865 = arith.constant 1.600000e+01 : f32
      %broadcast_in_dim3A_1866 = vector.broadcast %broadcast_in_dim3A_1865 : f32 to vector<16xf32>
      %get3A_1867 = arith.constant 16 : i32
      %get3A_1868 = arith.index_cast %get3A_1867 : i32 to index
      %get3A_1869 = arith.index_cast %mul3A_16 : i32 to index
      %get3A_1870 = tpu.vector_load %arg5[%get3A_1868, %get3A_1869] {strides = array<i32>} : memref<64x1024xf32, #tpu.memory_space<vmem>>, vector<1x16xf32>,
      %get3A_1871 = vector.shape_cast %get3A_1870 : vector<1x16xf32> to vector<16xf32>
      %eq3A_1872 = arith.cmpf oeq, %get3A_1871, %max3A_1674 : vector<16xf32>
      %ne3A_1873 = arith.cmpf one, %broadcast_in_dim3A_1866, %min3A_1034 : vector<16xf32>
      %and3A_1874 = arith.andi %eq3A_1872, %ne3A_1873 : vector<16xi1>
      %select_n3A_1875 = arith.select %and3A_1874, %broadcast_in_dim3A_1866, %broadcast_in_dim3A_3 : vector<16xi1>, vector<16xf32>
      %min3A_1876 = arith.minimumf %min3A_1864, %select_n3A_1875 : vector<16xf32>
      %broadcast_in_dim3A_1877 = arith.constant 1.700000e+01 : f32
      %broadcast_in_dim3A_1878 = vector.broadcast %broadcast_in_dim3A_1877 : f32 to vector<16xf32>
      %get3A_1879 = arith.constant 17 : i32
      %get3A_1880 = arith.index_cast %get3A_1879 : i32 to index
      %get3A_1881 = arith.index_cast %mul3A_16 : i32 to index
      %get3A_1882 = tpu.vector_load %arg5[%get3A_1880, %get3A_1881] {strides = array<i32>} : memref<64x1024xf32, #tpu.memory_space<vmem>>, vector<1x16xf32>,
      %get3A_1883 = vector.shape_cast %get3A_1882 : vector<1x16xf32> to vector<16xf32>
      %eq3A_1884 = arith.cmpf oeq, %get3A_1883, %max3A_1674 : vector<16xf32>
      %ne3A_1885 = arith.cmpf one, %broadcast_in_dim3A_1878, %min3A_1034 : vector<16xf32>
      %and3A_1886 = arith.andi %eq3A_1884, %ne3A_1885 : vector<16xi1>
      %select_n3A_1887 = arith.select %and3A_1886, %broadcast_in_dim3A_1878, %broadcast_in_dim3A_3 : vector<16xi1>, vector<16xf32>
      %min3A_1888 = arith.minimumf %min3A_1876, %select_n3A_1887 : vector<16xf32>
      %broadcast_in_dim3A_1889 = arith.constant 1.800000e+01 : f32
      %broadcast_in_dim3A_1890 = vector.broadcast %broadcast_in_dim3A_1889 : f32 to vector<16xf32>
      %get3A_1891 = arith.constant 18 : i32
      %get3A_1892 = arith.index_cast %get3A_1891 : i32 to index
      %get3A_1893 = arith.index_cast %mul3A_16 : i32 to index
      %get3A_1894 = tpu.vector_load %arg5[%get3A_1892, %get3A_1893] {strides = array<i32>} : memref<64x1024xf32, #tpu.memory_space<vmem>>, vector<1x16xf32>,
      %get3A_1895 = vector.shape_cast %get3A_1894 : vector<1x16xf32> to vector<16xf32>
      %eq3A_1896 = arith.cmpf oeq, %get3A_1895, %max3A_1674 : vector<16xf32>
      %ne3A_1897 = arith.cmpf one, %broadcast_in_dim3A_1890, %min3A_1034 : vector<16xf32>
      %and3A_1898 = arith.andi %eq3A_1896, %ne3A_1897 : vector<16xi1>
      %select_n3A_1899 = arith.select %and3A_1898, %broadcast_in_dim3A_1890, %broadcast_in_dim3A_3 : vector<16xi1>, vector<16xf32>
      %min3A_1900 = arith.minimumf %min3A_1888, %select_n3A_1899 : vector<16xf32>
      %broadcast_in_dim3A_1901 = arith.constant 1.900000e+01 : f32
      %broadcast_in_dim3A_1902 = vector.broadcast %broadcast_in_dim3A_1901 : f32 to vector<16xf32>
      %get3A_1903 = arith.constant 19 : i32
      %get3A_1904 = arith.index_cast %get3A_1903 : i32 to index
      %get3A_1905 = arith.index_cast %mul3A_16 : i32 to index
      %get3A_1906 = tpu.vector_load %arg5[%get3A_1904, %get3A_1905] {strides = array<i32>} : memref<64x1024xf32, #tpu.memory_space<vmem>>, vector<1x16xf32>,
      %get3A_1907 = vector.shape_cast %get3A_1906 : vector<1x16xf32> to vector<16xf32>
      %eq3A_1908 = arith.cmpf oeq, %get3A_1907, %max3A_1674 : vector<16xf32>
      %ne3A_1909 = arith.cmpf one, %broadcast_in_dim3A_1902, %min3A_1034 : vector<16xf32>
      %and3A_1910 = arith.andi %eq3A_1908, %ne3A_1909 : vector<16xi1>
      %select_n3A_1911 = arith.select %and3A_1910, %broadcast_in_dim3A_1902, %broadcast_in_dim3A_3 : vector<16xi1>, vector<16xf32>
      %min3A_1912 = arith.minimumf %min3A_1900, %select_n3A_1911 : vector<16xf32>
      %broadcast_in_dim3A_1913 = arith.constant 2.000000e+01 : f32
      %broadcast_in_dim3A_1914 = vector.broadcast %broadcast_in_dim3A_1913 : f32 to vector<16xf32>
      %get3A_1915 = arith.constant 20 : i32
      %get3A_1916 = arith.index_cast %get3A_1915 : i32 to index
      %get3A_1917 = arith.index_cast %mul3A_16 : i32 to index
      %get3A_1918 = tpu.vector_load %arg5[%get3A_1916, %get3A_1917] {strides = array<i32>} : memref<64x1024xf32, #tpu.memory_space<vmem>>, vector<1x16xf32>,
      %get3A_1919 = vector.shape_cast %get3A_1918 : vector<1x16xf32> to vector<16xf32>
      %eq3A_1920 = arith.cmpf oeq, %get3A_1919, %max3A_1674 : vector<16xf32>
      %ne3A_1921 = arith.cmpf one, %broadcast_in_dim3A_1914, %min3A_1034 : vector<16xf32>
      %and3A_1922 = arith.andi %eq3A_1920, %ne3A_1921 : vector<16xi1>
      %select_n3A_1923 = arith.select %and3A_1922, %broadcast_in_dim3A_1914, %broadcast_in_dim3A_3 : vector<16xi1>, vector<16xf32>
      %min3A_1924 = arith.minimumf %min3A_1912, %select_n3A_1923 : vector<16xf32>
      %broadcast_in_dim3A_1925 = arith.constant 2.100000e+01 : f32
      %broadcast_in_dim3A_1926 = vector.broadcast %broadcast_in_dim3A_1925 : f32 to vector<16xf32>
      %get3A_1927 = arith.constant 21 : i32
      %get3A_1928 = arith.index_cast %get3A_1927 : i32 to index
      %get3A_1929 = arith.index_cast %mul3A_16 : i32 to index
      %get3A_1930 = tpu.vector_load %arg5[%get3A_1928, %get3A_1929] {strides = array<i32>} : memref<64x1024xf32, #tpu.memory_space<vmem>>, vector<1x16xf32>,
      %get3A_1931 = vector.shape_cast %get3A_1930 : vector<1x16xf32> to vector<16xf32>
      %eq3A_1932 = arith.cmpf oeq, %get3A_1931, %max3A_1674 : vector<16xf32>
      %ne3A_1933 = arith.cmpf one, %broadcast_in_dim3A_1926, %min3A_1034 : vector<16xf32>
      %and3A_1934 = arith.andi %eq3A_1932, %ne3A_1933 : vector<16xi1>
      %select_n3A_1935 = arith.select %and3A_1934, %broadcast_in_dim3A_1926, %broadcast_in_dim3A_3 : vector<16xi1>, vector<16xf32>
      %min3A_1936 = arith.minimumf %min3A_1924, %select_n3A_1935 : vector<16xf32>
      %broadcast_in_dim3A_1937 = arith.constant 2.200000e+01 : f32
      %broadcast_in_dim3A_1938 = vector.broadcast %broadcast_in_dim3A_1937 : f32 to vector<16xf32>
      %get3A_1939 = arith.constant 22 : i32
      %get3A_1940 = arith.index_cast %get3A_1939 : i32 to index
      %get3A_1941 = arith.index_cast %mul3A_16 : i32 to index
      %get3A_1942 = tpu.vector_load %arg5[%get3A_1940, %get3A_1941] {strides = array<i32>} : memref<64x1024xf32, #tpu.memory_space<vmem>>, vector<1x16xf32>,
      %get3A_1943 = vector.shape_cast %get3A_1942 : vector<1x16xf32> to vector<16xf32>
      %eq3A_1944 = arith.cmpf oeq, %get3A_1943, %max3A_1674 : vector<16xf32>
      %ne3A_1945 = arith.cmpf one, %broadcast_in_dim3A_1938, %min3A_1034 : vector<16xf32>
      %and3A_1946 = arith.andi %eq3A_1944, %ne3A_1945 : vector<16xi1>
      %select_n3A_1947 = arith.select %and3A_1946, %broadcast_in_dim3A_1938, %broadcast_in_dim3A_3 : vector<16xi1>, vector<16xf32>
      %min3A_1948 = arith.minimumf %min3A_1936, %select_n3A_1947 : vector<16xf32>
      %broadcast_in_dim3A_1949 = arith.constant 2.300000e+01 : f32
      %broadcast_in_dim3A_1950 = vector.broadcast %broadcast_in_dim3A_1949 : f32 to vector<16xf32>
      %get3A_1951 = arith.constant 23 : i32
      %get3A_1952 = arith.index_cast %get3A_1951 : i32 to index
      %get3A_1953 = arith.index_cast %mul3A_16 : i32 to index
      %get3A_1954 = tpu.vector_load %arg5[%get3A_1952, %get3A_1953] {strides = array<i32>} : memref<64x1024xf32, #tpu.memory_space<vmem>>, vector<1x16xf32>,
      %get3A_1955 = vector.shape_cast %get3A_1954 : vector<1x16xf32> to vector<16xf32>
      %eq3A_1956 = arith.cmpf oeq, %get3A_1955, %max3A_1674 : vector<16xf32>
      %ne3A_1957 = arith.cmpf one, %broadcast_in_dim3A_1950, %min3A_1034 : vector<16xf32>
      %and3A_1958 = arith.andi %eq3A_1956, %ne3A_1957 : vector<16xi1>
      %select_n3A_1959 = arith.select %and3A_1958, %broadcast_in_dim3A_1950, %broadcast_in_dim3A_3 : vector<16xi1>, vector<16xf32>
      %min3A_1960 = arith.minimumf %min3A_1948, %select_n3A_1959 : vector<16xf32>
      %broadcast_in_dim3A_1961 = arith.constant 2.400000e+01 : f32
      %broadcast_in_dim3A_1962 = vector.broadcast %broadcast_in_dim3A_1961 : f32 to vector<16xf32>
      %get3A_1963 = arith.constant 24 : i32
      %get3A_1964 = arith.index_cast %get3A_1963 : i32 to index
      %get3A_1965 = arith.index_cast %mul3A_16 : i32 to index
      %get3A_1966 = tpu.vector_load %arg5[%get3A_1964, %get3A_1965] {strides = array<i32>} : memref<64x1024xf32, #tpu.memory_space<vmem>>, vector<1x16xf32>,
      %get3A_1967 = vector.shape_cast %get3A_1966 : vector<1x16xf32> to vector<16xf32>
      %eq3A_1968 = arith.cmpf oeq, %get3A_1967, %max3A_1674 : vector<16xf32>
      %ne3A_1969 = arith.cmpf one, %broadcast_in_dim3A_1962, %min3A_1034 : vector<16xf32>
      %and3A_1970 = arith.andi %eq3A_1968, %ne3A_1969 : vector<16xi1>
      %select_n3A_1971 = arith.select %and3A_1970, %broadcast_in_dim3A_1962, %broadcast_in_dim3A_3 : vector<16xi1>, vector<16xf32>
      %min3A_1972 = arith.minimumf %min3A_1960, %select_n3A_1971 : vector<16xf32>
      %broadcast_in_dim3A_1973 = arith.constant 2.500000e+01 : f32
      %broadcast_in_dim3A_1974 = vector.broadcast %broadcast_in_dim3A_1973 : f32 to vector<16xf32>
      %get3A_1975 = arith.constant 25 : i32
      %get3A_1976 = arith.index_cast %get3A_1975 : i32 to index
      %get3A_1977 = arith.index_cast %mul3A_16 : i32 to index
      %get3A_1978 = tpu.vector_load %arg5[%get3A_1976, %get3A_1977] {strides = array<i32>} : memref<64x1024xf32, #tpu.memory_space<vmem>>, vector<1x16xf32>,
      %get3A_1979 = vector.shape_cast %get3A_1978 : vector<1x16xf32> to vector<16xf32>
      %eq3A_1980 = arith.cmpf oeq, %get3A_1979, %max3A_1674 : vector<16xf32>
      %ne3A_1981 = arith.cmpf one, %broadcast_in_dim3A_1974, %min3A_1034 : vector<16xf32>
      %and3A_1982 = arith.andi %eq3A_1980, %ne3A_1981 : vector<16xi1>
      %select_n3A_1983 = arith.select %and3A_1982, %broadcast_in_dim3A_1974, %broadcast_in_dim3A_3 : vector<16xi1>, vector<16xf32>
      %min3A_1984 = arith.minimumf %min3A_1972, %select_n3A_1983 : vector<16xf32>
      %broadcast_in_dim3A_1985 = arith.constant 2.600000e+01 : f32
      %broadcast_in_dim3A_1986 = vector.broadcast %broadcast_in_dim3A_1985 : f32 to vector<16xf32>
      %get3A_1987 = arith.constant 26 : i32
      %get3A_1988 = arith.index_cast %get3A_1987 : i32 to index
      %get3A_1989 = arith.index_cast %mul3A_16 : i32 to index
      %get3A_1990 = tpu.vector_load %arg5[%get3A_1988, %get3A_1989] {strides = array<i32>} : memref<64x1024xf32, #tpu.memory_space<vmem>>, vector<1x16xf32>,
      %get3A_1991 = vector.shape_cast %get3A_1990 : vector<1x16xf32> to vector<16xf32>
      %eq3A_1992 = arith.cmpf oeq, %get3A_1991, %max3A_1674 : vector<16xf32>
      %ne3A_1993 = arith.cmpf one, %broadcast_in_dim3A_1986, %min3A_1034 : vector<16xf32>
      %and3A_1994 = arith.andi %eq3A_1992, %ne3A_1993 : vector<16xi1>
      %select_n3A_1995 = arith.select %and3A_1994, %broadcast_in_dim3A_1986, %broadcast_in_dim3A_3 : vector<16xi1>, vector<16xf32>
      %min3A_1996 = arith.minimumf %min3A_1984, %select_n3A_1995 : vector<16xf32>
      %broadcast_in_dim3A_1997 = arith.constant 2.700000e+01 : f32
      %broadcast_in_dim3A_1998 = vector.broadcast %broadcast_in_dim3A_1997 : f32 to vector<16xf32>
      %get3A_1999 = arith.constant 27 : i32
      %get3A_2000 = arith.index_cast %get3A_1999 : i32 to index
      %get3A_2001 = arith.index_cast %mul3A_16 : i32 to index
      %get3A_2002 = tpu.vector_load %arg5[%get3A_2000, %get3A_2001] {strides = array<i32>} : memref<64x1024xf32, #tpu.memory_space<vmem>>, vector<1x16xf32>,
      %get3A_2003 = vector.shape_cast %get3A_2002 : vector<1x16xf32> to vector<16xf32>
      %eq3A_2004 = arith.cmpf oeq, %get3A_2003, %max3A_1674 : vector<16xf32>
      %ne3A_2005 = arith.cmpf one, %broadcast_in_dim3A_1998, %min3A_1034 : vector<16xf32>
      %and3A_2006 = arith.andi %eq3A_2004, %ne3A_2005 : vector<16xi1>
      %select_n3A_2007 = arith.select %and3A_2006, %broadcast_in_dim3A_1998, %broadcast_in_dim3A_3 : vector<16xi1>, vector<16xf32>
      %min3A_2008 = arith.minimumf %min3A_1996, %select_n3A_2007 : vector<16xf32>
      %broadcast_in_dim3A_2009 = arith.constant 2.800000e+01 : f32
      %broadcast_in_dim3A_2010 = vector.broadcast %broadcast_in_dim3A_2009 : f32 to vector<16xf32>
      %get3A_2011 = arith.constant 28 : i32
      %get3A_2012 = arith.index_cast %get3A_2011 : i32 to index
      %get3A_2013 = arith.index_cast %mul3A_16 : i32 to index
      %get3A_2014 = tpu.vector_load %arg5[%get3A_2012, %get3A_2013] {strides = array<i32>} : memref<64x1024xf32, #tpu.memory_space<vmem>>, vector<1x16xf32>,
      %get3A_2015 = vector.shape_cast %get3A_2014 : vector<1x16xf32> to vector<16xf32>
      %eq3A_2016 = arith.cmpf oeq, %get3A_2015, %max3A_1674 : vector<16xf32>
      %ne3A_2017 = arith.cmpf one, %broadcast_in_dim3A_2010, %min3A_1034 : vector<16xf32>
      %and3A_2018 = arith.andi %eq3A_2016, %ne3A_2017 : vector<16xi1>
      %select_n3A_2019 = arith.select %and3A_2018, %broadcast_in_dim3A_2010, %broadcast_in_dim3A_3 : vector<16xi1>, vector<16xf32>
      %min3A_2020 = arith.minimumf %min3A_2008, %select_n3A_2019 : vector<16xf32>
      %broadcast_in_dim3A_2021 = arith.constant 2.900000e+01 : f32
      %broadcast_in_dim3A_2022 = vector.broadcast %broadcast_in_dim3A_2021 : f32 to vector<16xf32>
      %get3A_2023 = arith.constant 29 : i32
      %get3A_2024 = arith.index_cast %get3A_2023 : i32 to index
      %get3A_2025 = arith.index_cast %mul3A_16 : i32 to index
      %get3A_2026 = tpu.vector_load %arg5[%get3A_2024, %get3A_2025] {strides = array<i32>} : memref<64x1024xf32, #tpu.memory_space<vmem>>, vector<1x16xf32>,
      %get3A_2027 = vector.shape_cast %get3A_2026 : vector<1x16xf32> to vector<16xf32>
      %eq3A_2028 = arith.cmpf oeq, %get3A_2027, %max3A_1674 : vector<16xf32>
      %ne3A_2029 = arith.cmpf one, %broadcast_in_dim3A_2022, %min3A_1034 : vector<16xf32>
      %and3A_2030 = arith.andi %eq3A_2028, %ne3A_2029 : vector<16xi1>
      %select_n3A_2031 = arith.select %and3A_2030, %broadcast_in_dim3A_2022, %broadcast_in_dim3A_3 : vector<16xi1>, vector<16xf32>
      %min3A_2032 = arith.minimumf %min3A_2020, %select_n3A_2031 : vector<16xf32>
      %broadcast_in_dim3A_2033 = arith.constant 3.000000e+01 : f32
      %broadcast_in_dim3A_2034 = vector.broadcast %broadcast_in_dim3A_2033 : f32 to vector<16xf32>
      %get3A_2035 = arith.constant 30 : i32
      %get3A_2036 = arith.index_cast %get3A_2035 : i32 to index
      %get3A_2037 = arith.index_cast %mul3A_16 : i32 to index
      %get3A_2038 = tpu.vector_load %arg5[%get3A_2036, %get3A_2037] {strides = array<i32>} : memref<64x1024xf32, #tpu.memory_space<vmem>>, vector<1x16xf32>,
      %get3A_2039 = vector.shape_cast %get3A_2038 : vector<1x16xf32> to vector<16xf32>
      %eq3A_2040 = arith.cmpf oeq, %get3A_2039, %max3A_1674 : vector<16xf32>
      %ne3A_2041 = arith.cmpf one, %broadcast_in_dim3A_2034, %min3A_1034 : vector<16xf32>
      %and3A_2042 = arith.andi %eq3A_2040, %ne3A_2041 : vector<16xi1>
      %select_n3A_2043 = arith.select %and3A_2042, %broadcast_in_dim3A_2034, %broadcast_in_dim3A_3 : vector<16xi1>, vector<16xf32>
      %min3A_2044 = arith.minimumf %min3A_2032, %select_n3A_2043 : vector<16xf32>
      %broadcast_in_dim3A_2045 = arith.constant 3.100000e+01 : f32
      %broadcast_in_dim3A_2046 = vector.broadcast %broadcast_in_dim3A_2045 : f32 to vector<16xf32>
      %get3A_2047 = arith.constant 31 : i32
      %get3A_2048 = arith.index_cast %get3A_2047 : i32 to index
      %get3A_2049 = arith.index_cast %mul3A_16 : i32 to index
      %get3A_2050 = tpu.vector_load %arg5[%get3A_2048, %get3A_2049] {strides = array<i32>} : memref<64x1024xf32, #tpu.memory_space<vmem>>, vector<1x16xf32>,
      %get3A_2051 = vector.shape_cast %get3A_2050 : vector<1x16xf32> to vector<16xf32>
      %eq3A_2052 = arith.cmpf oeq, %get3A_2051, %max3A_1674 : vector<16xf32>
      %ne3A_2053 = arith.cmpf one, %broadcast_in_dim3A_2046, %min3A_1034 : vector<16xf32>
      %and3A_2054 = arith.andi %eq3A_2052, %ne3A_2053 : vector<16xi1>
      %select_n3A_2055 = arith.select %and3A_2054, %broadcast_in_dim3A_2046, %broadcast_in_dim3A_3 : vector<16xi1>, vector<16xf32>
      %min3A_2056 = arith.minimumf %min3A_2044, %select_n3A_2055 : vector<16xf32>
      %broadcast_in_dim3A_2057 = arith.constant 3.200000e+01 : f32
      %broadcast_in_dim3A_2058 = vector.broadcast %broadcast_in_dim3A_2057 : f32 to vector<16xf32>
      %get3A_2059 = arith.constant 32 : i32
      %get3A_2060 = arith.index_cast %get3A_2059 : i32 to index
      %get3A_2061 = arith.index_cast %mul3A_16 : i32 to index
      %get3A_2062 = tpu.vector_load %arg5[%get3A_2060, %get3A_2061] {strides = array<i32>} : memref<64x1024xf32, #tpu.memory_space<vmem>>, vector<1x16xf32>,
      %get3A_2063 = vector.shape_cast %get3A_2062 : vector<1x16xf32> to vector<16xf32>
      %eq3A_2064 = arith.cmpf oeq, %get3A_2063, %max3A_1674 : vector<16xf32>
      %ne3A_2065 = arith.cmpf one, %broadcast_in_dim3A_2058, %min3A_1034 : vector<16xf32>
      %and3A_2066 = arith.andi %eq3A_2064, %ne3A_2065 : vector<16xi1>
      %select_n3A_2067 = arith.select %and3A_2066, %broadcast_in_dim3A_2058, %broadcast_in_dim3A_3 : vector<16xi1>, vector<16xf32>
      %min3A_2068 = arith.minimumf %min3A_2056, %select_n3A_2067 : vector<16xf32>
      %broadcast_in_dim3A_2069 = arith.constant 3.300000e+01 : f32
      %broadcast_in_dim3A_2070 = vector.broadcast %broadcast_in_dim3A_2069 : f32 to vector<16xf32>
      %get3A_2071 = arith.constant 33 : i32
      %get3A_2072 = arith.index_cast %get3A_2071 : i32 to index
      %get3A_2073 = arith.index_cast %mul3A_16 : i32 to index
      %get3A_2074 = tpu.vector_load %arg5[%get3A_2072, %get3A_2073] {strides = array<i32>} : memref<64x1024xf32, #tpu.memory_space<vmem>>, vector<1x16xf32>,
      %get3A_2075 = vector.shape_cast %get3A_2074 : vector<1x16xf32> to vector<16xf32>
      %eq3A_2076 = arith.cmpf oeq, %get3A_2075, %max3A_1674 : vector<16xf32>
      %ne3A_2077 = arith.cmpf one, %broadcast_in_dim3A_2070, %min3A_1034 : vector<16xf32>
      %and3A_2078 = arith.andi %eq3A_2076, %ne3A_2077 : vector<16xi1>
      %select_n3A_2079 = arith.select %and3A_2078, %broadcast_in_dim3A_2070, %broadcast_in_dim3A_3 : vector<16xi1>, vector<16xf32>
      %min3A_2080 = arith.minimumf %min3A_2068, %select_n3A_2079 : vector<16xf32>
      %broadcast_in_dim3A_2081 = arith.constant 3.400000e+01 : f32
      %broadcast_in_dim3A_2082 = vector.broadcast %broadcast_in_dim3A_2081 : f32 to vector<16xf32>
      %get3A_2083 = arith.constant 34 : i32
      %get3A_2084 = arith.index_cast %get3A_2083 : i32 to index
      %get3A_2085 = arith.index_cast %mul3A_16 : i32 to index
      %get3A_2086 = tpu.vector_load %arg5[%get3A_2084, %get3A_2085] {strides = array<i32>} : memref<64x1024xf32, #tpu.memory_space<vmem>>, vector<1x16xf32>,
      %get3A_2087 = vector.shape_cast %get3A_2086 : vector<1x16xf32> to vector<16xf32>
      %eq3A_2088 = arith.cmpf oeq, %get3A_2087, %max3A_1674 : vector<16xf32>
      %ne3A_2089 = arith.cmpf one, %broadcast_in_dim3A_2082, %min3A_1034 : vector<16xf32>
      %and3A_2090 = arith.andi %eq3A_2088, %ne3A_2089 : vector<16xi1>
      %select_n3A_2091 = arith.select %and3A_2090, %broadcast_in_dim3A_2082, %broadcast_in_dim3A_3 : vector<16xi1>, vector<16xf32>
      %min3A_2092 = arith.minimumf %min3A_2080, %select_n3A_2091 : vector<16xf32>
      %broadcast_in_dim3A_2093 = arith.constant 3.500000e+01 : f32
      %broadcast_in_dim3A_2094 = vector.broadcast %broadcast_in_dim3A_2093 : f32 to vector<16xf32>
      %get3A_2095 = arith.constant 35 : i32
      %get3A_2096 = arith.index_cast %get3A_2095 : i32 to index
      %get3A_2097 = arith.index_cast %mul3A_16 : i32 to index
      %get3A_2098 = tpu.vector_load %arg5[%get3A_2096, %get3A_2097] {strides = array<i32>} : memref<64x1024xf32, #tpu.memory_space<vmem>>, vector<1x16xf32>,
      %get3A_2099 = vector.shape_cast %get3A_2098 : vector<1x16xf32> to vector<16xf32>
      %eq3A_2100 = arith.cmpf oeq, %get3A_2099, %max3A_1674 : vector<16xf32>
      %ne3A_2101 = arith.cmpf one, %broadcast_in_dim3A_2094, %min3A_1034 : vector<16xf32>
      %and3A_2102 = arith.andi %eq3A_2100, %ne3A_2101 : vector<16xi1>
      %select_n3A_2103 = arith.select %and3A_2102, %broadcast_in_dim3A_2094, %broadcast_in_dim3A_3 : vector<16xi1>, vector<16xf32>
      %min3A_2104 = arith.minimumf %min3A_2092, %select_n3A_2103 : vector<16xf32>
      %broadcast_in_dim3A_2105 = arith.constant 3.600000e+01 : f32
      %broadcast_in_dim3A_2106 = vector.broadcast %broadcast_in_dim3A_2105 : f32 to vector<16xf32>
      %get3A_2107 = arith.constant 36 : i32
      %get3A_2108 = arith.index_cast %get3A_2107 : i32 to index
      %get3A_2109 = arith.index_cast %mul3A_16 : i32 to index
      %get3A_2110 = tpu.vector_load %arg5[%get3A_2108, %get3A_2109] {strides = array<i32>} : memref<64x1024xf32, #tpu.memory_space<vmem>>, vector<1x16xf32>,
      %get3A_2111 = vector.shape_cast %get3A_2110 : vector<1x16xf32> to vector<16xf32>
      %eq3A_2112 = arith.cmpf oeq, %get3A_2111, %max3A_1674 : vector<16xf32>
      %ne3A_2113 = arith.cmpf one, %broadcast_in_dim3A_2106, %min3A_1034 : vector<16xf32>
      %and3A_2114 = arith.andi %eq3A_2112, %ne3A_2113 : vector<16xi1>
      %select_n3A_2115 = arith.select %and3A_2114, %broadcast_in_dim3A_2106, %broadcast_in_dim3A_3 : vector<16xi1>, vector<16xf32>
      %min3A_2116 = arith.minimumf %min3A_2104, %select_n3A_2115 : vector<16xf32>
      %broadcast_in_dim3A_2117 = arith.constant 3.700000e+01 : f32
      %broadcast_in_dim3A_2118 = vector.broadcast %broadcast_in_dim3A_2117 : f32 to vector<16xf32>
      %get3A_2119 = arith.constant 37 : i32
      %get3A_2120 = arith.index_cast %get3A_2119 : i32 to index
      %get3A_2121 = arith.index_cast %mul3A_16 : i32 to index
      %get3A_2122 = tpu.vector_load %arg5[%get3A_2120, %get3A_2121] {strides = array<i32>} : memref<64x1024xf32, #tpu.memory_space<vmem>>, vector<1x16xf32>,
      %get3A_2123 = vector.shape_cast %get3A_2122 : vector<1x16xf32> to vector<16xf32>
      %eq3A_2124 = arith.cmpf oeq, %get3A_2123, %max3A_1674 : vector<16xf32>
      %ne3A_2125 = arith.cmpf one, %broadcast_in_dim3A_2118, %min3A_1034 : vector<16xf32>
      %and3A_2126 = arith.andi %eq3A_2124, %ne3A_2125 : vector<16xi1>
      %select_n3A_2127 = arith.select %and3A_2126, %broadcast_in_dim3A_2118, %broadcast_in_dim3A_3 : vector<16xi1>, vector<16xf32>
      %min3A_2128 = arith.minimumf %min3A_2116, %select_n3A_2127 : vector<16xf32>
      %broadcast_in_dim3A_2129 = arith.constant 3.800000e+01 : f32
      %broadcast_in_dim3A_2130 = vector.broadcast %broadcast_in_dim3A_2129 : f32 to vector<16xf32>
      %get3A_2131 = arith.constant 38 : i32
      %get3A_2132 = arith.index_cast %get3A_2131 : i32 to index
      %get3A_2133 = arith.index_cast %mul3A_16 : i32 to index
      %get3A_2134 = tpu.vector_load %arg5[%get3A_2132, %get3A_2133] {strides = array<i32>} : memref<64x1024xf32, #tpu.memory_space<vmem>>, vector<1x16xf32>,
      %get3A_2135 = vector.shape_cast %get3A_2134 : vector<1x16xf32> to vector<16xf32>
      %eq3A_2136 = arith.cmpf oeq, %get3A_2135, %max3A_1674 : vector<16xf32>
      %ne3A_2137 = arith.cmpf one, %broadcast_in_dim3A_2130, %min3A_1034 : vector<16xf32>
      %and3A_2138 = arith.andi %eq3A_2136, %ne3A_2137 : vector<16xi1>
      %select_n3A_2139 = arith.select %and3A_2138, %broadcast_in_dim3A_2130, %broadcast_in_dim3A_3 : vector<16xi1>, vector<16xf32>
      %min3A_2140 = arith.minimumf %min3A_2128, %select_n3A_2139 : vector<16xf32>
      %broadcast_in_dim3A_2141 = arith.constant 3.900000e+01 : f32
      %broadcast_in_dim3A_2142 = vector.broadcast %broadcast_in_dim3A_2141 : f32 to vector<16xf32>
      %get3A_2143 = arith.constant 39 : i32
      %get3A_2144 = arith.index_cast %get3A_2143 : i32 to index
      %get3A_2145 = arith.index_cast %mul3A_16 : i32 to index
      %get3A_2146 = tpu.vector_load %arg5[%get3A_2144, %get3A_2145] {strides = array<i32>} : memref<64x1024xf32, #tpu.memory_space<vmem>>, vector<1x16xf32>,
      %get3A_2147 = vector.shape_cast %get3A_2146 : vector<1x16xf32> to vector<16xf32>
      %eq3A_2148 = arith.cmpf oeq, %get3A_2147, %max3A_1674 : vector<16xf32>
      %ne3A_2149 = arith.cmpf one, %broadcast_in_dim3A_2142, %min3A_1034 : vector<16xf32>
      %and3A_2150 = arith.andi %eq3A_2148, %ne3A_2149 : vector<16xi1>
      %select_n3A_2151 = arith.select %and3A_2150, %broadcast_in_dim3A_2142, %broadcast_in_dim3A_3 : vector<16xi1>, vector<16xf32>
      %min3A_2152 = arith.minimumf %min3A_2140, %select_n3A_2151 : vector<16xf32>
      %broadcast_in_dim3A_2153 = arith.constant 4.000000e+01 : f32
      %broadcast_in_dim3A_2154 = vector.broadcast %broadcast_in_dim3A_2153 : f32 to vector<16xf32>
      %get3A_2155 = arith.constant 40 : i32
      %get3A_2156 = arith.index_cast %get3A_2155 : i32 to index
      %get3A_2157 = arith.index_cast %mul3A_16 : i32 to index
      %get3A_2158 = tpu.vector_load %arg5[%get3A_2156, %get3A_2157] {strides = array<i32>} : memref<64x1024xf32, #tpu.memory_space<vmem>>, vector<1x16xf32>,
      %get3A_2159 = vector.shape_cast %get3A_2158 : vector<1x16xf32> to vector<16xf32>
      %eq3A_2160 = arith.cmpf oeq, %get3A_2159, %max3A_1674 : vector<16xf32>
      %ne3A_2161 = arith.cmpf one, %broadcast_in_dim3A_2154, %min3A_1034 : vector<16xf32>
      %and3A_2162 = arith.andi %eq3A_2160, %ne3A_2161 : vector<16xi1>
      %select_n3A_2163 = arith.select %and3A_2162, %broadcast_in_dim3A_2154, %broadcast_in_dim3A_3 : vector<16xi1>, vector<16xf32>
      %min3A_2164 = arith.minimumf %min3A_2152, %select_n3A_2163 : vector<16xf32>
      %broadcast_in_dim3A_2165 = arith.constant 4.100000e+01 : f32
      %broadcast_in_dim3A_2166 = vector.broadcast %broadcast_in_dim3A_2165 : f32 to vector<16xf32>
      %get3A_2167 = arith.constant 41 : i32
      %get3A_2168 = arith.index_cast %get3A_2167 : i32 to index
      %get3A_2169 = arith.index_cast %mul3A_16 : i32 to index
      %get3A_2170 = tpu.vector_load %arg5[%get3A_2168, %get3A_2169] {strides = array<i32>} : memref<64x1024xf32, #tpu.memory_space<vmem>>, vector<1x16xf32>,
      %get3A_2171 = vector.shape_cast %get3A_2170 : vector<1x16xf32> to vector<16xf32>
      %eq3A_2172 = arith.cmpf oeq, %get3A_2171, %max3A_1674 : vector<16xf32>
      %ne3A_2173 = arith.cmpf one, %broadcast_in_dim3A_2166, %min3A_1034 : vector<16xf32>
      %and3A_2174 = arith.andi %eq3A_2172, %ne3A_2173 : vector<16xi1>
      %select_n3A_2175 = arith.select %and3A_2174, %broadcast_in_dim3A_2166, %broadcast_in_dim3A_3 : vector<16xi1>, vector<16xf32>
      %min3A_2176 = arith.minimumf %min3A_2164, %select_n3A_2175 : vector<16xf32>
      %broadcast_in_dim3A_2177 = arith.constant 4.200000e+01 : f32
      %broadcast_in_dim3A_2178 = vector.broadcast %broadcast_in_dim3A_2177 : f32 to vector<16xf32>
      %get3A_2179 = arith.constant 42 : i32
      %get3A_2180 = arith.index_cast %get3A_2179 : i32 to index
      %get3A_2181 = arith.index_cast %mul3A_16 : i32 to index
      %get3A_2182 = tpu.vector_load %arg5[%get3A_2180, %get3A_2181] {strides = array<i32>} : memref<64x1024xf32, #tpu.memory_space<vmem>>, vector<1x16xf32>,
      %get3A_2183 = vector.shape_cast %get3A_2182 : vector<1x16xf32> to vector<16xf32>
      %eq3A_2184 = arith.cmpf oeq, %get3A_2183, %max3A_1674 : vector<16xf32>
      %ne3A_2185 = arith.cmpf one, %broadcast_in_dim3A_2178, %min3A_1034 : vector<16xf32>
      %and3A_2186 = arith.andi %eq3A_2184, %ne3A_2185 : vector<16xi1>
      %select_n3A_2187 = arith.select %and3A_2186, %broadcast_in_dim3A_2178, %broadcast_in_dim3A_3 : vector<16xi1>, vector<16xf32>
      %min3A_2188 = arith.minimumf %min3A_2176, %select_n3A_2187 : vector<16xf32>
      %broadcast_in_dim3A_2189 = arith.constant 4.300000e+01 : f32
      %broadcast_in_dim3A_2190 = vector.broadcast %broadcast_in_dim3A_2189 : f32 to vector<16xf32>
      %get3A_2191 = arith.constant 43 : i32
      %get3A_2192 = arith.index_cast %get3A_2191 : i32 to index
      %get3A_2193 = arith.index_cast %mul3A_16 : i32 to index
      %get3A_2194 = tpu.vector_load %arg5[%get3A_2192, %get3A_2193] {strides = array<i32>} : memref<64x1024xf32, #tpu.memory_space<vmem>>, vector<1x16xf32>,
      %get3A_2195 = vector.shape_cast %get3A_2194 : vector<1x16xf32> to vector<16xf32>
      %eq3A_2196 = arith.cmpf oeq, %get3A_2195, %max3A_1674 : vector<16xf32>
      %ne3A_2197 = arith.cmpf one, %broadcast_in_dim3A_2190, %min3A_1034 : vector<16xf32>
      %and3A_2198 = arith.andi %eq3A_2196, %ne3A_2197 : vector<16xi1>
      %select_n3A_2199 = arith.select %and3A_2198, %broadcast_in_dim3A_2190, %broadcast_in_dim3A_3 : vector<16xi1>, vector<16xf32>
      %min3A_2200 = arith.minimumf %min3A_2188, %select_n3A_2199 : vector<16xf32>
      %broadcast_in_dim3A_2201 = arith.constant 4.400000e+01 : f32
      %broadcast_in_dim3A_2202 = vector.broadcast %broadcast_in_dim3A_2201 : f32 to vector<16xf32>
      %get3A_2203 = arith.constant 44 : i32
      %get3A_2204 = arith.index_cast %get3A_2203 : i32 to index
      %get3A_2205 = arith.index_cast %mul3A_16 : i32 to index
      %get3A_2206 = tpu.vector_load %arg5[%get3A_2204, %get3A_2205] {strides = array<i32>} : memref<64x1024xf32, #tpu.memory_space<vmem>>, vector<1x16xf32>,
      %get3A_2207 = vector.shape_cast %get3A_2206 : vector<1x16xf32> to vector<16xf32>
      %eq3A_2208 = arith.cmpf oeq, %get3A_2207, %max3A_1674 : vector<16xf32>
      %ne3A_2209 = arith.cmpf one, %broadcast_in_dim3A_2202, %min3A_1034 : vector<16xf32>
      %and3A_2210 = arith.andi %eq3A_2208, %ne3A_2209 : vector<16xi1>
      %select_n3A_2211 = arith.select %and3A_2210, %broadcast_in_dim3A_2202, %broadcast_in_dim3A_3 : vector<16xi1>, vector<16xf32>
      %min3A_2212 = arith.minimumf %min3A_2200, %select_n3A_2211 : vector<16xf32>
      %broadcast_in_dim3A_2213 = arith.constant 4.500000e+01 : f32
      %broadcast_in_dim3A_2214 = vector.broadcast %broadcast_in_dim3A_2213 : f32 to vector<16xf32>
      %get3A_2215 = arith.constant 45 : i32
      %get3A_2216 = arith.index_cast %get3A_2215 : i32 to index
      %get3A_2217 = arith.index_cast %mul3A_16 : i32 to index
      %get3A_2218 = tpu.vector_load %arg5[%get3A_2216, %get3A_2217] {strides = array<i32>} : memref<64x1024xf32, #tpu.memory_space<vmem>>, vector<1x16xf32>,
      %get3A_2219 = vector.shape_cast %get3A_2218 : vector<1x16xf32> to vector<16xf32>
      %eq3A_2220 = arith.cmpf oeq, %get3A_2219, %max3A_1674 : vector<16xf32>
      %ne3A_2221 = arith.cmpf one, %broadcast_in_dim3A_2214, %min3A_1034 : vector<16xf32>
      %and3A_2222 = arith.andi %eq3A_2220, %ne3A_2221 : vector<16xi1>
      %select_n3A_2223 = arith.select %and3A_2222, %broadcast_in_dim3A_2214, %broadcast_in_dim3A_3 : vector<16xi1>, vector<16xf32>
      %min3A_2224 = arith.minimumf %min3A_2212, %select_n3A_2223 : vector<16xf32>
      %broadcast_in_dim3A_2225 = arith.constant 4.600000e+01 : f32
      %broadcast_in_dim3A_2226 = vector.broadcast %broadcast_in_dim3A_2225 : f32 to vector<16xf32>
      %get3A_2227 = arith.constant 46 : i32
      %get3A_2228 = arith.index_cast %get3A_2227 : i32 to index
      %get3A_2229 = arith.index_cast %mul3A_16 : i32 to index
      %get3A_2230 = tpu.vector_load %arg5[%get3A_2228, %get3A_2229] {strides = array<i32>} : memref<64x1024xf32, #tpu.memory_space<vmem>>, vector<1x16xf32>,
      %get3A_2231 = vector.shape_cast %get3A_2230 : vector<1x16xf32> to vector<16xf32>
      %eq3A_2232 = arith.cmpf oeq, %get3A_2231, %max3A_1674 : vector<16xf32>
      %ne3A_2233 = arith.cmpf one, %broadcast_in_dim3A_2226, %min3A_1034 : vector<16xf32>
      %and3A_2234 = arith.andi %eq3A_2232, %ne3A_2233 : vector<16xi1>
      %select_n3A_2235 = arith.select %and3A_2234, %broadcast_in_dim3A_2226, %broadcast_in_dim3A_3 : vector<16xi1>, vector<16xf32>
      %min3A_2236 = arith.minimumf %min3A_2224, %select_n3A_2235 : vector<16xf32>
      %broadcast_in_dim3A_2237 = arith.constant 4.700000e+01 : f32
      %broadcast_in_dim3A_2238 = vector.broadcast %broadcast_in_dim3A_2237 : f32 to vector<16xf32>
      %get3A_2239 = arith.constant 47 : i32
      %get3A_2240 = arith.index_cast %get3A_2239 : i32 to index
      %get3A_2241 = arith.index_cast %mul3A_16 : i32 to index
      %get3A_2242 = tpu.vector_load %arg5[%get3A_2240, %get3A_2241] {strides = array<i32>} : memref<64x1024xf32, #tpu.memory_space<vmem>>, vector<1x16xf32>,
      %get3A_2243 = vector.shape_cast %get3A_2242 : vector<1x16xf32> to vector<16xf32>
      %eq3A_2244 = arith.cmpf oeq, %get3A_2243, %max3A_1674 : vector<16xf32>
      %ne3A_2245 = arith.cmpf one, %broadcast_in_dim3A_2238, %min3A_1034 : vector<16xf32>
      %and3A_2246 = arith.andi %eq3A_2244, %ne3A_2245 : vector<16xi1>
      %select_n3A_2247 = arith.select %and3A_2246, %broadcast_in_dim3A_2238, %broadcast_in_dim3A_3 : vector<16xi1>, vector<16xf32>
      %min3A_2248 = arith.minimumf %min3A_2236, %select_n3A_2247 : vector<16xf32>
      %broadcast_in_dim3A_2249 = arith.constant 4.800000e+01 : f32
      %broadcast_in_dim3A_2250 = vector.broadcast %broadcast_in_dim3A_2249 : f32 to vector<16xf32>
      %get3A_2251 = arith.constant 48 : i32
      %get3A_2252 = arith.index_cast %get3A_2251 : i32 to index
      %get3A_2253 = arith.index_cast %mul3A_16 : i32 to index
      %get3A_2254 = tpu.vector_load %arg5[%get3A_2252, %get3A_2253] {strides = array<i32>} : memref<64x1024xf32, #tpu.memory_space<vmem>>, vector<1x16xf32>,
      %get3A_2255 = vector.shape_cast %get3A_2254 : vector<1x16xf32> to vector<16xf32>
      %eq3A_2256 = arith.cmpf oeq, %get3A_2255, %max3A_1674 : vector<16xf32>
      %ne3A_2257 = arith.cmpf one, %broadcast_in_dim3A_2250, %min3A_1034 : vector<16xf32>
      %and3A_2258 = arith.andi %eq3A_2256, %ne3A_2257 : vector<16xi1>
      %select_n3A_2259 = arith.select %and3A_2258, %broadcast_in_dim3A_2250, %broadcast_in_dim3A_3 : vector<16xi1>, vector<16xf32>
      %min3A_2260 = arith.minimumf %min3A_2248, %select_n3A_2259 : vector<16xf32>
      %broadcast_in_dim3A_2261 = arith.constant 4.900000e+01 : f32
      %broadcast_in_dim3A_2262 = vector.broadcast %broadcast_in_dim3A_2261 : f32 to vector<16xf32>
      %get3A_2263 = arith.constant 49 : i32
      %get3A_2264 = arith.index_cast %get3A_2263 : i32 to index
      %get3A_2265 = arith.index_cast %mul3A_16 : i32 to index
      %get3A_2266 = tpu.vector_load %arg5[%get3A_2264, %get3A_2265] {strides = array<i32>} : memref<64x1024xf32, #tpu.memory_space<vmem>>, vector<1x16xf32>,
      %get3A_2267 = vector.shape_cast %get3A_2266 : vector<1x16xf32> to vector<16xf32>
      %eq3A_2268 = arith.cmpf oeq, %get3A_2267, %max3A_1674 : vector<16xf32>
      %ne3A_2269 = arith.cmpf one, %broadcast_in_dim3A_2262, %min3A_1034 : vector<16xf32>
      %and3A_2270 = arith.andi %eq3A_2268, %ne3A_2269 : vector<16xi1>
      %select_n3A_2271 = arith.select %and3A_2270, %broadcast_in_dim3A_2262, %broadcast_in_dim3A_3 : vector<16xi1>, vector<16xf32>
      %min3A_2272 = arith.minimumf %min3A_2260, %select_n3A_2271 : vector<16xf32>
      %broadcast_in_dim3A_2273 = arith.constant 5.000000e+01 : f32
      %broadcast_in_dim3A_2274 = vector.broadcast %broadcast_in_dim3A_2273 : f32 to vector<16xf32>
      %get3A_2275 = arith.constant 50 : i32
      %get3A_2276 = arith.index_cast %get3A_2275 : i32 to index
      %get3A_2277 = arith.index_cast %mul3A_16 : i32 to index
      %get3A_2278 = tpu.vector_load %arg5[%get3A_2276, %get3A_2277] {strides = array<i32>} : memref<64x1024xf32, #tpu.memory_space<vmem>>, vector<1x16xf32>,
      %get3A_2279 = vector.shape_cast %get3A_2278 : vector<1x16xf32> to vector<16xf32>
      %eq3A_2280 = arith.cmpf oeq, %get3A_2279, %max3A_1674 : vector<16xf32>
      %ne3A_2281 = arith.cmpf one, %broadcast_in_dim3A_2274, %min3A_1034 : vector<16xf32>
      %and3A_2282 = arith.andi %eq3A_2280, %ne3A_2281 : vector<16xi1>
      %select_n3A_2283 = arith.select %and3A_2282, %broadcast_in_dim3A_2274, %broadcast_in_dim3A_3 : vector<16xi1>, vector<16xf32>
      %min3A_2284 = arith.minimumf %min3A_2272, %select_n3A_2283 : vector<16xf32>
      %broadcast_in_dim3A_2285 = arith.constant 5.100000e+01 : f32
      %broadcast_in_dim3A_2286 = vector.broadcast %broadcast_in_dim3A_2285 : f32 to vector<16xf32>
      %get3A_2287 = arith.constant 51 : i32
      %get3A_2288 = arith.index_cast %get3A_2287 : i32 to index
      %get3A_2289 = arith.index_cast %mul3A_16 : i32 to index
      %get3A_2290 = tpu.vector_load %arg5[%get3A_2288, %get3A_2289] {strides = array<i32>} : memref<64x1024xf32, #tpu.memory_space<vmem>>, vector<1x16xf32>,
      %get3A_2291 = vector.shape_cast %get3A_2290 : vector<1x16xf32> to vector<16xf32>
      %eq3A_2292 = arith.cmpf oeq, %get3A_2291, %max3A_1674 : vector<16xf32>
      %ne3A_2293 = arith.cmpf one, %broadcast_in_dim3A_2286, %min3A_1034 : vector<16xf32>
      %and3A_2294 = arith.andi %eq3A_2292, %ne3A_2293 : vector<16xi1>
      %select_n3A_2295 = arith.select %and3A_2294, %broadcast_in_dim3A_2286, %broadcast_in_dim3A_3 : vector<16xi1>, vector<16xf32>
      %min3A_2296 = arith.minimumf %min3A_2284, %select_n3A_2295 : vector<16xf32>
      %broadcast_in_dim3A_2297 = arith.constant 5.200000e+01 : f32
      %broadcast_in_dim3A_2298 = vector.broadcast %broadcast_in_dim3A_2297 : f32 to vector<16xf32>
      %get3A_2299 = arith.constant 52 : i32
      %get3A_2300 = arith.index_cast %get3A_2299 : i32 to index
      %get3A_2301 = arith.index_cast %mul3A_16 : i32 to index
      %get3A_2302 = tpu.vector_load %arg5[%get3A_2300, %get3A_2301] {strides = array<i32>} : memref<64x1024xf32, #tpu.memory_space<vmem>>, vector<1x16xf32>,
      %get3A_2303 = vector.shape_cast %get3A_2302 : vector<1x16xf32> to vector<16xf32>
      %eq3A_2304 = arith.cmpf oeq, %get3A_2303, %max3A_1674 : vector<16xf32>
      %ne3A_2305 = arith.cmpf one, %broadcast_in_dim3A_2298, %min3A_1034 : vector<16xf32>
      %and3A_2306 = arith.andi %eq3A_2304, %ne3A_2305 : vector<16xi1>
      %select_n3A_2307 = arith.select %and3A_2306, %broadcast_in_dim3A_2298, %broadcast_in_dim3A_3 : vector<16xi1>, vector<16xf32>
      %min3A_2308 = arith.minimumf %min3A_2296, %select_n3A_2307 : vector<16xf32>
      %broadcast_in_dim3A_2309 = arith.constant 5.300000e+01 : f32
      %broadcast_in_dim3A_2310 = vector.broadcast %broadcast_in_dim3A_2309 : f32 to vector<16xf32>
      %get3A_2311 = arith.constant 53 : i32
      %get3A_2312 = arith.index_cast %get3A_2311 : i32 to index
      %get3A_2313 = arith.index_cast %mul3A_16 : i32 to index
      %get3A_2314 = tpu.vector_load %arg5[%get3A_2312, %get3A_2313] {strides = array<i32>} : memref<64x1024xf32, #tpu.memory_space<vmem>>, vector<1x16xf32>,
      %get3A_2315 = vector.shape_cast %get3A_2314 : vector<1x16xf32> to vector<16xf32>
      %eq3A_2316 = arith.cmpf oeq, %get3A_2315, %max3A_1674 : vector<16xf32>
      %ne3A_2317 = arith.cmpf one, %broadcast_in_dim3A_2310, %min3A_1034 : vector<16xf32>
      %and3A_2318 = arith.andi %eq3A_2316, %ne3A_2317 : vector<16xi1>
      %select_n3A_2319 = arith.select %and3A_2318, %broadcast_in_dim3A_2310, %broadcast_in_dim3A_3 : vector<16xi1>, vector<16xf32>
      %min3A_2320 = arith.minimumf %min3A_2308, %select_n3A_2319 : vector<16xf32>
      %broadcast_in_dim3A_2321 = arith.constant 5.400000e+01 : f32
      %broadcast_in_dim3A_2322 = vector.broadcast %broadcast_in_dim3A_2321 : f32 to vector<16xf32>
      %get3A_2323 = arith.constant 54 : i32
      %get3A_2324 = arith.index_cast %get3A_2323 : i32 to index
      %get3A_2325 = arith.index_cast %mul3A_16 : i32 to index
      %get3A_2326 = tpu.vector_load %arg5[%get3A_2324, %get3A_2325] {strides = array<i32>} : memref<64x1024xf32, #tpu.memory_space<vmem>>, vector<1x16xf32>,
      %get3A_2327 = vector.shape_cast %get3A_2326 : vector<1x16xf32> to vector<16xf32>
      %eq3A_2328 = arith.cmpf oeq, %get3A_2327, %max3A_1674 : vector<16xf32>
      %ne3A_2329 = arith.cmpf one, %broadcast_in_dim3A_2322, %min3A_1034 : vector<16xf32>
      %and3A_2330 = arith.andi %eq3A_2328, %ne3A_2329 : vector<16xi1>
      %select_n3A_2331 = arith.select %and3A_2330, %broadcast_in_dim3A_2322, %broadcast_in_dim3A_3 : vector<16xi1>, vector<16xf32>
      %min3A_2332 = arith.minimumf %min3A_2320, %select_n3A_2331 : vector<16xf32>
      %broadcast_in_dim3A_2333 = arith.constant 5.500000e+01 : f32
      %broadcast_in_dim3A_2334 = vector.broadcast %broadcast_in_dim3A_2333 : f32 to vector<16xf32>
      %get3A_2335 = arith.constant 55 : i32
      %get3A_2336 = arith.index_cast %get3A_2335 : i32 to index
      %get3A_2337 = arith.index_cast %mul3A_16 : i32 to index
      %get3A_2338 = tpu.vector_load %arg5[%get3A_2336, %get3A_2337] {strides = array<i32>} : memref<64x1024xf32, #tpu.memory_space<vmem>>, vector<1x16xf32>,
      %get3A_2339 = vector.shape_cast %get3A_2338 : vector<1x16xf32> to vector<16xf32>
      %eq3A_2340 = arith.cmpf oeq, %get3A_2339, %max3A_1674 : vector<16xf32>
      %ne3A_2341 = arith.cmpf one, %broadcast_in_dim3A_2334, %min3A_1034 : vector<16xf32>
      %and3A_2342 = arith.andi %eq3A_2340, %ne3A_2341 : vector<16xi1>
      %select_n3A_2343 = arith.select %and3A_2342, %broadcast_in_dim3A_2334, %broadcast_in_dim3A_3 : vector<16xi1>, vector<16xf32>
      %min3A_2344 = arith.minimumf %min3A_2332, %select_n3A_2343 : vector<16xf32>
      %broadcast_in_dim3A_2345 = arith.constant 5.600000e+01 : f32
      %broadcast_in_dim3A_2346 = vector.broadcast %broadcast_in_dim3A_2345 : f32 to vector<16xf32>
      %get3A_2347 = arith.constant 56 : i32
      %get3A_2348 = arith.index_cast %get3A_2347 : i32 to index
      %get3A_2349 = arith.index_cast %mul3A_16 : i32 to index
      %get3A_2350 = tpu.vector_load %arg5[%get3A_2348, %get3A_2349] {strides = array<i32>} : memref<64x1024xf32, #tpu.memory_space<vmem>>, vector<1x16xf32>,
      %get3A_2351 = vector.shape_cast %get3A_2350 : vector<1x16xf32> to vector<16xf32>
      %eq3A_2352 = arith.cmpf oeq, %get3A_2351, %max3A_1674 : vector<16xf32>
      %ne3A_2353 = arith.cmpf one, %broadcast_in_dim3A_2346, %min3A_1034 : vector<16xf32>
      %and3A_2354 = arith.andi %eq3A_2352, %ne3A_2353 : vector<16xi1>
      %select_n3A_2355 = arith.select %and3A_2354, %broadcast_in_dim3A_2346, %broadcast_in_dim3A_3 : vector<16xi1>, vector<16xf32>
      %min3A_2356 = arith.minimumf %min3A_2344, %select_n3A_2355 : vector<16xf32>
      %broadcast_in_dim3A_2357 = arith.constant 5.700000e+01 : f32
      %broadcast_in_dim3A_2358 = vector.broadcast %broadcast_in_dim3A_2357 : f32 to vector<16xf32>
      %get3A_2359 = arith.constant 57 : i32
      %get3A_2360 = arith.index_cast %get3A_2359 : i32 to index
      %get3A_2361 = arith.index_cast %mul3A_16 : i32 to index
      %get3A_2362 = tpu.vector_load %arg5[%get3A_2360, %get3A_2361] {strides = array<i32>} : memref<64x1024xf32, #tpu.memory_space<vmem>>, vector<1x16xf32>,
      %get3A_2363 = vector.shape_cast %get3A_2362 : vector<1x16xf32> to vector<16xf32>
      %eq3A_2364 = arith.cmpf oeq, %get3A_2363, %max3A_1674 : vector<16xf32>
      %ne3A_2365 = arith.cmpf one, %broadcast_in_dim3A_2358, %min3A_1034 : vector<16xf32>
      %and3A_2366 = arith.andi %eq3A_2364, %ne3A_2365 : vector<16xi1>
      %select_n3A_2367 = arith.select %and3A_2366, %broadcast_in_dim3A_2358, %broadcast_in_dim3A_3 : vector<16xi1>, vector<16xf32>
      %min3A_2368 = arith.minimumf %min3A_2356, %select_n3A_2367 : vector<16xf32>
      %broadcast_in_dim3A_2369 = arith.constant 5.800000e+01 : f32
      %broadcast_in_dim3A_2370 = vector.broadcast %broadcast_in_dim3A_2369 : f32 to vector<16xf32>
      %get3A_2371 = arith.constant 58 : i32
      %get3A_2372 = arith.index_cast %get3A_2371 : i32 to index
      %get3A_2373 = arith.index_cast %mul3A_16 : i32 to index
      %get3A_2374 = tpu.vector_load %arg5[%get3A_2372, %get3A_2373] {strides = array<i32>} : memref<64x1024xf32, #tpu.memory_space<vmem>>, vector<1x16xf32>,
      %get3A_2375 = vector.shape_cast %get3A_2374 : vector<1x16xf32> to vector<16xf32>
      %eq3A_2376 = arith.cmpf oeq, %get3A_2375, %max3A_1674 : vector<16xf32>
      %ne3A_2377 = arith.cmpf one, %broadcast_in_dim3A_2370, %min3A_1034 : vector<16xf32>
      %and3A_2378 = arith.andi %eq3A_2376, %ne3A_2377 : vector<16xi1>
      %select_n3A_2379 = arith.select %and3A_2378, %broadcast_in_dim3A_2370, %broadcast_in_dim3A_3 : vector<16xi1>, vector<16xf32>
      %min3A_2380 = arith.minimumf %min3A_2368, %select_n3A_2379 : vector<16xf32>
      %broadcast_in_dim3A_2381 = arith.constant 5.900000e+01 : f32
      %broadcast_in_dim3A_2382 = vector.broadcast %broadcast_in_dim3A_2381 : f32 to vector<16xf32>
      %get3A_2383 = arith.constant 59 : i32
      %get3A_2384 = arith.index_cast %get3A_2383 : i32 to index
      %get3A_2385 = arith.index_cast %mul3A_16 : i32 to index
      %get3A_2386 = tpu.vector_load %arg5[%get3A_2384, %get3A_2385] {strides = array<i32>} : memref<64x1024xf32, #tpu.memory_space<vmem>>, vector<1x16xf32>,
      %get3A_2387 = vector.shape_cast %get3A_2386 : vector<1x16xf32> to vector<16xf32>
      %eq3A_2388 = arith.cmpf oeq, %get3A_2387, %max3A_1674 : vector<16xf32>
      %ne3A_2389 = arith.cmpf one, %broadcast_in_dim3A_2382, %min3A_1034 : vector<16xf32>
      %and3A_2390 = arith.andi %eq3A_2388, %ne3A_2389 : vector<16xi1>
      %select_n3A_2391 = arith.select %and3A_2390, %broadcast_in_dim3A_2382, %broadcast_in_dim3A_3 : vector<16xi1>, vector<16xf32>
      %min3A_2392 = arith.minimumf %min3A_2380, %select_n3A_2391 : vector<16xf32>
      %broadcast_in_dim3A_2393 = arith.constant 6.000000e+01 : f32
      %broadcast_in_dim3A_2394 = vector.broadcast %broadcast_in_dim3A_2393 : f32 to vector<16xf32>
      %get3A_2395 = arith.constant 60 : i32
      %get3A_2396 = arith.index_cast %get3A_2395 : i32 to index
      %get3A_2397 = arith.index_cast %mul3A_16 : i32 to index
      %get3A_2398 = tpu.vector_load %arg5[%get3A_2396, %get3A_2397] {strides = array<i32>} : memref<64x1024xf32, #tpu.memory_space<vmem>>, vector<1x16xf32>,
      %get3A_2399 = vector.shape_cast %get3A_2398 : vector<1x16xf32> to vector<16xf32>
      %eq3A_2400 = arith.cmpf oeq, %get3A_2399, %max3A_1674 : vector<16xf32>
      %ne3A_2401 = arith.cmpf one, %broadcast_in_dim3A_2394, %min3A_1034 : vector<16xf32>
      %and3A_2402 = arith.andi %eq3A_2400, %ne3A_2401 : vector<16xi1>
      %select_n3A_2403 = arith.select %and3A_2402, %broadcast_in_dim3A_2394, %broadcast_in_dim3A_3 : vector<16xi1>, vector<16xf32>
      %min3A_2404 = arith.minimumf %min3A_2392, %select_n3A_2403 : vector<16xf32>
      %broadcast_in_dim3A_2405 = arith.constant 6.100000e+01 : f32
      %broadcast_in_dim3A_2406 = vector.broadcast %broadcast_in_dim3A_2405 : f32 to vector<16xf32>
      %get3A_2407 = arith.constant 61 : i32
      %get3A_2408 = arith.index_cast %get3A_2407 : i32 to index
      %get3A_2409 = arith.index_cast %mul3A_16 : i32 to index
      %get3A_2410 = tpu.vector_load %arg5[%get3A_2408, %get3A_2409] {strides = array<i32>} : memref<64x1024xf32, #tpu.memory_space<vmem>>, vector<1x16xf32>,
      %get3A_2411 = vector.shape_cast %get3A_2410 : vector<1x16xf32> to vector<16xf32>
      %eq3A_2412 = arith.cmpf oeq, %get3A_2411, %max3A_1674 : vector<16xf32>
      %ne3A_2413 = arith.cmpf one, %broadcast_in_dim3A_2406, %min3A_1034 : vector<16xf32>
      %and3A_2414 = arith.andi %eq3A_2412, %ne3A_2413 : vector<16xi1>
      %select_n3A_2415 = arith.select %and3A_2414, %broadcast_in_dim3A_2406, %broadcast_in_dim3A_3 : vector<16xi1>, vector<16xf32>
      %min3A_2416 = arith.minimumf %min3A_2404, %select_n3A_2415 : vector<16xf32>
      %broadcast_in_dim3A_2417 = arith.constant 6.200000e+01 : f32
      %broadcast_in_dim3A_2418 = vector.broadcast %broadcast_in_dim3A_2417 : f32 to vector<16xf32>
      %get3A_2419 = arith.constant 62 : i32
      %get3A_2420 = arith.index_cast %get3A_2419 : i32 to index
      %get3A_2421 = arith.index_cast %mul3A_16 : i32 to index
      %get3A_2422 = tpu.vector_load %arg5[%get3A_2420, %get3A_2421] {strides = array<i32>} : memref<64x1024xf32, #tpu.memory_space<vmem>>, vector<1x16xf32>,
      %get3A_2423 = vector.shape_cast %get3A_2422 : vector<1x16xf32> to vector<16xf32>
      %eq3A_2424 = arith.cmpf oeq, %get3A_2423, %max3A_1674 : vector<16xf32>
      %ne3A_2425 = arith.cmpf one, %broadcast_in_dim3A_2418, %min3A_1034 : vector<16xf32>
      %and3A_2426 = arith.andi %eq3A_2424, %ne3A_2425 : vector<16xi1>
      %select_n3A_2427 = arith.select %and3A_2426, %broadcast_in_dim3A_2418, %broadcast_in_dim3A_3 : vector<16xi1>, vector<16xf32>
      %min3A_2428 = arith.minimumf %min3A_2416, %select_n3A_2427 : vector<16xf32>
      %broadcast_in_dim3A_2429 = arith.constant 6.300000e+01 : f32
      %broadcast_in_dim3A_2430 = vector.broadcast %broadcast_in_dim3A_2429 : f32 to vector<16xf32>
      %get3A_2431 = arith.constant 63 : i32
      %get3A_2432 = arith.index_cast %get3A_2431 : i32 to index
      %get3A_2433 = arith.index_cast %mul3A_16 : i32 to index
      %get3A_2434 = tpu.vector_load %arg5[%get3A_2432, %get3A_2433] {strides = array<i32>} : memref<64x1024xf32, #tpu.memory_space<vmem>>, vector<1x16xf32>,
      %get3A_2435 = vector.shape_cast %get3A_2434 : vector<1x16xf32> to vector<16xf32>
      %eq3A_2436 = arith.cmpf oeq, %get3A_2435, %max3A_1674 : vector<16xf32>
      %ne3A_2437 = arith.cmpf one, %broadcast_in_dim3A_2430, %min3A_1034 : vector<16xf32>
      %and3A_2438 = arith.andi %eq3A_2436, %ne3A_2437 : vector<16xi1>
      %select_n3A_2439 = arith.select %and3A_2438, %broadcast_in_dim3A_2430, %broadcast_in_dim3A_3 : vector<16xi1>, vector<16xf32>
      %min3A_2440 = arith.minimumf %min3A_2428, %select_n3A_2439 : vector<16xf32>
      %broadcast_in_dim3A_2441 = arith.constant 0.000000e+00 : f32
      %broadcast_in_dim3A_2442 = vector.broadcast %broadcast_in_dim3A_2441 : f32 to vector<16xf32>
      %get3A_2443 = arith.constant 0 : i32
      %get3A_2444 = arith.index_cast %get3A_2443 : i32 to index
      %get3A_2445 = arith.index_cast %mul3A_16 : i32 to index
      %get3A_2446 = tpu.vector_load %arg5[%get3A_2444, %get3A_2445] {strides = array<i32>} : memref<64x1024xf32, #tpu.memory_space<vmem>>, vector<1x16xf32>,
      %get3A_2447 = vector.shape_cast %get3A_2446 : vector<1x16xf32> to vector<16xf32>
      %sub3A = arith.subf %get3A_2447, %max3A_397 : vector<16xf32>
      %exp3A = math.exp %sub3A : vector<16xf32>
      %add3A_2448 = arith.addf %broadcast_in_dim3A_2442, %exp3A : vector<16xf32>
      %get3A_2449 = arith.constant 1 : i32
      %get3A_2450 = arith.index_cast %get3A_2449 : i32 to index
      %get3A_2451 = arith.index_cast %mul3A_16 : i32 to index
      %get3A_2452 = tpu.vector_load %arg5[%get3A_2450, %get3A_2451] {strides = array<i32>} : memref<64x1024xf32, #tpu.memory_space<vmem>>, vector<1x16xf32>,
      %get3A_2453 = vector.shape_cast %get3A_2452 : vector<1x16xf32> to vector<16xf32>
      %sub3A_2454 = arith.subf %get3A_2453, %max3A_397 : vector<16xf32>
      %exp3A_2455 = math.exp %sub3A_2454 : vector<16xf32>
      %add3A_2456 = arith.addf %add3A_2448, %exp3A_2455 : vector<16xf32>
      %get3A_2457 = arith.constant 2 : i32
      %get3A_2458 = arith.index_cast %get3A_2457 : i32 to index
      %get3A_2459 = arith.index_cast %mul3A_16 : i32 to index
      %get3A_2460 = tpu.vector_load %arg5[%get3A_2458, %get3A_2459] {strides = array<i32>} : memref<64x1024xf32, #tpu.memory_space<vmem>>, vector<1x16xf32>,
      %get3A_2461 = vector.shape_cast %get3A_2460 : vector<1x16xf32> to vector<16xf32>
      %sub3A_2462 = arith.subf %get3A_2461, %max3A_397 : vector<16xf32>
      %exp3A_2463 = math.exp %sub3A_2462 : vector<16xf32>
      %add3A_2464 = arith.addf %add3A_2456, %exp3A_2463 : vector<16xf32>
      %get3A_2465 = arith.constant 3 : i32
      %get3A_2466 = arith.index_cast %get3A_2465 : i32 to index
      %get3A_2467 = arith.index_cast %mul3A_16 : i32 to index
      %get3A_2468 = tpu.vector_load %arg5[%get3A_2466, %get3A_2467] {strides = array<i32>} : memref<64x1024xf32, #tpu.memory_space<vmem>>, vector<1x16xf32>,
      %get3A_2469 = vector.shape_cast %get3A_2468 : vector<1x16xf32> to vector<16xf32>
      %sub3A_2470 = arith.subf %get3A_2469, %max3A_397 : vector<16xf32>
      %exp3A_2471 = math.exp %sub3A_2470 : vector<16xf32>
      %add3A_2472 = arith.addf %add3A_2464, %exp3A_2471 : vector<16xf32>
      %get3A_2473 = arith.constant 4 : i32
      %get3A_2474 = arith.index_cast %get3A_2473 : i32 to index
      %get3A_2475 = arith.index_cast %mul3A_16 : i32 to index
      %get3A_2476 = tpu.vector_load %arg5[%get3A_2474, %get3A_2475] {strides = array<i32>} : memref<64x1024xf32, #tpu.memory_space<vmem>>, vector<1x16xf32>,
      %get3A_2477 = vector.shape_cast %get3A_2476 : vector<1x16xf32> to vector<16xf32>
      %sub3A_2478 = arith.subf %get3A_2477, %max3A_397 : vector<16xf32>
      %exp3A_2479 = math.exp %sub3A_2478 : vector<16xf32>
      %add3A_2480 = arith.addf %add3A_2472, %exp3A_2479 : vector<16xf32>
      %get3A_2481 = arith.constant 5 : i32
      %get3A_2482 = arith.index_cast %get3A_2481 : i32 to index
      %get3A_2483 = arith.index_cast %mul3A_16 : i32 to index
      %get3A_2484 = tpu.vector_load %arg5[%get3A_2482, %get3A_2483] {strides = array<i32>} : memref<64x1024xf32, #tpu.memory_space<vmem>>, vector<1x16xf32>,
      %get3A_2485 = vector.shape_cast %get3A_2484 : vector<1x16xf32> to vector<16xf32>
      %sub3A_2486 = arith.subf %get3A_2485, %max3A_397 : vector<16xf32>
      %exp3A_2487 = math.exp %sub3A_2486 : vector<16xf32>
      %add3A_2488 = arith.addf %add3A_2480, %exp3A_2487 : vector<16xf32>
      %get3A_2489 = arith.constant 6 : i32
      %get3A_2490 = arith.index_cast %get3A_2489 : i32 to index
      %get3A_2491 = arith.index_cast %mul3A_16 : i32 to index
      %get3A_2492 = tpu.vector_load %arg5[%get3A_2490, %get3A_2491] {strides = array<i32>} : memref<64x1024xf32, #tpu.memory_space<vmem>>, vector<1x16xf32>,
      %get3A_2493 = vector.shape_cast %get3A_2492 : vector<1x16xf32> to vector<16xf32>
      %sub3A_2494 = arith.subf %get3A_2493, %max3A_397 : vector<16xf32>
      %exp3A_2495 = math.exp %sub3A_2494 : vector<16xf32>
      %add3A_2496 = arith.addf %add3A_2488, %exp3A_2495 : vector<16xf32>
      %get3A_2497 = arith.constant 7 : i32
      %get3A_2498 = arith.index_cast %get3A_2497 : i32 to index
      %get3A_2499 = arith.index_cast %mul3A_16 : i32 to index
      %get3A_2500 = tpu.vector_load %arg5[%get3A_2498, %get3A_2499] {strides = array<i32>} : memref<64x1024xf32, #tpu.memory_space<vmem>>, vector<1x16xf32>,
      %get3A_2501 = vector.shape_cast %get3A_2500 : vector<1x16xf32> to vector<16xf32>
      %sub3A_2502 = arith.subf %get3A_2501, %max3A_397 : vector<16xf32>
      %exp3A_2503 = math.exp %sub3A_2502 : vector<16xf32>
      %add3A_2504 = arith.addf %add3A_2496, %exp3A_2503 : vector<16xf32>
      %get3A_2505 = arith.constant 8 : i32
      %get3A_2506 = arith.index_cast %get3A_2505 : i32 to index
      %get3A_2507 = arith.index_cast %mul3A_16 : i32 to index
      %get3A_2508 = tpu.vector_load %arg5[%get3A_2506, %get3A_2507] {strides = array<i32>} : memref<64x1024xf32, #tpu.memory_space<vmem>>, vector<1x16xf32>,
      %get3A_2509 = vector.shape_cast %get3A_2508 : vector<1x16xf32> to vector<16xf32>
      %sub3A_2510 = arith.subf %get3A_2509, %max3A_397 : vector<16xf32>
      %exp3A_2511 = math.exp %sub3A_2510 : vector<16xf32>
      %add3A_2512 = arith.addf %add3A_2504, %exp3A_2511 : vector<16xf32>
      %get3A_2513 = arith.constant 9 : i32
      %get3A_2514 = arith.index_cast %get3A_2513 : i32 to index
      %get3A_2515 = arith.index_cast %mul3A_16 : i32 to index
      %get3A_2516 = tpu.vector_load %arg5[%get3A_2514, %get3A_2515] {strides = array<i32>} : memref<64x1024xf32, #tpu.memory_space<vmem>>, vector<1x16xf32>,
      %get3A_2517 = vector.shape_cast %get3A_2516 : vector<1x16xf32> to vector<16xf32>
      %sub3A_2518 = arith.subf %get3A_2517, %max3A_397 : vector<16xf32>
      %exp3A_2519 = math.exp %sub3A_2518 : vector<16xf32>
      %add3A_2520 = arith.addf %add3A_2512, %exp3A_2519 : vector<16xf32>
      %get3A_2521 = arith.constant 10 : i32
      %get3A_2522 = arith.index_cast %get3A_2521 : i32 to index
      %get3A_2523 = arith.index_cast %mul3A_16 : i32 to index
      %get3A_2524 = tpu.vector_load %arg5[%get3A_2522, %get3A_2523] {strides = array<i32>} : memref<64x1024xf32, #tpu.memory_space<vmem>>, vector<1x16xf32>,
      %get3A_2525 = vector.shape_cast %get3A_2524 : vector<1x16xf32> to vector<16xf32>
      %sub3A_2526 = arith.subf %get3A_2525, %max3A_397 : vector<16xf32>
      %exp3A_2527 = math.exp %sub3A_2526 : vector<16xf32>
      %add3A_2528 = arith.addf %add3A_2520, %exp3A_2527 : vector<16xf32>
      %get3A_2529 = arith.constant 11 : i32
      %get3A_2530 = arith.index_cast %get3A_2529 : i32 to index
      %get3A_2531 = arith.index_cast %mul3A_16 : i32 to index
      %get3A_2532 = tpu.vector_load %arg5[%get3A_2530, %get3A_2531] {strides = array<i32>} : memref<64x1024xf32, #tpu.memory_space<vmem>>, vector<1x16xf32>,
      %get3A_2533 = vector.shape_cast %get3A_2532 : vector<1x16xf32> to vector<16xf32>
      %sub3A_2534 = arith.subf %get3A_2533, %max3A_397 : vector<16xf32>
      %exp3A_2535 = math.exp %sub3A_2534 : vector<16xf32>
      %add3A_2536 = arith.addf %add3A_2528, %exp3A_2535 : vector<16xf32>
      %get3A_2537 = arith.constant 12 : i32
      %get3A_2538 = arith.index_cast %get3A_2537 : i32 to index
      %get3A_2539 = arith.index_cast %mul3A_16 : i32 to index
      %get3A_2540 = tpu.vector_load %arg5[%get3A_2538, %get3A_2539] {strides = array<i32>} : memref<64x1024xf32, #tpu.memory_space<vmem>>, vector<1x16xf32>,
      %get3A_2541 = vector.shape_cast %get3A_2540 : vector<1x16xf32> to vector<16xf32>
      %sub3A_2542 = arith.subf %get3A_2541, %max3A_397 : vector<16xf32>
      %exp3A_2543 = math.exp %sub3A_2542 : vector<16xf32>
      %add3A_2544 = arith.addf %add3A_2536, %exp3A_2543 : vector<16xf32>
      %get3A_2545 = arith.constant 13 : i32
      %get3A_2546 = arith.index_cast %get3A_2545 : i32 to index
      %get3A_2547 = arith.index_cast %mul3A_16 : i32 to index
      %get3A_2548 = tpu.vector_load %arg5[%get3A_2546, %get3A_2547] {strides = array<i32>} : memref<64x1024xf32, #tpu.memory_space<vmem>>, vector<1x16xf32>,
      %get3A_2549 = vector.shape_cast %get3A_2548 : vector<1x16xf32> to vector<16xf32>
      %sub3A_2550 = arith.subf %get3A_2549, %max3A_397 : vector<16xf32>
      %exp3A_2551 = math.exp %sub3A_2550 : vector<16xf32>
      %add3A_2552 = arith.addf %add3A_2544, %exp3A_2551 : vector<16xf32>
      %get3A_2553 = arith.constant 14 : i32
      %get3A_2554 = arith.index_cast %get3A_2553 : i32 to index
      %get3A_2555 = arith.index_cast %mul3A_16 : i32 to index
      %get3A_2556 = tpu.vector_load %arg5[%get3A_2554, %get3A_2555] {strides = array<i32>} : memref<64x1024xf32, #tpu.memory_space<vmem>>, vector<1x16xf32>,
      %get3A_2557 = vector.shape_cast %get3A_2556 : vector<1x16xf32> to vector<16xf32>
      %sub3A_2558 = arith.subf %get3A_2557, %max3A_397 : vector<16xf32>
      %exp3A_2559 = math.exp %sub3A_2558 : vector<16xf32>
      %add3A_2560 = arith.addf %add3A_2552, %exp3A_2559 : vector<16xf32>
      %get3A_2561 = arith.constant 15 : i32
      %get3A_2562 = arith.index_cast %get3A_2561 : i32 to index
      %get3A_2563 = arith.index_cast %mul3A_16 : i32 to index
      %get3A_2564 = tpu.vector_load %arg5[%get3A_2562, %get3A_2563] {strides = array<i32>} : memref<64x1024xf32, #tpu.memory_space<vmem>>, vector<1x16xf32>,
      %get3A_2565 = vector.shape_cast %get3A_2564 : vector<1x16xf32> to vector<16xf32>
      %sub3A_2566 = arith.subf %get3A_2565, %max3A_397 : vector<16xf32>
      %exp3A_2567 = math.exp %sub3A_2566 : vector<16xf32>
      %add3A_2568 = arith.addf %add3A_2560, %exp3A_2567 : vector<16xf32>
      %get3A_2569 = arith.constant 16 : i32
      %get3A_2570 = arith.index_cast %get3A_2569 : i32 to index
      %get3A_2571 = arith.index_cast %mul3A_16 : i32 to index
      %get3A_2572 = tpu.vector_load %arg5[%get3A_2570, %get3A_2571] {strides = array<i32>} : memref<64x1024xf32, #tpu.memory_space<vmem>>, vector<1x16xf32>,
      %get3A_2573 = vector.shape_cast %get3A_2572 : vector<1x16xf32> to vector<16xf32>
      %sub3A_2574 = arith.subf %get3A_2573, %max3A_397 : vector<16xf32>
      %exp3A_2575 = math.exp %sub3A_2574 : vector<16xf32>
      %add3A_2576 = arith.addf %add3A_2568, %exp3A_2575 : vector<16xf32>
      %get3A_2577 = arith.constant 17 : i32
      %get3A_2578 = arith.index_cast %get3A_2577 : i32 to index
      %get3A_2579 = arith.index_cast %mul3A_16 : i32 to index
      %get3A_2580 = tpu.vector_load %arg5[%get3A_2578, %get3A_2579] {strides = array<i32>} : memref<64x1024xf32, #tpu.memory_space<vmem>>, vector<1x16xf32>,
      %get3A_2581 = vector.shape_cast %get3A_2580 : vector<1x16xf32> to vector<16xf32>
      %sub3A_2582 = arith.subf %get3A_2581, %max3A_397 : vector<16xf32>
      %exp3A_2583 = math.exp %sub3A_2582 : vector<16xf32>
      %add3A_2584 = arith.addf %add3A_2576, %exp3A_2583 : vector<16xf32>
      %get3A_2585 = arith.constant 18 : i32
      %get3A_2586 = arith.index_cast %get3A_2585 : i32 to index
      %get3A_2587 = arith.index_cast %mul3A_16 : i32 to index
      %get3A_2588 = tpu.vector_load %arg5[%get3A_2586, %get3A_2587] {strides = array<i32>} : memref<64x1024xf32, #tpu.memory_space<vmem>>, vector<1x16xf32>,
      %get3A_2589 = vector.shape_cast %get3A_2588 : vector<1x16xf32> to vector<16xf32>
      %sub3A_2590 = arith.subf %get3A_2589, %max3A_397 : vector<16xf32>
      %exp3A_2591 = math.exp %sub3A_2590 : vector<16xf32>
      %add3A_2592 = arith.addf %add3A_2584, %exp3A_2591 : vector<16xf32>
      %get3A_2593 = arith.constant 19 : i32
      %get3A_2594 = arith.index_cast %get3A_2593 : i32 to index
      %get3A_2595 = arith.index_cast %mul3A_16 : i32 to index
      %get3A_2596 = tpu.vector_load %arg5[%get3A_2594, %get3A_2595] {strides = array<i32>} : memref<64x1024xf32, #tpu.memory_space<vmem>>, vector<1x16xf32>,
      %get3A_2597 = vector.shape_cast %get3A_2596 : vector<1x16xf32> to vector<16xf32>
      %sub3A_2598 = arith.subf %get3A_2597, %max3A_397 : vector<16xf32>
      %exp3A_2599 = math.exp %sub3A_2598 : vector<16xf32>
      %add3A_2600 = arith.addf %add3A_2592, %exp3A_2599 : vector<16xf32>
      %get3A_2601 = arith.constant 20 : i32
      %get3A_2602 = arith.index_cast %get3A_2601 : i32 to index
      %get3A_2603 = arith.index_cast %mul3A_16 : i32 to index
      %get3A_2604 = tpu.vector_load %arg5[%get3A_2602, %get3A_2603] {strides = array<i32>} : memref<64x1024xf32, #tpu.memory_space<vmem>>, vector<1x16xf32>,
      %get3A_2605 = vector.shape_cast %get3A_2604 : vector<1x16xf32> to vector<16xf32>
      %sub3A_2606 = arith.subf %get3A_2605, %max3A_397 : vector<16xf32>
      %exp3A_2607 = math.exp %sub3A_2606 : vector<16xf32>
      %add3A_2608 = arith.addf %add3A_2600, %exp3A_2607 : vector<16xf32>
      %get3A_2609 = arith.constant 21 : i32
      %get3A_2610 = arith.index_cast %get3A_2609 : i32 to index
      %get3A_2611 = arith.index_cast %mul3A_16 : i32 to index
      %get3A_2612 = tpu.vector_load %arg5[%get3A_2610, %get3A_2611] {strides = array<i32>} : memref<64x1024xf32, #tpu.memory_space<vmem>>, vector<1x16xf32>,
      %get3A_2613 = vector.shape_cast %get3A_2612 : vector<1x16xf32> to vector<16xf32>
      %sub3A_2614 = arith.subf %get3A_2613, %max3A_397 : vector<16xf32>
      %exp3A_2615 = math.exp %sub3A_2614 : vector<16xf32>
      %add3A_2616 = arith.addf %add3A_2608, %exp3A_2615 : vector<16xf32>
      %get3A_2617 = arith.constant 22 : i32
      %get3A_2618 = arith.index_cast %get3A_2617 : i32 to index
      %get3A_2619 = arith.index_cast %mul3A_16 : i32 to index
      %get3A_2620 = tpu.vector_load %arg5[%get3A_2618, %get3A_2619] {strides = array<i32>} : memref<64x1024xf32, #tpu.memory_space<vmem>>, vector<1x16xf32>,
      %get3A_2621 = vector.shape_cast %get3A_2620 : vector<1x16xf32> to vector<16xf32>
      %sub3A_2622 = arith.subf %get3A_2621, %max3A_397 : vector<16xf32>
      %exp3A_2623 = math.exp %sub3A_2622 : vector<16xf32>
      %add3A_2624 = arith.addf %add3A_2616, %exp3A_2623 : vector<16xf32>
      %get3A_2625 = arith.constant 23 : i32
      %get3A_2626 = arith.index_cast %get3A_2625 : i32 to index
      %get3A_2627 = arith.index_cast %mul3A_16 : i32 to index
      %get3A_2628 = tpu.vector_load %arg5[%get3A_2626, %get3A_2627] {strides = array<i32>} : memref<64x1024xf32, #tpu.memory_space<vmem>>, vector<1x16xf32>,
      %get3A_2629 = vector.shape_cast %get3A_2628 : vector<1x16xf32> to vector<16xf32>
      %sub3A_2630 = arith.subf %get3A_2629, %max3A_397 : vector<16xf32>
      %exp3A_2631 = math.exp %sub3A_2630 : vector<16xf32>
      %add3A_2632 = arith.addf %add3A_2624, %exp3A_2631 : vector<16xf32>
      %get3A_2633 = arith.constant 24 : i32
      %get3A_2634 = arith.index_cast %get3A_2633 : i32 to index
      %get3A_2635 = arith.index_cast %mul3A_16 : i32 to index
      %get3A_2636 = tpu.vector_load %arg5[%get3A_2634, %get3A_2635] {strides = array<i32>} : memref<64x1024xf32, #tpu.memory_space<vmem>>, vector<1x16xf32>,
      %get3A_2637 = vector.shape_cast %get3A_2636 : vector<1x16xf32> to vector<16xf32>
      %sub3A_2638 = arith.subf %get3A_2637, %max3A_397 : vector<16xf32>
      %exp3A_2639 = math.exp %sub3A_2638 : vector<16xf32>
      %add3A_2640 = arith.addf %add3A_2632, %exp3A_2639 : vector<16xf32>
      %get3A_2641 = arith.constant 25 : i32
      %get3A_2642 = arith.index_cast %get3A_2641 : i32 to index
      %get3A_2643 = arith.index_cast %mul3A_16 : i32 to index
      %get3A_2644 = tpu.vector_load %arg5[%get3A_2642, %get3A_2643] {strides = array<i32>} : memref<64x1024xf32, #tpu.memory_space<vmem>>, vector<1x16xf32>,
      %get3A_2645 = vector.shape_cast %get3A_2644 : vector<1x16xf32> to vector<16xf32>
      %sub3A_2646 = arith.subf %get3A_2645, %max3A_397 : vector<16xf32>
      %exp3A_2647 = math.exp %sub3A_2646 : vector<16xf32>
      %add3A_2648 = arith.addf %add3A_2640, %exp3A_2647 : vector<16xf32>
      %get3A_2649 = arith.constant 26 : i32
      %get3A_2650 = arith.index_cast %get3A_2649 : i32 to index
      %get3A_2651 = arith.index_cast %mul3A_16 : i32 to index
      %get3A_2652 = tpu.vector_load %arg5[%get3A_2650, %get3A_2651] {strides = array<i32>} : memref<64x1024xf32, #tpu.memory_space<vmem>>, vector<1x16xf32>,
      %get3A_2653 = vector.shape_cast %get3A_2652 : vector<1x16xf32> to vector<16xf32>
      %sub3A_2654 = arith.subf %get3A_2653, %max3A_397 : vector<16xf32>
      %exp3A_2655 = math.exp %sub3A_2654 : vector<16xf32>
      %add3A_2656 = arith.addf %add3A_2648, %exp3A_2655 : vector<16xf32>
      %get3A_2657 = arith.constant 27 : i32
      %get3A_2658 = arith.index_cast %get3A_2657 : i32 to index
      %get3A_2659 = arith.index_cast %mul3A_16 : i32 to index
      %get3A_2660 = tpu.vector_load %arg5[%get3A_2658, %get3A_2659] {strides = array<i32>} : memref<64x1024xf32, #tpu.memory_space<vmem>>, vector<1x16xf32>,
      %get3A_2661 = vector.shape_cast %get3A_2660 : vector<1x16xf32> to vector<16xf32>
      %sub3A_2662 = arith.subf %get3A_2661, %max3A_397 : vector<16xf32>
      %exp3A_2663 = math.exp %sub3A_2662 : vector<16xf32>
      %add3A_2664 = arith.addf %add3A_2656, %exp3A_2663 : vector<16xf32>
      %get3A_2665 = arith.constant 28 : i32
      %get3A_2666 = arith.index_cast %get3A_2665 : i32 to index
      %get3A_2667 = arith.index_cast %mul3A_16 : i32 to index
      %get3A_2668 = tpu.vector_load %arg5[%get3A_2666, %get3A_2667] {strides = array<i32>} : memref<64x1024xf32, #tpu.memory_space<vmem>>, vector<1x16xf32>,
      %get3A_2669 = vector.shape_cast %get3A_2668 : vector<1x16xf32> to vector<16xf32>
      %sub3A_2670 = arith.subf %get3A_2669, %max3A_397 : vector<16xf32>
      %exp3A_2671 = math.exp %sub3A_2670 : vector<16xf32>
      %add3A_2672 = arith.addf %add3A_2664, %exp3A_2671 : vector<16xf32>
      %get3A_2673 = arith.constant 29 : i32
      %get3A_2674 = arith.index_cast %get3A_2673 : i32 to index
      %get3A_2675 = arith.index_cast %mul3A_16 : i32 to index
      %get3A_2676 = tpu.vector_load %arg5[%get3A_2674, %get3A_2675] {strides = array<i32>} : memref<64x1024xf32, #tpu.memory_space<vmem>>, vector<1x16xf32>,
      %get3A_2677 = vector.shape_cast %get3A_2676 : vector<1x16xf32> to vector<16xf32>
      %sub3A_2678 = arith.subf %get3A_2677, %max3A_397 : vector<16xf32>
      %exp3A_2679 = math.exp %sub3A_2678 : vector<16xf32>
      %add3A_2680 = arith.addf %add3A_2672, %exp3A_2679 : vector<16xf32>
      %get3A_2681 = arith.constant 30 : i32
      %get3A_2682 = arith.index_cast %get3A_2681 : i32 to index
      %get3A_2683 = arith.index_cast %mul3A_16 : i32 to index
      %get3A_2684 = tpu.vector_load %arg5[%get3A_2682, %get3A_2683] {strides = array<i32>} : memref<64x1024xf32, #tpu.memory_space<vmem>>, vector<1x16xf32>,
      %get3A_2685 = vector.shape_cast %get3A_2684 : vector<1x16xf32> to vector<16xf32>
      %sub3A_2686 = arith.subf %get3A_2685, %max3A_397 : vector<16xf32>
      %exp3A_2687 = math.exp %sub3A_2686 : vector<16xf32>
      %add3A_2688 = arith.addf %add3A_2680, %exp3A_2687 : vector<16xf32>
      %get3A_2689 = arith.constant 31 : i32
      %get3A_2690 = arith.index_cast %get3A_2689 : i32 to index
      %get3A_2691 = arith.index_cast %mul3A_16 : i32 to index
      %get3A_2692 = tpu.vector_load %arg5[%get3A_2690, %get3A_2691] {strides = array<i32>} : memref<64x1024xf32, #tpu.memory_space<vmem>>, vector<1x16xf32>,
      %get3A_2693 = vector.shape_cast %get3A_2692 : vector<1x16xf32> to vector<16xf32>
      %sub3A_2694 = arith.subf %get3A_2693, %max3A_397 : vector<16xf32>
      %exp3A_2695 = math.exp %sub3A_2694 : vector<16xf32>
      %add3A_2696 = arith.addf %add3A_2688, %exp3A_2695 : vector<16xf32>
      %get3A_2697 = arith.constant 32 : i32
      %get3A_2698 = arith.index_cast %get3A_2697 : i32 to index
      %get3A_2699 = arith.index_cast %mul3A_16 : i32 to index
      %get3A_2700 = tpu.vector_load %arg5[%get3A_2698, %get3A_2699] {strides = array<i32>} : memref<64x1024xf32, #tpu.memory_space<vmem>>, vector<1x16xf32>,
      %get3A_2701 = vector.shape_cast %get3A_2700 : vector<1x16xf32> to vector<16xf32>
      %sub3A_2702 = arith.subf %get3A_2701, %max3A_397 : vector<16xf32>
      %exp3A_2703 = math.exp %sub3A_2702 : vector<16xf32>
      %add3A_2704 = arith.addf %add3A_2696, %exp3A_2703 : vector<16xf32>
      %get3A_2705 = arith.constant 33 : i32
      %get3A_2706 = arith.index_cast %get3A_2705 : i32 to index
      %get3A_2707 = arith.index_cast %mul3A_16 : i32 to index
      %get3A_2708 = tpu.vector_load %arg5[%get3A_2706, %get3A_2707] {strides = array<i32>} : memref<64x1024xf32, #tpu.memory_space<vmem>>, vector<1x16xf32>,
      %get3A_2709 = vector.shape_cast %get3A_2708 : vector<1x16xf32> to vector<16xf32>
      %sub3A_2710 = arith.subf %get3A_2709, %max3A_397 : vector<16xf32>
      %exp3A_2711 = math.exp %sub3A_2710 : vector<16xf32>
      %add3A_2712 = arith.addf %add3A_2704, %exp3A_2711 : vector<16xf32>
      %get3A_2713 = arith.constant 34 : i32
      %get3A_2714 = arith.index_cast %get3A_2713 : i32 to index
      %get3A_2715 = arith.index_cast %mul3A_16 : i32 to index
      %get3A_2716 = tpu.vector_load %arg5[%get3A_2714, %get3A_2715] {strides = array<i32>} : memref<64x1024xf32, #tpu.memory_space<vmem>>, vector<1x16xf32>,
      %get3A_2717 = vector.shape_cast %get3A_2716 : vector<1x16xf32> to vector<16xf32>
      %sub3A_2718 = arith.subf %get3A_2717, %max3A_397 : vector<16xf32>
      %exp3A_2719 = math.exp %sub3A_2718 : vector<16xf32>
      %add3A_2720 = arith.addf %add3A_2712, %exp3A_2719 : vector<16xf32>
      %get3A_2721 = arith.constant 35 : i32
      %get3A_2722 = arith.index_cast %get3A_2721 : i32 to index
      %get3A_2723 = arith.index_cast %mul3A_16 : i32 to index
      %get3A_2724 = tpu.vector_load %arg5[%get3A_2722, %get3A_2723] {strides = array<i32>} : memref<64x1024xf32, #tpu.memory_space<vmem>>, vector<1x16xf32>,
      %get3A_2725 = vector.shape_cast %get3A_2724 : vector<1x16xf32> to vector<16xf32>
      %sub3A_2726 = arith.subf %get3A_2725, %max3A_397 : vector<16xf32>
      %exp3A_2727 = math.exp %sub3A_2726 : vector<16xf32>
      %add3A_2728 = arith.addf %add3A_2720, %exp3A_2727 : vector<16xf32>
      %get3A_2729 = arith.constant 36 : i32
      %get3A_2730 = arith.index_cast %get3A_2729 : i32 to index
      %get3A_2731 = arith.index_cast %mul3A_16 : i32 to index
      %get3A_2732 = tpu.vector_load %arg5[%get3A_2730, %get3A_2731] {strides = array<i32>} : memref<64x1024xf32, #tpu.memory_space<vmem>>, vector<1x16xf32>,
      %get3A_2733 = vector.shape_cast %get3A_2732 : vector<1x16xf32> to vector<16xf32>
      %sub3A_2734 = arith.subf %get3A_2733, %max3A_397 : vector<16xf32>
      %exp3A_2735 = math.exp %sub3A_2734 : vector<16xf32>
      %add3A_2736 = arith.addf %add3A_2728, %exp3A_2735 : vector<16xf32>
      %get3A_2737 = arith.constant 37 : i32
      %get3A_2738 = arith.index_cast %get3A_2737 : i32 to index
      %get3A_2739 = arith.index_cast %mul3A_16 : i32 to index
      %get3A_2740 = tpu.vector_load %arg5[%get3A_2738, %get3A_2739] {strides = array<i32>} : memref<64x1024xf32, #tpu.memory_space<vmem>>, vector<1x16xf32>,
      %get3A_2741 = vector.shape_cast %get3A_2740 : vector<1x16xf32> to vector<16xf32>
      %sub3A_2742 = arith.subf %get3A_2741, %max3A_397 : vector<16xf32>
      %exp3A_2743 = math.exp %sub3A_2742 : vector<16xf32>
      %add3A_2744 = arith.addf %add3A_2736, %exp3A_2743 : vector<16xf32>
      %get3A_2745 = arith.constant 38 : i32
      %get3A_2746 = arith.index_cast %get3A_2745 : i32 to index
      %get3A_2747 = arith.index_cast %mul3A_16 : i32 to index
      %get3A_2748 = tpu.vector_load %arg5[%get3A_2746, %get3A_2747] {strides = array<i32>} : memref<64x1024xf32, #tpu.memory_space<vmem>>, vector<1x16xf32>,
      %get3A_2749 = vector.shape_cast %get3A_2748 : vector<1x16xf32> to vector<16xf32>
      %sub3A_2750 = arith.subf %get3A_2749, %max3A_397 : vector<16xf32>
      %exp3A_2751 = math.exp %sub3A_2750 : vector<16xf32>
      %add3A_2752 = arith.addf %add3A_2744, %exp3A_2751 : vector<16xf32>
      %get3A_2753 = arith.constant 39 : i32
      %get3A_2754 = arith.index_cast %get3A_2753 : i32 to index
      %get3A_2755 = arith.index_cast %mul3A_16 : i32 to index
      %get3A_2756 = tpu.vector_load %arg5[%get3A_2754, %get3A_2755] {strides = array<i32>} : memref<64x1024xf32, #tpu.memory_space<vmem>>, vector<1x16xf32>,
      %get3A_2757 = vector.shape_cast %get3A_2756 : vector<1x16xf32> to vector<16xf32>
      %sub3A_2758 = arith.subf %get3A_2757, %max3A_397 : vector<16xf32>
      %exp3A_2759 = math.exp %sub3A_2758 : vector<16xf32>
      %add3A_2760 = arith.addf %add3A_2752, %exp3A_2759 : vector<16xf32>
      %get3A_2761 = arith.constant 40 : i32
      %get3A_2762 = arith.index_cast %get3A_2761 : i32 to index
      %get3A_2763 = arith.index_cast %mul3A_16 : i32 to index
      %get3A_2764 = tpu.vector_load %arg5[%get3A_2762, %get3A_2763] {strides = array<i32>} : memref<64x1024xf32, #tpu.memory_space<vmem>>, vector<1x16xf32>,
      %get3A_2765 = vector.shape_cast %get3A_2764 : vector<1x16xf32> to vector<16xf32>
      %sub3A_2766 = arith.subf %get3A_2765, %max3A_397 : vector<16xf32>
      %exp3A_2767 = math.exp %sub3A_2766 : vector<16xf32>
      %add3A_2768 = arith.addf %add3A_2760, %exp3A_2767 : vector<16xf32>
      %get3A_2769 = arith.constant 41 : i32
      %get3A_2770 = arith.index_cast %get3A_2769 : i32 to index
      %get3A_2771 = arith.index_cast %mul3A_16 : i32 to index
      %get3A_2772 = tpu.vector_load %arg5[%get3A_2770, %get3A_2771] {strides = array<i32>} : memref<64x1024xf32, #tpu.memory_space<vmem>>, vector<1x16xf32>,
      %get3A_2773 = vector.shape_cast %get3A_2772 : vector<1x16xf32> to vector<16xf32>
      %sub3A_2774 = arith.subf %get3A_2773, %max3A_397 : vector<16xf32>
      %exp3A_2775 = math.exp %sub3A_2774 : vector<16xf32>
      %add3A_2776 = arith.addf %add3A_2768, %exp3A_2775 : vector<16xf32>
      %get3A_2777 = arith.constant 42 : i32
      %get3A_2778 = arith.index_cast %get3A_2777 : i32 to index
      %get3A_2779 = arith.index_cast %mul3A_16 : i32 to index
      %get3A_2780 = tpu.vector_load %arg5[%get3A_2778, %get3A_2779] {strides = array<i32>} : memref<64x1024xf32, #tpu.memory_space<vmem>>, vector<1x16xf32>,
      %get3A_2781 = vector.shape_cast %get3A_2780 : vector<1x16xf32> to vector<16xf32>
      %sub3A_2782 = arith.subf %get3A_2781, %max3A_397 : vector<16xf32>
      %exp3A_2783 = math.exp %sub3A_2782 : vector<16xf32>
      %add3A_2784 = arith.addf %add3A_2776, %exp3A_2783 : vector<16xf32>
      %get3A_2785 = arith.constant 43 : i32
      %get3A_2786 = arith.index_cast %get3A_2785 : i32 to index
      %get3A_2787 = arith.index_cast %mul3A_16 : i32 to index
      %get3A_2788 = tpu.vector_load %arg5[%get3A_2786, %get3A_2787] {strides = array<i32>} : memref<64x1024xf32, #tpu.memory_space<vmem>>, vector<1x16xf32>,
      %get3A_2789 = vector.shape_cast %get3A_2788 : vector<1x16xf32> to vector<16xf32>
      %sub3A_2790 = arith.subf %get3A_2789, %max3A_397 : vector<16xf32>
      %exp3A_2791 = math.exp %sub3A_2790 : vector<16xf32>
      %add3A_2792 = arith.addf %add3A_2784, %exp3A_2791 : vector<16xf32>
      %get3A_2793 = arith.constant 44 : i32
      %get3A_2794 = arith.index_cast %get3A_2793 : i32 to index
      %get3A_2795 = arith.index_cast %mul3A_16 : i32 to index
      %get3A_2796 = tpu.vector_load %arg5[%get3A_2794, %get3A_2795] {strides = array<i32>} : memref<64x1024xf32, #tpu.memory_space<vmem>>, vector<1x16xf32>,
      %get3A_2797 = vector.shape_cast %get3A_2796 : vector<1x16xf32> to vector<16xf32>
      %sub3A_2798 = arith.subf %get3A_2797, %max3A_397 : vector<16xf32>
      %exp3A_2799 = math.exp %sub3A_2798 : vector<16xf32>
      %add3A_2800 = arith.addf %add3A_2792, %exp3A_2799 : vector<16xf32>
      %get3A_2801 = arith.constant 45 : i32
      %get3A_2802 = arith.index_cast %get3A_2801 : i32 to index
      %get3A_2803 = arith.index_cast %mul3A_16 : i32 to index
      %get3A_2804 = tpu.vector_load %arg5[%get3A_2802, %get3A_2803] {strides = array<i32>} : memref<64x1024xf32, #tpu.memory_space<vmem>>, vector<1x16xf32>,
      %get3A_2805 = vector.shape_cast %get3A_2804 : vector<1x16xf32> to vector<16xf32>
      %sub3A_2806 = arith.subf %get3A_2805, %max3A_397 : vector<16xf32>
      %exp3A_2807 = math.exp %sub3A_2806 : vector<16xf32>
      %add3A_2808 = arith.addf %add3A_2800, %exp3A_2807 : vector<16xf32>
      %get3A_2809 = arith.constant 46 : i32
      %get3A_2810 = arith.index_cast %get3A_2809 : i32 to index
      %get3A_2811 = arith.index_cast %mul3A_16 : i32 to index
      %get3A_2812 = tpu.vector_load %arg5[%get3A_2810, %get3A_2811] {strides = array<i32>} : memref<64x1024xf32, #tpu.memory_space<vmem>>, vector<1x16xf32>,
      %get3A_2813 = vector.shape_cast %get3A_2812 : vector<1x16xf32> to vector<16xf32>
      %sub3A_2814 = arith.subf %get3A_2813, %max3A_397 : vector<16xf32>
      %exp3A_2815 = math.exp %sub3A_2814 : vector<16xf32>
      %add3A_2816 = arith.addf %add3A_2808, %exp3A_2815 : vector<16xf32>
      %get3A_2817 = arith.constant 47 : i32
      %get3A_2818 = arith.index_cast %get3A_2817 : i32 to index
      %get3A_2819 = arith.index_cast %mul3A_16 : i32 to index
      %get3A_2820 = tpu.vector_load %arg5[%get3A_2818, %get3A_2819] {strides = array<i32>} : memref<64x1024xf32, #tpu.memory_space<vmem>>, vector<1x16xf32>,
      %get3A_2821 = vector.shape_cast %get3A_2820 : vector<1x16xf32> to vector<16xf32>
      %sub3A_2822 = arith.subf %get3A_2821, %max3A_397 : vector<16xf32>
      %exp3A_2823 = math.exp %sub3A_2822 : vector<16xf32>
      %add3A_2824 = arith.addf %add3A_2816, %exp3A_2823 : vector<16xf32>
      %get3A_2825 = arith.constant 48 : i32
      %get3A_2826 = arith.index_cast %get3A_2825 : i32 to index
      %get3A_2827 = arith.index_cast %mul3A_16 : i32 to index
      %get3A_2828 = tpu.vector_load %arg5[%get3A_2826, %get3A_2827] {strides = array<i32>} : memref<64x1024xf32, #tpu.memory_space<vmem>>, vector<1x16xf32>,
      %get3A_2829 = vector.shape_cast %get3A_2828 : vector<1x16xf32> to vector<16xf32>
      %sub3A_2830 = arith.subf %get3A_2829, %max3A_397 : vector<16xf32>
      %exp3A_2831 = math.exp %sub3A_2830 : vector<16xf32>
      %add3A_2832 = arith.addf %add3A_2824, %exp3A_2831 : vector<16xf32>
      %get3A_2833 = arith.constant 49 : i32
      %get3A_2834 = arith.index_cast %get3A_2833 : i32 to index
      %get3A_2835 = arith.index_cast %mul3A_16 : i32 to index
      %get3A_2836 = tpu.vector_load %arg5[%get3A_2834, %get3A_2835] {strides = array<i32>} : memref<64x1024xf32, #tpu.memory_space<vmem>>, vector<1x16xf32>,
      %get3A_2837 = vector.shape_cast %get3A_2836 : vector<1x16xf32> to vector<16xf32>
      %sub3A_2838 = arith.subf %get3A_2837, %max3A_397 : vector<16xf32>
      %exp3A_2839 = math.exp %sub3A_2838 : vector<16xf32>
      %add3A_2840 = arith.addf %add3A_2832, %exp3A_2839 : vector<16xf32>
      %get3A_2841 = arith.constant 50 : i32
      %get3A_2842 = arith.index_cast %get3A_2841 : i32 to index
      %get3A_2843 = arith.index_cast %mul3A_16 : i32 to index
      %get3A_2844 = tpu.vector_load %arg5[%get3A_2842, %get3A_2843] {strides = array<i32>} : memref<64x1024xf32, #tpu.memory_space<vmem>>, vector<1x16xf32>,
      %get3A_2845 = vector.shape_cast %get3A_2844 : vector<1x16xf32> to vector<16xf32>
      %sub3A_2846 = arith.subf %get3A_2845, %max3A_397 : vector<16xf32>
      %exp3A_2847 = math.exp %sub3A_2846 : vector<16xf32>
      %add3A_2848 = arith.addf %add3A_2840, %exp3A_2847 : vector<16xf32>
      %get3A_2849 = arith.constant 51 : i32
      %get3A_2850 = arith.index_cast %get3A_2849 : i32 to index
      %get3A_2851 = arith.index_cast %mul3A_16 : i32 to index
      %get3A_2852 = tpu.vector_load %arg5[%get3A_2850, %get3A_2851] {strides = array<i32>} : memref<64x1024xf32, #tpu.memory_space<vmem>>, vector<1x16xf32>,
      %get3A_2853 = vector.shape_cast %get3A_2852 : vector<1x16xf32> to vector<16xf32>
      %sub3A_2854 = arith.subf %get3A_2853, %max3A_397 : vector<16xf32>
      %exp3A_2855 = math.exp %sub3A_2854 : vector<16xf32>
      %add3A_2856 = arith.addf %add3A_2848, %exp3A_2855 : vector<16xf32>
      %get3A_2857 = arith.constant 52 : i32
      %get3A_2858 = arith.index_cast %get3A_2857 : i32 to index
      %get3A_2859 = arith.index_cast %mul3A_16 : i32 to index
      %get3A_2860 = tpu.vector_load %arg5[%get3A_2858, %get3A_2859] {strides = array<i32>} : memref<64x1024xf32, #tpu.memory_space<vmem>>, vector<1x16xf32>,
      %get3A_2861 = vector.shape_cast %get3A_2860 : vector<1x16xf32> to vector<16xf32>
      %sub3A_2862 = arith.subf %get3A_2861, %max3A_397 : vector<16xf32>
      %exp3A_2863 = math.exp %sub3A_2862 : vector<16xf32>
      %add3A_2864 = arith.addf %add3A_2856, %exp3A_2863 : vector<16xf32>
      %get3A_2865 = arith.constant 53 : i32
      %get3A_2866 = arith.index_cast %get3A_2865 : i32 to index
      %get3A_2867 = arith.index_cast %mul3A_16 : i32 to index
      %get3A_2868 = tpu.vector_load %arg5[%get3A_2866, %get3A_2867] {strides = array<i32>} : memref<64x1024xf32, #tpu.memory_space<vmem>>, vector<1x16xf32>,
      %get3A_2869 = vector.shape_cast %get3A_2868 : vector<1x16xf32> to vector<16xf32>
      %sub3A_2870 = arith.subf %get3A_2869, %max3A_397 : vector<16xf32>
      %exp3A_2871 = math.exp %sub3A_2870 : vector<16xf32>
      %add3A_2872 = arith.addf %add3A_2864, %exp3A_2871 : vector<16xf32>
      %get3A_2873 = arith.constant 54 : i32
      %get3A_2874 = arith.index_cast %get3A_2873 : i32 to index
      %get3A_2875 = arith.index_cast %mul3A_16 : i32 to index
      %get3A_2876 = tpu.vector_load %arg5[%get3A_2874, %get3A_2875] {strides = array<i32>} : memref<64x1024xf32, #tpu.memory_space<vmem>>, vector<1x16xf32>,
      %get3A_2877 = vector.shape_cast %get3A_2876 : vector<1x16xf32> to vector<16xf32>
      %sub3A_2878 = arith.subf %get3A_2877, %max3A_397 : vector<16xf32>
      %exp3A_2879 = math.exp %sub3A_2878 : vector<16xf32>
      %add3A_2880 = arith.addf %add3A_2872, %exp3A_2879 : vector<16xf32>
      %get3A_2881 = arith.constant 55 : i32
      %get3A_2882 = arith.index_cast %get3A_2881 : i32 to index
      %get3A_2883 = arith.index_cast %mul3A_16 : i32 to index
      %get3A_2884 = tpu.vector_load %arg5[%get3A_2882, %get3A_2883] {strides = array<i32>} : memref<64x1024xf32, #tpu.memory_space<vmem>>, vector<1x16xf32>,
      %get3A_2885 = vector.shape_cast %get3A_2884 : vector<1x16xf32> to vector<16xf32>
      %sub3A_2886 = arith.subf %get3A_2885, %max3A_397 : vector<16xf32>
      %exp3A_2887 = math.exp %sub3A_2886 : vector<16xf32>
      %add3A_2888 = arith.addf %add3A_2880, %exp3A_2887 : vector<16xf32>
      %get3A_2889 = arith.constant 56 : i32
      %get3A_2890 = arith.index_cast %get3A_2889 : i32 to index
      %get3A_2891 = arith.index_cast %mul3A_16 : i32 to index
      %get3A_2892 = tpu.vector_load %arg5[%get3A_2890, %get3A_2891] {strides = array<i32>} : memref<64x1024xf32, #tpu.memory_space<vmem>>, vector<1x16xf32>,
      %get3A_2893 = vector.shape_cast %get3A_2892 : vector<1x16xf32> to vector<16xf32>
      %sub3A_2894 = arith.subf %get3A_2893, %max3A_397 : vector<16xf32>
      %exp3A_2895 = math.exp %sub3A_2894 : vector<16xf32>
      %add3A_2896 = arith.addf %add3A_2888, %exp3A_2895 : vector<16xf32>
      %get3A_2897 = arith.constant 57 : i32
      %get3A_2898 = arith.index_cast %get3A_2897 : i32 to index
      %get3A_2899 = arith.index_cast %mul3A_16 : i32 to index
      %get3A_2900 = tpu.vector_load %arg5[%get3A_2898, %get3A_2899] {strides = array<i32>} : memref<64x1024xf32, #tpu.memory_space<vmem>>, vector<1x16xf32>,
      %get3A_2901 = vector.shape_cast %get3A_2900 : vector<1x16xf32> to vector<16xf32>
      %sub3A_2902 = arith.subf %get3A_2901, %max3A_397 : vector<16xf32>
      %exp3A_2903 = math.exp %sub3A_2902 : vector<16xf32>
      %add3A_2904 = arith.addf %add3A_2896, %exp3A_2903 : vector<16xf32>
      %get3A_2905 = arith.constant 58 : i32
      %get3A_2906 = arith.index_cast %get3A_2905 : i32 to index
      %get3A_2907 = arith.index_cast %mul3A_16 : i32 to index
      %get3A_2908 = tpu.vector_load %arg5[%get3A_2906, %get3A_2907] {strides = array<i32>} : memref<64x1024xf32, #tpu.memory_space<vmem>>, vector<1x16xf32>,
      %get3A_2909 = vector.shape_cast %get3A_2908 : vector<1x16xf32> to vector<16xf32>
      %sub3A_2910 = arith.subf %get3A_2909, %max3A_397 : vector<16xf32>
      %exp3A_2911 = math.exp %sub3A_2910 : vector<16xf32>
      %add3A_2912 = arith.addf %add3A_2904, %exp3A_2911 : vector<16xf32>
      %get3A_2913 = arith.constant 59 : i32
      %get3A_2914 = arith.index_cast %get3A_2913 : i32 to index
      %get3A_2915 = arith.index_cast %mul3A_16 : i32 to index
      %get3A_2916 = tpu.vector_load %arg5[%get3A_2914, %get3A_2915] {strides = array<i32>} : memref<64x1024xf32, #tpu.memory_space<vmem>>, vector<1x16xf32>,
      %get3A_2917 = vector.shape_cast %get3A_2916 : vector<1x16xf32> to vector<16xf32>
      %sub3A_2918 = arith.subf %get3A_2917, %max3A_397 : vector<16xf32>
      %exp3A_2919 = math.exp %sub3A_2918 : vector<16xf32>
      %add3A_2920 = arith.addf %add3A_2912, %exp3A_2919 : vector<16xf32>
      %get3A_2921 = arith.constant 60 : i32
      %get3A_2922 = arith.index_cast %get3A_2921 : i32 to index
      %get3A_2923 = arith.index_cast %mul3A_16 : i32 to index
      %get3A_2924 = tpu.vector_load %arg5[%get3A_2922, %get3A_2923] {strides = array<i32>} : memref<64x1024xf32, #tpu.memory_space<vmem>>, vector<1x16xf32>,
      %get3A_2925 = vector.shape_cast %get3A_2924 : vector<1x16xf32> to vector<16xf32>
      %sub3A_2926 = arith.subf %get3A_2925, %max3A_397 : vector<16xf32>
      %exp3A_2927 = math.exp %sub3A_2926 : vector<16xf32>
      %add3A_2928 = arith.addf %add3A_2920, %exp3A_2927 : vector<16xf32>
      %get3A_2929 = arith.constant 61 : i32
      %get3A_2930 = arith.index_cast %get3A_2929 : i32 to index
      %get3A_2931 = arith.index_cast %mul3A_16 : i32 to index
      %get3A_2932 = tpu.vector_load %arg5[%get3A_2930, %get3A_2931] {strides = array<i32>} : memref<64x1024xf32, #tpu.memory_space<vmem>>, vector<1x16xf32>,
      %get3A_2933 = vector.shape_cast %get3A_2932 : vector<1x16xf32> to vector<16xf32>
      %sub3A_2934 = arith.subf %get3A_2933, %max3A_397 : vector<16xf32>
      %exp3A_2935 = math.exp %sub3A_2934 : vector<16xf32>
      %add3A_2936 = arith.addf %add3A_2928, %exp3A_2935 : vector<16xf32>
      %get3A_2937 = arith.constant 62 : i32
      %get3A_2938 = arith.index_cast %get3A_2937 : i32 to index
      %get3A_2939 = arith.index_cast %mul3A_16 : i32 to index
      %get3A_2940 = tpu.vector_load %arg5[%get3A_2938, %get3A_2939] {strides = array<i32>} : memref<64x1024xf32, #tpu.memory_space<vmem>>, vector<1x16xf32>,
      %get3A_2941 = vector.shape_cast %get3A_2940 : vector<1x16xf32> to vector<16xf32>
      %sub3A_2942 = arith.subf %get3A_2941, %max3A_397 : vector<16xf32>
      %exp3A_2943 = math.exp %sub3A_2942 : vector<16xf32>
      %add3A_2944 = arith.addf %add3A_2936, %exp3A_2943 : vector<16xf32>
      %get3A_2945 = arith.constant 63 : i32
      %get3A_2946 = arith.index_cast %get3A_2945 : i32 to index
      %get3A_2947 = arith.index_cast %mul3A_16 : i32 to index
      %get3A_2948 = tpu.vector_load %arg5[%get3A_2946, %get3A_2947] {strides = array<i32>} : memref<64x1024xf32, #tpu.memory_space<vmem>>, vector<1x16xf32>,
      %get3A_2949 = vector.shape_cast %get3A_2948 : vector<1x16xf32> to vector<16xf32>
      %sub3A_2950 = arith.subf %get3A_2949, %max3A_397 : vector<16xf32>
      %exp3A_2951 = math.exp %sub3A_2950 : vector<16xf32>
      %add3A_2952 = arith.addf %add3A_2944, %exp3A_2951 : vector<16xf32>
      %div3A = arith.constant 1.000000e+00 : f32
      %div3A_2953 = vector.broadcast %div3A : f32 to vector<16xf32>
      %div3A_2954 = arith.divf %div3A_2953, %add3A_2952 : vector<16xf32>
      %sub3A_2955 = arith.subf %max3A_1674, %max3A_397 : vector<16xf32>
      %exp3A_2956 = math.exp %sub3A_2955 : vector<16xf32>
      %div3A_2957 = arith.divf %exp3A_2956, %add3A_2952 : vector<16xf32>
      %swap3A = arith.constant 0 : i32
      %swap3A_2958 = arith.index_cast %swap3A : i32 to index
      %swap3A_2959 = arith.index_cast %mul3A_16 : i32 to index
      %swap3A_2960 = tpu.vector_load %arg6[%swap3A_2958, %swap3A_2959] {strides = array<i32>} : memref<2x1024xf32, #tpu.memory_space<vmem>>, vector<1x16xf32>,
      %swap3A_2961 = vector.shape_cast %swap3A_2960 : vector<1x16xf32> to vector<16xf32>
      %swap3A_2962 = vector.shape_cast %div3A_2954 : vector<16xf32> to vector<1x16xf32>
      tpu.vector_store %arg6[%swap3A_2958, %swap3A_2959], %swap3A_2962 {strides = array<i32>} : memref<2x1024xf32, #tpu.memory_space<vmem>>, vector<1x16xf32>,
      %swap3A_2963 = arith.constant 1 : i32
      %swap3A_2964 = arith.index_cast %swap3A_2963 : i32 to index
      %swap3A_2965 = arith.index_cast %mul3A_16 : i32 to index
      %swap3A_2966 = tpu.vector_load %arg6[%swap3A_2964, %swap3A_2965] {strides = array<i32>} : memref<2x1024xf32, #tpu.memory_space<vmem>>, vector<1x16xf32>,
      %swap3A_2967 = vector.shape_cast %swap3A_2966 : vector<1x16xf32> to vector<16xf32>
      %swap3A_2968 = vector.shape_cast %div3A_2957 : vector<16xf32> to vector<1x16xf32>
      tpu.vector_store %arg6[%swap3A_2964, %swap3A_2965], %swap3A_2968 {strides = array<i32>} : memref<2x1024xf32, #tpu.memory_space<vmem>>, vector<1x16xf32>,
      %convert_element_type3A = arith.fptosi %min3A_1034 : vector<16xf32> to vector<16xi32>
      %swap3A_2969 = arith.constant 0 : i32
      %swap3A_2970 = arith.index_cast %swap3A_2969 : i32 to index
      %swap3A_2971 = arith.index_cast %mul3A_16 : i32 to index
      %swap3A_2972 = tpu.vector_load %arg7[%swap3A_2970, %swap3A_2971] {strides = array<i32>} : memref<2x1024xi32, #tpu.memory_space<vmem>>, vector<1x16xi32>,
      %swap3A_2973 = vector.shape_cast %swap3A_2972 : vector<1x16xi32> to vector<16xi32>
      %swap3A_2974 = vector.shape_cast %convert_element_type3A : vector<16xi32> to vector<1x16xi32>
      tpu.vector_store %arg7[%swap3A_2970, %swap3A_2971], %swap3A_2974 {strides = array<i32>} : memref<2x1024xi32, #tpu.memory_space<vmem>>, vector<1x16xi32>,
      %convert_element_type3A_2975 = arith.fptosi %min3A_2440 : vector<16xf32> to vector<16xi32>
      %swap3A_2976 = arith.constant 1 : i32
      %swap3A_2977 = arith.index_cast %swap3A_2976 : i32 to index
      %swap3A_2978 = arith.index_cast %mul3A_16 : i32 to index
      %swap3A_2979 = tpu.vector_load %arg7[%swap3A_2977, %swap3A_2978] {strides = array<i32>} : memref<2x1024xi32, #tpu.memory_space<vmem>>, vector<1x16xi32>,
      %swap3A_2980 = vector.shape_cast %swap3A_2979 : vector<1x16xi32> to vector<16xi32>
      %swap3A_2981 = vector.shape_cast %convert_element_type3A_2975 : vector<16xi32> to vector<1x16xi32>
      tpu.vector_store %arg7[%swap3A_2977, %swap3A_2978], %swap3A_2981 {strides = array<i32>} : memref<2x1024xi32, #tpu.memory_space<vmem>>, vector<1x16xi32>,
    }
    %scan3A_9 = arith.constant 64 : i32
    "tpu.region"() ({
      %run_scoped3A = tpu.sem_alloc : memref<!tpu.dma_semaphore, #tpu.memory_space<semaphore_mem>>
      %dma_start3A = arith.constant 0 : i32
      %dma_start3A_10 = tpu.memref_slice %arg3[%dma_start3A, %mul3A_2] : memref<2x32768xf32, #tpu.memory_space<hbm>> -> memref<2x1024xf32, #tpu.memory_space<hbm>>
      %dma_start3A_11 = arith.constant 0 : i32
      %dma_start3A_12 = tpu.memref_slice %arg3[%dma_start3A_11, %mul3A_2] : memref<2x32768xf32, #tpu.memory_space<hbm>> -> memref<2x1024xf32, #tpu.memory_space<hbm>>
      tpu.enqueue_dma source(%arg6 : memref<2x1024xf32, #tpu.memory_space<vmem>>) target(%dma_start3A_12 : memref<2x1024xf32, #tpu.memory_space<hbm>>) target_semaphore(%run_scoped3A : memref<!tpu.dma_semaphore, #tpu.memory_space<semaphore_mem>>)
      %dma_wait3A = arith.constant 0 : i32
      %dma_wait3A_13 = tpu.memref_slice %arg3[%dma_wait3A, %mul3A_2] : memref<2x32768xf32, #tpu.memory_space<hbm>> -> memref<2x1024xf32, #tpu.memory_space<hbm>>
      %dma_wait3A_14 = arith.constant 0 : i32
      %dma_wait3A_15 = tpu.memref_slice %arg3[%dma_wait3A_14, %mul3A_2] : memref<2x32768xf32, #tpu.memory_space<hbm>> -> memref<2x1024xf32, #tpu.memory_space<hbm>>
      tpu.wait_dma2 semaphore(%run_scoped3A : memref<!tpu.dma_semaphore, #tpu.memory_space<semaphore_mem>>) src(%arg6 : memref<2x1024xf32, #tpu.memory_space<vmem>>) dst(%dma_wait3A_15 : memref<2x1024xf32, #tpu.memory_space<hbm>>)
      tpu.yield
    }) : () -> ()
    "tpu.region"() ({
      %run_scoped3A = tpu.sem_alloc : memref<!tpu.dma_semaphore, #tpu.memory_space<semaphore_mem>>
      %dma_start3A = arith.constant 0 : i32
      %dma_start3A_10 = tpu.memref_slice %arg4[%dma_start3A, %mul3A_2] : memref<2x32768xi32, #tpu.memory_space<hbm>> -> memref<2x1024xi32, #tpu.memory_space<hbm>>
      %dma_start3A_11 = arith.constant 0 : i32
      %dma_start3A_12 = tpu.memref_slice %arg4[%dma_start3A_11, %mul3A_2] : memref<2x32768xi32, #tpu.memory_space<hbm>> -> memref<2x1024xi32, #tpu.memory_space<hbm>>
      tpu.enqueue_dma source(%arg7 : memref<2x1024xi32, #tpu.memory_space<vmem>>) target(%dma_start3A_12 : memref<2x1024xi32, #tpu.memory_space<hbm>>) target_semaphore(%run_scoped3A : memref<!tpu.dma_semaphore, #tpu.memory_space<semaphore_mem>>)
      %dma_wait3A = arith.constant 0 : i32
      %dma_wait3A_13 = tpu.memref_slice %arg4[%dma_wait3A, %mul3A_2] : memref<2x32768xi32, #tpu.memory_space<hbm>> -> memref<2x1024xi32, #tpu.memory_space<hbm>>
      %dma_wait3A_14 = arith.constant 0 : i32
      %dma_wait3A_15 = tpu.memref_slice %arg4[%dma_wait3A_14, %mul3A_2] : memref<2x32768xi32, #tpu.memory_space<hbm>> -> memref<2x1024xi32, #tpu.memory_space<hbm>>
      tpu.wait_dma2 semaphore(%run_scoped3A : memref<!tpu.dma_semaphore, #tpu.memory_space<semaphore_mem>>) src(%arg7 : memref<2x1024xi32, #tpu.memory_space<vmem>>) dst(%dma_wait3A_15 : memref<2x1024xi32, #tpu.memory_space<hbm>>)
      tpu.yield
    }) : () -> ()
    return
  }
}

module attributes {stable_mosaic.version = 14 : i64} {
  func.func @_logits_block(%arg0: i32, %arg1: memref<4096x768xf32, #tpu.memory_space<vmem>>, %arg2: memref<768x64xf32, #tpu.memory_space<vmem>>, %arg3: memref<1x64xf32, #tpu.memory_space<vmem>>, %arg4: memref<64x4096xf32, #tpu.memory_space<vmem>>) attributes {dimension_semantics = [#tpu.dimension_semantics<arbitrary>], iteration_bounds = array<i64: 8>, scalar_prefetch = 0 : i64, scratch_operands = 0 : i64, tpu.core_type = #tpu.core_type<tc>, window_params = [{transform_indices = @transform_0, window_bounds = array<i64: 4096, 768>}, {pipeline_mode = #tpu.pipeline_mode<synchronous>, transform_indices = @transform_1, window_bounds = array<i64: 768, 64>}, {pipeline_mode = #tpu.pipeline_mode<synchronous>, transform_indices = @transform_2, window_bounds = array<i64: 1, 64>}, {transform_indices = @transform_3, window_bounds = array<i64: 64, 4096>}]} {
    %get3A = arith.constant 0 : index
    %get3A_0 = arith.constant 0 : index
    %get3A_1 = vector.load %arg1[%get3A, %get3A_0] : memref<4096x768xf32, #tpu.memory_space<vmem>>, vector<4096x768xf32>
    %get3A_2 = arith.constant 0 : index
    %get3A_3 = arith.constant 0 : index
    %get3A_4 = vector.load %arg2[%get3A_2, %get3A_3] : memref<768x64xf32, #tpu.memory_space<vmem>>, vector<768x64xf32>
    %dot_general3A = arith.constant dense<0.000000e+00> : vector<4096x64xf32>
    %dot_general3A_5 = tpu.matmul %get3A_1, %get3A_4, %dot_general3A {dimension_numbers = #tpu.dot_dimension_numbers<[1], [0], [0], [1], [0, 0, 1, 1], [], []>, transpose_lhs_hint = false} : vector<4096x768xf32>, vector<768x64xf32>, vector<4096x64xf32> -> vector<4096x64xf32>
    %get3A_6 = arith.constant 0 : index
    %get3A_7 = arith.constant 0 : index
    %get3A_8 = vector.load %arg3[%get3A_6, %get3A_7] : memref<1x64xf32, #tpu.memory_space<vmem>>, vector<1x64xf32>
    %add3A = vector.broadcast %get3A_8 : vector<1x64xf32> to vector<4096x64xf32>
    %add3A_9 = arith.addf %dot_general3A_5, %add3A : vector<4096x64xf32>
    %transpose3A = tpu.transpose %add3A_9, [1, 0] : vector<4096x64xf32> -> vector<64x4096xf32>
    %swap3A = arith.constant 0 : index
    %swap3A_10 = arith.constant 0 : index
    %swap3A_11 = vector.load %arg4[%swap3A, %swap3A_10] : memref<64x4096xf32, #tpu.memory_space<vmem>>, vector<64x4096xf32>
    tpu.vector_store %arg4[%swap3A, %swap3A_10], %transpose3A {strides = array<i32>} : memref<64x4096xf32, #tpu.memory_space<vmem>>, vector<64x4096xf32>,
    return
  }
  func.func @transform_0(%arg0: i32) -> (i32, i32) {
    %c0_i32 = arith.constant 0 : i32
    %c0_i32_0 = arith.constant 0 : i32
    return %arg0, %c0_i32 : i32, i32
  }
  func.func @transform_1(%arg0: i32) -> (i32, i32) {
    %c0_i32 = arith.constant 0 : i32
    %c0_i32_0 = arith.constant 0 : i32
    %c0_i32_1 = arith.constant 0 : i32
    return %c0_i32, %c0_i32_0 : i32, i32
  }
  func.func @transform_2(%arg0: i32) -> (i32, i32) {
    %c0_i32 = arith.constant 0 : i32
    %c0_i32_0 = arith.constant 0 : i32
    %c0_i32_1 = arith.constant 0 : i32
    return %c0_i32, %c0_i32_0 : i32, i32
  }
  func.func @transform_3(%arg0: i32) -> (i32, i32) {
    %c0_i32 = arith.constant 0 : i32
    %c0_i32_0 = arith.constant 0 : i32
    return %c0_i32, %arg0 : i32, i32
  }
}

</mosaic_0001>

<sc_bundles>
// kernel: kernel.4.cloned.1.call-start
scs
__scs_entry_jumppad:
0x0: {  	(pc) =	sbr.rel $0x88, $3  }
0x1: {  	(tag) =	ssettag $0x0;
	lr =	simm.s32 $0x1  }
0x2: {  	[smem:$0x3F9E] =	sst lr;
	_ =	strace $0xD0000000  }
0x3: {  	_ = 	snop  }
0x4: {  	_ = 	snop  }
0x5: {  	_ = 	snop  }
0x6: {  	_ = 	snop  }
0x7: {  	_ = 	snop  }
__scs_overlays_trampoline_lowered:
0x8: {  	[smem:$0x3FAD] =	sst s0  }
0x9: {  	[smem:$0x3FAE] =	sst s1  }
0xa: {  	[smem:$0x3FAF] =	sst s2  }
0xb: {  	[smem:$0x3FB0] =	sst s3  }
0xc: {  	[smem:$0x3FB1] =	sst s4  }
0xd: {  	[smem:$0x3FB2] =	sst s5  }
0xe: {  	[smem:$0x3FB3] =	sst s6  }
0xf: {  	[smem:$0x3FB4] =	sst s7  }
0x10: {  	[smem:$0x3FB5] =	sst s8  }
0x11: {  	[smem:$0x3FB6] =	sst s9;
	s0 =	simm.s32 @!p0 $0x0  }
0x12: {  	s1 =	sld [smem:$0x3F9C];
	s0 =	simm.s32 @p0 $0x1  }
0x13: {  	[smem:$0x3FB7] =	sst s0;
	s0 =	simm.s32 @!p1 $0x0  }
0x14: {  	s2 =	sld [smem:$0x3F9B];
	s0 =	simm.s32 @p1 $0x1  }
0x15: {  	[smem:$0x3FB8] =	sst s0;
	s0 =	simm.s32 @!p2 $0x0  }
0x16: {  	s3 =	sld [smem:$0x3FDB];
	s0 =	simm.s32 @p2 $0x1  }
0x17: {  	s4 =	simm.s32 $0x1BF5;
	[smem:$0x3FBA] =	sst s0  }
0x18: {  	s0 =	sld [smem:$0x3F9D];
	_ =	swait.ge [sflag:s4], $0x0  }
0x19: {  	s7 =	sld [smem:$0x3F9E]  }
0x1a: {  	s8 =	sadd.s32 $0xFFFFE003, lr  }
0x1b: {  	s9 =	sadd.s32 $0xFFFFFEF7, lr;
	s5 =	simm.s32 $0xFFFFFFFF;
	p2 =	slt.u32 s8, $0xFFFFF086  }
0x1c: {  	p1 =	slt.u32 s9, $0xF7A;
	s5 =	simm.s32 @!p2 $0x0  }
0x1d: {  	s5 =	simm.s32 @p1 $0x1;
	p0 =	seq.s32 s7, s2  }
0x1e: {  	s7 =	smul.u32 @!p0 $0xF7A, s2;
	p2 =	seq.s32 @!p0 s5, $0x0  }
0x1f: {  	s9 =	smul.u32 $0xF7A, s1;
	s8 =	simm.s32 @!p0 $0x1BF5;
	p2 =	por !p2, p0  }
0x20: {  	[sflag:s8] =	ssyncset.s32 @!p0 $0xFFFFF086;
	s6 =	sadd.s32 @!p0 s3, s7;
	s7 =	simm.s32 @!p0 $0x108  }
0x21: {  	s3 =	sadd.s32 s3, s9;
	s6 =	sadd.s32 @!p0 $0x88, s6;
	s7 =	simm.s32 @p2 $0x1082  }
0x22: {  	[simem:s7], [sflag:s8] =	dma.local @!p0 [hbm:s6], $0xF7A  }
0x23: {  	s9 =	sor.u32 $0xD0000000, s2;
	s6 =	simm.s32 $0x108;
	_ =	swait.ge @!p0 [sflag:s8], $0x0  }
0x24: {  	s3 =	sadd.s32 $0x88, s3;
	s6 =	simm.s32 @!p1 $0x1082;
	[sflag:s4] =	ssyncset.s32 $0xFFFFF086  }
0x25: {  	[simem:s6], [sflag:s4] =	dma.local [hbm:s3], $0xF7A  }
0x26: {  	[smem:$0x3F9E] =	sst s1;
	(tag) =	ssettag s2;
	_ =	strace s9  }
0x27: {  	s1 =	sld [smem:$0x3FAE]  }
0x28: {  	s2 =	sld [smem:$0x3FAF]  }
0x29: {  	s4 =	sld [smem:$0x3FB1]  }
0x2a: {  	p0 =	seq.s32 s5, $0x0;
	s5 =	sld [smem:$0x3FB2]  }
0x2b: {  	s6 =	sld [smem:$0x3FB3]  }
0x2c: {  	s7 =	sld [smem:$0x3FB4]  }
0x2d: {  	s3 =	simm.s32 $0x108;
	s8 =	sld [smem:$0x3FB5]  }
0x2e: {  	s3 =	simm.s32 @!p0 $0x1082;
	s9 =	sld [smem:$0x3FB6]  }
0x2f: {  	lr =	sadd.s32 s0, s3;
	s0 =	sld [smem:$0x3FAD]  }
0x30: {  	s3 =	sld [smem:$0x3FB0]  }
0x31: {  	[smem:$0x3FB9] =	sst s10  }
0x32: {  	s10 =	sld [smem:$0x3FB7];
	_ =	sdelay $0x3  }
0x33: {  	p0 =	seq.s32 s10, $0x1;
	s10 =	sld [smem:$0x3FB9];
	_ =	sdelay $0x3  }
0x34: {  	[smem:$0x3FB9] =	sst s10  }
0x35: {  	s10 =	sld [smem:$0x3FB8];
	_ =	sdelay $0x3  }
0x36: {  	p1 =	seq.s32 s10, $0x1;
	s10 =	sld [smem:$0x3FB9];
	_ =	sdelay $0x3  }
0x37: {  	[smem:$0x3FB9] =	sst s10  }
0x38: {  	s10 =	sld [smem:$0x3FBA]  }
0x39: {  	_ = 	snop;
	(pc) =	sbr.ind lr, $3  }
0x3a: {  	_ = 	snop  }
0x3b: {  	_ = 	snop  }
0x3c: {  	p2 =	seq.s32 s10, $0x1;
	s10 =	sld [smem:$0x3FB9]  }
0x3d: {  	_ =	shalt  }
0x3e: {  	_ =	shalt  }
0x3f: {  	_ =	shalt  }
0x40: {  	_ =	shalt  }
0x41: {  	_ =	shalt  }
0x42: {  	_ =	shalt  }
0x43: {  	_ =	shalt  }
0x44: {  	_ =	shalt  }
0x45: {  	_ =	shalt  }
0x46: {  	_ =	shalt  }
0x47: {  	_ =	shalt  }
0x48: {  	_ =	shalt  }
0x49: {  	_ =	shalt  }
0x4a: {  	_ =	shalt  }
0x4b: {  	_ =	shalt  }
0x4c: {  	_ =	shalt  }
0x4d: {  	_ =	shalt  }
0x4e: {  	_ =	shalt  }
0x4f: {  	_ =	shalt  }
0x50: {  	_ =	shalt  }
0x51: {  	_ =	shalt  }
0x52: {  	_ =	shalt  }
0x53: {  	_ =	shalt  }
0x54: {  	_ =	shalt  }
0x55: {  	_ =	shalt  }
0x56: {  	_ =	shalt  }
0x57: {  	_ =	shalt  }
0x58: {  	_ =	shalt  }
0x59: {  	_ =	shalt  }
0x5a: {  	_ =	shalt  }
0x5b: {  	_ =	shalt  }
0x5c: {  	_ =	shalt  }
0x5d: {  	_ =	shalt  }
0x5e: {  	_ =	shalt  }
0x5f: {  	_ =	shalt  }
0x60: {  	_ =	shalt  }
0x61: {  	_ =	shalt  }
0x62: {  	_ =	shalt  }
0x63: {  	_ =	shalt  }
0x64: {  	_ =	shalt  }
0x65: {  	_ =	shalt  }
0x66: {  	_ =	shalt  }
0x67: {  	_ =	shalt  }
0x68: {  	_ =	shalt  }
0x69: {  	_ =	shalt  }
0x6a: {  	_ =	shalt  }
0x6b: {  	_ =	shalt  }
0x6c: {  	_ =	shalt  }
0x6d: {  	_ =	shalt  }
0x6e: {  	_ =	shalt  }
0x6f: {  	_ =	shalt  }
0x70: {  	_ =	shalt  }
0x71: {  	_ =	shalt  }
0x72: {  	_ =	shalt  }
0x73: {  	_ =	shalt  }
0x74: {  	_ =	shalt  }
0x75: {  	_ =	shalt  }
0x76: {  	_ =	shalt  }
0x77: {  	_ =	shalt  }
0x78: {  	_ =	shalt  }
0x79: {  	_ =	shalt  }
0x7a: {  	_ =	shalt  }
0x7b: {  	_ =	shalt  }
0x7c: {  	_ =	shalt  }
0x7d: {  	_ =	shalt  }
0x7e: {  	_ =	shalt  }
0x7f: {  	_ =	shalt  }
0x80: {  	_ =	shalt  }
0x81: {  	_ =	shalt  }
0x82: {  	_ =	shalt  }
0x83: {  	_ =	shalt  }
0x84: {  	_ =	shalt  }
0x85: {  	_ =	shalt  }
0x86: {  	_ =	shalt  }
0x87: {  	_ =	shalt  }
.Lfunc_end0:
.L_simem_size_0:
called_computation_lowered:
.L_overlay_start_0:
0x88: {  	s2 =	sld [smem:$0x3FD9]  }
0x89: {  	s3 =	sld [smem:$0x3FFE];
	_ =	sdelay $0x1  }
0x8a: {  	s1 =	srdreg.scid  }
0x8b: {  	s0 =	sand.u32 $0x1, s1  }
0x8c: {  	s14 =	sshll.u32 s0, $0xA;
	s2 =	sadd.s32 s3, s2  }
0x8d: {  	s2 =	sadd.s32 s2, s14  }
0x8e: {  	[smem:$0x3FC5] =	sst s2  }
0x8f: {  	_ = 	snop  }
0x90: {  	s2 =	sld [smem:$0x3FD0];
	_ =	sdelay $0x2  }
0x91: {  	s15 =	simm.s32 $0xA;
	s4 =	simm.s32 $0x10  }
0x92: {  	[smem:s4], [sflag:s15] =	dma.local [hbm:s2], $0x1  }
0x93: {  	_ =	swait.eq [sflag:s15], $0x1  }
0x94: {  	[sflag:s15] =	ssyncset.done $0x0  }
0x95: {  	s16 =	sld [smem:$0x10];
	[sflag:s15] =	ssyncadd.s32 $0xFFFFFFFF  }
0x96: {  	s17 =	sld [smem:$0x11];
	(tm) =	ssettm $0x1  }
0x97: {  	s18 =	sld [smem:$0x3FFB];
	_ =	sdelay $0x3  }
0x98: {  	_ =	strace s18  }
0x99: {  	s4 =	sld [smem:$0x3FFC];
	_ =	sdelay $0x3  }
0x9a: {  	_ =	strace s4  }
0x9b: {  	s4 =	sld [smem:$0x3FFD];
	_ =	sdelay $0x3  }
0x9c: {  	_ =	strace s4  }
0x9d: {  	_ =	strace $0x8FFFFFFF  }
0x9e: {  	s19 =	sld [smem:$0x3FDB];
	_ =	sdelay $0x1  }
0x9f: {  	s5 =	simm.s32 $_scs_section_size  }
0xa0: {  	s6 =	simm.s32 $_size__tile_overlayer_lowered;
	s7 =	simm.s32 $_tile_overlayer_lowered  }
0xa1: {  	s22 =	simm.s32 $0x1BFF;
	s21 =	sshll.u32 s7, $0x1;
	s4 =	sadd.s32 s5, s19  }
0xa2: {  	s8 =	simm.s32 $0x0;
	s20 =	sshll.u32 s6, $0x1;
	s6 =	sadd.s32 s21, s4  }
0xa3: {  	[timem:s8], [sflag:s22] =	dma.local [hbm:s6], s20  }
0xa4: {  	_ =	swait.ge [sflag:s22], s20  }
0xa5: {  	s5 =	ssub.s32 $0x0, s20;
	[sflag:s22] =	ssyncset.done $0x0  }
0xa6: {  	[sflag:s22] =	ssyncadd.s32 s5;
	_ =	sdelay $0x1  }
0xa7: {  	s23 =	simm.s32 $0x1B8B  }
0xa8: {  	_ =	swait.ge [sflag:s23], $0x1  }
0xa9: {  	[sflag:s23] =	ssyncset.done $0x0  }
0xaa: {  	s25 =	simm.s32 $0x1B8E;
	s24 =	sld [smem:$0x3FFE];
	[sflag:s23] =	ssyncadd.s32 $0xFFFFFFFF  }
0xab: {  	s26 =	simm.s32 $execute0_lowered;
	[smem:$0x3FD2] =	sst s25  }
0xac: {  	s6 =	sshll.u32 s26, $0x1;
	_ =	strace $0x80000046;
	[dreg:$0x1] =	wrdreg $0xFFFFFFFF  }
0xad: {  	s28 =	simm.s32 $_size_execute0_lowered;
	s4 =	sadd.s32 s4, s6;
	[dreg:$0x0] =	wrdreg $0x0  }
0xae: {  	s6 =	sshll.u32 s28, $0x1;
	[dreg:$0x2] =	wrdreg s4  }
0xaf: {  	[dreg:$0x3] =	wrdreg s6  }
0xb0: {  	[dreg:$0x4] =	wrdreg $0xC0  }
0xb1: {  	_ =	task [dreg:s8], $0x5FFFF  }
0xb2: {  	[dreg:$0x1] =	wrdreg $0xFFFFFFFF  }
0xb3: {  	[dreg:$0x0] =	wrdreg $0x60  }
0xb4: {  	[dreg:$0x2] =	wrdreg s24  }
0xb5: {  	[dreg:$0x3] =	wrdreg s16  }
0xb6: {  	[dreg:$0x4] =	wrdreg s17  }
0xb7: {  	[dreg:$0x5] =	wrdreg $0x9  }
0xb8: {  	_ =	task.clear_ibuf [dreg:s8], $0x6FFFF;
	_ =	strace $0x90000046  }
0xb9: {  	s29 =	simm.s32 $0x9;
	_ =	strace $0x80000048  }
0xba: {  	_ =	swait.ge [sflag:s29], $0x1  }
0xbb: {  	[sflag:s29] =	ssyncadd.s32 $0xFFFFFFFF  }
0xbc: {  	_ =	strace $0x90000048  }
0xbd: {  	_ =	sfence  }
0xbe: {  	s30 =	sld [smem:$0x0];
	_ =	sdelay $0x2  }
0xbf: {  	s31 =	sshll.u32 s1, $0xD;
	s1 =	sshrl.u32 s1, $0x2  }
0xc0: {  	s3 =	sand.u32 $0x4000, s31;
	s1 =	sadd.s32 s1, s30  }
0xc1: {  	s0 =	sor.u32 s3, s0;
	s1 =	sshll.u32 s1, $0x11  }
0xc2: {  	s0 =	sor.u32 s1, s0  }
0xc3: {  	s0 =	sadd.s32 $0x8F2B, s0  }
0xc4: {  	[sflag:s0] =	ssyncadd.remote.s32 $0x1  }
0xc5: {  	_ =	sfence.sel $0xFFFF  }
0xc6: {  	[dreg:$0x0] =	wrdreg $0xFFFFFFFF;
	(pc) =	sbr.abs _section_cstart, $3  }
0xc7: {  	[dreg:$0x1] =	wrdreg $0xFFFFFFFF  }
0xc8: {  	_ =	task.clear_ibuf [dreg:s8], $0x2FFFF;
	_ =	strace $0x9FFFFFFF  }
0xc9: {  	(tm) =	ssettm $0x7FFFFFFF  }
tec
execute0_lowered:
.L_overlay_start_1:
0x0: {  	(tag) =	ssettag $0x1  }
0x1: {  	s3 =	rddreg [dreg:$0x0]  }
0x2: {  	s4 =	rddreg [dreg:$0x1]  }
0x3: {  	s5 =	rddreg [dreg:$0x2];
	s2 =	srdreg.scid  }
0x4: {  	s0 =	rddreg [dreg:$0x3];
	s1 =	stileid.u32;
	s9 =	simm.s32 $0x1  }
0x5: {  	s10 =	simm.s32 $0x10000;
	s11 =	simm.s32 $0x10800;
	s12 =	simm.s32 $0x0  }
0x6: {  	s6 =	sand.u32 $0x1, s2;
	s2 =	simm.s32 $0x0;
	s7 =	sshll.u32 s1, $0xB  }
0x7: {  	s8 =	sshll.u32 s6, $0xA;
	[smem:$0x7FF] =	sst s2;
	s6 =	ssub.s32 $0x2, s6  }
0x8: {  	s7 =	sor.u32 s8, s7;
	_ =	strace $0x80000047;
	s31 =	sshrl.u32 s6, $0x1  }
0x9: {  	s8 =	simm.s32 $0x40000;
	s3 =	sadd.s32 s7, s3;
	s7 =	sshrl.u32 s7, $0x2  }
0xa: {  	s6 =	ssub.s32 s6, s31;
	s3 =	sadd.s32 $0xC00, s3;
	s4 =	sadd.s32 s4, s7  }
0xb: {  	v6 =	vimm.f32 $6.400000000e+01;
	s5 =	sadd.s32 s5, s7;
	s6 =	smax.u32 s6, $0x1;
	s7 =	simm.s32 $0x2000  }
.LBB2_1:
0xc: {  	[tilespmem:s2], [sflag:$0x1] =	stream.strided.gather [hbm4b:s3+s7], $0x10000, s8, s7, $0x38;
	[tilespmem:$0x11000] =	vst v63  }
0xd: {  	_ =	swait.ge [sflag:s9], $0x10000  }
0xe: {  	[sflag:s9] =	ssyncset.done $0x0  }
0xf: {  	s13 =	simm.s32 $0x0;
	s14 =	simm.s32 $0x0;
	[sflag:s9] =	ssyncadd.s32 $0xFFFF0000  }
.LBB2_2:
0x10: {  	s16 =	sshll.u32 s14, $0x7  }
0x11: {  	s15 =	sand.u32 $0x70, s13;
	s16 =	sand.u32 $0x3FFFFC00, s16  }
0x12: {  	s16 =	sor.u32 s15, s16  }
0x13: {  	v61 =	vld [tilespmem:s16+$0x0]  }
0x14: {  	v9 =	vld [tilespmem:s16+$0x80]  }
0x15: {  	v8 =	vld [tilespmem:s16+$0x100]  }
0x16: {  	v63 =	vld [tilespmem:s16+$0x180]  }
0x17: {  	v10 =	vld [tilespmem:s16+$0x200]  }
0x18: {  	v62 =	vld [tilespmem:s16+$0x280]  }
0x19: {  	v11 =	vld [tilespmem:s16+$0x300];
	v5 =	vmax.f32 v61, v9  }
0x1a: {  	v60 =	vld [tilespmem:s16+$0x380];
	v5 =	vmax.f32 v5, v8  }
0x1b: {  	v54 =	vld [tilespmem:s16+$0x2000];
	v5 =	vmax.f32 v5, v63  }
0x1c: {  	v57 =	vld [tilespmem:s16+$0x2080];
	v5 =	vmax.f32 v5, v10  }
0x1d: {  	v56 =	vld [tilespmem:s16+$0x2100];
	v5 =	vmax.f32 v5, v62  }
0x1e: {  	v52 =	vld [tilespmem:s16+$0x2180];
	v5 =	vmax.f32 v5, v11  }
0x1f: {  	v12 =	vld [tilespmem:s16+$0x2200];
	v5 =	vmax.f32 v5, v60  }
0x20: {  	v13 =	vld [tilespmem:s16+$0x2280];
	v5 =	vmax.f32 v5, v54  }
0x21: {  	v14 =	vld [tilespmem:s16+$0x2300];
	v5 =	vmax.f32 v5, v57  }
0x22: {  	v15 =	vld [tilespmem:s16+$0x2380];
	v5 =	vmax.f32 v5, v56  }
0x23: {  	v51 =	vld [tilespmem:s16+$0x4000];
	v5 =	vmax.f32 v5, v52  }
0x24: {  	v50 =	vld [tilespmem:s16+$0x4080];
	v5 =	vmax.f32 v5, v12  }
0x25: {  	v49 =	vld [tilespmem:s16+$0x4100];
	v5 =	vmax.f32 v5, v13  }
0x26: {  	v48 =	vld [tilespmem:s16+$0x4180];
	v5 =	vmax.f32 v5, v14  }
0x27: {  	v16 =	vld [tilespmem:s16+$0x4200];
	v5 =	vmax.f32 v5, v15  }
0x28: {  	v45 =	vld [tilespmem:s16+$0x4280];
	v5 =	vmax.f32 v5, v51  }
0x29: {  	v44 =	vld [tilespmem:s16+$0x4300];
	v5 =	vmax.f32 v5, v50  }
0x2a: {  	v43 =	vld [tilespmem:s16+$0x4380];
	v5 =	vmax.f32 v5, v49  }
0x2b: {  	v42 =	vld [tilespmem:s16+$0x6000];
	v5 =	vmax.f32 v5, v48  }
0x2c: {  	v17 =	vld [tilespmem:s16+$0x6080];
	v5 =	vmax.f32 v5, v16  }
0x2d: {  	v18 =	vld [tilespmem:s16+$0x6100];
	v5 =	vmax.f32 v5, v45  }
0x2e: {  	v19 =	vld [tilespmem:s16+$0x6180];
	v5 =	vmax.f32 v5, v44  }
0x2f: {  	v20 =	vld [tilespmem:s16+$0x6200];
	v5 =	vmax.f32 v5, v43  }
0x30: {  	v21 =	vld [tilespmem:s16+$0x6280];
	v5 =	vmax.f32 v5, v42  }
0x31: {  	v23 =	vld [tilespmem:s16+$0x6300];
	v5 =	vmax.f32 v5, v17  }
0x32: {  	v24 =	vld [tilespmem:s16+$0x6380];
	v5 =	vmax.f32 v5, v18  }
0x33: {  	v25 =	vld [tilespmem:s16+$0x8000];
	v5 =	vmax.f32 v5, v19  }
0x34: {  	v26 =	vld [tilespmem:s16+$0x8080];
	v5 =	vmax.f32 v5, v20  }
0x35: {  	v27 =	vld [tilespmem:s16+$0x8100];
	v5 =	vmax.f32 v5, v21  }
0x36: {  	v28 =	vld [tilespmem:s16+$0x8180];
	v5 =	vmax.f32 v5, v23  }
0x37: {  	v29 =	vld [tilespmem:s16+$0x8200];
	v5 =	vmax.f32 v5, v24  }
0x38: {  	v30 =	vld [tilespmem:s16+$0x8280];
	v5 =	vmax.f32 v5, v25  }
0x39: {  	v31 =	vld [tilespmem:s16+$0x8300];
	v5 =	vmax.f32 v5, v26  }
0x3a: {  	v32 =	vld [tilespmem:s16+$0x8380];
	v5 =	vmax.f32 v5, v27  }
0x3b: {  	v33 =	vld [tilespmem:s16+$0xA000];
	v5 =	vmax.f32 v5, v28  }
0x3c: {  	v34 =	vld [tilespmem:s16+$0xA080];
	v5 =	vmax.f32 v5, v29  }
0x3d: {  	v35 =	vld [tilespmem:s16+$0xA100];
	v5 =	vmax.f32 v5, v30  }
0x3e: {  	v36 =	vld [tilespmem:s16+$0xA180];
	v5 =	vmax.f32 v5, v31  }
0x3f: {  	v37 =	vld [tilespmem:s16+$0xA200];
	v5 =	vmax.f32 v5, v32  }
0x40: {  	v38 =	vld [tilespmem:s16+$0xA280];
	v5 =	vmax.f32 v5, v33  }
0x41: {  	v39 =	vld [tilespmem:s16+$0xA300];
	v5 =	vmax.f32 v5, v34  }
0x42: {  	v40 =	vld [tilespmem:s16+$0xA380];
	v5 =	vmax.f32 v5, v35  }
0x43: {  	v41 =	vld [tilespmem:s16+$0xC000];
	v5 =	vmax.f32 v5, v36  }
0x44: {  	v46 =	vld [tilespmem:s16+$0xC080];
	v5 =	vmax.f32 v5, v37  }
0x45: {  	v53 =	vld [tilespmem:s16+$0xC100];
	v5 =	vmax.f32 v5, v38  }
0x46: {  	v4 =	vld [tilespmem:s16+$0xC180];
	v5 =	vmax.f32 v5, v39  }
0x47: {  	v55 =	vld [tilespmem:s16+$0xC200];
	v5 =	vmax.f32 v5, v40  }
0x48: {  	v58 =	vld [tilespmem:s16+$0xC280];
	v5 =	vmax.f32 v5, v41  }
0x49: {  	v59 =	vld [tilespmem:s16+$0xC300];
	v5 =	vmax.f32 v5, v46  }
0x4a: {  	v3 =	vld [tilespmem:s16+$0xC380];
	v5 =	vmax.f32 v5, v53  }
0x4b: {  	v22 =	vld [tilespmem:s16+$0xE000];
	v5 =	vmax.f32 v5, v4  }
0x4c: {  	v2 =	vld [tilespmem:s16+$0xE080];
	v5 =	vmax.f32 v5, v55  }
0x4d: {  	v0 =	vld [tilespmem:s16+$0xE100];
	v5 =	vmax.f32 v5, v58  }
0x4e: {  	v1 =	vld [tilespmem:s16+$0xE180];
	v7 =	vmax.f32 v5, v59  }
0x4f: {  	v47 =	vld [tilespmem:s16+$0xE200];
	v7 =	vmax.f32 v7, v3  }
0x50: {  	[tilespmem:$0x1FFA0] =	vst v22;
	v7 =	vmax.f32 v7, v22;
	v22 =	vld [tilespmem:s16+$0xE280]  }
0x51: {  	v5 =	vld [tilespmem:s16+$0xE300];
	v7 =	vmax.f32 v7, v2  }
0x52: {  	[tilespmem:$0x1FFB0] =	vst v0;
	v7 =	vmax.f32 v7, v0;
	v0 =	vld [tilespmem:s16+$0xE380]  }
0x53: {  	v7 =	vmax.f32 v7, v1  }
0x54: {  	v7 =	vmax.f32 v7, v47  }
0x55: {  	v7 =	vmax.f32 v7, v22  }
0x56: {  	v7 =	vmax.f32 v7, v5  }
0x57: {  	v7 =	vmax.f32 v7, v0  }
0x58: {  	vm0 =	veq.f32 v61, v7  }
0x59: {  	[tilespmem:$0x1FD90] =	vst v61;
	vm1 =	veq.f32 v9, v7;
	vm2 =	veq.f32 v8, v7;
	vm10 =	veq.f32 v63, v7  }
0x5a: {  	[tilespmem:$0x1FD80] =	vst v9;
	vm11 =	veq.f32 v10, v7;
	v9 =	vsel vm0, $0x0, v6;
	v61 =	vsel vm1, $0x3F800000, v6  }
0x5b: {  	[tilespmem:$0x1FFE0] =	vst v22;
	vm12 =	veq.f32 v62, v7;
	v22 =	vmin.f32 v9, v61;
	v9 =	vsel vm2, $0x40000000, v6  }
0x5c: {  	vm13 =	veq.f32 v11, v7;
	v61 =	vsel vm10, $0x40400000, v6;
	v22 =	vmin.f32 v22, v9  }
0x5d: {  	[tilespmem:$0x1FDB0] =	vst v63;
	vm14 =	veq.f32 v60, v7;
	v9 =	vsel vm11, $0x40800000, v6;
	v22 =	vmin.f32 v22, v61  }
0x5e: {  	[tilespmem:$0x1FEB0] =	vst v10;
	v63 =	vmovc v10;
	vm15 =	veq.f32 v54, v7;
	v10 =	vsel vm12, $0x40A00000, v6;
	v22 =	vmin.f32 v22, v9  }
0x5f: {  	[tilespmem:$0x1FED0] =	vst v11;
	vm4 =	veq.f32 v57, v7;
	v61 =	vmovc v11;
	v11 =	vsel vm13, $0x40C00000, v6;
	v22 =	vmin.f32 v22, v10  }
0x60: {  	[tilespmem:$0x1FDC0] =	vst v60;
	vm5 =	veq.f32 v56, v7;
	v60 =	vsel vm14, $0x40E00000, v6;
	v22 =	vmin.f32 v22, v11  }
0x61: {  	vm6 =	veq.f32 v52, v7;
	v9 =	vsel vm15, $0x41000000, v6;
	v22 =	vmin.f32 v22, v60  }
0x62: {  	vm7 =	veq.f32 v12, v7;
	v10 =	vsel vm4, $0x41100000, v6;
	v22 =	vmin.f32 v22, v9  }
0x63: {  	[tilespmem:$0x1FDF0] =	vst v12;
	vm8 =	veq.f32 v13, v7;
	v11 =	vsel vm5, $0x41200000, v6;
	v22 =	vmin.f32 v22, v10  }
0x64: {  	[tilespmem:$0x1FE00] =	vst v13;
	vm9 =	veq.f32 v14, v7;
	v12 =	vsel vm6, $0x41300000, v6;
	v22 =	vmin.f32 v22, v11  }
0x65: {  	[tilespmem:$0x1FE10] =	vst v14;
	v13 =	vsel vm7, $0x41400000, v6;
	v14 =	vsel vm8, $0x41500000, v6;
	v22 =	vmin.f32 v22, v12  }
0x66: {  	vm12 =	veq.f32 v50, v7;
	vm14 =	veq.f32 v48, v7;
	v22 =	vmin.f32 v22, v13  }
0x67: {  	[tilespmem:$0x1FE20] =	vst v15;
	vm10 =	veq.f32 v15, v7;
	v15 =	vsel vm9, $0x41600000, v6;
	v22 =	vmin.f32 v22, v14  }
0x68: {  	[tilespmem:$0x1FDE0] =	vst v56;
	v56 =	vmovc v52;
	vm11 =	veq.f32 v51, v7;
	v52 =	vsel vm10, $0x41700000, v6;
	v22 =	vmin.f32 v22, v15  }
0x69: {  	[tilespmem:$0x1FDD0] =	vst v54;
	vm6 =	veq.f32 v43, v7;
	v54 =	vsel vm11, $0x41800000, v6;
	v22 =	vmin.f32 v22, v52  }
0x6a: {  	vm13 =	veq.f32 v49, v7;
	v60 =	vmovc v57;
	v57 =	vsel vm12, $0x41880000, v6;
	v22 =	vmin.f32 v22, v54  }
0x6b: {  	vm7 =	veq.f32 v42, v7;
	v9 =	vsel vm13, $0x41900000, v6;
	v22 =	vmin.f32 v22, v57  }
0x6c: {  	vm15 =	veq.f32 v16, v7;
	v10 =	vsel vm14, $0x41980000, v6;
	v22 =	vmin.f32 v22, v9  }
0x6d: {  	vm4 =	veq.f32 v45, v7;
	v11 =	vsel vm15, $0x41A00000, v6;
	v22 =	vmin.f32 v22, v10  }
0x6e: {  	vm5 =	veq.f32 v44, v7;
	v12 =	vsel vm4, $0x41A80000, v6;
	v22 =	vmin.f32 v22, v11  }
0x6f: {  	vm8 =	veq.f32 v17, v7;
	v13 =	vsel vm5, $0x41B00000, v6;
	v22 =	vmin.f32 v22, v12  }
0x70: {  	vm9 =	veq.f32 v18, v7;
	v14 =	vsel vm6, $0x41B80000, v6;
	v22 =	vmin.f32 v22, v13  }
0x71: {  	[tilespmem:$0x1FE70] =	vst v16;
	vm10 =	veq.f32 v19, v7;
	v15 =	vsel vm7, $0x41C00000, v6;
	v22 =	vmin.f32 v22, v14  }
0x72: {  	[tilespmem:$0x1FEA0] =	vst v18;
	vm11 =	veq.f32 v20, v7;
	v16 =	vsel vm8, $0x41C80000, v6;
	v22 =	vmin.f32 v22, v15  }
0x73: {  	[tilespmem:$0x1FF00] =	vst v17;
	v18 =	vsel vm10, $0x41D80000, v6;
	v54 =	vmovc v17;
	v17 =	vsel vm9, $0x41D00000, v6;
	v22 =	vmin.f32 v22, v16  }
0x74: {  	vm10 =	veq.f32 v32, v7;
	vm8 =	veq.f32 v30, v7;
	v22 =	vmin.f32 v22, v17  }
0x75: {  	vm12 =	veq.f32 v21, v7;
	v57 =	vmovc v19;
	v19 =	vsel vm11, $0x41E00000, v6;
	v22 =	vmin.f32 v22, v18  }
0x76: {  	[tilespmem:$0x1FE30] =	vst v51;
	vm13 =	veq.f32 v23, v7;
	v52 =	vmovc v20;
	v20 =	vsel vm12, $0x41E80000, v6;
	v22 =	vmin.f32 v22, v19  }
0x77: {  	[tilespmem:$0x1FE40] =	vst v50;
	v51 =	vmovc v21;
	vm14 =	veq.f32 v24, v7;
	v21 =	vsel vm13, $0x41F00000, v6;
	v22 =	vmin.f32 v22, v20  }
0x78: {  	[tilespmem:$0x1FF10] =	vst v23;
	v50 =	vmovc v23;
	vm15 =	veq.f32 v25, v7;
	v23 =	vsel vm14, $0x41F80000, v6;
	v22 =	vmin.f32 v22, v21  }
0x79: {  	[tilespmem:$0x1FE50] =	vst v49;
	v49 =	vmovc v24;
	vm4 =	veq.f32 v26, v7;
	v24 =	vsel vm15, $0x42000000, v6;
	v22 =	vmin.f32 v22, v23  }
0x7a: {  	[tilespmem:$0x1FE60] =	vst v48;
	v48 =	vmovc v25;
	vm5 =	veq.f32 v27, v7;
	v25 =	vsel vm4, $0x42040000, v6;
	v22 =	vmin.f32 v22, v24  }
0x7b: {  	[tilespmem:$0x1FE80] =	vst v45;
	v45 =	vmovc v26;
	vm6 =	veq.f32 v28, v7;
	v26 =	vsel vm5, $0x42080000, v6;
	v22 =	vmin.f32 v22, v25  }
0x7c: {  	[tilespmem:$0x1FE90] =	vst v44;
	v44 =	vmovc v27;
	vm7 =	veq.f32 v29, v7;
	v27 =	vsel vm6, $0x420C0000, v6;
	v22 =	vmin.f32 v22, v26  }
0x7d: {  	[tilespmem:$0x1FEE0] =	vst v43;
	v43 =	vmovc v28;
	vm13 =	veq.f32 v35, v7;
	v28 =	vsel vm7, $0x42100000, v6;
	v22 =	vmin.f32 v22, v27  }
0x7e: {  	[tilespmem:$0x1FEF0] =	vst v42;
	v42 =	vmovc v29;
	v29 =	vsel vm8, $0x42140000, v6;
	vm9 =	veq.f32 v31, v7;
	v22 =	vmin.f32 v22, v28  }
0x7f: {  	vm14 =	veq.f32 v36, v7;
	v19 =	vmovc v30;
	v30 =	vsel vm9, $0x42180000, v6;
	v22 =	vmin.f32 v22, v29  }
0x80: {  	vm11 =	veq.f32 v33, v7;
	v18 =	vmovc v31;
	v31 =	vsel vm10, $0x421C0000, v6;
	v22 =	vmin.f32 v22, v30  }
0x81: {  	vm12 =	veq.f32 v34, v7;
	v15 =	vmovc v32;
	v32 =	vsel vm11, $0x42200000, v6;
	v22 =	vmin.f32 v22, v31  }
0x82: {  	vm15 =	veq.f32 v37, v7;
	v17 =	vmovc v33;
	v33 =	vsel vm12, $0x42240000, v6;
	v22 =	vmin.f32 v22, v32  }
0x83: {  	vm4 =	veq.f32 v38, v7;
	v20 =	vmovc v34;
	v34 =	vsel vm13, $0x42280000, v6;
	v22 =	vmin.f32 v22, v33  }
0x84: {  	vm5 =	veq.f32 v39, v7;
	v14 =	vmovc v35;
	v35 =	vsel vm14, $0x422C0000, v6;
	v22 =	vmin.f32 v22, v34  }
0x85: {  	vm6 =	veq.f32 v40, v7;
	v13 =	vmovc v36;
	v36 =	vsel vm15, $0x42300000, v6;
	v22 =	vmin.f32 v22, v35  }
0x86: {  	vm8 =	veq.f32 v46, v7;
	v12 =	vmovc v37;
	v37 =	vsel vm4, $0x42340000, v6;
	v22 =	vmin.f32 v22, v36  }
0x87: {  	[tilespmem:$0x1FF20] =	vst v38;
	vm7 =	veq.f32 v41, v7;
	v16 =	vmovc v38;
	v38 =	vsel vm5, $0x42380000, v6;
	v22 =	vmin.f32 v22, v37  }
0x88: {  	[tilespmem:$0x1FF40] =	vst v41;
	v10 =	vmovc v41;
	v41 =	vsel vm8, $0x42440000, v6;
	v21 =	vmovc v39;
	v39 =	vsel vm6, $0x423C0000, v6;
	v22 =	vmin.f32 v22, v38  }
0x89: {  	[tilespmem:$0x1FF30] =	vst v40;
	v11 =	vmovc v40;
	v40 =	vsel vm7, $0x42400000, v6;
	vm11 =	veq.f32 v55, v7;
	v22 =	vmin.f32 v22, v39  }
0x8a: {  	[tilespmem:$0x1FDA0] =	vst v8;
	vm12 =	veq.f32 v58, v7;
	vm9 =	veq.f32 v53, v7;
	v22 =	vmin.f32 v22, v40  }
0x8b: {  	[tilespmem:$0x1FF60] =	vst v53;
	v8 =	vmovc v53;
	vm10 =	veq.f32 v4, v7;
	v53 =	vsel vm9, $0x42480000, v6;
	v22 =	vmin.f32 v22, v41  }
0x8c: {  	[tilespmem:$0x1FF90] =	vst v3;
	v23 =	vsel vm12, $0x42540000, v6;
	v35 =	vmovc v55;
	v55 =	vsel vm10, $0x424C0000, v6;
	v22 =	vmin.f32 v22, v53  }
0x8d: {  	vm14 =	veq.f32 v3, v7;
	v24 =	vmovc v58;
	v58 =	vsel vm11, $0x42500000, v6;
	v28 =	vmovc v3;
	v3 =	vld [tilespmem:$0x1FFA0];
	v22 =	vmin.f32 v22, v55  }
0x8e: {  	v22 =	vmin.f32 v22, v58  }
0x8f: {  	vm4 =	veq.f32 v2, v7;
	v22 =	vmin.f32 v22, v23;
	v23 =	vmov v2;
	v2 =	vld [tilespmem:$0x1FFB0]  }
0x90: {  	[tilespmem:$0x1FFD0] =	vst v47;
	vm13 =	veq.f32 v59, v7  }
0x91: {  	v25 =	vsel vm13, $0x42580000, v6;
	v40 =	vld [tilespmem:$0x1FFD0]  }
0x92: {  	v26 =	vsel vm14, $0x425C0000, v6;
	vm15 =	veq.f32 v3, v7;
	v41 =	vld [tilespmem:$0x1FFE0];
	v22 =	vmin.f32 v22, v25  }
0x93: {  	v27 =	vsel vm15, $0x42600000, v6;
	v22 =	vmin.f32 v22, v26  }
0x94: {  	v29 =	vsel vm4, $0x42640000, v6;
	v22 =	vmin.f32 v22, v27;
	vm5 =	veq.f32 v2, v7  }
0x95: {  	vm6 =	veq.f32 v1, v7;
	v22 =	vmin.f32 v22, v29;
	v30 =	vsel vm5, $0x42680000, v6  }
0x96: {  	v31 =	vsel vm6, $0x426C0000, v6;
	vm7 =	veq.f32 v40, v7;
	v22 =	vmin.f32 v22, v30  }
0x97: {  	vm8 =	veq.f32 v41, v7;
	v33 =	vsel vm7, $0x42700000, v6;
	v22 =	vmin.f32 v22, v31  }
0x98: {  	vm9 =	veq.f32 v5, v7;
	v34 =	vsel vm8, $0x42740000, v6;
	v27 =	vld [tilespmem:$0x1FD80];
	v22 =	vmin.f32 v22, v33  }
0x99: {  	[tilespmem:$0x1FFC0] =	vst v1;
	vm10 =	veq.f32 v0, v7;
	v36 =	vsel vm9, $0x42780000, v6;
	v26 =	vmovc v1;
	v1 =	vld [tilespmem:$0x1FD90];
	v22 =	vmin.f32 v22, v34  }
0x9a: {  	v37 =	vsel vm10, $0x427C0000, v6;
	v22 =	vmin.f32 v22, v36  }
0x9b: {  	v29 =	vld [tilespmem:$0x1FDA0];
	v22 =	vmin.f32 v22, v37  }
0x9c: {  	vm11 =	veq.f32 v22, $1.000000000e+00  }
0x9d: {  	v30 =	vld [tilespmem:$0x1FDB0];
	v38 =	vsel vm11, $0xFF800000, v27  }
0x9e: {  	vm12 =	veq.f32 v22, $0.0e+00;
	v39 =	vmax.f32 v1, v38  }
0x9f: {  	v47 =	vsel vm12, v38, v39  }
0xa0: {  	vm13 =	veq.f32 v22, $2.000000000e+00;
	v47 =	vmax.f32 v47, v29  }
0xa1: {  	[tilespmem:$0x1FFF0] =	vst v0;
	v25 =	vmov v5;
	v5 =	vmov v0;
	v0 =	vsel vm13, v39, v47  }
0xa2: {  	vm14 =	veq.f32 v22, $3.000000000e+00;
	v0 =	vmax.f32 v0, v30  }
0xa3: {  	v47 =	vsel vm14, v47, v0  }
0xa4: {  	vm15 =	veq.f32 v22, $4.000000000e+00;
	v47 =	vmax.f32 v47, v63  }
0xa5: {  	v31 =	vld [tilespmem:$0x1FDC0];
	v0 =	vsel vm15, v0, v47  }
0xa6: {  	vm4 =	veq.f32 v22, $5.000000000e+00;
	v0 =	vmax.f32 v0, v62  }
0xa7: {  	v33 =	vld [tilespmem:$0x1FDD0];
	v47 =	vsel vm4, v47, v0  }
0xa8: {  	vm5 =	veq.f32 v22, $6.000000000e+00;
	v47 =	vmax.f32 v47, v61  }
0xa9: {  	v0 =	vsel vm5, v0, v47  }
0xaa: {  	vm6 =	veq.f32 v22, $7.000000000e+00;
	v0 =	vmax.f32 v0, v31  }
0xab: {  	v34 =	vld [tilespmem:$0x1FDE0];
	v47 =	vsel vm6, v47, v0  }
0xac: {  	vm7 =	veq.f32 v22, $8.000000000e+00;
	v47 =	vmax.f32 v47, v33  }
0xad: {  	v0 =	vsel vm7, v0, v47  }
0xae: {  	vm8 =	veq.f32 v22, $9.000000000e+00;
	v0 =	vmax.f32 v0, v60  }
0xaf: {  	v36 =	vld [tilespmem:$0x1FDF0];
	v47 =	vsel vm8, v47, v0  }
0xb0: {  	vm9 =	veq.f32 v22, $1.000000000e+01;
	v47 =	vmax.f32 v47, v34  }
0xb1: {  	[tilespmem:$0x1FF50] =	vst v46;
	v9 =	vmov v46;
	v46 =	vld [tilespmem:$0x1FE00];
	v0 =	vsel vm9, v0, v47  }
0xb2: {  	vm10 =	veq.f32 v22, $1.100000000e+01;
	v0 =	vmax.f32 v0, v56  }
0xb3: {  	v58 =	vld [tilespmem:$0x1FE10];
	v47 =	vsel vm10, v47, v0  }
0xb4: {  	vm11 =	veq.f32 v22, $1.200000000e+01;
	v47 =	vmax.f32 v47, v36  }
0xb5: {  	v37 =	vld [tilespmem:$0x1FE20];
	v0 =	vsel vm11, v0, v47  }
0xb6: {  	vm12 =	veq.f32 v22, $1.300000000e+01;
	v0 =	vmax.f32 v0, v46  }
0xb7: {  	v38 =	vld [tilespmem:$0x1FE30];
	v47 =	vsel vm12, v47, v0  }
0xb8: {  	vm13 =	veq.f32 v22, $1.400000000e+01;
	v47 =	vmax.f32 v47, v58  }
0xb9: {  	v39 =	vld [tilespmem:$0x1FE40];
	v0 =	vsel vm13, v0, v47  }
0xba: {  	vm14 =	veq.f32 v22, $1.500000000e+01;
	v0 =	vmax.f32 v0, v37  }
0xbb: {  	v53 =	vld [tilespmem:$0x1FE50];
	v47 =	vsel vm14, v47, v0  }
0xbc: {  	vm15 =	veq.f32 v22, $1.600000000e+01;
	v47 =	vmax.f32 v47, v38  }
0xbd: {  	v55 =	vld [tilespmem:$0x1FE60];
	v0 =	vsel vm15, v0, v47  }
0xbe: {  	vm4 =	veq.f32 v22, $1.700000000e+01;
	v0 =	vmax.f32 v0, v39  }
0xbf: {  	[tilespmem:$0x1FF80] =	vst v59;
	v32 =	vmov v59;
	v59 =	vld [tilespmem:$0x1FE70];
	v47 =	vsel vm4, v47, v0  }
0xc0: {  	vm5 =	veq.f32 v22, $1.800000000e+01;
	v47 =	vmax.f32 v47, v53  }
0xc1: {  	[tilespmem:$0x1FEC0] =	vst v62;
	v62 =	vld [tilespmem:$0x1FE80];
	v0 =	vsel vm5, v0, v47  }
0xc2: {  	vm6 =	veq.f32 v22, $1.900000000e+01;
	v0 =	vmax.f32 v0, v55  }
0xc3: {  	v63 =	vld [tilespmem:$0x1FE90];
	v47 =	vsel vm6, v47, v0  }
0xc4: {  	vm7 =	veq.f32 v22, $2.000000000e+01;
	v47 =	vmax.f32 v47, v59  }
0xc5: {  	v61 =	vld [tilespmem:$0x1FEE0];
	v0 =	vsel vm7, v0, v47  }
0xc6: {  	vm8 =	veq.f32 v22, $2.100000000e+01;
	v0 =	vmax.f32 v0, v62  }
0xc7: {  	v47 =	vsel vm8, v47, v0  }
0xc8: {  	vm9 =	veq.f32 v22, $2.200000000e+01;
	v47 =	vmax.f32 v47, v63  }
0xc9: {  	v0 =	vsel vm9, v0, v47  }
0xca: {  	v0 =	vmax.f32 v0, v61;
	v61 =	vld [tilespmem:$0x1FEF0];
	_ =	sdelay $0x2  }
0xcb: {  	vm10 =	veq.f32 v22, $2.300000000e+01  }
0xcc: {  	v47 =	vsel vm10, v47, v0  }
0xcd: {  	vm11 =	veq.f32 v22, $2.400000000e+01;
	v47 =	vmax.f32 v47, v61  }
0xce: {  	v0 =	vsel vm11, v0, v47  }
0xcf: {  	v0 =	vmax.f32 v0, v54;
	v54 =	vld [tilespmem:$0x1FEA0];
	_ =	sdelay $0x2  }
0xd0: {  	vm12 =	veq.f32 v22, $2.500000000e+01  }
0xd1: {  	v47 =	vsel vm12, v47, v0  }
0xd2: {  	vm13 =	veq.f32 v22, $2.600000000e+01;
	v47 =	vmax.f32 v47, v54  }
0xd3: {  	v0 =	vsel vm13, v0, v47  }
0xd4: {  	vm14 =	veq.f32 v22, $2.700000000e+01;
	v0 =	vmax.f32 v0, v57  }
0xd5: {  	v47 =	vsel vm14, v47, v0  }
0xd6: {  	vm15 =	veq.f32 v22, $2.800000000e+01;
	v47 =	vmax.f32 v47, v52  }
0xd7: {  	v0 =	vsel vm15, v0, v47  }
0xd8: {  	vm4 =	veq.f32 v22, $2.900000000e+01;
	v0 =	vmax.f32 v0, v51  }
0xd9: {  	v47 =	vsel vm4, v47, v0  }
0xda: {  	vm5 =	veq.f32 v22, $3.000000000e+01;
	v47 =	vmax.f32 v47, v50  }
0xdb: {  	v0 =	vsel vm5, v0, v47  }
0xdc: {  	vm6 =	veq.f32 v22, $3.100000000e+01;
	v0 =	vmax.f32 v0, v49  }
0xdd: {  	v47 =	vsel vm6, v47, v0  }
0xde: {  	vm7 =	veq.f32 v22, $3.200000000e+01;
	v47 =	vmax.f32 v47, v48  }
0xdf: {  	v0 =	vsel vm7, v0, v47  }
0xe0: {  	vm8 =	veq.f32 v22, $3.300000000e+01;
	v0 =	vmax.f32 v0, v45  }
0xe1: {  	v47 =	vsel vm8, v47, v0  }
0xe2: {  	vm9 =	veq.f32 v22, $3.400000000e+01;
	v47 =	vmax.f32 v47, v44  }
0xe3: {  	v0 =	vsel vm9, v0, v47  }
0xe4: {  	vm10 =	veq.f32 v22, $3.500000000e+01;
	v0 =	vmax.f32 v0, v43  }
0xe5: {  	v47 =	vsel vm10, v47, v0  }
0xe6: {  	vm11 =	veq.f32 v22, $3.600000000e+01;
	v47 =	vmax.f32 v47, v42  }
0xe7: {  	v0 =	vsel vm11, v0, v47  }
0xe8: {  	vm12 =	veq.f32 v22, $3.700000000e+01;
	v0 =	vmax.f32 v0, v19  }
0xe9: {  	v47 =	vsel vm12, v47, v0  }
0xea: {  	vm13 =	veq.f32 v22, $3.800000000e+01;
	v47 =	vmax.f32 v47, v18  }
0xeb: {  	v0 =	vsel vm13, v0, v47  }
0xec: {  	vm14 =	veq.f32 v22, $3.900000000e+01;
	v0 =	vmax.f32 v0, v15  }
0xed: {  	v47 =	vsel vm14, v47, v0  }
0xee: {  	vm15 =	veq.f32 v22, $4.000000000e+01;
	v47 =	vmax.f32 v47, v17  }
0xef: {  	v0 =	vsel vm15, v0, v47  }
0xf0: {  	vm4 =	veq.f32 v22, $4.100000000e+01;
	v0 =	vmax.f32 v0, v20  }
0xf1: {  	v47 =	vsel vm4, v47, v0  }
0xf2: {  	vm5 =	veq.f32 v22, $4.200000000e+01;
	v47 =	vmax.f32 v47, v14  }
0xf3: {  	v0 =	vsel vm5, v0, v47  }
0xf4: {  	vm6 =	veq.f32 v22, $4.300000000e+01;
	v0 =	vmax.f32 v0, v13  }
0xf5: {  	v47 =	vsel vm6, v47, v0  }
0xf6: {  	vm7 =	veq.f32 v22, $4.400000000e+01;
	v47 =	vmax.f32 v47, v12  }
0xf7: {  	v0 =	vsel vm7, v0, v47  }
0xf8: {  	vm8 =	veq.f32 v22, $4.500000000e+01;
	v0 =	vmax.f32 v0, v16  }
0xf9: {  	v47 =	vsel vm8, v47, v0  }
0xfa: {  	vm9 =	veq.f32 v22, $4.600000000e+01;
	v47 =	vmax.f32 v47, v21  }
0xfb: {  	v0 =	vsel vm9, v0, v47  }
0xfc: {  	vm10 =	veq.f32 v22, $4.700000000e+01;
	v0 =	vmax.f32 v0, v11  }
0xfd: {  	v47 =	vsel vm10, v47, v0  }
0xfe: {  	vm11 =	veq.f32 v22, $4.800000000e+01;
	v47 =	vmax.f32 v47, v10  }
0xff: {  	v0 =	vsel vm11, v0, v47  }
0x100: {  	vm12 =	veq.f32 v22, $4.900000000e+01;
	v0 =	vmax.f32 v0, v9  }
0x101: {  	v47 =	vsel vm12, v47, v0  }
0x102: {  	vm13 =	veq.f32 v22, $5.000000000e+01;
	v47 =	vmax.f32 v47, v8  }
0x103: {  	v0 =	vsel vm13, v0, v47  }
0x104: {  	vm14 =	veq.f32 v22, $5.100000000e+01;
	v0 =	vmax.f32 v0, v4  }
0x105: {  	v47 =	vsel vm14, v47, v0  }
0x106: {  	vm15 =	veq.f32 v22, $5.200000000e+01;
	v47 =	vmax.f32 v47, v35  }
0x107: {  	v0 =	vsel vm15, v0, v47  }
0x108: {  	vm4 =	veq.f32 v22, $5.300000000e+01;
	v0 =	vmax.f32 v0, v24  }
0x109: {  	v47 =	vsel vm4, v47, v0  }
0x10a: {  	vm5 =	veq.f32 v22, $5.400000000e+01;
	v47 =	vmax.f32 v47, v32  }
0x10b: {  	v0 =	vsel vm5, v0, v47  }
0x10c: {  	vm6 =	veq.f32 v22, $5.500000000e+01;
	v0 =	vmax.f32 v0, v28  }
0x10d: {  	v47 =	vsel vm6, v47, v0  }
0x10e: {  	vm7 =	veq.f32 v22, $5.600000000e+01;
	v47 =	vmax.f32 v47, v3  }
0x10f: {  	v0 =	vsel vm7, v0, v47  }
0x110: {  	vm8 =	veq.f32 v22, $5.700000000e+01;
	v0 =	vmax.f32 v0, v23  }
0x111: {  	vm3 =	vlt.f32 v22, $1.000000000e+00;
	v16 =	vsub.f32 v29, v7;
	v47 =	vsel vm8, v47, v0  }
0x112: {  	vm9 =	veq.f32 v22, $5.800000000e+01;
	v10 =	vsub.f32 v27, v7;
	v47 =	vmax.f32 v47, v2  }
0x113: {  	vm10 =	veq.f32 v22, $5.900000000e+01;
	vm11 =	veq.f32 v22, $6.000000000e+01;
	v0 =	vsel vm9, v0, v47  }
0x114: {  	v11 =	vmul.f32 $1.442695020e+00, v10;
	vm12 =	veq.f32 v22, $6.100000000e+01;
	v0 =	vmax.f32 v0, v26  }
0x115: {  	vm13 =	veq.f32 v22, $6.200000000e+01;
	vm14 =	veq.f32 v22, $6.300000000e+01;
	v47 =	vsel vm10, v47, v0  }
0x116: {  	vm15 =	vlt.f32 v22, $0.0e+00;
	vm4 =	vgt.f32 v22, $1.000000000e+00;
	v47 =	vmax.f32 v47, v40  }
0x117: {  	vm3 =	vmor vm4, vm3;
	vm4 =	vlt.f32 v22, $6.000000000e+00;
	v0 =	vsel vm11, v0, v47  }
0x118: {  	vm5 =	vgt.f32 v22, $6.000000000e+00;
	v28 =	vsub.f32 v30, v7;
	v0 =	vmax.f32 v0, v41  }
0x119: {  	vm6 =	vgt.f32 v22, $3.000000000e+00;
	vm8 =	vgt.f32 v22, $0.0e+00;
	v47 =	vsel vm12, v47, v0  }
0x11a: {  	v61 =	vld [tilespmem:$0x1FEB0];
	vm1 =	vmor vm8, vm15;
	vm15 =	vlt.f32 v22, $3.000000000e+00;
	v47 =	vmax.f32 v47, v25  }
0x11b: {  	v26 =	vmul.f32 $1.442695020e+00, v16;
	vm11 =	vlt.f32 v22, $2.000000000e+00;
	v0 =	vsel vm13, v0, v47  }
0x11c: {  	v9 =	vld [tilespmem:$0x1FED0];
	v41 =	vsub.f32 v36, v7;
	vm12 =	vgt.f32 v22, $2.000000000e+00;
	v0 =	vmax.f32 v0, v5  }
0x11d: {  	v47 =	vsel vm14, v47, v0;
	vm14 =	vmor vm12, vm11;
	vm12 =	vlt.f32 v22, $5.000000000e+00  }
0x11e: {  	vm0 =	veq.f32 v1, v47;
	vm9 =	veq.f32 v27, v47;
	vm13 =	veq.f32 v29, v47  }
0x11f: {  	[tilespmem:$0x1FF70] =	vst v4;
	v4 =	vld [tilespmem:$0x1FEC0];
	vm7 =	veq.f32 v30, v47;
	vm11 =	veq.f32 v61, v47;
	v1 =	vsub.f32 v1, v7  }
0x120: {  	v30 =	vsub.f32 v61, v7;
	vm0 =	vmand vm1, vm0;
	vm10 =	vmand vm3, vm9  }
0x121: {  	vm1 =	vmor vm6, vm15;
	vm9 =	vlt.f32 v22, $4.000000000e+00;
	vm6 =	veq.f32 v9, v47  }
0x122: {  	v9 =	vsub.f32 v9, v7;
	v50 =	vsel vm0, $0x0, v6;
	v5 =	vsel vm10, $0x3F800000, v6  }
0x123: {  	vm0 =	vmand vm14, vm13;
	vm8 =	vmand vm1, vm7;
	vm10 =	vgt.f32 v22, $4.000000000e+00  }
0x124: {  	vm13 =	vgt.f32 v22, $5.000000000e+00;
	vm14 =	veq.f32 v4, v47;
	vm7 =	vlt.f32 v22, $7.000000000e+00  }
0x125: {  	v1 =	vmul.f32 $1.442695020e+00, v1;
	v2 =	vmul.f32 $1.442695020e+00, v30;
	v0 =	vmin.f32 v50, v5  }
0x126: {  	v5 =	vsel vm0, $0x40000000, v6;
	vm1 =	vmor vm10, vm9;
	vm9 =	veq.f32 v31, v47  }
0x127: {  	v50 =	vsub.f32 v4, v7;
	v3 =	vmul.f32 $1.442695020e+00, v9;
	v0 =	vmin.f32 v0, v5  }
0x128: {  	v5 =	vsel vm8, $0x40400000, v6;
	vm0 =	vmand vm1, vm11;
	vm1 =	vmor vm13, vm12  }
0x129: {  	vm8 =	vgt.f32 v22, $7.000000000e+00;
	vm11 =	vlt.f32 v22, $8.000000000e+00;
	vm12 =	vgt.f32 v22, $8.000000000e+00  }
0x12a: {  	vm13 =	veq.f32 v33, v47;
	(erf) = vpow2.f32 v1;
	v1 =	vmul.f32 $1.442695020e+00, v28  }
0x12b: {  	v0 =	vmin.f32 v0, v5;
	v5 =	vsel vm0, $0x40800000, v6;
	vm15 =	vmand vm1, vm14  }
0x12c: {  	vm1 =	vmor vm5, vm4;
	vm14 =	vlt.f32 v22, $9.000000000e+00;
	vm4 =	vgt.f32 v22, $1.200000000e+01  }
0x12d: {  	vm5 =	veq.f32 v36, v47;
	(erf) = vpow2.f32 v11;
	v61 =	vmul.f32 $1.442695020e+00, v50  }
0x12e: {  	v0 =	vmin.f32 v0, v5;
	v5 =	vsel vm15, $0x40A00000, v6;
	vm0 =	vmand vm1, vm6  }
0x12f: {  	vm1 =	vmor vm8, vm7;
	vm15 =	vgt.f32 v22, $9.000000000e+00;
	vm6 =	veq.f32 v60, v47  }
0x130: {  	vm8 =	vlt.f32 v22, $1.000000000e+01;
	(erf) = vpow2.f32 v26;
	v26 =	vsub.f32 v33, v7  }
0x131: {  	v0 =	vmin.f32 v0, v5;
	v5 =	vsel vm0, $0x40C00000, v6;
	vm10 =	vmand vm1, vm9  }
0x132: {  	vm1 =	vmor vm12, vm11;
	vm9 =	vgt.f32 v22, $1.000000000e+01;
	vm11 =	vlt.f32 v22, $1.100000000e+01  }
0x133: {  	vm12 =	vgt.f32 v22, $1.100000000e+01;
	(erf) = vpow2.f32 v1;
	v0 =	vmin.f32 v0, v5  }
0x134: {  	v5 =	vsel vm10, $0x40E00000, v6;
	vm0 =	vmand vm1, vm13;
	vm1 =	vmor vm15, vm14  }
0x135: {  	vm10 =	veq.f32 v34, v47;
	vm13 =	veq.f32 v56, v47;
	vm15 =	vlt.f32 v22, $1.200000000e+01  }
0x136: {  	v28 =	vmul.f32 $1.442695020e+00, v26;
	v0 =	vmin.f32 v0, v5;
	v5 =	vsel vm0, $0x41000000, v6  }
0x137: {  	vm7 =	vmand vm1, vm6;
	vm1 =	vmor vm9, vm8;
	vm6 =	vlt.f32 v22, $1.300000000e+01  }
0x138: {  	vm8 =	veq.f32 v46, v47;
	v0 =	vmin.f32 v0, v5;
	v5 =	vsel vm7, $0x41100000, v6  }
0x139: {  	vm0 =	vmand vm1, vm10;
	vm1 =	vmor vm12, vm11;
	vm7 =	vgt.f32 v22, $1.300000000e+01  }
0x13a: {  	vm10 =	vlt.f32 v22, $1.400000000e+01;
	vm11 =	vgt.f32 v22, $1.400000000e+01;
	vm12 =	veq.f32 v58, v47  }
0x13b: {  	v0 =	vmin.f32 v0, v5;
	v5 =	vsel vm0, $0x41200000, v6;
	vm14 =	vmand vm1, vm13  }
0x13c: {  	vm1 =	vmor vm4, vm15;
	vm13 =	vlt.f32 v22, $1.500000000e+01;
	vm4 =	veq.f32 v37, v47  }
0x13d: {  	v0 =	vmin.f32 v0, v5;
	v5 =	vsel vm14, $0x41300000, v6;
	vm0 =	vmand vm1, vm5  }
0x13e: {  	vm1 =	vmor vm7, vm6;
	vm14 =	vgt.f32 v22, $1.500000000e+01;
	vm5 =	vlt.f32 v22, $1.600000000e+01  }
0x13f: {  	vm6 =	vgt.f32 v22, $1.600000000e+01;
	vm7 =	veq.f32 v38, v47;
	v0 =	vmin.f32 v0, v5  }
0x140: {  	v5 =	vsel vm0, $0x41400000, v6;
	vm9 =	vmand vm1, vm8;
	vm1 =	vmor vm11, vm10  }
0x141: {  	vm15 =	vmor vm14, vm13;
	vm8 =	vlt.f32 v22, $1.700000000e+01;
	vm10 =	veq.f32 v39, v47  }
0x142: {  	vm11 =	vlt.f32 v22, $1.800000000e+01;
	vm13 =	veq.f32 v53, v47;
	vm14 =	vlt.f32 v22, $1.900000000e+01  }
0x143: {  	v0 =	vmin.f32 v0, v5;
	v5 =	vsel vm9, $0x41500000, v6;
	vm0 =	vmand vm1, vm12  }
0x144: {  	v32 =	vpop (erf);
	vm1 =	vmand vm15, vm4;
	vm9 =	vgt.f32 v22, $1.700000000e+01;
	vm12 =	vgt.f32 v22, $1.800000000e+01  }
0x145: {  	vm15 =	vgt.f32 v22, $1.900000000e+01;
	v1 =	vadd.f32 $0.0e+00, v32;
	vm4 =	veq.f32 v63, v47  }
0x146: {  	v32 =	vsub.f32 v34, v7;
	v0 =	vmin.f32 v0, v5;
	v5 =	vsel vm0, $0x41600000, v6  }
0x147: {  	vm0 =	vmor vm6, vm5;
	vm2 =	vmor vm15, vm14;
	vm14 =	vlt.f32 v22, $2.100000000e+01  }
0x148: {  	vm15 =	vgt.f32 v22, $2.100000000e+01;
	vm5 =	vlt.f32 v22, $2.200000000e+01;
	vm6 =	vgt.f32 v22, $2.200000000e+01  }
0x149: {  	v0 =	vmin.f32 v0, v5;
	v5 =	vsel vm1, $0x41700000, v6;
	vm0 =	vmand vm0, vm7  }
0x14a: {  	vm1 =	vmor vm9, vm8;
	vm8 =	veq.f32 v55, v47;
	vm7 =	vlt.f32 v22, $2.300000000e+01  }
0x14b: {  	v8 =	vld [tilespmem:$0x1FEE0];
	v0 =	vmin.f32 v0, v5;
	v27 =	vsel vm0, $0x41800000, v6;
	vm0 =	vmand vm1, vm10  }
0x14c: {  	vm1 =	vmor vm12, vm11;
	vm9 =	vmand vm2, vm8;
	vm10 =	vlt.f32 v22, $2.000000000e+01  }
0x14d: {  	vm11 =	vgt.f32 v22, $2.000000000e+01;
	vm12 =	veq.f32 v59, v47;
	vm8 =	vgt.f32 v22, $2.300000000e+01  }
0x14e: {  	v0 =	vmin.f32 v0, v27;
	v29 =	vsel vm0, $0x41880000, v6;
	vm0 =	vmand vm1, vm13  }
0x14f: {  	v4 =	vsel vm9, $0x41980000, v6;
	vm13 =	veq.f32 v62, v47;
	vm1 =	vmor vm15, vm14  }
0x150: {  	vm9 =	veq.f32 v8, v47;
	vm14 =	vgt.f32 v22, $2.500000000e+01;
	v0 =	vmin.f32 v0, v29  }
0x151: {  	v40 =	vsel vm0, $0x41900000, v6;
	v5 =	vpop (erf);
	(erf) = vpow2.f32 v2;
	vm0 =	vmor vm11, vm10  }
0x152: {  	v29 =	vsub.f32 v60, v7;
	v2 =	vmul.f32 $1.442695020e+00, v32;
	vm11 =	vlt.f32 v22, $2.400000000e+01  }
0x153: {  	v0 =	vmin.f32 v0, v40;
	v1 =	vadd.f32 v1, v5;
	vm0 =	vmand vm0, vm12  }
0x154: {  	(erf) = vpow2.f32 v61;
	v5 =	vsub.f32 v56, v7;
	vm12 =	vgt.f32 v22, $2.400000000e+01  }
0x155: {  	v61 =	vsub.f32 v37, v7;
	v0 =	vmin.f32 v0, v4;
	v10 =	vsel vm0, $0x41A00000, v6  }
0x156: {  	v4 =	vpop (erf);
	(erf) = vpow2.f32 v3;
	vm0 =	vmand vm1, vm13;
	vm1 =	vmor vm6, vm5  }
0x157: {  	v30 =	vmul.f32 $1.442695020e+00, v29;
	v3 =	vmul.f32 $1.442695020e+00, v41;
	vm13 =	vlt.f32 v22, $2.500000000e+01  }
0x158: {  	vm5 =	vgt.f32 v22, $2.600000000e+01;
	v1 =	vadd.f32 v1, v4;
	v4 =	vsub.f32 v31, v7  }
0x159: {  	vm6 =	veq.f32 v54, v47;
	v41 =	vsub.f32 v59, v7;
	v0 =	vmin.f32 v0, v10  }
0x15a: {  	v16 =	vsel vm0, $0x41A80000, v6;
	vm0 =	vmand vm1, vm4;
	v4 =	vmul.f32 $1.442695020e+00, v4  }
0x15b: {  	vm1 =	vmor vm8, vm7;
	v40 =	vmul.f32 $1.442695020e+00, v5;
	v5 =	vsub.f32 v58, v7  }
0x15c: {  	v11 =	vpop (erf);
	vm4 =	vlt.f32 v22, $2.600000000e+01;
	vm7 =	vlt.f32 v22, $2.700000000e+01;
	(erf) = vpow2.f32 v4  }
0x15d: {  	vm8 =	vgt.f32 v22, $2.700000000e+01;
	v0 =	vmin.f32 v0, v16;
	v33 =	vsel vm0, $0x41B00000, v6  }
0x15e: {  	v10 =	vld [tilespmem:$0x1FF00];
	vm0 =	vmand vm1, vm9;
	v1 =	vadd.f32 v1, v11;
	(erf) = vpow2.f32 v28  }
0x15f: {  	vm1 =	vmor vm12, vm11;
	v16 =	vmul.f32 $1.442695020e+00, v61;
	vm9 =	veq.f32 v57, v47;
	v11 =	vld [tilespmem:$0x1FEF0];
	v27 =	vpop (erf)  }
0x160: {  	vm11 =	vgt.f32 v22, $2.800000000e+01;
	vm12 =	veq.f32 v52, v47;
	v1 =	vadd.f32 v1, v27  }
0x161: {  	v60 =	vmul.f32 $1.442695020e+00, v5;
	v5 =	vsub.f32 v8, v7;
	v31 =	vpop (erf);
	(erf) = vpow2.f32 v30  }
0x162: {  	v0 =	vmin.f32 v0, v33;
	v34 =	vsel vm0, $0x41B80000, v6;
	v1 =	vadd.f32 v1, v31  }
0x163: {  	v0 =	vmin.f32 v0, v34;
	v61 =	vmul.f32 $1.442695020e+00, v5;
	v5 =	vsub.f32 v44, v7;
	v4 =	vpop (erf)  }
0x164: {  	vm15 =	veq.f32 v10, v47;
	vm10 =	veq.f32 v11, v47;
	v1 =	vadd.f32 v1, v4  }
0x165: {  	(erf) = vpow2.f32 v2;
	vm0 =	vmand vm1, vm10;
	vm1 =	vmor vm5, vm4;
	v4 =	vpop (erf)  }
0x166: {  	vm10 =	vlt.f32 v22, $2.800000000e+01;
	v1 =	vadd.f32 v1, v4;
	v4 =	vsub.f32 v46, v7  }
0x167: {  	vm4 =	vlt.f32 v22, $3.000000000e+01;
	vm5 =	vgt.f32 v22, $3.000000000e+01;
	(erf) = vpow2.f32 v40;
	v46 =	vpop (erf)  }
0x168: {  	(erf) = vpow2.f32 v3;
	v1 =	vadd.f32 v1, v46;
	v50 =	vmul.f32 $1.442695020e+00, v4  }
0x169: {  	v4 =	vsel vm0, $0x41C00000, v6;
	vm0 =	vmor vm14, vm13;
	vm13 =	vlt.f32 v22, $2.900000000e+01  }
0x16a: {  	v56 =	vpop (erf);
	vm14 =	vgt.f32 v22, $2.900000000e+01;
	v0 =	vmin.f32 v0, v4;
	vm0 =	vmand vm0, vm15  }
0x16b: {  	v4 =	vsub.f32 v38, v7;
	vm15 =	veq.f32 v51, v47;
	v1 =	vadd.f32 v1, v56  }
0x16c: {  	(erf) = vpow2.f32 v50;
	v26 =	vsel vm0, $0x41C80000, v6;
	vm0 =	vmand vm1, vm6  }
0x16d: {  	vm1 =	vmor vm14, vm13;
	v50 =	vmul.f32 $1.442695020e+00, v41;
	vm13 =	vlt.f32 v22, $3.300000000e+01  }
0x16e: {  	vm14 =	vgt.f32 v22, $3.300000000e+01;
	(erf) = vpow2.f32 v60;
	v0 =	vmin.f32 v0, v26  }
0x16f: {  	v28 =	vsel vm0, $0x41D00000, v6;
	v30 =	vmul.f32 $1.442695020e+00, v4;
	v4 =	vsub.f32 v39, v7  }
0x170: {  	v9 =	vpop (erf);
	vm0 =	vmor vm8, vm7;
	vm7 =	vlt.f32 v22, $3.100000000e+01;
	vm8 =	vgt.f32 v22, $3.100000000e+01  }
0x171: {  	v1 =	vadd.f32 v1, v9;
	(erf) = vpow2.f32 v16;
	v0 =	vmin.f32 v0, v28  }
0x172: {  	vm0 =	vmand vm0, vm9;
	vm9 =	veq.f32 v49, v47;
	v28 =	vsub.f32 v14, v7  }
0x173: {  	v32 =	vmul.f32 $1.442695020e+00, v4;
	v4 =	vsub.f32 v53, v7;
	v36 =	vsel vm0, $0x41D80000, v6  }
0x174: {  	vm0 =	vmor vm11, vm10;
	vm10 =	vlt.f32 v22, $3.200000000e+01;
	vm11 =	vgt.f32 v22, $3.200000000e+01  }
0x175: {  	v53 =	vld [tilespmem:$0x1FF10];
	v27 =	vpop (erf);
	v0 =	vmin.f32 v0, v36;
	vm0 =	vmand vm0, vm12;
	vm12 =	veq.f32 v48, v47  }
0x176: {  	v1 =	vadd.f32 v1, v27;
	v29 =	vpop (erf);
	(erf) = vpow2.f32 v30;
	v34 =	vmul.f32 $1.442695020e+00, v4  }
0x177: {  	v4 =	vsub.f32 v55, v7;
	v38 =	vsel vm0, $0x41E00000, v6;
	vm0 =	vmand vm1, vm15  }
0x178: {  	vm15 =	veq.f32 v45, v47;
	(erf) = vpow2.f32 v32;
	v0 =	vmin.f32 v0, v38  }
0x179: {  	v40 =	vsel vm0, $0x41E80000, v6;
	vm0 =	vmor vm5, vm4;
	vm4 =	vlt.f32 v22, $3.400000000e+01  }
0x17a: {  	vm5 =	vgt.f32 v22, $3.400000000e+01;
	v1 =	vadd.f32 v1, v29;
	vm6 =	veq.f32 v53, v47  }
0x17b: {  	v4 =	vmul.f32 $1.442695020e+00, v4;
	v0 =	vmin.f32 v0, v40;
	v31 =	vpop (erf);
	vm0 =	vmand vm0, vm6  }
0x17c: {  	vm6 =	veq.f32 v44, v47;
	v44 =	vsub.f32 v21, v7;
	v1 =	vadd.f32 v1, v31  }
0x17d: {  	v33 =	vpop (erf);
	(erf) = vpow2.f32 v34;
	v56 =	vsel vm0, $0x41F00000, v6;
	vm0 =	vmor vm8, vm7  }
0x17e: {  	vm7 =	vlt.f32 v22, $3.500000000e+01;
	vm8 =	vgt.f32 v22, $3.500000000e+01;
	v37 =	vpop (erf);
	(erf) = vpow2.f32 v4  }
0x17f: {  	v4 =	vsub.f32 v62, v7;
	v0 =	vmin.f32 v0, v56;
	vm0 =	vmand vm0, vm9  }
0x180: {  	v62 =	vsub.f32 v11, v7;
	vm9 =	veq.f32 v43, v47;
	v1 =	vadd.f32 v1, v33  }
0x181: {  	v58 =	vmul.f32 $1.442695020e+00, v4;
	v4 =	vsub.f32 v63, v7;
	v63 =	vsel vm0, $0x41F80000, v6  }
0x182: {  	vm0 =	vmor vm11, vm10;
	v2 =	vmul.f32 $1.442695020e+00, v62;
	vm10 =	veq.f32 v42, v47  }
0x183: {  	vm11 =	vlt.f32 v22, $3.600000000e+01;
	v1 =	vadd.f32 v1, v37;
	v0 =	vmin.f32 v0, v63  }
0x184: {  	vm0 =	vmand vm0, vm12;
	vm12 =	vgt.f32 v22, $3.600000000e+01;
	v60 =	vmul.f32 $1.442695020e+00, v4  }
0x185: {  	v4 =	vsub.f32 v10, v7;
	v11 =	vsel vm0, $0x42000000, v6;
	vm0 =	vmor vm14, vm13  }
0x186: {  	v39 =	vpop (erf);
	vm1 =	vmor vm12, vm11;
	vm13 =	vlt.f32 v22, $3.700000000e+01;
	vm14 =	vgt.f32 v22, $3.700000000e+01  }
0x187: {  	vm11 =	vgt.f32 v22, $4.000000000e+01;
	vm12 =	veq.f32 v17, v47;
	v1 =	vadd.f32 v1, v39  }
0x188: {  	v0 =	vmin.f32 v0, v11;
	vm0 =	vmand vm0, vm15;
	v39 =	vsub.f32 v53, v7  }
0x189: {  	v46 =	vpop (erf);
	vm15 =	veq.f32 v19, v47;
	v11 =	vsub.f32 v18, v7;
	v16 =	vmul.f32 $1.442695020e+00, v4  }
0x18a: {  	v4 =	vsub.f32 v54, v7;
	v27 =	vsel vm0, $0x42040000, v6;
	v55 =	vpop (erf);
	(erf) = vpow2.f32 v50  }
0x18b: {  	vm0 =	vmor vm5, vm4;
	vm4 =	veq.f32 v18, v47;
	vm5 =	vlt.f32 v22, $3.800000000e+01  }
0x18c: {  	v1 =	vadd.f32 v1, v46;
	v0 =	vmin.f32 v0, v27;
	(erf) = vpow2.f32 v58  }
0x18d: {  	vm0 =	vmand vm0, vm6;
	v41 =	vmul.f32 $1.442695020e+00, v39;
	v46 =	vsub.f32 v49, v7  }
0x18e: {  	vm6 =	vgt.f32 v22, $3.800000000e+01;
	v27 =	vsub.f32 v20, v7;
	v59 =	vpop (erf);
	(erf) = vpow2.f32 v60  }
0x18f: {  	v29 =	vmul.f32 $1.442695020e+00, v4;
	v4 =	vsub.f32 v57, v7;
	v36 =	vsel vm0, $0x42080000, v6  }
0x190: {  	v8 =	vld [tilespmem:$0x1FF20];
	vm0 =	vmor vm8, vm7;
	v1 =	vadd.f32 v1, v55;
	(erf) = vpow2.f32 v61  }
0x191: {  	v50 =	vsub.f32 v48, v7;
	vm7 =	vlt.f32 v22, $3.900000000e+01;
	vm8 =	vgt.f32 v22, $3.900000000e+01  }
0x192: {  	v0 =	vmin.f32 v0, v36;
	v1 =	vadd.f32 v1, v59;
	(erf) = vpow2.f32 v2  }
0x193: {  	vm0 =	vmand vm0, vm9;
	v3 =	vmul.f32 $1.442695020e+00, v46;
	v55 =	vmul.f32 $1.442695020e+00, v5;
	v9 =	vpop (erf)  }
0x194: {  	v5 =	vsub.f32 v42, v7;
	(erf) = vpow2.f32 v16;
	v1 =	vadd.f32 v1, v9  }
0x195: {  	vm9 =	veq.f32 v15, v47;
	v42 =	vsub.f32 v8, v7;
	v32 =	vmul.f32 $1.442695020e+00, v4;
	v26 =	vpop (erf)  }
0x196: {  	v4 =	vsub.f32 v52, v7;
	(erf) = vpow2.f32 v29;
	v1 =	vadd.f32 v1, v26  }
0x197: {  	v38 =	vsel vm0, $0x420C0000, v6;
	vm0 =	vmand vm1, vm10;
	v52 =	vsub.f32 v45, v7;
	v30 =	vpop (erf)  }
0x198: {  	vm1 =	vmor vm14, vm13;
	vm10 =	vlt.f32 v22, $4.000000000e+01;
	v1 =	vadd.f32 v1, v30  }
0x199: {  	v34 =	vmul.f32 $1.442695020e+00, v4;
	v4 =	vsub.f32 v51, v7;
	(erf) = vpow2.f32 v32;
	v31 =	vpop (erf)  }
0x19a: {  	vm14 =	vlt.f32 v22, $4.100000000e+01;
	v59 =	vmul.f32 $1.442695020e+00, v5;
	v1 =	vadd.f32 v1, v31  }
0x19b: {  	v0 =	vmin.f32 v0, v38;
	v2 =	vmul.f32 $1.442695020e+00, v50;
	v4 =	vmul.f32 $1.442695020e+00, v4;
	v33 =	vpop (erf)  }
0x19c: {  	(erf) = vpow2.f32 v34;
	v26 =	vsub.f32 v17, v7;
	v1 =	vadd.f32 v1, v33  }
0x19d: {  	v37 =	vpop (erf);
	(erf) = vpow2.f32 v4;
	v4 =	vsel vm0, $0x42100000, v6;
	vm0 =	vmand vm1, vm15  }
0x19e: {  	vm1 =	vmor vm6, vm5;
	vm15 =	vgt.f32 v22, $4.100000000e+01;
	vm5 =	vlt.f32 v22, $4.200000000e+01  }
0x19f: {  	vm6 =	vgt.f32 v22, $4.200000000e+01;
	v40 =	vpop (erf);
	(erf) = vpow2.f32 v41;
	v0 =	vmin.f32 v0, v4  }
0x1a0: {  	v54 =	vsel vm0, $0x42140000, v6;
	v4 =	vsub.f32 v43, v7;
	vm0 =	vmand vm1, vm4  }
0x1a1: {  	vm1 =	vmor vm11, vm10;
	vm4 =	veq.f32 v20, v47;
	vm10 =	veq.f32 v13, v47  }
0x1a2: {  	vm11 =	vlt.f32 v22, $4.400000000e+01;
	v1 =	vadd.f32 v1, v37;
	v49 =	vpop (erf);
	(erf) = vpow2.f32 v3  }
0x1a3: {  	v3 =	vmul.f32 $1.442695020e+00, v52;
	v0 =	vmin.f32 v0, v54;
	v57 =	vsel vm0, $0x42180000, v6  }
0x1a4: {  	vm0 =	vmor vm8, vm7;
	vm13 =	vmand vm1, vm12;
	vm7 =	veq.f32 v14, v47  }
0x1a5: {  	vm8 =	vlt.f32 v22, $4.300000000e+01;
	vm12 =	vgt.f32 v22, $4.400000000e+01;
	(erf) = vpow2.f32 v2  }
0x1a6: {  	v4 =	vmul.f32 $1.442695020e+00, v4;
	v0 =	vmin.f32 v0, v57;
	vm0 =	vmand vm0, vm9  }
0x1a7: {  	v63 =	vsel vm13, $0x42200000, v6;
	v2 =	vmul.f32 $1.442695020e+00, v27;
	vm9 =	vgt.f32 v22, $4.300000000e+01  }
0x1a8: {  	v51 =	vpop (erf);
	vm13 =	veq.f32 v12, v47;
	v1 =	vadd.f32 v1, v40;
	(erf) = vpow2.f32 v3  }
0x1a9: {  	v5 =	vld [tilespmem:$0x1FF40];
	v62 =	vsel vm0, $0x421C0000, v6;
	vm0 =	vmor vm15, vm14;
	v3 =	vmul.f32 $1.442695020e+00, v11  }
0x1aa: {  	vm1 =	vmor vm9, vm8;
	vm15 =	vlt.f32 v22, $4.500000000e+01;
	vm8 =	veq.f32 v21, v47  }
0x1ab: {  	v0 =	vmin.f32 v0, v62;
	vm0 =	vmand vm0, vm4;
	vm4 =	vgt.f32 v22, $4.500000000e+01  }
0x1ac: {  	v1 =	vadd.f32 v1, v49;
	v0 =	vmin.f32 v0, v63;
	v18 =	vsel vm0, $0x42240000, v6  }
0x1ad: {  	vm0 =	vmor vm6, vm5;
	vm5 =	veq.f32 v8, v47;
	vm6 =	vlt.f32 v22, $4.600000000e+01;
	v53 =	vpop (erf)  }
0x1ae: {  	v49 =	vsub.f32 v5, v7;
	v0 =	vmin.f32 v0, v18;
	(erf) = vpow2.f32 v55;
	v56 =	vpop (erf)  }
0x1af: {  	vm0 =	vmand vm0, vm7;
	vm7 =	vgt.f32 v22, $4.600000000e+01;
	(erf) = vpow2.f32 v4;
	v58 =	vpop (erf)  }
0x1b0: {  	v1 =	vadd.f32 v1, v51;
	v4 =	vsub.f32 v19, v7;
	v60 =	vpop (erf);
	(erf) = vpow2.f32 v59  }
0x1b1: {  	v29 =	vsel vm0, $0x42280000, v6;
	vm0 =	vmand vm1, vm10;
	vm1 =	vmor vm12, vm11  }
0x1b2: {  	vm10 =	vlt.f32 v22, $4.700000000e+01;
	v1 =	vadd.f32 v1, v53;
	v10 =	vmul.f32 $1.442695020e+00, v4  }
0x1b3: {  	vm11 =	vgt.f32 v22, $4.700000000e+01;
	v0 =	vmin.f32 v0, v29;
	v32 =	vsel vm0, $0x422C0000, v6  }
0x1b4: {  	vm14 =	vmand vm1, vm13;
	v1 =	vadd.f32 v1, v56;
	(erf) = vpow2.f32 v10  }
0x1b5: {  	vm0 =	vmor vm4, vm15;
	vm1 =	vmor vm7, vm6;
	v4 =	vsub.f32 v15, v7  }
0x1b6: {  	vm13 =	vlt.f32 v22, $4.800000000e+01;
	vm15 =	veq.f32 v5, v47;
	v61 =	vpop (erf);
	v1 =	vadd.f32 v1, v58  }
0x1b7: {  	vm4 =	vlt.f32 v22, $4.900000000e+01;
	vm7 =	vlt.f32 v22, $5.000000000e+01;
	v4 =	vmul.f32 $1.442695020e+00, v4;
	v9 =	vpop (erf)  }
0x1b8: {  	v1 =	vadd.f32 v1, v60;
	v16 =	vpop (erf);
	(erf) = vpow2.f32 v3;
	v3 =	vmul.f32 $1.442695020e+00, v26  }
0x1b9: {  	v0 =	vmin.f32 v0, v32;
	v33 =	vsel vm14, $0x42300000, v6;
	v19 =	vpop (erf);
	(erf) = vpow2.f32 v4  }
0x1ba: {  	vm0 =	vmand vm0, vm5;
	v1 =	vadd.f32 v1, v61;
	(erf) = vpow2.f32 v3  }
0x1bb: {  	v4 =	vsub.f32 v13, v7;
	(erf) = vpow2.f32 v2;
	v2 =	vmul.f32 $1.442695020e+00, v28  }
0x1bc: {  	v8 =	vld [tilespmem:$0x1FF70];
	vm9 =	vmand vm1, vm8;
	vm14 =	vgt.f32 v22, $4.800000000e+01;
	v1 =	vadd.f32 v1, v9  }
0x1bd: {  	v63 =	vld [tilespmem:$0x1FF90];
	v30 =	vpop (erf);
	v38 =	vmul.f32 $1.442695020e+00, v4;
	v4 =	vsub.f32 v12, v7;
	(erf) = vpow2.f32 v2  }
0x1be: {  	v5 =	vld [tilespmem:$0x1FF60];
	vm5 =	vgt.f32 v22, $4.900000000e+01;
	vm8 =	vgt.f32 v22, $5.000000000e+01;
	v0 =	vmin.f32 v0, v33  }
0x1bf: {  	v39 =	vsel vm0, $0x42340000, v6;
	v1 =	vadd.f32 v1, v16;
	v43 =	vmul.f32 $1.442695020e+00, v4;
	v4 =	vld [tilespmem:$0x1FF30]  }
0x1c0: {  	v40 =	vsel vm9, $0x42380000, v6;
	vm0 =	vmor vm11, vm10;
	vm1 =	vmor vm8, vm7  }
0x1c1: {  	vm11 =	veq.f32 v8, v47;
	v0 =	vmin.f32 v0, v39;
	v1 =	vadd.f32 v1, v19;
	v31 =	vpop (erf)  }
0x1c2: {  	vm8 =	vgt.f32 v22, $5.200000000e+01;
	vm7 =	veq.f32 v63, v47;
	v0 =	vmin.f32 v0, v40;
	v34 =	vpop (erf)  }
0x1c3: {  	vm9 =	veq.f32 v5, v47;
	v2 =	vmul.f32 $1.442695020e+00, v42;
	v1 =	vadd.f32 v1, v30;
	v36 =	vpop (erf)  }
0x1c4: {  	vm12 =	veq.f32 v4, v47;
	v4 =	vsub.f32 v4, v7;
	v37 =	vpop (erf);
	(erf) = vpow2.f32 v38  }
0x1c5: {  	v3 =	vmul.f32 $1.442695020e+00, v44;
	v1 =	vadd.f32 v1, v31;
	(erf) = vpow2.f32 v43  }
0x1c6: {  	vm10 =	vmand vm1, vm9;
	v4 =	vmul.f32 $1.442695020e+00, v4;
	v41 =	vpop (erf);
	(erf) = vpow2.f32 v2  }
0x1c7: {  	v53 =	vsel vm10, $0x42480000, v6;
	v1 =	vadd.f32 v1, v34;
	(erf) = vpow2.f32 v3  }
0x1c8: {  	vm0 =	vmand vm0, vm12;
	vm12 =	vlt.f32 v22, $5.100000000e+01;
	(erf) = vpow2.f32 v4;
	v4 =	vld [tilespmem:$0x1FF50]  }
0x1c9: {  	v45 =	vsel vm0, $0x423C0000, v6;
	vm0 =	vmor vm14, vm13;
	vm13 =	vgt.f32 v22, $5.100000000e+01  }
0x1ca: {  	vm14 =	veq.f32 v35, v47;
	v1 =	vadd.f32 v1, v36;
	v0 =	vmin.f32 v0, v45  }
0x1cb: {  	vm0 =	vmand vm0, vm15;
	vm1 =	vmor vm13, vm12;
	vm15 =	vlt.f32 v22, $5.200000000e+01  }
0x1cc: {  	vm12 =	vlt.f32 v22, $5.300000000e+01;
	vm13 =	vgt.f32 v22, $5.300000000e+01;
	v1 =	vadd.f32 v1, v37  }
0x1cd: {  	v19 =	vld [tilespmem:$0x1FFA0];
	v36 =	vsub.f32 v25, v7;
	vm6 =	veq.f32 v4, v47;
	v4 =	vsub.f32 v4, v7  }
0x1ce: {  	v48 =	vsel vm0, $0x42400000, v6;
	vm0 =	vmor vm5, vm4;
	v1 =	vadd.f32 v1, v41  }
0x1cf: {  	v3 =	vmul.f32 $1.442695020e+00, v49;
	v46 =	vpop (erf);
	v50 =	vmul.f32 $1.442695020e+00, v4;
	v4 =	vsub.f32 v5, v7  }
0x1d0: {  	v60 =	vld [tilespmem:$0x1FF80];
	vm9 =	vmor vm8, vm15;
	vm15 =	vlt.f32 v22, $5.400000000e+01;
	v1 =	vadd.f32 v1, v46  }
0x1d1: {  	vm4 =	vgt.f32 v22, $5.400000000e+01;
	vm5 =	vlt.f32 v22, $5.500000000e+01;
	(erf) = vpow2.f32 v3;
	v5 =	vpop (erf)  }
0x1d2: {  	vm8 =	veq.f32 v19, v47;
	v0 =	vmin.f32 v0, v48;
	v1 =	vadd.f32 v1, v5  }
0x1d3: {  	v5 =	vsub.f32 v8, v7;
	(erf) = vpow2.f32 v50;
	v52 =	vmul.f32 $1.442695020e+00, v4;
	v4 =	vpop (erf)  }
0x1d4: {  	vm10 =	vmand vm9, vm14;
	v1 =	vadd.f32 v1, v4;
	v4 =	vsub.f32 v35, v7  }
0x1d5: {  	vm14 =	veq.f32 v60, v47;
	v55 =	vmul.f32 $1.442695020e+00, v5;
	(erf) = vpow2.f32 v52  }
0x1d6: {  	v2 =	vmul.f32 $1.442695020e+00, v36;
	v54 =	vpop (erf);
	v57 =	vmul.f32 $1.442695020e+00, v4;
	v4 =	vsub.f32 v24, v7  }
0x1d7: {  	vm9 =	veq.f32 v23, v47;
	v56 =	vpop (erf);
	(erf) = vpow2.f32 v55;
	v1 =	vadd.f32 v1, v54  }
0x1d8: {  	v26 =	vsel vm10, $0x42500000, v6;
	v59 =	vmul.f32 $1.442695020e+00, v4;
	v4 =	vsub.f32 v60, v7  }
0x1d9: {  	vm10 =	vlt.f32 v22, $5.600000000e+01;
	v1 =	vadd.f32 v1, v56;
	(erf) = vpow2.f32 v57  }
0x1da: {  	vm0 =	vmand vm0, vm6;
	v58 =	vpop (erf);
	v62 =	vmul.f32 $1.442695020e+00, v4;
	v4 =	vsub.f32 v63, v7  }
0x1db: {  	vm6 =	vgt.f32 v22, $5.500000000e+01;
	v51 =	vsel vm0, $0x42440000, v6;
	v1 =	vadd.f32 v1, v58  }
0x1dc: {  	v28 =	vld [tilespmem:$0x1FFB0];
	v61 =	vpop (erf);
	(erf) = vpow2.f32 v59;
	v18 =	vmul.f32 $1.442695020e+00, v4;
	v4 =	vsub.f32 v19, v7  }
0x1dd: {  	vm0 =	vmand vm1, vm11;
	vm11 =	veq.f32 v24, v47;
	v1 =	vadd.f32 v1, v61  }
0x1de: {  	v8 =	vld [tilespmem:$0x1FFC0];
	v9 =	vpop (erf);
	(erf) = vpow2.f32 v62;
	v21 =	vmul.f32 $1.442695020e+00, v4;
	v4 =	vsub.f32 v23, v7  }
0x1df: {  	vm1 =	vmor vm13, vm12;
	vm12 =	vlt.f32 v22, $5.700000000e+01;
	v1 =	vadd.f32 v1, v9  }
0x1e0: {  	v32 =	vld [tilespmem:$0x1FFD0];
	vm13 =	vgt.f32 v22, $5.700000000e+01;
	v0 =	vmin.f32 v0, v51;
	(erf) = vpow2.f32 v18;
	v5 =	vpop (erf)  }
0x1e1: {  	v20 =	vsel vm0, $0x424C0000, v6;
	v1 =	vadd.f32 v1, v5;
	v5 =	vsub.f32 v28, v7  }
0x1e2: {  	vm0 =	vmand vm1, vm11;
	(erf) = vpow2.f32 v21;
	v27 =	vmul.f32 $1.442695020e+00, v4;
	v4 =	vpop (erf)  }
0x1e3: {  	v35 =	vld [tilespmem:$0x1FFE0];
	v1 =	vadd.f32 v1, v4;
	v4 =	vmul.f32 $1.442695020e+00, v5;
	v5 =	vsub.f32 v8, v7  }
0x1e4: {  	vm1 =	vmor vm4, vm15;
	vm11 =	vgt.f32 v22, $5.600000000e+01;
	(erf) = vpow2.f32 v27  }
0x1e5: {  	v29 =	vpop (erf);
	(erf) = vpow2.f32 v4;
	v4 =	vmul.f32 $1.442695020e+00, v5;
	v5 =	vsub.f32 v32, v7  }
0x1e6: {  	vm4 =	vlt.f32 v22, $5.800000000e+01;
	v51 =	vsub.f32 v47, v7;
	v1 =	vadd.f32 v1, v29  }
0x1e7: {  	v0 =	vmin.f32 v0, v53;
	v30 =	vsel vm0, $0x42540000, v6;
	v31 =	vpop (erf);
	v34 =	vmul.f32 $1.442695020e+00, v5;
	v5 =	vld [tilespmem:$0x1FFF0]  }
0x1e8: {  	v1 =	vadd.f32 v1, v31;
	(erf) = vpow2.f32 v4;
	v4 =	vsub.f32 v35, v7  }
0x1e9: {  	vm0 =	vmand vm1, vm14;
	vm14 =	vmor vm13, vm12;
	vm12 =	vgt.f32 v22, $6.000000000e+01;
	v33 =	vpop (erf)  }
0x1ea: {  	v1 =	vadd.f32 v1, v33;
	(erf) = vpow2.f32 v34;
	v4 =	vmul.f32 $1.442695020e+00, v4  }
0x1eb: {  	vm13 =	veq.f32 v32, v47;
	v0 =	vmin.f32 v0, v20;
	v39 =	vsel vm0, $0x42580000, v6;
	v37 =	vpop (erf)  }
0x1ec: {  	v1 =	vadd.f32 v1, v37;
	(erf) = vpow2.f32 v4;
	v4 =	vsub.f32 v5, v7  }
0x1ed: {  	vm0 =	vmor vm6, vm5;
	vm15 =	vmand vm14, vm9;
	vm5 =	vgt.f32 v22, $5.800000000e+01;
	v38 =	vpop (erf)  }
0x1ee: {  	(erf) = vpow2.f32 v2;
	v1 =	vadd.f32 v1, v38;
	v40 =	vmul.f32 $1.442695020e+00, v4  }
0x1ef: {  	vm6 =	veq.f32 v28, v47;
	vm9 =	vgt.f32 v22, $5.900000000e+01;
	vm14 =	vlt.f32 v22, $6.100000000e+01;
	v41 =	vpop (erf)  }
0x1f0: {  	v0 =	vmin.f32 v0, v26;
	v1 =	vadd.f32 v1, v41;
	(erf) = vpow2.f32 v40  }
0x1f1: {  	vm0 =	vmand vm0, vm7;
	v48 =	vsel vm15, $0x42640000, v6;
	v52 =	vmul.f32 $1.442695020e+00, v51;
	v42 =	vpop (erf)  }
0x1f2: {  	vm15 =	vgt.f32 v22, $6.100000000e+01;
	v0 =	vmin.f32 v0, v30;
	v1 =	vadd.f32 v1, v42  }
0x1f3: {  	v43 =	vsel vm0, $0x425C0000, v6;
	vm0 =	vmor vm11, vm10;
	vm11 =	vlt.f32 v22, $6.000000000e+01;
	v44 =	vpop (erf)  }
0x1f4: {  	v0 =	vmin.f32 v0, v39;
	vm0 =	vmand vm0, vm8;
	v1 =	vadd.f32 v1, v44  }
0x1f5: {  	vm7 =	veq.f32 v8, v47;
	vm8 =	vlt.f32 v22, $5.900000000e+01;
	v0 =	vmin.f32 v0, v43;
	v45 =	vpop (erf)  }
0x1f6: {  	v46 =	vsel vm0, $0x42600000, v6;
	vm0 =	vmor vm5, vm4;
	v1 =	vadd.f32 v1, v45  }
0x1f7: {  	vm10 =	vmor vm9, vm8;
	vm8 =	veq.f32 v25, v47;
	vm9 =	vlt.f32 v22, $6.200000000e+01;
	v49 =	vpop (erf)  }
0x1f8: {  	v0 =	vmin.f32 v0, v46;
	vm0 =	vmand vm0, vm6;
	v1 =	vadd.f32 v1, v49  }
0x1f9: {  	v0 =	vmin.f32 v0, v48;
	v53 =	vsel vm0, $0x42680000, v6;
	vm0 =	vmand vm10, vm7;
	v50 =	vpop (erf)  }
0x1fa: {  	vm7 =	vmor vm15, vm14;
	vm10 =	vgt.f32 v22, $6.200000000e+01;
	v1 =	vadd.f32 v1, v50  }
0x1fb: {  	v0 =	vmin.f32 v0, v53;
	v54 =	vsel vm0, $0x426C0000, v6;
	vm0 =	vmor vm12, vm11  }
0x1fc: {  	vm6 =	veq.f32 v35, v47;
	vm11 =	vlt.f32 v22, $6.300000000e+01;
	(erf) = vrcp.f32 v1  }
0x1fd: {  	vm12 =	vgt.f32 v22, $6.300000000e+01;
	vm0 =	vmand vm0, vm13;
	(erf) = vpow2.f32 v52  }
0x1fe: {  	v0 =	vmin.f32 v0, v54;
	v55 =	vsel vm0, $0x42700000, v6;
	vm0 =	vmand vm7, vm6  }
0x1ff: {  	vm13 =	vmor vm12, vm11;
	v56 =	vsel vm0, $0x42740000, v6;
	vm0 =	vmor vm10, vm9  }
0x200: {  	v0 =	vmin.f32 v0, v55;
	vm0 =	vmand vm0, vm8;
	vm14 =	veq.f32 v5, v47  }
0x201: {  	v0 =	vmin.f32 v0, v56;
	v58 =	vsel vm0, $0x42780000, v6;
	vm15 =	vmand vm13, vm14  }
0x202: {  	v0 =	vmin.f32 v0, v58;
	v59 =	vsel vm15, $0x427C0000, v6  }
0x203: {  	s31 =	sshll.u32 s14, $0x5;
	v62 =	vtrunc.f32 v22;
	v0 =	vmin.f32 v0, v59  }
0x204: {  	p0 =	sne.s32 s14, $0x3F;
	s16 =	sand.u32 $0xFFFFFF00, s31;
	v63 =	vcvt.f32.s32 v62;
	v0 =	vtrunc.f32 v0  }
.Ltmp0:
0x205: {  	s15 =	sor.u32 s15, s16;
	v0 =	vcvt.f32.s32 v0;
	v57 =	vpop (erf);
	(pc) =	sbr.rel @p0 .LBB2_2-.Ltmp0, $4  }
0x206: {  	[tilespmem:s15+$0x10800] =	vst v63;
	v60 =	vpop (erf)  }
0x207: {  	[tilespmem:s15+$0x10880] =	vst v0;
	v61 =	vmul.f32 v60, v57  }
0x208: {  	[tilespmem:s15+$0x10000] =	vst v57  }
0x209: {  	s13 =	sadd.s32 $0x10, s13;
	s14 =	sadd.s32 $0x1, s14;
	[tilespmem:s15+$0x10080] =	vst v61  }
0x20a: {  	[hbm4b:s4+s2] =	stream.linear.scatter [tilespmem:s10], [sflag:$0x1], $0x800, $0x38;
	[tilespmem:$0x11000] =	vst v63  }
0x20b: {  	s12 =	sadd.s32 $0x1, s12;
	_ =	swait.ge [sflag:s9], $0x800  }
0x20c: {  	p0 =	sne.s32 s12, s6;
	[sflag:s9] =	ssyncset.done $0x0  }
.Ltmp1:
0x20d: {  	[sflag:s9] =	ssyncadd.s32 $0xFFFFF800;
	(pc) =	sbr.rel @p0 .LBB2_1-.Ltmp1, $4  }
0x20e: {  	[hbm4b:s5+s2] =	stream.linear.scatter [tilespmem:s11], [sflag:$0x1], $0x800, $0x38;
	[tilespmem:$0x11000] =	vst v63  }
0x20f: {  	_ =	swait.ge [sflag:s9], $0x800  }
0x210: {  	[sflag:s9] =	ssyncset.done $0x0  }
0x211: {  	[sflag:s9] =	ssyncadd.s32 $0xFFFFF800  }
0x212: {  	_ =	sfence.sel $0x180000  }
0x213: {  	[bflag:$0x0] =	sbarrier.arrive $0xFFFF  }
0x214: {  	p0 =	sne.s32 s1, $0x0;
	_ =	strace $0x90000047  }
0x215: {  	s0 =	sadd.s32 @!p0 $0x100000, s0;
	[bflag:$0x2] =	sbarrier.arrive $0xFFFF  }
0x216: {  	[sflag:s0] =	ssyncadd.tile.s32 @!p0 $0x1;
	_ =	shalt  }
.Lfunc_end2:
_tile_overlayer_lowered:
.L_overlay_start_2:
0x217: {  	(tag) =	ssettag $0x2  }
0x218: {  	s0 =	rddreg [dreg:$0x0];
	s2 =	stileid.u32  }
0x219: {  	s1 =	rddreg [dreg:$0x1];
	p0 =	sne.s32 s2, $0x0  }
0x21a: {  	s3 =	rddreg [dreg:$0x2];
	[bflag:$0x3] =	sbarrier.arrive $0xFFFF;
	s2 =	simm.s32 @!p0 $0x1C01  }
0x21b: {  	[timem:s3], [sflag:s2] =	dma.local @!p0 [hbm:s0], s1  }
0x21c: {  	s0 =	simm.s32 @!p0 $0x1  }
0x21d: {  	_ =	swait.ge @!p0 [sflag:s0], s1  }
0x21e: {  	s1 =	ssub.s32 @!p0 $0x0, s1;
	[sflag:s0] =	ssyncset.done @!p0 $0x0  }
0x21f: {  	[sflag:s0] =	ssyncadd.s32 @!p0 s1  }
0x220: {  	[bflag:$0x3] =	sbarrier.arrive $0xFFFF  }
0x221: {  	_ =	shalt  }

</sc_bundles>
